<compile_context>
chip_gen: v7x
topology: tpu7x:2x2x1
jax: 0.10.2.dev20260603
libtpu: 0.0.44.dev20260713+nightly
codegen_flags: <defaults>
</compile_context>

<pallas_src>
import jax
import jax.numpy as jnp
from jax import lax
from jax.experimental import pallas as pl
from jax.experimental.pallas import tpu as pltpu
from jax.experimental.pallas import tpu_sc as plsc

N = 10000
DEG = 32
D = 128

BLOCK = 400

K_SC = 1600
NW = 32
NPW = K_SC // NW
NB = 5
NBLK = NPW // NB
G = D // 16
OUT_BYTES = NB * D * 4


def _sc_sum_body(neigh_hbm, out_hbm, buf, obuf, sem_in, sem_out):
    wid = lax.axis_index("s") * 2 + lax.axis_index("c")
    base = wid * NPW

    def in_copy(j, slot):
        return pltpu.make_async_copy(
            neigh_hbm.at[pl.ds(base + j * NB, NB)], buf.at[slot], sem_in
        )

    def out_copy(j, slot):
        return pltpu.make_async_copy(
            obuf.at[slot], out_hbm.at[pl.ds((base + j * NB) * D, NB * D)],
            sem_out,
        )

    in_copy(0, 0).start()

    def process(j, slot):
        in_copy(j, slot).wait()

        @pl.when(j + 1 < NBLK)
        def _():
            in_copy(j + 1, 1 - slot).start()

        @pl.when(j >= 2)
        def _():
            out_copy(j, slot).wait()

        def node(i, _):
            accs = [buf[slot, i, 0, pl.ds(g * 16, 16)] for g in range(G)]
            for k in range(1, DEG):
                for g in range(G):
                    accs[g] = accs[g] + buf[slot, i, k, pl.ds(g * 16, 16)]
            for g in range(G):
                obuf[slot, pl.ds(i * D + g * 16, 16)] = accs[g]
            return 0

        lax.fori_loop(0, NB, node, 0)
        out_copy(j, slot).start()

    def outer(jj, _):
        process(2 * jj, 0)
        process(2 * jj + 1, 1)
        return 0

    lax.fori_loop(0, NBLK // 2, outer, 0)
    out_copy(NBLK - 2, 0).wait()
    out_copy(NBLK - 1, 1).wait()


_sc_sum = pl.kernel(
    _sc_sum_body,
    out_type=jax.ShapeDtypeStruct((K_SC * D,), jnp.float32),
    mesh=plsc.VectorSubcoreMesh(core_axis_name="c", subcore_axis_name="s"),
    scratch_types=[
        pltpu.VMEM((2, NB, DEG, D), jnp.float32),
        pltpu.VMEM((2, NB * D), jnp.float32),
        pltpu.SemaphoreType.DMA,
        pltpu.SemaphoreType.DMA,
    ],
)


def _fused_body(src_ref, neigh_ref, w_ref, b_ref, out_ref):
    agg = jnp.sum(neigh_ref[...], axis=1) * (1.0 / DEG)
    h = jnp.dot(agg, w_ref[...], preferred_element_type=jnp.float32)
    h += jnp.dot(src_ref[...], b_ref[...], preferred_element_type=jnp.float32)
    out_ref[...] = jnp.maximum(h, 0.0)


def _combine_body(full_ref, agg_ref, src_ref, w_ref, b_ref, out_ref):
    del full_ref
    h = jnp.dot(agg_ref[...] * (1.0 / DEG), w_ref[...],
                preferred_element_type=jnp.float32)
    h += jnp.dot(src_ref[...], b_ref[...], preferred_element_type=jnp.float32)
    out_ref[...] = jnp.maximum(h, 0.0)


_SC_BLOCKS = K_SC // BLOCK


def kernel(src_node_features, neighbor_node_features, W_agg, b):
    agg_sc = _sc_sum(neighbor_node_features).reshape(K_SC, D)

    out_rest = pl.pallas_call(
        _fused_body,
        grid=((N - K_SC) // BLOCK,),
        in_specs=[
            pl.BlockSpec((BLOCK, D), lambda i: (i + _SC_BLOCKS, 0)),
            pl.BlockSpec((BLOCK, DEG, D), lambda i: (i + _SC_BLOCKS, 0, 0)),
            pl.BlockSpec((D, D), lambda i: (0, 0)),
            pl.BlockSpec((D, D), lambda i: (0, 0)),
        ],
        out_specs=pl.BlockSpec((BLOCK, D), lambda i: (i + _SC_BLOCKS, 0)),
        out_shape=jax.ShapeDtypeStruct((N, D), jnp.float32),
    )(src_node_features, neighbor_node_features, W_agg, b)

    out = pl.pallas_call(
        _combine_body,
        grid=(_SC_BLOCKS,),
        in_specs=[
            pl.BlockSpec(memory_space=pl.ANY),
            pl.BlockSpec((BLOCK, D), lambda i: (i, 0)),
            pl.BlockSpec((BLOCK, D), lambda i: (i, 0)),
            pl.BlockSpec((D, D), lambda i: (0, 0)),
            pl.BlockSpec((D, D), lambda i: (0, 0)),
        ],
        out_specs=pl.BlockSpec((BLOCK, D), lambda i: (i, 0)),
        out_shape=jax.ShapeDtypeStruct((N, D), jnp.float32),
        input_output_aliases={0: 0},
    )(out_rest, agg_sc, src_node_features, W_agg, b)

    return out

# --- scband reference (transcript-rebuilt; emitter-appended) ---
"""Pipeline reference for scband-sage-gcn-1314259993084 (READ-ONLY COPY).

The authoritative reference and input builder live on the scoring server;
editing this copy changes nothing except your own understanding.
"""

import jax, jax.numpy as jnp
import numpy as np

N = 10000
DEG = 32
D_IN = 128
D_HID = 128

def _kaiming_uniform(key, shape):
    fan_in = shape[0]
    gain = jnp.sqrt(2.0)  # kaiming_uniform default a=0 -> gain sqrt(2)
    bound = gain * jnp.sqrt(3.0 / fan_in)
    return jax.random.uniform(key, shape, minval=-bound, maxval=bound, dtype=jnp.float32)

def setup_inputs(seed: int = 0) -> dict:
    key = jax.random.key(seed)
    k1, k2, k3, k4 = jax.random.split(key, 4)
    src_node_features = jax.random.normal(k1, (N, D_IN), dtype=jnp.float32)
    neighbor_node_features = jax.random.normal(k2, (N, DEG, D_IN), dtype=jnp.float32)
    # learned parameters: aggregator weight and self-weight b, both kaiming-uniform [input_dim, hidden_dim]
    W_agg = _kaiming_uniform(k3, (D_IN, D_HID))
    b = _kaiming_uniform(k4, (D_IN, D_HID))
    return {
        "src_node_features": src_node_features,
        "neighbor_node_features": neighbor_node_features,
        "W_agg": W_agg,
        "b": b,
    }

def reference(src_node_features, neighbor_node_features, W_agg, b):
    # NeighborAggregator: mean over neighbor dim, then linear projection
    aggr_neighbor = jnp.mean(neighbor_node_features, axis=1)  # [N, D_IN]
    neighbor_hidden = jnp.matmul(aggr_neighbor, W_agg)        # [N, D_HID]
    # self path
    self_hidden = jnp.matmul(src_node_features, b)            # [N, D_HID]
    # aggr_hidden_method == 'sum'
    hidden = self_hidden + neighbor_hidden
    # activation = F.relu
    return jax.nn.relu(hidden)

if __name__ == "__main__":
    import jax
    _d = setup_inputs()
    print(jax.jit(kernel)(*tuple(_d.values())))

</pallas_src>

<mosaic_0001>
#map = affine_map<(d0, d1) -> (0, 0, 0)>
#map1 = affine_map<(d0, d1) -> (0)>
module attributes {stable_mosaic.version = 14 : i64} {
  func.func @_sc_sum_body(%arg0: i32, %arg1: i32, %arg2: memref<10000x32x128xf32, #tpu.memory_space<hbm>>, %arg3: memref<204800xf32, #tpu.memory_space<hbm>>, %arg4: memref<2x5x32x128xf32, #tpu.memory_space<vmem>>, %arg5: memref<2x640xf32, #tpu.memory_space<vmem>>, %arg6: memref<!tpu.dma_semaphore, #tpu.memory_space<semaphore_mem>>, %arg7: memref<!tpu.dma_semaphore, #tpu.memory_space<semaphore_mem>>) attributes {dimension_semantics = [#tpu.dimension_semantics<core_parallel>, #tpu.dimension_semantics<subcore_parallel>], iteration_bounds = array<i64: 2, 16>, scalar_prefetch = 0 : i64, scratch_operands = 4 : i64, tpu.core_type = #tpu.core_type<sc_vector_subcore>, window_params = [{transform_indices = #map}, {transform_indices = #map1}]} {
    %mul3A = arith.constant 2 : i32
    %mul3A_0 = arith.muli %arg1, %mul3A : i32
    %add3A = arith.addi %mul3A_0, %arg0 : i32
    %mul3A_1 = arith.constant 50 : i32
    %mul3A_2 = arith.muli %add3A, %mul3A_1 : i32
    %add3A_3 = arith.constant 0 : i32
    %add3A_4 = arith.addi %mul3A_2, %add3A_3 : i32
    %dma_start3A = arith.constant 0 : i32
    %dma_start3A_5 = arith.constant 0 : i32
    %dma_start3A_6 = arith.constant 0 : i32
    %dma_start3A_7 = arith.constant 0 : i32
    %dma_start3A_8 = tpu.memref_slice %arg4[%dma_start3A, %dma_start3A_5, %dma_start3A_6, %dma_start3A_7] : memref<2x5x32x128xf32, #tpu.memory_space<vmem>> -> memref<1x5x32x128xf32, #tpu.memory_space<vmem>>
    %dma_start3A_9 = tpu.memref_squeeze %dma_start3A_8 : memref<1x5x32x128xf32, #tpu.memory_space<vmem>> -> memref<5x32x128xf32, #tpu.memory_space<vmem>>
    %dma_start3A_10 = arith.constant 0 : i32
    %dma_start3A_11 = arith.constant 0 : i32
    %dma_start3A_12 = tpu.memref_slice %arg2[%add3A_4, %dma_start3A_10, %dma_start3A_11] : memref<10000x32x128xf32, #tpu.memory_space<hbm>> -> memref<5x32x128xf32, #tpu.memory_space<hbm>>
    %dma_start3A_13 = arith.constant 0 : i32
    %dma_start3A_14 = arith.constant 0 : i32
    %dma_start3A_15 = arith.constant 0 : i32
    %dma_start3A_16 = tpu.memref_slice %arg4[%dma_start3A, %dma_start3A_13, %dma_start3A_14, %dma_start3A_15] : memref<2x5x32x128xf32, #tpu.memory_space<vmem>> -> memref<1x5x32x128xf32, #tpu.memory_space<vmem>>
    %dma_start3A_17 = tpu.memref_squeeze %dma_start3A_16 : memref<1x5x32x128xf32, #tpu.memory_space<vmem>> -> memref<5x32x128xf32, #tpu.memory_space<vmem>>
    %dma_start3A_18 = arith.constant 0 : i32
    %dma_start3A_19 = arith.constant 0 : i32
    %dma_start3A_20 = tpu.memref_slice %arg2[%add3A_4, %dma_start3A_18, %dma_start3A_19] : memref<10000x32x128xf32, #tpu.memory_space<hbm>> -> memref<5x32x128xf32, #tpu.memory_space<hbm>>
    tpu.enqueue_dma source(%dma_start3A_20 : memref<5x32x128xf32, #tpu.memory_space<hbm>>) target(%dma_start3A_17 : memref<5x32x128xf32, #tpu.memory_space<vmem>>) target_semaphore(%arg6 : memref<!tpu.dma_semaphore, #tpu.memory_space<semaphore_mem>>)
    %scan3A = arith.constant 0 : i32
    %scan3A_21 = arith.constant 0 : i32
    %scan3A_22 = arith.constant 5 : i32
    %scan3A_23 = arith.addi %scan3A_21, %scan3A_22 : i32
    %scan3A_24 = arith.constant 1 : i32
    %scan3A_25 = scf.for %scan3A_52 = %scan3A_21 to %scan3A_23 step %scan3A_24 iter_args(%scan3A_53 = %scan3A) -> (i32)  : i32 {
      %mul3A_54 = arith.constant 2 : i32
      %mul3A_55 = arith.muli %mul3A_54, %scan3A_52 : i32
      %mul3A_56 = arith.constant 5 : i32
      %mul3A_57 = arith.muli %mul3A_55, %mul3A_56 : i32
      %add3A_58 = arith.addi %mul3A_2, %mul3A_57 : i32
      %dma_wait3A_59 = arith.constant 0 : i32
      %dma_wait3A_60 = arith.constant 0 : i32
      %dma_wait3A_61 = arith.constant 0 : i32
      %dma_wait3A_62 = arith.constant 0 : i32
      %dma_wait3A_63 = tpu.memref_slice %arg4[%dma_wait3A_59, %dma_wait3A_60, %dma_wait3A_61, %dma_wait3A_62] : memref<2x5x32x128xf32, #tpu.memory_space<vmem>> -> memref<1x5x32x128xf32, #tpu.memory_space<vmem>>
      %dma_wait3A_64 = tpu.memref_squeeze %dma_wait3A_63 : memref<1x5x32x128xf32, #tpu.memory_space<vmem>> -> memref<5x32x128xf32, #tpu.memory_space<vmem>>
      %dma_wait3A_65 = arith.constant 0 : i32
      %dma_wait3A_66 = arith.constant 0 : i32
      %dma_wait3A_67 = tpu.memref_slice %arg2[%add3A_58, %dma_wait3A_65, %dma_wait3A_66] : memref<10000x32x128xf32, #tpu.memory_space<hbm>> -> memref<5x32x128xf32, #tpu.memory_space<hbm>>
      %dma_wait3A_68 = arith.constant 0 : i32
      %dma_wait3A_69 = arith.constant 0 : i32
      %dma_wait3A_70 = arith.constant 0 : i32
      %dma_wait3A_71 = tpu.memref_slice %arg4[%dma_wait3A_59, %dma_wait3A_68, %dma_wait3A_69, %dma_wait3A_70] : memref<2x5x32x128xf32, #tpu.memory_space<vmem>> -> memref<1x5x32x128xf32, #tpu.memory_space<vmem>>
      %dma_wait3A_72 = tpu.memref_squeeze %dma_wait3A_71 : memref<1x5x32x128xf32, #tpu.memory_space<vmem>> -> memref<5x32x128xf32, #tpu.memory_space<vmem>>
      %dma_wait3A_73 = arith.constant 0 : i32
      %dma_wait3A_74 = arith.constant 0 : i32
      %dma_wait3A_75 = tpu.memref_slice %arg2[%add3A_58, %dma_wait3A_73, %dma_wait3A_74] : memref<10000x32x128xf32, #tpu.memory_space<hbm>> -> memref<5x32x128xf32, #tpu.memory_space<hbm>>
      tpu.wait_dma2 semaphore(%arg6 : memref<!tpu.dma_semaphore, #tpu.memory_space<semaphore_mem>>) src(%dma_wait3A_75 : memref<5x32x128xf32, #tpu.memory_space<hbm>>) dst(%dma_wait3A_72 : memref<5x32x128xf32, #tpu.memory_space<vmem>>)
      %add3A_76 = arith.constant 1 : i32
      %add3A_77 = arith.addi %mul3A_55, %add3A_76 : i32
      %lt3A = arith.constant 10 : i32
      %lt3A_78 = arith.cmpi slt, %add3A_77, %lt3A : i32
      %convert_element_type3A = arith.extui %lt3A_78 : i1 to i32
      %cond3A = arith.constant 0 : i32
      %cond3A_79 = arith.cmpi ne, %convert_element_type3A, %cond3A : i32
      scf.if %cond3A_79 {
        %add3A_163 = arith.constant 1 : i32
        %add3A_164 = arith.addi %mul3A_55, %add3A_163 : i32
        %mul3A_165 = arith.constant 5 : i32
        %mul3A_166 = arith.muli %add3A_164, %mul3A_165 : i32
        %add3A_167 = arith.addi %mul3A_2, %mul3A_166 : i32
        %dma_start3A_168 = arith.constant 1 : i32
        %dma_start3A_169 = arith.constant 0 : i32
        %dma_start3A_170 = arith.constant 0 : i32
        %dma_start3A_171 = arith.constant 0 : i32
        %dma_start3A_172 = tpu.memref_slice %arg4[%dma_start3A_168, %dma_start3A_169, %dma_start3A_170, %dma_start3A_171] : memref<2x5x32x128xf32, #tpu.memory_space<vmem>> -> memref<1x5x32x128xf32, #tpu.memory_space<vmem>>
        %dma_start3A_173 = tpu.memref_squeeze %dma_start3A_172 : memref<1x5x32x128xf32, #tpu.memory_space<vmem>> -> memref<5x32x128xf32, #tpu.memory_space<vmem>>
        %dma_start3A_174 = arith.constant 0 : i32
        %dma_start3A_175 = arith.constant 0 : i32
        %dma_start3A_176 = tpu.memref_slice %arg2[%add3A_167, %dma_start3A_174, %dma_start3A_175] : memref<10000x32x128xf32, #tpu.memory_space<hbm>> -> memref<5x32x128xf32, #tpu.memory_space<hbm>>
        %dma_start3A_177 = arith.constant 0 : i32
        %dma_start3A_178 = arith.constant 0 : i32
        %dma_start3A_179 = arith.constant 0 : i32
        %dma_start3A_180 = tpu.memref_slice %arg4[%dma_start3A_168, %dma_start3A_177, %dma_start3A_178, %dma_start3A_179] : memref<2x5x32x128xf32, #tpu.memory_space<vmem>> -> memref<1x5x32x128xf32, #tpu.memory_space<vmem>>
        %dma_start3A_181 = tpu.memref_squeeze %dma_start3A_180 : memref<1x5x32x128xf32, #tpu.memory_space<vmem>> -> memref<5x32x128xf32, #tpu.memory_space<vmem>>
        %dma_start3A_182 = arith.constant 0 : i32
        %dma_start3A_183 = arith.constant 0 : i32
        %dma_start3A_184 = tpu.memref_slice %arg2[%add3A_167, %dma_start3A_182, %dma_start3A_183] : memref<10000x32x128xf32, #tpu.memory_space<hbm>> -> memref<5x32x128xf32, #tpu.memory_space<hbm>>
        tpu.enqueue_dma source(%dma_start3A_184 : memref<5x32x128xf32, #tpu.memory_space<hbm>>) target(%dma_start3A_181 : memref<5x32x128xf32, #tpu.memory_space<vmem>>) target_semaphore(%arg6 : memref<!tpu.dma_semaphore, #tpu.memory_space<semaphore_mem>>)
      } else {
      }
      %ge3A = arith.constant 2 : i32
      %ge3A_80 = arith.cmpi sge, %mul3A_55, %ge3A : i32
      %convert_element_type3A_81 = arith.extui %ge3A_80 : i1 to i32
      %cond3A_82 = arith.constant 0 : i32
      %cond3A_83 = arith.cmpi ne, %convert_element_type3A_81, %cond3A_82 : i32
      scf.if %cond3A_83 {
        %mul3A_163 = arith.constant 5 : i32
        %mul3A_164 = arith.muli %mul3A_55, %mul3A_163 : i32
        %add3A_165 = arith.addi %mul3A_2, %mul3A_164 : i32
        %mul3A_166 = arith.constant 128 : i32
        %mul3A_167 = arith.muli %add3A_165, %mul3A_166 : i32
        %dma_wait3A_168 = arith.constant 0 : i32
        %dma_wait3A_169 = arith.constant 0 : i32
        %dma_wait3A_170 = tpu.memref_slice %arg5[%dma_wait3A_168, %dma_wait3A_169] : memref<2x640xf32, #tpu.memory_space<vmem>> -> memref<1x640xf32, #tpu.memory_space<vmem>>
        %dma_wait3A_171 = tpu.memref_squeeze %dma_wait3A_170 : memref<1x640xf32, #tpu.memory_space<vmem>> -> memref<640xf32, #tpu.memory_space<vmem>>
        %dma_wait3A_172 = tpu.memref_slice %arg3[%mul3A_167] : memref<204800xf32, #tpu.memory_space<hbm>> -> memref<640xf32, #tpu.memory_space<hbm>>
        %dma_wait3A_173 = tpu.memref_slice %arg3[%mul3A_167] : memref<204800xf32, #tpu.memory_space<hbm>> -> memref<640xf32, #tpu.memory_space<hbm>>
        %dma_wait3A_174 = arith.constant 0 : i32
        %dma_wait3A_175 = tpu.memref_slice %arg5[%dma_wait3A_168, %dma_wait3A_174] : memref<2x640xf32, #tpu.memory_space<vmem>> -> memref<1x640xf32, #tpu.memory_space<vmem>>
        %dma_wait3A_176 = tpu.memref_squeeze %dma_wait3A_175 : memref<1x640xf32, #tpu.memory_space<vmem>> -> memref<640xf32, #tpu.memory_space<vmem>>
        tpu.wait_dma2 semaphore(%arg7 : memref<!tpu.dma_semaphore, #tpu.memory_space<semaphore_mem>>) src(%dma_wait3A_176 : memref<640xf32, #tpu.memory_space<vmem>>) dst(%dma_wait3A_173 : memref<640xf32, #tpu.memory_space<hbm>>)
      } else {
      }
      %scan3A_84 = arith.constant 0 : i32
      %scan3A_85 = arith.constant 0 : i32
      %scan3A_86 = arith.constant 5 : i32
      %scan3A_87 = arith.addi %scan3A_85, %scan3A_86 : i32
      %scan3A_88 = arith.constant 1 : i32
      %scan3A_89 = scf.for %scan3A_163 = %scan3A_85 to %scan3A_87 step %scan3A_88 iter_args(%scan3A_164 = %scan3A_84) -> (i32)  : i32 {
        %get3A = arith.constant 0 : i32
        %get3A_165 = arith.constant 0 : i32
        %get3A_166 = arith.index_cast %get3A : i32 to index
        %get3A_167 = arith.index_cast %scan3A_163 : i32 to index
        %get3A_168 = arith.index_cast %get3A_165 : i32 to index
        %get3A_169 = arith.constant 0 : index
        %get3A_170 = tpu.vector_load %arg4[%get3A_166, %get3A_167, %get3A_168, %get3A_169] {strides = array<i32>} : memref<2x5x32x128xf32, #tpu.memory_space<vmem>>, vector<1x1x1x16xf32>,
        %get3A_171 = vector.shape_cast %get3A_170 : vector<1x1x1x16xf32> to vector<16xf32>
        %get3A_172 = arith.constant 0 : i32
        %get3A_173 = arith.constant 0 : i32
        %get3A_174 = arith.index_cast %get3A_172 : i32 to index
        %get3A_175 = arith.index_cast %scan3A_163 : i32 to index
        %get3A_176 = arith.index_cast %get3A_173 : i32 to index
        %get3A_177 = arith.constant 16 : index
        %get3A_178 = tpu.vector_load %arg4[%get3A_174, %get3A_175, %get3A_176, %get3A_177] {strides = array<i32>} : memref<2x5x32x128xf32, #tpu.memory_space<vmem>>, vector<1x1x1x16xf32>,
        %get3A_179 = vector.shape_cast %get3A_178 : vector<1x1x1x16xf32> to vector<16xf32>
        %get3A_180 = arith.constant 0 : i32
        %get3A_181 = arith.constant 0 : i32
        %get3A_182 = arith.index_cast %get3A_180 : i32 to index
        %get3A_183 = arith.index_cast %scan3A_163 : i32 to index
        %get3A_184 = arith.index_cast %get3A_181 : i32 to index
        %get3A_185 = arith.constant 32 : index
        %get3A_186 = tpu.vector_load %arg4[%get3A_182, %get3A_183, %get3A_184, %get3A_185] {strides = array<i32>} : memref<2x5x32x128xf32, #tpu.memory_space<vmem>>, vector<1x1x1x16xf32>,
        %get3A_187 = vector.shape_cast %get3A_186 : vector<1x1x1x16xf32> to vector<16xf32>
        %get3A_188 = arith.constant 0 : i32
        %get3A_189 = arith.constant 0 : i32
        %get3A_190 = arith.index_cast %get3A_188 : i32 to index
        %get3A_191 = arith.index_cast %scan3A_163 : i32 to index
        %get3A_192 = arith.index_cast %get3A_189 : i32 to index
        %get3A_193 = arith.constant 48 : index
        %get3A_194 = tpu.vector_load %arg4[%get3A_190, %get3A_191, %get3A_192, %get3A_193] {strides = array<i32>} : memref<2x5x32x128xf32, #tpu.memory_space<vmem>>, vector<1x1x1x16xf32>,
        %get3A_195 = vector.shape_cast %get3A_194 : vector<1x1x1x16xf32> to vector<16xf32>
        %get3A_196 = arith.constant 0 : i32
        %get3A_197 = arith.constant 0 : i32
        %get3A_198 = arith.index_cast %get3A_196 : i32 to index
        %get3A_199 = arith.index_cast %scan3A_163 : i32 to index
        %get3A_200 = arith.index_cast %get3A_197 : i32 to index
        %get3A_201 = arith.constant 64 : index
        %get3A_202 = tpu.vector_load %arg4[%get3A_198, %get3A_199, %get3A_200, %get3A_201] {strides = array<i32>} : memref<2x5x32x128xf32, #tpu.memory_space<vmem>>, vector<1x1x1x16xf32>,
        %get3A_203 = vector.shape_cast %get3A_202 : vector<1x1x1x16xf32> to vector<16xf32>
        %get3A_204 = arith.constant 0 : i32
        %get3A_205 = arith.constant 0 : i32
        %get3A_206 = arith.index_cast %get3A_204 : i32 to index
        %get3A_207 = arith.index_cast %scan3A_163 : i32 to index
        %get3A_208 = arith.index_cast %get3A_205 : i32 to index
        %get3A_209 = arith.constant 80 : index
        %get3A_210 = tpu.vector_load %arg4[%get3A_206, %get3A_207, %get3A_208, %get3A_209] {strides = array<i32>} : memref<2x5x32x128xf32, #tpu.memory_space<vmem>>, vector<1x1x1x16xf32>,
        %get3A_211 = vector.shape_cast %get3A_210 : vector<1x1x1x16xf32> to vector<16xf32>
        %get3A_212 = arith.constant 0 : i32
        %get3A_213 = arith.constant 0 : i32
        %get3A_214 = arith.index_cast %get3A_212 : i32 to index
        %get3A_215 = arith.index_cast %scan3A_163 : i32 to index
        %get3A_216 = arith.index_cast %get3A_213 : i32 to index
        %get3A_217 = arith.constant 96 : index
        %get3A_218 = tpu.vector_load %arg4[%get3A_214, %get3A_215, %get3A_216, %get3A_217] {strides = array<i32>} : memref<2x5x32x128xf32, #tpu.memory_space<vmem>>, vector<1x1x1x16xf32>,
        %get3A_219 = vector.shape_cast %get3A_218 : vector<1x1x1x16xf32> to vector<16xf32>
        %get3A_220 = arith.constant 0 : i32
        %get3A_221 = arith.constant 0 : i32
        %get3A_222 = arith.index_cast %get3A_220 : i32 to index
        %get3A_223 = arith.index_cast %scan3A_163 : i32 to index
        %get3A_224 = arith.index_cast %get3A_221 : i32 to index
        %get3A_225 = arith.constant 112 : index
        %get3A_226 = tpu.vector_load %arg4[%get3A_222, %get3A_223, %get3A_224, %get3A_225] {strides = array<i32>} : memref<2x5x32x128xf32, #tpu.memory_space<vmem>>, vector<1x1x1x16xf32>,
        %get3A_227 = vector.shape_cast %get3A_226 : vector<1x1x1x16xf32> to vector<16xf32>
        %get3A_228 = arith.constant 0 : i32
        %get3A_229 = arith.constant 1 : i32
        %get3A_230 = arith.index_cast %get3A_228 : i32 to index
        %get3A_231 = arith.index_cast %scan3A_163 : i32 to index
        %get3A_232 = arith.index_cast %get3A_229 : i32 to index
        %get3A_233 = arith.constant 0 : index
        %get3A_234 = tpu.vector_load %arg4[%get3A_230, %get3A_231, %get3A_232, %get3A_233] {strides = array<i32>} : memref<2x5x32x128xf32, #tpu.memory_space<vmem>>, vector<1x1x1x16xf32>,
        %get3A_235 = vector.shape_cast %get3A_234 : vector<1x1x1x16xf32> to vector<16xf32>
        %add3A_236 = arith.addf %get3A_171, %get3A_235 : vector<16xf32>
        %get3A_237 = arith.constant 0 : i32
        %get3A_238 = arith.constant 1 : i32
        %get3A_239 = arith.index_cast %get3A_237 : i32 to index
        %get3A_240 = arith.index_cast %scan3A_163 : i32 to index
        %get3A_241 = arith.index_cast %get3A_238 : i32 to index
        %get3A_242 = arith.constant 16 : index
        %get3A_243 = tpu.vector_load %arg4[%get3A_239, %get3A_240, %get3A_241, %get3A_242] {strides = array<i32>} : memref<2x5x32x128xf32, #tpu.memory_space<vmem>>, vector<1x1x1x16xf32>,
        %get3A_244 = vector.shape_cast %get3A_243 : vector<1x1x1x16xf32> to vector<16xf32>
        %add3A_245 = arith.addf %get3A_179, %get3A_244 : vector<16xf32>
        %get3A_246 = arith.constant 0 : i32
        %get3A_247 = arith.constant 1 : i32
        %get3A_248 = arith.index_cast %get3A_246 : i32 to index
        %get3A_249 = arith.index_cast %scan3A_163 : i32 to index
        %get3A_250 = arith.index_cast %get3A_247 : i32 to index
        %get3A_251 = arith.constant 32 : index
        %get3A_252 = tpu.vector_load %arg4[%get3A_248, %get3A_249, %get3A_250, %get3A_251] {strides = array<i32>} : memref<2x5x32x128xf32, #tpu.memory_space<vmem>>, vector<1x1x1x16xf32>,
        %get3A_253 = vector.shape_cast %get3A_252 : vector<1x1x1x16xf32> to vector<16xf32>
        %add3A_254 = arith.addf %get3A_187, %get3A_253 : vector<16xf32>
        %get3A_255 = arith.constant 0 : i32
        %get3A_256 = arith.constant 1 : i32
        %get3A_257 = arith.index_cast %get3A_255 : i32 to index
        %get3A_258 = arith.index_cast %scan3A_163 : i32 to index
        %get3A_259 = arith.index_cast %get3A_256 : i32 to index
        %get3A_260 = arith.constant 48 : index
        %get3A_261 = tpu.vector_load %arg4[%get3A_257, %get3A_258, %get3A_259, %get3A_260] {strides = array<i32>} : memref<2x5x32x128xf32, #tpu.memory_space<vmem>>, vector<1x1x1x16xf32>,
        %get3A_262 = vector.shape_cast %get3A_261 : vector<1x1x1x16xf32> to vector<16xf32>
        %add3A_263 = arith.addf %get3A_195, %get3A_262 : vector<16xf32>
        %get3A_264 = arith.constant 0 : i32
        %get3A_265 = arith.constant 1 : i32
        %get3A_266 = arith.index_cast %get3A_264 : i32 to index
        %get3A_267 = arith.index_cast %scan3A_163 : i32 to index
        %get3A_268 = arith.index_cast %get3A_265 : i32 to index
        %get3A_269 = arith.constant 64 : index
        %get3A_270 = tpu.vector_load %arg4[%get3A_266, %get3A_267, %get3A_268, %get3A_269] {strides = array<i32>} : memref<2x5x32x128xf32, #tpu.memory_space<vmem>>, vector<1x1x1x16xf32>,
        %get3A_271 = vector.shape_cast %get3A_270 : vector<1x1x1x16xf32> to vector<16xf32>
        %add3A_272 = arith.addf %get3A_203, %get3A_271 : vector<16xf32>
        %get3A_273 = arith.constant 0 : i32
        %get3A_274 = arith.constant 1 : i32
        %get3A_275 = arith.index_cast %get3A_273 : i32 to index
        %get3A_276 = arith.index_cast %scan3A_163 : i32 to index
        %get3A_277 = arith.index_cast %get3A_274 : i32 to index
        %get3A_278 = arith.constant 80 : index
        %get3A_279 = tpu.vector_load %arg4[%get3A_275, %get3A_276, %get3A_277, %get3A_278] {strides = array<i32>} : memref<2x5x32x128xf32, #tpu.memory_space<vmem>>, vector<1x1x1x16xf32>,
        %get3A_280 = vector.shape_cast %get3A_279 : vector<1x1x1x16xf32> to vector<16xf32>
        %add3A_281 = arith.addf %get3A_211, %get3A_280 : vector<16xf32>
        %get3A_282 = arith.constant 0 : i32
        %get3A_283 = arith.constant 1 : i32
        %get3A_284 = arith.index_cast %get3A_282 : i32 to index
        %get3A_285 = arith.index_cast %scan3A_163 : i32 to index
        %get3A_286 = arith.index_cast %get3A_283 : i32 to index
        %get3A_287 = arith.constant 96 : index
        %get3A_288 = tpu.vector_load %arg4[%get3A_284, %get3A_285, %get3A_286, %get3A_287] {strides = array<i32>} : memref<2x5x32x128xf32, #tpu.memory_space<vmem>>, vector<1x1x1x16xf32>,
        %get3A_289 = vector.shape_cast %get3A_288 : vector<1x1x1x16xf32> to vector<16xf32>
        %add3A_290 = arith.addf %get3A_219, %get3A_289 : vector<16xf32>
        %get3A_291 = arith.constant 0 : i32
        %get3A_292 = arith.constant 1 : i32
        %get3A_293 = arith.index_cast %get3A_291 : i32 to index
        %get3A_294 = arith.index_cast %scan3A_163 : i32 to index
        %get3A_295 = arith.index_cast %get3A_292 : i32 to index
        %get3A_296 = arith.constant 112 : index
        %get3A_297 = tpu.vector_load %arg4[%get3A_293, %get3A_294, %get3A_295, %get3A_296] {strides = array<i32>} : memref<2x5x32x128xf32, #tpu.memory_space<vmem>>, vector<1x1x1x16xf32>,
        %get3A_298 = vector.shape_cast %get3A_297 : vector<1x1x1x16xf32> to vector<16xf32>
        %add3A_299 = arith.addf %get3A_227, %get3A_298 : vector<16xf32>
        %get3A_300 = arith.constant 0 : i32
        %get3A_301 = arith.constant 2 : i32
        %get3A_302 = arith.index_cast %get3A_300 : i32 to index
        %get3A_303 = arith.index_cast %scan3A_163 : i32 to index
        %get3A_304 = arith.index_cast %get3A_301 : i32 to index
        %get3A_305 = arith.constant 0 : index
        %get3A_306 = tpu.vector_load %arg4[%get3A_302, %get3A_303, %get3A_304, %get3A_305] {strides = array<i32>} : memref<2x5x32x128xf32, #tpu.memory_space<vmem>>, vector<1x1x1x16xf32>,
        %get3A_307 = vector.shape_cast %get3A_306 : vector<1x1x1x16xf32> to vector<16xf32>
        %add3A_308 = arith.addf %add3A_236, %get3A_307 : vector<16xf32>
        %get3A_309 = arith.constant 0 : i32
        %get3A_310 = arith.constant 2 : i32
        %get3A_311 = arith.index_cast %get3A_309 : i32 to index
        %get3A_312 = arith.index_cast %scan3A_163 : i32 to index
        %get3A_313 = arith.index_cast %get3A_310 : i32 to index
        %get3A_314 = arith.constant 16 : index
        %get3A_315 = tpu.vector_load %arg4[%get3A_311, %get3A_312, %get3A_313, %get3A_314] {strides = array<i32>} : memref<2x5x32x128xf32, #tpu.memory_space<vmem>>, vector<1x1x1x16xf32>,
        %get3A_316 = vector.shape_cast %get3A_315 : vector<1x1x1x16xf32> to vector<16xf32>
        %add3A_317 = arith.addf %add3A_245, %get3A_316 : vector<16xf32>
        %get3A_318 = arith.constant 0 : i32
        %get3A_319 = arith.constant 2 : i32
        %get3A_320 = arith.index_cast %get3A_318 : i32 to index
        %get3A_321 = arith.index_cast %scan3A_163 : i32 to index
        %get3A_322 = arith.index_cast %get3A_319 : i32 to index
        %get3A_323 = arith.constant 32 : index
        %get3A_324 = tpu.vector_load %arg4[%get3A_320, %get3A_321, %get3A_322, %get3A_323] {strides = array<i32>} : memref<2x5x32x128xf32, #tpu.memory_space<vmem>>, vector<1x1x1x16xf32>,
        %get3A_325 = vector.shape_cast %get3A_324 : vector<1x1x1x16xf32> to vector<16xf32>
        %add3A_326 = arith.addf %add3A_254, %get3A_325 : vector<16xf32>
        %get3A_327 = arith.constant 0 : i32
        %get3A_328 = arith.constant 2 : i32
        %get3A_329 = arith.index_cast %get3A_327 : i32 to index
        %get3A_330 = arith.index_cast %scan3A_163 : i32 to index
        %get3A_331 = arith.index_cast %get3A_328 : i32 to index
        %get3A_332 = arith.constant 48 : index
        %get3A_333 = tpu.vector_load %arg4[%get3A_329, %get3A_330, %get3A_331, %get3A_332] {strides = array<i32>} : memref<2x5x32x128xf32, #tpu.memory_space<vmem>>, vector<1x1x1x16xf32>,
        %get3A_334 = vector.shape_cast %get3A_333 : vector<1x1x1x16xf32> to vector<16xf32>
        %add3A_335 = arith.addf %add3A_263, %get3A_334 : vector<16xf32>
        %get3A_336 = arith.constant 0 : i32
        %get3A_337 = arith.constant 2 : i32
        %get3A_338 = arith.index_cast %get3A_336 : i32 to index
        %get3A_339 = arith.index_cast %scan3A_163 : i32 to index
        %get3A_340 = arith.index_cast %get3A_337 : i32 to index
        %get3A_341 = arith.constant 64 : index
        %get3A_342 = tpu.vector_load %arg4[%get3A_338, %get3A_339, %get3A_340, %get3A_341] {strides = array<i32>} : memref<2x5x32x128xf32, #tpu.memory_space<vmem>>, vector<1x1x1x16xf32>,
        %get3A_343 = vector.shape_cast %get3A_342 : vector<1x1x1x16xf32> to vector<16xf32>
        %add3A_344 = arith.addf %add3A_272, %get3A_343 : vector<16xf32>
        %get3A_345 = arith.constant 0 : i32
        %get3A_346 = arith.constant 2 : i32
        %get3A_347 = arith.index_cast %get3A_345 : i32 to index
        %get3A_348 = arith.index_cast %scan3A_163 : i32 to index
        %get3A_349 = arith.index_cast %get3A_346 : i32 to index
        %get3A_350 = arith.constant 80 : index
        %get3A_351 = tpu.vector_load %arg4[%get3A_347, %get3A_348, %get3A_349, %get3A_350] {strides = array<i32>} : memref<2x5x32x128xf32, #tpu.memory_space<vmem>>, vector<1x1x1x16xf32>,
        %get3A_352 = vector.shape_cast %get3A_351 : vector<1x1x1x16xf32> to vector<16xf32>
        %add3A_353 = arith.addf %add3A_281, %get3A_352 : vector<16xf32>
        %get3A_354 = arith.constant 0 : i32
        %get3A_355 = arith.constant 2 : i32
        %get3A_356 = arith.index_cast %get3A_354 : i32 to index
        %get3A_357 = arith.index_cast %scan3A_163 : i32 to index
        %get3A_358 = arith.index_cast %get3A_355 : i32 to index
        %get3A_359 = arith.constant 96 : index
        %get3A_360 = tpu.vector_load %arg4[%get3A_356, %get3A_357, %get3A_358, %get3A_359] {strides = array<i32>} : memref<2x5x32x128xf32, #tpu.memory_space<vmem>>, vector<1x1x1x16xf32>,
        %get3A_361 = vector.shape_cast %get3A_360 : vector<1x1x1x16xf32> to vector<16xf32>
        %add3A_362 = arith.addf %add3A_290, %get3A_361 : vector<16xf32>
        %get3A_363 = arith.constant 0 : i32
        %get3A_364 = arith.constant 2 : i32
        %get3A_365 = arith.index_cast %get3A_363 : i32 to index
        %get3A_366 = arith.index_cast %scan3A_163 : i32 to index
        %get3A_367 = arith.index_cast %get3A_364 : i32 to index
        %get3A_368 = arith.constant 112 : index
        %get3A_369 = tpu.vector_load %arg4[%get3A_365, %get3A_366, %get3A_367, %get3A_368] {strides = array<i32>} : memref<2x5x32x128xf32, #tpu.memory_space<vmem>>, vector<1x1x1x16xf32>,
        %get3A_370 = vector.shape_cast %get3A_369 : vector<1x1x1x16xf32> to vector<16xf32>
        %add3A_371 = arith.addf %add3A_299, %get3A_370 : vector<16xf32>
        %get3A_372 = arith.constant 0 : i32
        %get3A_373 = arith.constant 3 : i32
        %get3A_374 = arith.index_cast %get3A_372 : i32 to index
        %get3A_375 = arith.index_cast %scan3A_163 : i32 to index
        %get3A_376 = arith.index_cast %get3A_373 : i32 to index
        %get3A_377 = arith.constant 0 : index
        %get3A_378 = tpu.vector_load %arg4[%get3A_374, %get3A_375, %get3A_376, %get3A_377] {strides = array<i32>} : memref<2x5x32x128xf32, #tpu.memory_space<vmem>>, vector<1x1x1x16xf32>,
        %get3A_379 = vector.shape_cast %get3A_378 : vector<1x1x1x16xf32> to vector<16xf32>
        %add3A_380 = arith.addf %add3A_308, %get3A_379 : vector<16xf32>
        %get3A_381 = arith.constant 0 : i32
        %get3A_382 = arith.constant 3 : i32
        %get3A_383 = arith.index_cast %get3A_381 : i32 to index
        %get3A_384 = arith.index_cast %scan3A_163 : i32 to index
        %get3A_385 = arith.index_cast %get3A_382 : i32 to index
        %get3A_386 = arith.constant 16 : index
        %get3A_387 = tpu.vector_load %arg4[%get3A_383, %get3A_384, %get3A_385, %get3A_386] {strides = array<i32>} : memref<2x5x32x128xf32, #tpu.memory_space<vmem>>, vector<1x1x1x16xf32>,
        %get3A_388 = vector.shape_cast %get3A_387 : vector<1x1x1x16xf32> to vector<16xf32>
        %add3A_389 = arith.addf %add3A_317, %get3A_388 : vector<16xf32>
        %get3A_390 = arith.constant 0 : i32
        %get3A_391 = arith.constant 3 : i32
        %get3A_392 = arith.index_cast %get3A_390 : i32 to index
        %get3A_393 = arith.index_cast %scan3A_163 : i32 to index
        %get3A_394 = arith.index_cast %get3A_391 : i32 to index
        %get3A_395 = arith.constant 32 : index
        %get3A_396 = tpu.vector_load %arg4[%get3A_392, %get3A_393, %get3A_394, %get3A_395] {strides = array<i32>} : memref<2x5x32x128xf32, #tpu.memory_space<vmem>>, vector<1x1x1x16xf32>,
        %get3A_397 = vector.shape_cast %get3A_396 : vector<1x1x1x16xf32> to vector<16xf32>
        %add3A_398 = arith.addf %add3A_326, %get3A_397 : vector<16xf32>
        %get3A_399 = arith.constant 0 : i32
        %get3A_400 = arith.constant 3 : i32
        %get3A_401 = arith.index_cast %get3A_399 : i32 to index
        %get3A_402 = arith.index_cast %scan3A_163 : i32 to index
        %get3A_403 = arith.index_cast %get3A_400 : i32 to index
        %get3A_404 = arith.constant 48 : index
        %get3A_405 = tpu.vector_load %arg4[%get3A_401, %get3A_402, %get3A_403, %get3A_404] {strides = array<i32>} : memref<2x5x32x128xf32, #tpu.memory_space<vmem>>, vector<1x1x1x16xf32>,
        %get3A_406 = vector.shape_cast %get3A_405 : vector<1x1x1x16xf32> to vector<16xf32>
        %add3A_407 = arith.addf %add3A_335, %get3A_406 : vector<16xf32>
        %get3A_408 = arith.constant 0 : i32
        %get3A_409 = arith.constant 3 : i32
        %get3A_410 = arith.index_cast %get3A_408 : i32 to index
        %get3A_411 = arith.index_cast %scan3A_163 : i32 to index
        %get3A_412 = arith.index_cast %get3A_409 : i32 to index
        %get3A_413 = arith.constant 64 : index
        %get3A_414 = tpu.vector_load %arg4[%get3A_410, %get3A_411, %get3A_412, %get3A_413] {strides = array<i32>} : memref<2x5x32x128xf32, #tpu.memory_space<vmem>>, vector<1x1x1x16xf32>,
        %get3A_415 = vector.shape_cast %get3A_414 : vector<1x1x1x16xf32> to vector<16xf32>
        %add3A_416 = arith.addf %add3A_344, %get3A_415 : vector<16xf32>
        %get3A_417 = arith.constant 0 : i32
        %get3A_418 = arith.constant 3 : i32
        %get3A_419 = arith.index_cast %get3A_417 : i32 to index
        %get3A_420 = arith.index_cast %scan3A_163 : i32 to index
        %get3A_421 = arith.index_cast %get3A_418 : i32 to index
        %get3A_422 = arith.constant 80 : index
        %get3A_423 = tpu.vector_load %arg4[%get3A_419, %get3A_420, %get3A_421, %get3A_422] {strides = array<i32>} : memref<2x5x32x128xf32, #tpu.memory_space<vmem>>, vector<1x1x1x16xf32>,
        %get3A_424 = vector.shape_cast %get3A_423 : vector<1x1x1x16xf32> to vector<16xf32>
        %add3A_425 = arith.addf %add3A_353, %get3A_424 : vector<16xf32>
        %get3A_426 = arith.constant 0 : i32
        %get3A_427 = arith.constant 3 : i32
        %get3A_428 = arith.index_cast %get3A_426 : i32 to index
        %get3A_429 = arith.index_cast %scan3A_163 : i32 to index
        %get3A_430 = arith.index_cast %get3A_427 : i32 to index
        %get3A_431 = arith.constant 96 : index
        %get3A_432 = tpu.vector_load %arg4[%get3A_428, %get3A_429, %get3A_430, %get3A_431] {strides = array<i32>} : memref<2x5x32x128xf32, #tpu.memory_space<vmem>>, vector<1x1x1x16xf32>,
        %get3A_433 = vector.shape_cast %get3A_432 : vector<1x1x1x16xf32> to vector<16xf32>
        %add3A_434 = arith.addf %add3A_362, %get3A_433 : vector<16xf32>
        %get3A_435 = arith.constant 0 : i32
        %get3A_436 = arith.constant 3 : i32
        %get3A_437 = arith.index_cast %get3A_435 : i32 to index
        %get3A_438 = arith.index_cast %scan3A_163 : i32 to index
        %get3A_439 = arith.index_cast %get3A_436 : i32 to index
        %get3A_440 = arith.constant 112 : index
        %get3A_441 = tpu.vector_load %arg4[%get3A_437, %get3A_438, %get3A_439, %get3A_440] {strides = array<i32>} : memref<2x5x32x128xf32, #tpu.memory_space<vmem>>, vector<1x1x1x16xf32>,
        %get3A_442 = vector.shape_cast %get3A_441 : vector<1x1x1x16xf32> to vector<16xf32>
        %add3A_443 = arith.addf %add3A_371, %get3A_442 : vector<16xf32>
        %get3A_444 = arith.constant 0 : i32
        %get3A_445 = arith.constant 4 : i32
        %get3A_446 = arith.index_cast %get3A_444 : i32 to index
        %get3A_447 = arith.index_cast %scan3A_163 : i32 to index
        %get3A_448 = arith.index_cast %get3A_445 : i32 to index
        %get3A_449 = arith.constant 0 : index
        %get3A_450 = tpu.vector_load %arg4[%get3A_446, %get3A_447, %get3A_448, %get3A_449] {strides = array<i32>} : memref<2x5x32x128xf32, #tpu.memory_space<vmem>>, vector<1x1x1x16xf32>,
        %get3A_451 = vector.shape_cast %get3A_450 : vector<1x1x1x16xf32> to vector<16xf32>
        %add3A_452 = arith.addf %add3A_380, %get3A_451 : vector<16xf32>
        %get3A_453 = arith.constant 0 : i32
        %get3A_454 = arith.constant 4 : i32
        %get3A_455 = arith.index_cast %get3A_453 : i32 to index
        %get3A_456 = arith.index_cast %scan3A_163 : i32 to index
        %get3A_457 = arith.index_cast %get3A_454 : i32 to index
        %get3A_458 = arith.constant 16 : index
        %get3A_459 = tpu.vector_load %arg4[%get3A_455, %get3A_456, %get3A_457, %get3A_458] {strides = array<i32>} : memref<2x5x32x128xf32, #tpu.memory_space<vmem>>, vector<1x1x1x16xf32>,
        %get3A_460 = vector.shape_cast %get3A_459 : vector<1x1x1x16xf32> to vector<16xf32>
        %add3A_461 = arith.addf %add3A_389, %get3A_460 : vector<16xf32>
        %get3A_462 = arith.constant 0 : i32
        %get3A_463 = arith.constant 4 : i32
        %get3A_464 = arith.index_cast %get3A_462 : i32 to index
        %get3A_465 = arith.index_cast %scan3A_163 : i32 to index
        %get3A_466 = arith.index_cast %get3A_463 : i32 to index
        %get3A_467 = arith.constant 32 : index
        %get3A_468 = tpu.vector_load %arg4[%get3A_464, %get3A_465, %get3A_466, %get3A_467] {strides = array<i32>} : memref<2x5x32x128xf32, #tpu.memory_space<vmem>>, vector<1x1x1x16xf32>,
        %get3A_469 = vector.shape_cast %get3A_468 : vector<1x1x1x16xf32> to vector<16xf32>
        %add3A_470 = arith.addf %add3A_398, %get3A_469 : vector<16xf32>
        %get3A_471 = arith.constant 0 : i32
        %get3A_472 = arith.constant 4 : i32
        %get3A_473 = arith.index_cast %get3A_471 : i32 to index
        %get3A_474 = arith.index_cast %scan3A_163 : i32 to index
        %get3A_475 = arith.index_cast %get3A_472 : i32 to index
        %get3A_476 = arith.constant 48 : index
        %get3A_477 = tpu.vector_load %arg4[%get3A_473, %get3A_474, %get3A_475, %get3A_476] {strides = array<i32>} : memref<2x5x32x128xf32, #tpu.memory_space<vmem>>, vector<1x1x1x16xf32>,
        %get3A_478 = vector.shape_cast %get3A_477 : vector<1x1x1x16xf32> to vector<16xf32>
        %add3A_479 = arith.addf %add3A_407, %get3A_478 : vector<16xf32>
        %get3A_480 = arith.constant 0 : i32
        %get3A_481 = arith.constant 4 : i32
        %get3A_482 = arith.index_cast %get3A_480 : i32 to index
        %get3A_483 = arith.index_cast %scan3A_163 : i32 to index
        %get3A_484 = arith.index_cast %get3A_481 : i32 to index
        %get3A_485 = arith.constant 64 : index
        %get3A_486 = tpu.vector_load %arg4[%get3A_482, %get3A_483, %get3A_484, %get3A_485] {strides = array<i32>} : memref<2x5x32x128xf32, #tpu.memory_space<vmem>>, vector<1x1x1x16xf32>,
        %get3A_487 = vector.shape_cast %get3A_486 : vector<1x1x1x16xf32> to vector<16xf32>
        %add3A_488 = arith.addf %add3A_416, %get3A_487 : vector<16xf32>
        %get3A_489 = arith.constant 0 : i32
        %get3A_490 = arith.constant 4 : i32
        %get3A_491 = arith.index_cast %get3A_489 : i32 to index
        %get3A_492 = arith.index_cast %scan3A_163 : i32 to index
        %get3A_493 = arith.index_cast %get3A_490 : i32 to index
        %get3A_494 = arith.constant 80 : index
        %get3A_495 = tpu.vector_load %arg4[%get3A_491, %get3A_492, %get3A_493, %get3A_494] {strides = array<i32>} : memref<2x5x32x128xf32, #tpu.memory_space<vmem>>, vector<1x1x1x16xf32>,
        %get3A_496 = vector.shape_cast %get3A_495 : vector<1x1x1x16xf32> to vector<16xf32>
        %add3A_497 = arith.addf %add3A_425, %get3A_496 : vector<16xf32>
        %get3A_498 = arith.constant 0 : i32
        %get3A_499 = arith.constant 4 : i32
        %get3A_500 = arith.index_cast %get3A_498 : i32 to index
        %get3A_501 = arith.index_cast %scan3A_163 : i32 to index
        %get3A_502 = arith.index_cast %get3A_499 : i32 to index
        %get3A_503 = arith.constant 96 : index
        %get3A_504 = tpu.vector_load %arg4[%get3A_500, %get3A_501, %get3A_502, %get3A_503] {strides = array<i32>} : memref<2x5x32x128xf32, #tpu.memory_space<vmem>>, vector<1x1x1x16xf32>,
        %get3A_505 = vector.shape_cast %get3A_504 : vector<1x1x1x16xf32> to vector<16xf32>
        %add3A_506 = arith.addf %add3A_434, %get3A_505 : vector<16xf32>
        %get3A_507 = arith.constant 0 : i32
        %get3A_508 = arith.constant 4 : i32
        %get3A_509 = arith.index_cast %get3A_507 : i32 to index
        %get3A_510 = arith.index_cast %scan3A_163 : i32 to index
        %get3A_511 = arith.index_cast %get3A_508 : i32 to index
        %get3A_512 = arith.constant 112 : index
        %get3A_513 = tpu.vector_load %arg4[%get3A_509, %get3A_510, %get3A_511, %get3A_512] {strides = array<i32>} : memref<2x5x32x128xf32, #tpu.memory_space<vmem>>, vector<1x1x1x16xf32>,
        %get3A_514 = vector.shape_cast %get3A_513 : vector<1x1x1x16xf32> to vector<16xf32>
        %add3A_515 = arith.addf %add3A_443, %get3A_514 : vector<16xf32>
        %get3A_516 = arith.constant 0 : i32
        %get3A_517 = arith.constant 5 : i32
        %get3A_518 = arith.index_cast %get3A_516 : i32 to index
        %get3A_519 = arith.index_cast %scan3A_163 : i32 to index
        %get3A_520 = arith.index_cast %get3A_517 : i32 to index
        %get3A_521 = arith.constant 0 : index
        %get3A_522 = tpu.vector_load %arg4[%get3A_518, %get3A_519, %get3A_520, %get3A_521] {strides = array<i32>} : memref<2x5x32x128xf32, #tpu.memory_space<vmem>>, vector<1x1x1x16xf32>,
        %get3A_523 = vector.shape_cast %get3A_522 : vector<1x1x1x16xf32> to vector<16xf32>
        %add3A_524 = arith.addf %add3A_452, %get3A_523 : vector<16xf32>
        %get3A_525 = arith.constant 0 : i32
        %get3A_526 = arith.constant 5 : i32
        %get3A_527 = arith.index_cast %get3A_525 : i32 to index
        %get3A_528 = arith.index_cast %scan3A_163 : i32 to index
        %get3A_529 = arith.index_cast %get3A_526 : i32 to index
        %get3A_530 = arith.constant 16 : index
        %get3A_531 = tpu.vector_load %arg4[%get3A_527, %get3A_528, %get3A_529, %get3A_530] {strides = array<i32>} : memref<2x5x32x128xf32, #tpu.memory_space<vmem>>, vector<1x1x1x16xf32>,
        %get3A_532 = vector.shape_cast %get3A_531 : vector<1x1x1x16xf32> to vector<16xf32>
        %add3A_533 = arith.addf %add3A_461, %get3A_532 : vector<16xf32>
        %get3A_534 = arith.constant 0 : i32
        %get3A_535 = arith.constant 5 : i32
        %get3A_536 = arith.index_cast %get3A_534 : i32 to index
        %get3A_537 = arith.index_cast %scan3A_163 : i32 to index
        %get3A_538 = arith.index_cast %get3A_535 : i32 to index
        %get3A_539 = arith.constant 32 : index
        %get3A_540 = tpu.vector_load %arg4[%get3A_536, %get3A_537, %get3A_538, %get3A_539] {strides = array<i32>} : memref<2x5x32x128xf32, #tpu.memory_space<vmem>>, vector<1x1x1x16xf32>,
        %get3A_541 = vector.shape_cast %get3A_540 : vector<1x1x1x16xf32> to vector<16xf32>
        %add3A_542 = arith.addf %add3A_470, %get3A_541 : vector<16xf32>
        %get3A_543 = arith.constant 0 : i32
        %get3A_544 = arith.constant 5 : i32
        %get3A_545 = arith.index_cast %get3A_543 : i32 to index
        %get3A_546 = arith.index_cast %scan3A_163 : i32 to index
        %get3A_547 = arith.index_cast %get3A_544 : i32 to index
        %get3A_548 = arith.constant 48 : index
        %get3A_549 = tpu.vector_load %arg4[%get3A_545, %get3A_546, %get3A_547, %get3A_548] {strides = array<i32>} : memref<2x5x32x128xf32, #tpu.memory_space<vmem>>, vector<1x1x1x16xf32>,
        %get3A_550 = vector.shape_cast %get3A_549 : vector<1x1x1x16xf32> to vector<16xf32>
        %add3A_551 = arith.addf %add3A_479, %get3A_550 : vector<16xf32>
        %get3A_552 = arith.constant 0 : i32
        %get3A_553 = arith.constant 5 : i32
        %get3A_554 = arith.index_cast %get3A_552 : i32 to index
        %get3A_555 = arith.index_cast %scan3A_163 : i32 to index
        %get3A_556 = arith.index_cast %get3A_553 : i32 to index
        %get3A_557 = arith.constant 64 : index
        %get3A_558 = tpu.vector_load %arg4[%get3A_554, %get3A_555, %get3A_556, %get3A_557] {strides = array<i32>} : memref<2x5x32x128xf32, #tpu.memory_space<vmem>>, vector<1x1x1x16xf32>,
        %get3A_559 = vector.shape_cast %get3A_558 : vector<1x1x1x16xf32> to vector<16xf32>
        %add3A_560 = arith.addf %add3A_488, %get3A_559 : vector<16xf32>
        %get3A_561 = arith.constant 0 : i32
        %get3A_562 = arith.constant 5 : i32
        %get3A_563 = arith.index_cast %get3A_561 : i32 to index
        %get3A_564 = arith.index_cast %scan3A_163 : i32 to index
        %get3A_565 = arith.index_cast %get3A_562 : i32 to index
        %get3A_566 = arith.constant 80 : index
        %get3A_567 = tpu.vector_load %arg4[%get3A_563, %get3A_564, %get3A_565, %get3A_566] {strides = array<i32>} : memref<2x5x32x128xf32, #tpu.memory_space<vmem>>, vector<1x1x1x16xf32>,
        %get3A_568 = vector.shape_cast %get3A_567 : vector<1x1x1x16xf32> to vector<16xf32>
        %add3A_569 = arith.addf %add3A_497, %get3A_568 : vector<16xf32>
        %get3A_570 = arith.constant 0 : i32
        %get3A_571 = arith.constant 5 : i32
        %get3A_572 = arith.index_cast %get3A_570 : i32 to index
        %get3A_573 = arith.index_cast %scan3A_163 : i32 to index
        %get3A_574 = arith.index_cast %get3A_571 : i32 to index
        %get3A_575 = arith.constant 96 : index
        %get3A_576 = tpu.vector_load %arg4[%get3A_572, %get3A_573, %get3A_574, %get3A_575] {strides = array<i32>} : memref<2x5x32x128xf32, #tpu.memory_space<vmem>>, vector<1x1x1x16xf32>,
        %get3A_577 = vector.shape_cast %get3A_576 : vector<1x1x1x16xf32> to vector<16xf32>
        %add3A_578 = arith.addf %add3A_506, %get3A_577 : vector<16xf32>
        %get3A_579 = arith.constant 0 : i32
        %get3A_580 = arith.constant 5 : i32
        %get3A_581 = arith.index_cast %get3A_579 : i32 to index
        %get3A_582 = arith.index_cast %scan3A_163 : i32 to index
        %get3A_583 = arith.index_cast %get3A_580 : i32 to index
        %get3A_584 = arith.constant 112 : index
        %get3A_585 = tpu.vector_load %arg4[%get3A_581, %get3A_582, %get3A_583, %get3A_584] {strides = array<i32>} : memref<2x5x32x128xf32, #tpu.memory_space<vmem>>, vector<1x1x1x16xf32>,
        %get3A_586 = vector.shape_cast %get3A_585 : vector<1x1x1x16xf32> to vector<16xf32>
        %add3A_587 = arith.addf %add3A_515, %get3A_586 : vector<16xf32>
        %get3A_588 = arith.constant 0 : i32
        %get3A_589 = arith.constant 6 : i32
        %get3A_590 = arith.index_cast %get3A_588 : i32 to index
        %get3A_591 = arith.index_cast %scan3A_163 : i32 to index
        %get3A_592 = arith.index_cast %get3A_589 : i32 to index
        %get3A_593 = arith.constant 0 : index
        %get3A_594 = tpu.vector_load %arg4[%get3A_590, %get3A_591, %get3A_592, %get3A_593] {strides = array<i32>} : memref<2x5x32x128xf32, #tpu.memory_space<vmem>>, vector<1x1x1x16xf32>,
        %get3A_595 = vector.shape_cast %get3A_594 : vector<1x1x1x16xf32> to vector<16xf32>
        %add3A_596 = arith.addf %add3A_524, %get3A_595 : vector<16xf32>
        %get3A_597 = arith.constant 0 : i32
        %get3A_598 = arith.constant 6 : i32
        %get3A_599 = arith.index_cast %get3A_597 : i32 to index
        %get3A_600 = arith.index_cast %scan3A_163 : i32 to index
        %get3A_601 = arith.index_cast %get3A_598 : i32 to index
        %get3A_602 = arith.constant 16 : index
        %get3A_603 = tpu.vector_load %arg4[%get3A_599, %get3A_600, %get3A_601, %get3A_602] {strides = array<i32>} : memref<2x5x32x128xf32, #tpu.memory_space<vmem>>, vector<1x1x1x16xf32>,
        %get3A_604 = vector.shape_cast %get3A_603 : vector<1x1x1x16xf32> to vector<16xf32>
        %add3A_605 = arith.addf %add3A_533, %get3A_604 : vector<16xf32>
        %get3A_606 = arith.constant 0 : i32
        %get3A_607 = arith.constant 6 : i32
        %get3A_608 = arith.index_cast %get3A_606 : i32 to index
        %get3A_609 = arith.index_cast %scan3A_163 : i32 to index
        %get3A_610 = arith.index_cast %get3A_607 : i32 to index
        %get3A_611 = arith.constant 32 : index
        %get3A_612 = tpu.vector_load %arg4[%get3A_608, %get3A_609, %get3A_610, %get3A_611] {strides = array<i32>} : memref<2x5x32x128xf32, #tpu.memory_space<vmem>>, vector<1x1x1x16xf32>,
        %get3A_613 = vector.shape_cast %get3A_612 : vector<1x1x1x16xf32> to vector<16xf32>
        %add3A_614 = arith.addf %add3A_542, %get3A_613 : vector<16xf32>
        %get3A_615 = arith.constant 0 : i32
        %get3A_616 = arith.constant 6 : i32
        %get3A_617 = arith.index_cast %get3A_615 : i32 to index
        %get3A_618 = arith.index_cast %scan3A_163 : i32 to index
        %get3A_619 = arith.index_cast %get3A_616 : i32 to index
        %get3A_620 = arith.constant 48 : index
        %get3A_621 = tpu.vector_load %arg4[%get3A_617, %get3A_618, %get3A_619, %get3A_620] {strides = array<i32>} : memref<2x5x32x128xf32, #tpu.memory_space<vmem>>, vector<1x1x1x16xf32>,
        %get3A_622 = vector.shape_cast %get3A_621 : vector<1x1x1x16xf32> to vector<16xf32>
        %add3A_623 = arith.addf %add3A_551, %get3A_622 : vector<16xf32>
        %get3A_624 = arith.constant 0 : i32
        %get3A_625 = arith.constant 6 : i32
        %get3A_626 = arith.index_cast %get3A_624 : i32 to index
        %get3A_627 = arith.index_cast %scan3A_163 : i32 to index
        %get3A_628 = arith.index_cast %get3A_625 : i32 to index
        %get3A_629 = arith.constant 64 : index
        %get3A_630 = tpu.vector_load %arg4[%get3A_626, %get3A_627, %get3A_628, %get3A_629] {strides = array<i32>} : memref<2x5x32x128xf32, #tpu.memory_space<vmem>>, vector<1x1x1x16xf32>,
        %get3A_631 = vector.shape_cast %get3A_630 : vector<1x1x1x16xf32> to vector<16xf32>
        %add3A_632 = arith.addf %add3A_560, %get3A_631 : vector<16xf32>
        %get3A_633 = arith.constant 0 : i32
        %get3A_634 = arith.constant 6 : i32
        %get3A_635 = arith.index_cast %get3A_633 : i32 to index
        %get3A_636 = arith.index_cast %scan3A_163 : i32 to index
        %get3A_637 = arith.index_cast %get3A_634 : i32 to index
        %get3A_638 = arith.constant 80 : index
        %get3A_639 = tpu.vector_load %arg4[%get3A_635, %get3A_636, %get3A_637, %get3A_638] {strides = array<i32>} : memref<2x5x32x128xf32, #tpu.memory_space<vmem>>, vector<1x1x1x16xf32>,
        %get3A_640 = vector.shape_cast %get3A_639 : vector<1x1x1x16xf32> to vector<16xf32>
        %add3A_641 = arith.addf %add3A_569, %get3A_640 : vector<16xf32>
        %get3A_642 = arith.constant 0 : i32
        %get3A_643 = arith.constant 6 : i32
        %get3A_644 = arith.index_cast %get3A_642 : i32 to index
        %get3A_645 = arith.index_cast %scan3A_163 : i32 to index
        %get3A_646 = arith.index_cast %get3A_643 : i32 to index
        %get3A_647 = arith.constant 96 : index
        %get3A_648 = tpu.vector_load %arg4[%get3A_644, %get3A_645, %get3A_646, %get3A_647] {strides = array<i32>} : memref<2x5x32x128xf32, #tpu.memory_space<vmem>>, vector<1x1x1x16xf32>,
        %get3A_649 = vector.shape_cast %get3A_648 : vector<1x1x1x16xf32> to vector<16xf32>
        %add3A_650 = arith.addf %add3A_578, %get3A_649 : vector<16xf32>
        %get3A_651 = arith.constant 0 : i32
        %get3A_652 = arith.constant 6 : i32
        %get3A_653 = arith.index_cast %get3A_651 : i32 to index
        %get3A_654 = arith.index_cast %scan3A_163 : i32 to index
        %get3A_655 = arith.index_cast %get3A_652 : i32 to index
        %get3A_656 = arith.constant 112 : index
        %get3A_657 = tpu.vector_load %arg4[%get3A_653, %get3A_654, %get3A_655, %get3A_656] {strides = array<i32>} : memref<2x5x32x128xf32, #tpu.memory_space<vmem>>, vector<1x1x1x16xf32>,
        %get3A_658 = vector.shape_cast %get3A_657 : vector<1x1x1x16xf32> to vector<16xf32>
        %add3A_659 = arith.addf %add3A_587, %get3A_658 : vector<16xf32>
        %get3A_660 = arith.constant 0 : i32
        %get3A_661 = arith.constant 7 : i32
        %get3A_662 = arith.index_cast %get3A_660 : i32 to index
        %get3A_663 = arith.index_cast %scan3A_163 : i32 to index
        %get3A_664 = arith.index_cast %get3A_661 : i32 to index
        %get3A_665 = arith.constant 0 : index
        %get3A_666 = tpu.vector_load %arg4[%get3A_662, %get3A_663, %get3A_664, %get3A_665] {strides = array<i32>} : memref<2x5x32x128xf32, #tpu.memory_space<vmem>>, vector<1x1x1x16xf32>,
        %get3A_667 = vector.shape_cast %get3A_666 : vector<1x1x1x16xf32> to vector<16xf32>
        %add3A_668 = arith.addf %add3A_596, %get3A_667 : vector<16xf32>
        %get3A_669 = arith.constant 0 : i32
        %get3A_670 = arith.constant 7 : i32
        %get3A_671 = arith.index_cast %get3A_669 : i32 to index
        %get3A_672 = arith.index_cast %scan3A_163 : i32 to index
        %get3A_673 = arith.index_cast %get3A_670 : i32 to index
        %get3A_674 = arith.constant 16 : index
        %get3A_675 = tpu.vector_load %arg4[%get3A_671, %get3A_672, %get3A_673, %get3A_674] {strides = array<i32>} : memref<2x5x32x128xf32, #tpu.memory_space<vmem>>, vector<1x1x1x16xf32>,
        %get3A_676 = vector.shape_cast %get3A_675 : vector<1x1x1x16xf32> to vector<16xf32>
        %add3A_677 = arith.addf %add3A_605, %get3A_676 : vector<16xf32>
        %get3A_678 = arith.constant 0 : i32
        %get3A_679 = arith.constant 7 : i32
        %get3A_680 = arith.index_cast %get3A_678 : i32 to index
        %get3A_681 = arith.index_cast %scan3A_163 : i32 to index
        %get3A_682 = arith.index_cast %get3A_679 : i32 to index
        %get3A_683 = arith.constant 32 : index
        %get3A_684 = tpu.vector_load %arg4[%get3A_680, %get3A_681, %get3A_682, %get3A_683] {strides = array<i32>} : memref<2x5x32x128xf32, #tpu.memory_space<vmem>>, vector<1x1x1x16xf32>,
        %get3A_685 = vector.shape_cast %get3A_684 : vector<1x1x1x16xf32> to vector<16xf32>
        %add3A_686 = arith.addf %add3A_614, %get3A_685 : vector<16xf32>
        %get3A_687 = arith.constant 0 : i32
        %get3A_688 = arith.constant 7 : i32
        %get3A_689 = arith.index_cast %get3A_687 : i32 to index
        %get3A_690 = arith.index_cast %scan3A_163 : i32 to index
        %get3A_691 = arith.index_cast %get3A_688 : i32 to index
        %get3A_692 = arith.constant 48 : index
        %get3A_693 = tpu.vector_load %arg4[%get3A_689, %get3A_690, %get3A_691, %get3A_692] {strides = array<i32>} : memref<2x5x32x128xf32, #tpu.memory_space<vmem>>, vector<1x1x1x16xf32>,
        %get3A_694 = vector.shape_cast %get3A_693 : vector<1x1x1x16xf32> to vector<16xf32>
        %add3A_695 = arith.addf %add3A_623, %get3A_694 : vector<16xf32>
        %get3A_696 = arith.constant 0 : i32
        %get3A_697 = arith.constant 7 : i32
        %get3A_698 = arith.index_cast %get3A_696 : i32 to index
        %get3A_699 = arith.index_cast %scan3A_163 : i32 to index
        %get3A_700 = arith.index_cast %get3A_697 : i32 to index
        %get3A_701 = arith.constant 64 : index
        %get3A_702 = tpu.vector_load %arg4[%get3A_698, %get3A_699, %get3A_700, %get3A_701] {strides = array<i32>} : memref<2x5x32x128xf32, #tpu.memory_space<vmem>>, vector<1x1x1x16xf32>,
        %get3A_703 = vector.shape_cast %get3A_702 : vector<1x1x1x16xf32> to vector<16xf32>
        %add3A_704 = arith.addf %add3A_632, %get3A_703 : vector<16xf32>
        %get3A_705 = arith.constant 0 : i32
        %get3A_706 = arith.constant 7 : i32
        %get3A_707 = arith.index_cast %get3A_705 : i32 to index
        %get3A_708 = arith.index_cast %scan3A_163 : i32 to index
        %get3A_709 = arith.index_cast %get3A_706 : i32 to index
        %get3A_710 = arith.constant 80 : index
        %get3A_711 = tpu.vector_load %arg4[%get3A_707, %get3A_708, %get3A_709, %get3A_710] {strides = array<i32>} : memref<2x5x32x128xf32, #tpu.memory_space<vmem>>, vector<1x1x1x16xf32>,
        %get3A_712 = vector.shape_cast %get3A_711 : vector<1x1x1x16xf32> to vector<16xf32>
        %add3A_713 = arith.addf %add3A_641, %get3A_712 : vector<16xf32>
        %get3A_714 = arith.constant 0 : i32
        %get3A_715 = arith.constant 7 : i32
        %get3A_716 = arith.index_cast %get3A_714 : i32 to index
        %get3A_717 = arith.index_cast %scan3A_163 : i32 to index
        %get3A_718 = arith.index_cast %get3A_715 : i32 to index
        %get3A_719 = arith.constant 96 : index
        %get3A_720 = tpu.vector_load %arg4[%get3A_716, %get3A_717, %get3A_718, %get3A_719] {strides = array<i32>} : memref<2x5x32x128xf32, #tpu.memory_space<vmem>>, vector<1x1x1x16xf32>,
        %get3A_721 = vector.shape_cast %get3A_720 : vector<1x1x1x16xf32> to vector<16xf32>
        %add3A_722 = arith.addf %add3A_650, %get3A_721 : vector<16xf32>
        %get3A_723 = arith.constant 0 : i32
        %get3A_724 = arith.constant 7 : i32
        %get3A_725 = arith.index_cast %get3A_723 : i32 to index
        %get3A_726 = arith.index_cast %scan3A_163 : i32 to index
        %get3A_727 = arith.index_cast %get3A_724 : i32 to index
        %get3A_728 = arith.constant 112 : index
        %get3A_729 = tpu.vector_load %arg4[%get3A_725, %get3A_726, %get3A_727, %get3A_728] {strides = array<i32>} : memref<2x5x32x128xf32, #tpu.memory_space<vmem>>, vector<1x1x1x16xf32>,
        %get3A_730 = vector.shape_cast %get3A_729 : vector<1x1x1x16xf32> to vector<16xf32>
        %add3A_731 = arith.addf %add3A_659, %get3A_730 : vector<16xf32>
        %get3A_732 = arith.constant 0 : i32
        %get3A_733 = arith.constant 8 : i32
        %get3A_734 = arith.index_cast %get3A_732 : i32 to index
        %get3A_735 = arith.index_cast %scan3A_163 : i32 to index
        %get3A_736 = arith.index_cast %get3A_733 : i32 to index
        %get3A_737 = arith.constant 0 : index
        %get3A_738 = tpu.vector_load %arg4[%get3A_734, %get3A_735, %get3A_736, %get3A_737] {strides = array<i32>} : memref<2x5x32x128xf32, #tpu.memory_space<vmem>>, vector<1x1x1x16xf32>,
        %get3A_739 = vector.shape_cast %get3A_738 : vector<1x1x1x16xf32> to vector<16xf32>
        %add3A_740 = arith.addf %add3A_668, %get3A_739 : vector<16xf32>
        %get3A_741 = arith.constant 0 : i32
        %get3A_742 = arith.constant 8 : i32
        %get3A_743 = arith.index_cast %get3A_741 : i32 to index
        %get3A_744 = arith.index_cast %scan3A_163 : i32 to index
        %get3A_745 = arith.index_cast %get3A_742 : i32 to index
        %get3A_746 = arith.constant 16 : index
        %get3A_747 = tpu.vector_load %arg4[%get3A_743, %get3A_744, %get3A_745, %get3A_746] {strides = array<i32>} : memref<2x5x32x128xf32, #tpu.memory_space<vmem>>, vector<1x1x1x16xf32>,
        %get3A_748 = vector.shape_cast %get3A_747 : vector<1x1x1x16xf32> to vector<16xf32>
        %add3A_749 = arith.addf %add3A_677, %get3A_748 : vector<16xf32>
        %get3A_750 = arith.constant 0 : i32
        %get3A_751 = arith.constant 8 : i32
        %get3A_752 = arith.index_cast %get3A_750 : i32 to index
        %get3A_753 = arith.index_cast %scan3A_163 : i32 to index
        %get3A_754 = arith.index_cast %get3A_751 : i32 to index
        %get3A_755 = arith.constant 32 : index
        %get3A_756 = tpu.vector_load %arg4[%get3A_752, %get3A_753, %get3A_754, %get3A_755] {strides = array<i32>} : memref<2x5x32x128xf32, #tpu.memory_space<vmem>>, vector<1x1x1x16xf32>,
        %get3A_757 = vector.shape_cast %get3A_756 : vector<1x1x1x16xf32> to vector<16xf32>
        %add3A_758 = arith.addf %add3A_686, %get3A_757 : vector<16xf32>
        %get3A_759 = arith.constant 0 : i32
        %get3A_760 = arith.constant 8 : i32
        %get3A_761 = arith.index_cast %get3A_759 : i32 to index
        %get3A_762 = arith.index_cast %scan3A_163 : i32 to index
        %get3A_763 = arith.index_cast %get3A_760 : i32 to index
        %get3A_764 = arith.constant 48 : index
        %get3A_765 = tpu.vector_load %arg4[%get3A_761, %get3A_762, %get3A_763, %get3A_764] {strides = array<i32>} : memref<2x5x32x128xf32, #tpu.memory_space<vmem>>, vector<1x1x1x16xf32>,
        %get3A_766 = vector.shape_cast %get3A_765 : vector<1x1x1x16xf32> to vector<16xf32>
        %add3A_767 = arith.addf %add3A_695, %get3A_766 : vector<16xf32>
        %get3A_768 = arith.constant 0 : i32
        %get3A_769 = arith.constant 8 : i32
        %get3A_770 = arith.index_cast %get3A_768 : i32 to index
        %get3A_771 = arith.index_cast %scan3A_163 : i32 to index
        %get3A_772 = arith.index_cast %get3A_769 : i32 to index
        %get3A_773 = arith.constant 64 : index
        %get3A_774 = tpu.vector_load %arg4[%get3A_770, %get3A_771, %get3A_772, %get3A_773] {strides = array<i32>} : memref<2x5x32x128xf32, #tpu.memory_space<vmem>>, vector<1x1x1x16xf32>,
        %get3A_775 = vector.shape_cast %get3A_774 : vector<1x1x1x16xf32> to vector<16xf32>
        %add3A_776 = arith.addf %add3A_704, %get3A_775 : vector<16xf32>
        %get3A_777 = arith.constant 0 : i32
        %get3A_778 = arith.constant 8 : i32
        %get3A_779 = arith.index_cast %get3A_777 : i32 to index
        %get3A_780 = arith.index_cast %scan3A_163 : i32 to index
        %get3A_781 = arith.index_cast %get3A_778 : i32 to index
        %get3A_782 = arith.constant 80 : index
        %get3A_783 = tpu.vector_load %arg4[%get3A_779, %get3A_780, %get3A_781, %get3A_782] {strides = array<i32>} : memref<2x5x32x128xf32, #tpu.memory_space<vmem>>, vector<1x1x1x16xf32>,
        %get3A_784 = vector.shape_cast %get3A_783 : vector<1x1x1x16xf32> to vector<16xf32>
        %add3A_785 = arith.addf %add3A_713, %get3A_784 : vector<16xf32>
        %get3A_786 = arith.constant 0 : i32
        %get3A_787 = arith.constant 8 : i32
        %get3A_788 = arith.index_cast %get3A_786 : i32 to index
        %get3A_789 = arith.index_cast %scan3A_163 : i32 to index
        %get3A_790 = arith.index_cast %get3A_787 : i32 to index
        %get3A_791 = arith.constant 96 : index
        %get3A_792 = tpu.vector_load %arg4[%get3A_788, %get3A_789, %get3A_790, %get3A_791] {strides = array<i32>} : memref<2x5x32x128xf32, #tpu.memory_space<vmem>>, vector<1x1x1x16xf32>,
        %get3A_793 = vector.shape_cast %get3A_792 : vector<1x1x1x16xf32> to vector<16xf32>
        %add3A_794 = arith.addf %add3A_722, %get3A_793 : vector<16xf32>
        %get3A_795 = arith.constant 0 : i32
        %get3A_796 = arith.constant 8 : i32
        %get3A_797 = arith.index_cast %get3A_795 : i32 to index
        %get3A_798 = arith.index_cast %scan3A_163 : i32 to index
        %get3A_799 = arith.index_cast %get3A_796 : i32 to index
        %get3A_800 = arith.constant 112 : index
        %get3A_801 = tpu.vector_load %arg4[%get3A_797, %get3A_798, %get3A_799, %get3A_800] {strides = array<i32>} : memref<2x5x32x128xf32, #tpu.memory_space<vmem>>, vector<1x1x1x16xf32>,
        %get3A_802 = vector.shape_cast %get3A_801 : vector<1x1x1x16xf32> to vector<16xf32>
        %add3A_803 = arith.addf %add3A_731, %get3A_802 : vector<16xf32>
        %get3A_804 = arith.constant 0 : i32
        %get3A_805 = arith.constant 9 : i32
        %get3A_806 = arith.index_cast %get3A_804 : i32 to index
        %get3A_807 = arith.index_cast %scan3A_163 : i32 to index
        %get3A_808 = arith.index_cast %get3A_805 : i32 to index
        %get3A_809 = arith.constant 0 : index
        %get3A_810 = tpu.vector_load %arg4[%get3A_806, %get3A_807, %get3A_808, %get3A_809] {strides = array<i32>} : memref<2x5x32x128xf32, #tpu.memory_space<vmem>>, vector<1x1x1x16xf32>,
        %get3A_811 = vector.shape_cast %get3A_810 : vector<1x1x1x16xf32> to vector<16xf32>
        %add3A_812 = arith.addf %add3A_740, %get3A_811 : vector<16xf32>
        %get3A_813 = arith.constant 0 : i32
        %get3A_814 = arith.constant 9 : i32
        %get3A_815 = arith.index_cast %get3A_813 : i32 to index
        %get3A_816 = arith.index_cast %scan3A_163 : i32 to index
        %get3A_817 = arith.index_cast %get3A_814 : i32 to index
        %get3A_818 = arith.constant 16 : index
        %get3A_819 = tpu.vector_load %arg4[%get3A_815, %get3A_816, %get3A_817, %get3A_818] {strides = array<i32>} : memref<2x5x32x128xf32, #tpu.memory_space<vmem>>, vector<1x1x1x16xf32>,
        %get3A_820 = vector.shape_cast %get3A_819 : vector<1x1x1x16xf32> to vector<16xf32>
        %add3A_821 = arith.addf %add3A_749, %get3A_820 : vector<16xf32>
        %get3A_822 = arith.constant 0 : i32
        %get3A_823 = arith.constant 9 : i32
        %get3A_824 = arith.index_cast %get3A_822 : i32 to index
        %get3A_825 = arith.index_cast %scan3A_163 : i32 to index
        %get3A_826 = arith.index_cast %get3A_823 : i32 to index
        %get3A_827 = arith.constant 32 : index
        %get3A_828 = tpu.vector_load %arg4[%get3A_824, %get3A_825, %get3A_826, %get3A_827] {strides = array<i32>} : memref<2x5x32x128xf32, #tpu.memory_space<vmem>>, vector<1x1x1x16xf32>,
        %get3A_829 = vector.shape_cast %get3A_828 : vector<1x1x1x16xf32> to vector<16xf32>
        %add3A_830 = arith.addf %add3A_758, %get3A_829 : vector<16xf32>
        %get3A_831 = arith.constant 0 : i32
        %get3A_832 = arith.constant 9 : i32
        %get3A_833 = arith.index_cast %get3A_831 : i32 to index
        %get3A_834 = arith.index_cast %scan3A_163 : i32 to index
        %get3A_835 = arith.index_cast %get3A_832 : i32 to index
        %get3A_836 = arith.constant 48 : index
        %get3A_837 = tpu.vector_load %arg4[%get3A_833, %get3A_834, %get3A_835, %get3A_836] {strides = array<i32>} : memref<2x5x32x128xf32, #tpu.memory_space<vmem>>, vector<1x1x1x16xf32>,
        %get3A_838 = vector.shape_cast %get3A_837 : vector<1x1x1x16xf32> to vector<16xf32>
        %add3A_839 = arith.addf %add3A_767, %get3A_838 : vector<16xf32>
        %get3A_840 = arith.constant 0 : i32
        %get3A_841 = arith.constant 9 : i32
        %get3A_842 = arith.index_cast %get3A_840 : i32 to index
        %get3A_843 = arith.index_cast %scan3A_163 : i32 to index
        %get3A_844 = arith.index_cast %get3A_841 : i32 to index
        %get3A_845 = arith.constant 64 : index
        %get3A_846 = tpu.vector_load %arg4[%get3A_842, %get3A_843, %get3A_844, %get3A_845] {strides = array<i32>} : memref<2x5x32x128xf32, #tpu.memory_space<vmem>>, vector<1x1x1x16xf32>,
        %get3A_847 = vector.shape_cast %get3A_846 : vector<1x1x1x16xf32> to vector<16xf32>
        %add3A_848 = arith.addf %add3A_776, %get3A_847 : vector<16xf32>
        %get3A_849 = arith.constant 0 : i32
        %get3A_850 = arith.constant 9 : i32
        %get3A_851 = arith.index_cast %get3A_849 : i32 to index
        %get3A_852 = arith.index_cast %scan3A_163 : i32 to index
        %get3A_853 = arith.index_cast %get3A_850 : i32 to index
        %get3A_854 = arith.constant 80 : index
        %get3A_855 = tpu.vector_load %arg4[%get3A_851, %get3A_852, %get3A_853, %get3A_854] {strides = array<i32>} : memref<2x5x32x128xf32, #tpu.memory_space<vmem>>, vector<1x1x1x16xf32>,
        %get3A_856 = vector.shape_cast %get3A_855 : vector<1x1x1x16xf32> to vector<16xf32>
        %add3A_857 = arith.addf %add3A_785, %get3A_856 : vector<16xf32>
        %get3A_858 = arith.constant 0 : i32
        %get3A_859 = arith.constant 9 : i32
        %get3A_860 = arith.index_cast %get3A_858 : i32 to index
        %get3A_861 = arith.index_cast %scan3A_163 : i32 to index
        %get3A_862 = arith.index_cast %get3A_859 : i32 to index
        %get3A_863 = arith.constant 96 : index
        %get3A_864 = tpu.vector_load %arg4[%get3A_860, %get3A_861, %get3A_862, %get3A_863] {strides = array<i32>} : memref<2x5x32x128xf32, #tpu.memory_space<vmem>>, vector<1x1x1x16xf32>,
        %get3A_865 = vector.shape_cast %get3A_864 : vector<1x1x1x16xf32> to vector<16xf32>
        %add3A_866 = arith.addf %add3A_794, %get3A_865 : vector<16xf32>
        %get3A_867 = arith.constant 0 : i32
        %get3A_868 = arith.constant 9 : i32
        %get3A_869 = arith.index_cast %get3A_867 : i32 to index
        %get3A_870 = arith.index_cast %scan3A_163 : i32 to index
        %get3A_871 = arith.index_cast %get3A_868 : i32 to index
        %get3A_872 = arith.constant 112 : index
        %get3A_873 = tpu.vector_load %arg4[%get3A_869, %get3A_870, %get3A_871, %get3A_872] {strides = array<i32>} : memref<2x5x32x128xf32, #tpu.memory_space<vmem>>, vector<1x1x1x16xf32>,
        %get3A_874 = vector.shape_cast %get3A_873 : vector<1x1x1x16xf32> to vector<16xf32>
        %add3A_875 = arith.addf %add3A_803, %get3A_874 : vector<16xf32>
        %get3A_876 = arith.constant 0 : i32
        %get3A_877 = arith.constant 10 : i32
        %get3A_878 = arith.index_cast %get3A_876 : i32 to index
        %get3A_879 = arith.index_cast %scan3A_163 : i32 to index
        %get3A_880 = arith.index_cast %get3A_877 : i32 to index
        %get3A_881 = arith.constant 0 : index
        %get3A_882 = tpu.vector_load %arg4[%get3A_878, %get3A_879, %get3A_880, %get3A_881] {strides = array<i32>} : memref<2x5x32x128xf32, #tpu.memory_space<vmem>>, vector<1x1x1x16xf32>,
        %get3A_883 = vector.shape_cast %get3A_882 : vector<1x1x1x16xf32> to vector<16xf32>
        %add3A_884 = arith.addf %add3A_812, %get3A_883 : vector<16xf32>
        %get3A_885 = arith.constant 0 : i32
        %get3A_886 = arith.constant 10 : i32
        %get3A_887 = arith.index_cast %get3A_885 : i32 to index
        %get3A_888 = arith.index_cast %scan3A_163 : i32 to index
        %get3A_889 = arith.index_cast %get3A_886 : i32 to index
        %get3A_890 = arith.constant 16 : index
        %get3A_891 = tpu.vector_load %arg4[%get3A_887, %get3A_888, %get3A_889, %get3A_890] {strides = array<i32>} : memref<2x5x32x128xf32, #tpu.memory_space<vmem>>, vector<1x1x1x16xf32>,
        %get3A_892 = vector.shape_cast %get3A_891 : vector<1x1x1x16xf32> to vector<16xf32>
        %add3A_893 = arith.addf %add3A_821, %get3A_892 : vector<16xf32>
        %get3A_894 = arith.constant 0 : i32
        %get3A_895 = arith.constant 10 : i32
        %get3A_896 = arith.index_cast %get3A_894 : i32 to index
        %get3A_897 = arith.index_cast %scan3A_163 : i32 to index
        %get3A_898 = arith.index_cast %get3A_895 : i32 to index
        %get3A_899 = arith.constant 32 : index
        %get3A_900 = tpu.vector_load %arg4[%get3A_896, %get3A_897, %get3A_898, %get3A_899] {strides = array<i32>} : memref<2x5x32x128xf32, #tpu.memory_space<vmem>>, vector<1x1x1x16xf32>,
        %get3A_901 = vector.shape_cast %get3A_900 : vector<1x1x1x16xf32> to vector<16xf32>
        %add3A_902 = arith.addf %add3A_830, %get3A_901 : vector<16xf32>
        %get3A_903 = arith.constant 0 : i32
        %get3A_904 = arith.constant 10 : i32
        %get3A_905 = arith.index_cast %get3A_903 : i32 to index
        %get3A_906 = arith.index_cast %scan3A_163 : i32 to index
        %get3A_907 = arith.index_cast %get3A_904 : i32 to index
        %get3A_908 = arith.constant 48 : index
        %get3A_909 = tpu.vector_load %arg4[%get3A_905, %get3A_906, %get3A_907, %get3A_908] {strides = array<i32>} : memref<2x5x32x128xf32, #tpu.memory_space<vmem>>, vector<1x1x1x16xf32>,
        %get3A_910 = vector.shape_cast %get3A_909 : vector<1x1x1x16xf32> to vector<16xf32>
        %add3A_911 = arith.addf %add3A_839, %get3A_910 : vector<16xf32>
        %get3A_912 = arith.constant 0 : i32
        %get3A_913 = arith.constant 10 : i32
        %get3A_914 = arith.index_cast %get3A_912 : i32 to index
        %get3A_915 = arith.index_cast %scan3A_163 : i32 to index
        %get3A_916 = arith.index_cast %get3A_913 : i32 to index
        %get3A_917 = arith.constant 64 : index
        %get3A_918 = tpu.vector_load %arg4[%get3A_914, %get3A_915, %get3A_916, %get3A_917] {strides = array<i32>} : memref<2x5x32x128xf32, #tpu.memory_space<vmem>>, vector<1x1x1x16xf32>,
        %get3A_919 = vector.shape_cast %get3A_918 : vector<1x1x1x16xf32> to vector<16xf32>
        %add3A_920 = arith.addf %add3A_848, %get3A_919 : vector<16xf32>
        %get3A_921 = arith.constant 0 : i32
        %get3A_922 = arith.constant 10 : i32
        %get3A_923 = arith.index_cast %get3A_921 : i32 to index
        %get3A_924 = arith.index_cast %scan3A_163 : i32 to index
        %get3A_925 = arith.index_cast %get3A_922 : i32 to index
        %get3A_926 = arith.constant 80 : index
        %get3A_927 = tpu.vector_load %arg4[%get3A_923, %get3A_924, %get3A_925, %get3A_926] {strides = array<i32>} : memref<2x5x32x128xf32, #tpu.memory_space<vmem>>, vector<1x1x1x16xf32>,
        %get3A_928 = vector.shape_cast %get3A_927 : vector<1x1x1x16xf32> to vector<16xf32>
        %add3A_929 = arith.addf %add3A_857, %get3A_928 : vector<16xf32>
        %get3A_930 = arith.constant 0 : i32
        %get3A_931 = arith.constant 10 : i32
        %get3A_932 = arith.index_cast %get3A_930 : i32 to index
        %get3A_933 = arith.index_cast %scan3A_163 : i32 to index
        %get3A_934 = arith.index_cast %get3A_931 : i32 to index
        %get3A_935 = arith.constant 96 : index
        %get3A_936 = tpu.vector_load %arg4[%get3A_932, %get3A_933, %get3A_934, %get3A_935] {strides = array<i32>} : memref<2x5x32x128xf32, #tpu.memory_space<vmem>>, vector<1x1x1x16xf32>,
        %get3A_937 = vector.shape_cast %get3A_936 : vector<1x1x1x16xf32> to vector<16xf32>
        %add3A_938 = arith.addf %add3A_866, %get3A_937 : vector<16xf32>
        %get3A_939 = arith.constant 0 : i32
        %get3A_940 = arith.constant 10 : i32
        %get3A_941 = arith.index_cast %get3A_939 : i32 to index
        %get3A_942 = arith.index_cast %scan3A_163 : i32 to index
        %get3A_943 = arith.index_cast %get3A_940 : i32 to index
        %get3A_944 = arith.constant 112 : index
        %get3A_945 = tpu.vector_load %arg4[%get3A_941, %get3A_942, %get3A_943, %get3A_944] {strides = array<i32>} : memref<2x5x32x128xf32, #tpu.memory_space<vmem>>, vector<1x1x1x16xf32>,
        %get3A_946 = vector.shape_cast %get3A_945 : vector<1x1x1x16xf32> to vector<16xf32>
        %add3A_947 = arith.addf %add3A_875, %get3A_946 : vector<16xf32>
        %get3A_948 = arith.constant 0 : i32
        %get3A_949 = arith.constant 11 : i32
        %get3A_950 = arith.index_cast %get3A_948 : i32 to index
        %get3A_951 = arith.index_cast %scan3A_163 : i32 to index
        %get3A_952 = arith.index_cast %get3A_949 : i32 to index
        %get3A_953 = arith.constant 0 : index
        %get3A_954 = tpu.vector_load %arg4[%get3A_950, %get3A_951, %get3A_952, %get3A_953] {strides = array<i32>} : memref<2x5x32x128xf32, #tpu.memory_space<vmem>>, vector<1x1x1x16xf32>,
        %get3A_955 = vector.shape_cast %get3A_954 : vector<1x1x1x16xf32> to vector<16xf32>
        %add3A_956 = arith.addf %add3A_884, %get3A_955 : vector<16xf32>
        %get3A_957 = arith.constant 0 : i32
        %get3A_958 = arith.constant 11 : i32
        %get3A_959 = arith.index_cast %get3A_957 : i32 to index
        %get3A_960 = arith.index_cast %scan3A_163 : i32 to index
        %get3A_961 = arith.index_cast %get3A_958 : i32 to index
        %get3A_962 = arith.constant 16 : index
        %get3A_963 = tpu.vector_load %arg4[%get3A_959, %get3A_960, %get3A_961, %get3A_962] {strides = array<i32>} : memref<2x5x32x128xf32, #tpu.memory_space<vmem>>, vector<1x1x1x16xf32>,
        %get3A_964 = vector.shape_cast %get3A_963 : vector<1x1x1x16xf32> to vector<16xf32>
        %add3A_965 = arith.addf %add3A_893, %get3A_964 : vector<16xf32>
        %get3A_966 = arith.constant 0 : i32
        %get3A_967 = arith.constant 11 : i32
        %get3A_968 = arith.index_cast %get3A_966 : i32 to index
        %get3A_969 = arith.index_cast %scan3A_163 : i32 to index
        %get3A_970 = arith.index_cast %get3A_967 : i32 to index
        %get3A_971 = arith.constant 32 : index
        %get3A_972 = tpu.vector_load %arg4[%get3A_968, %get3A_969, %get3A_970, %get3A_971] {strides = array<i32>} : memref<2x5x32x128xf32, #tpu.memory_space<vmem>>, vector<1x1x1x16xf32>,
        %get3A_973 = vector.shape_cast %get3A_972 : vector<1x1x1x16xf32> to vector<16xf32>
        %add3A_974 = arith.addf %add3A_902, %get3A_973 : vector<16xf32>
        %get3A_975 = arith.constant 0 : i32
        %get3A_976 = arith.constant 11 : i32
        %get3A_977 = arith.index_cast %get3A_975 : i32 to index
        %get3A_978 = arith.index_cast %scan3A_163 : i32 to index
        %get3A_979 = arith.index_cast %get3A_976 : i32 to index
        %get3A_980 = arith.constant 48 : index
        %get3A_981 = tpu.vector_load %arg4[%get3A_977, %get3A_978, %get3A_979, %get3A_980] {strides = array<i32>} : memref<2x5x32x128xf32, #tpu.memory_space<vmem>>, vector<1x1x1x16xf32>,
        %get3A_982 = vector.shape_cast %get3A_981 : vector<1x1x1x16xf32> to vector<16xf32>
        %add3A_983 = arith.addf %add3A_911, %get3A_982 : vector<16xf32>
        %get3A_984 = arith.constant 0 : i32
        %get3A_985 = arith.constant 11 : i32
        %get3A_986 = arith.index_cast %get3A_984 : i32 to index
        %get3A_987 = arith.index_cast %scan3A_163 : i32 to index
        %get3A_988 = arith.index_cast %get3A_985 : i32 to index
        %get3A_989 = arith.constant 64 : index
        %get3A_990 = tpu.vector_load %arg4[%get3A_986, %get3A_987, %get3A_988, %get3A_989] {strides = array<i32>} : memref<2x5x32x128xf32, #tpu.memory_space<vmem>>, vector<1x1x1x16xf32>,
        %get3A_991 = vector.shape_cast %get3A_990 : vector<1x1x1x16xf32> to vector<16xf32>
        %add3A_992 = arith.addf %add3A_920, %get3A_991 : vector<16xf32>
        %get3A_993 = arith.constant 0 : i32
        %get3A_994 = arith.constant 11 : i32
        %get3A_995 = arith.index_cast %get3A_993 : i32 to index
        %get3A_996 = arith.index_cast %scan3A_163 : i32 to index
        %get3A_997 = arith.index_cast %get3A_994 : i32 to index
        %get3A_998 = arith.constant 80 : index
        %get3A_999 = tpu.vector_load %arg4[%get3A_995, %get3A_996, %get3A_997, %get3A_998] {strides = array<i32>} : memref<2x5x32x128xf32, #tpu.memory_space<vmem>>, vector<1x1x1x16xf32>,
        %get3A_1000 = vector.shape_cast %get3A_999 : vector<1x1x1x16xf32> to vector<16xf32>
        %add3A_1001 = arith.addf %add3A_929, %get3A_1000 : vector<16xf32>
        %get3A_1002 = arith.constant 0 : i32
        %get3A_1003 = arith.constant 11 : i32
        %get3A_1004 = arith.index_cast %get3A_1002 : i32 to index
        %get3A_1005 = arith.index_cast %scan3A_163 : i32 to index
        %get3A_1006 = arith.index_cast %get3A_1003 : i32 to index
        %get3A_1007 = arith.constant 96 : index
        %get3A_1008 = tpu.vector_load %arg4[%get3A_1004, %get3A_1005, %get3A_1006, %get3A_1007] {strides = array<i32>} : memref<2x5x32x128xf32, #tpu.memory_space<vmem>>, vector<1x1x1x16xf32>,
        %get3A_1009 = vector.shape_cast %get3A_1008 : vector<1x1x1x16xf32> to vector<16xf32>
        %add3A_1010 = arith.addf %add3A_938, %get3A_1009 : vector<16xf32>
        %get3A_1011 = arith.constant 0 : i32
        %get3A_1012 = arith.constant 11 : i32
        %get3A_1013 = arith.index_cast %get3A_1011 : i32 to index
        %get3A_1014 = arith.index_cast %scan3A_163 : i32 to index
        %get3A_1015 = arith.index_cast %get3A_1012 : i32 to index
        %get3A_1016 = arith.constant 112 : index
        %get3A_1017 = tpu.vector_load %arg4[%get3A_1013, %get3A_1014, %get3A_1015, %get3A_1016] {strides = array<i32>} : memref<2x5x32x128xf32, #tpu.memory_space<vmem>>, vector<1x1x1x16xf32>,
        %get3A_1018 = vector.shape_cast %get3A_1017 : vector<1x1x1x16xf32> to vector<16xf32>
        %add3A_1019 = arith.addf %add3A_947, %get3A_1018 : vector<16xf32>
        %get3A_1020 = arith.constant 0 : i32
        %get3A_1021 = arith.constant 12 : i32
        %get3A_1022 = arith.index_cast %get3A_1020 : i32 to index
        %get3A_1023 = arith.index_cast %scan3A_163 : i32 to index
        %get3A_1024 = arith.index_cast %get3A_1021 : i32 to index
        %get3A_1025 = arith.constant 0 : index
        %get3A_1026 = tpu.vector_load %arg4[%get3A_1022, %get3A_1023, %get3A_1024, %get3A_1025] {strides = array<i32>} : memref<2x5x32x128xf32, #tpu.memory_space<vmem>>, vector<1x1x1x16xf32>,
        %get3A_1027 = vector.shape_cast %get3A_1026 : vector<1x1x1x16xf32> to vector<16xf32>
        %add3A_1028 = arith.addf %add3A_956, %get3A_1027 : vector<16xf32>
        %get3A_1029 = arith.constant 0 : i32
        %get3A_1030 = arith.constant 12 : i32
        %get3A_1031 = arith.index_cast %get3A_1029 : i32 to index
        %get3A_1032 = arith.index_cast %scan3A_163 : i32 to index
        %get3A_1033 = arith.index_cast %get3A_1030 : i32 to index
        %get3A_1034 = arith.constant 16 : index
        %get3A_1035 = tpu.vector_load %arg4[%get3A_1031, %get3A_1032, %get3A_1033, %get3A_1034] {strides = array<i32>} : memref<2x5x32x128xf32, #tpu.memory_space<vmem>>, vector<1x1x1x16xf32>,
        %get3A_1036 = vector.shape_cast %get3A_1035 : vector<1x1x1x16xf32> to vector<16xf32>
        %add3A_1037 = arith.addf %add3A_965, %get3A_1036 : vector<16xf32>
        %get3A_1038 = arith.constant 0 : i32
        %get3A_1039 = arith.constant 12 : i32
        %get3A_1040 = arith.index_cast %get3A_1038 : i32 to index
        %get3A_1041 = arith.index_cast %scan3A_163 : i32 to index
        %get3A_1042 = arith.index_cast %get3A_1039 : i32 to index
        %get3A_1043 = arith.constant 32 : index
        %get3A_1044 = tpu.vector_load %arg4[%get3A_1040, %get3A_1041, %get3A_1042, %get3A_1043] {strides = array<i32>} : memref<2x5x32x128xf32, #tpu.memory_space<vmem>>, vector<1x1x1x16xf32>,
        %get3A_1045 = vector.shape_cast %get3A_1044 : vector<1x1x1x16xf32> to vector<16xf32>
        %add3A_1046 = arith.addf %add3A_974, %get3A_1045 : vector<16xf32>
        %get3A_1047 = arith.constant 0 : i32
        %get3A_1048 = arith.constant 12 : i32
        %get3A_1049 = arith.index_cast %get3A_1047 : i32 to index
        %get3A_1050 = arith.index_cast %scan3A_163 : i32 to index
        %get3A_1051 = arith.index_cast %get3A_1048 : i32 to index
        %get3A_1052 = arith.constant 48 : index
        %get3A_1053 = tpu.vector_load %arg4[%get3A_1049, %get3A_1050, %get3A_1051, %get3A_1052] {strides = array<i32>} : memref<2x5x32x128xf32, #tpu.memory_space<vmem>>, vector<1x1x1x16xf32>,
        %get3A_1054 = vector.shape_cast %get3A_1053 : vector<1x1x1x16xf32> to vector<16xf32>
        %add3A_1055 = arith.addf %add3A_983, %get3A_1054 : vector<16xf32>
        %get3A_1056 = arith.constant 0 : i32
        %get3A_1057 = arith.constant 12 : i32
        %get3A_1058 = arith.index_cast %get3A_1056 : i32 to index
        %get3A_1059 = arith.index_cast %scan3A_163 : i32 to index
        %get3A_1060 = arith.index_cast %get3A_1057 : i32 to index
        %get3A_1061 = arith.constant 64 : index
        %get3A_1062 = tpu.vector_load %arg4[%get3A_1058, %get3A_1059, %get3A_1060, %get3A_1061] {strides = array<i32>} : memref<2x5x32x128xf32, #tpu.memory_space<vmem>>, vector<1x1x1x16xf32>,
        %get3A_1063 = vector.shape_cast %get3A_1062 : vector<1x1x1x16xf32> to vector<16xf32>
        %add3A_1064 = arith.addf %add3A_992, %get3A_1063 : vector<16xf32>
        %get3A_1065 = arith.constant 0 : i32
        %get3A_1066 = arith.constant 12 : i32
        %get3A_1067 = arith.index_cast %get3A_1065 : i32 to index
        %get3A_1068 = arith.index_cast %scan3A_163 : i32 to index
        %get3A_1069 = arith.index_cast %get3A_1066 : i32 to index
        %get3A_1070 = arith.constant 80 : index
        %get3A_1071 = tpu.vector_load %arg4[%get3A_1067, %get3A_1068, %get3A_1069, %get3A_1070] {strides = array<i32>} : memref<2x5x32x128xf32, #tpu.memory_space<vmem>>, vector<1x1x1x16xf32>,
        %get3A_1072 = vector.shape_cast %get3A_1071 : vector<1x1x1x16xf32> to vector<16xf32>
        %add3A_1073 = arith.addf %add3A_1001, %get3A_1072 : vector<16xf32>
        %get3A_1074 = arith.constant 0 : i32
        %get3A_1075 = arith.constant 12 : i32
        %get3A_1076 = arith.index_cast %get3A_1074 : i32 to index
        %get3A_1077 = arith.index_cast %scan3A_163 : i32 to index
        %get3A_1078 = arith.index_cast %get3A_1075 : i32 to index
        %get3A_1079 = arith.constant 96 : index
        %get3A_1080 = tpu.vector_load %arg4[%get3A_1076, %get3A_1077, %get3A_1078, %get3A_1079] {strides = array<i32>} : memref<2x5x32x128xf32, #tpu.memory_space<vmem>>, vector<1x1x1x16xf32>,
        %get3A_1081 = vector.shape_cast %get3A_1080 : vector<1x1x1x16xf32> to vector<16xf32>
        %add3A_1082 = arith.addf %add3A_1010, %get3A_1081 : vector<16xf32>
        %get3A_1083 = arith.constant 0 : i32
        %get3A_1084 = arith.constant 12 : i32
        %get3A_1085 = arith.index_cast %get3A_1083 : i32 to index
        %get3A_1086 = arith.index_cast %scan3A_163 : i32 to index
        %get3A_1087 = arith.index_cast %get3A_1084 : i32 to index
        %get3A_1088 = arith.constant 112 : index
        %get3A_1089 = tpu.vector_load %arg4[%get3A_1085, %get3A_1086, %get3A_1087, %get3A_1088] {strides = array<i32>} : memref<2x5x32x128xf32, #tpu.memory_space<vmem>>, vector<1x1x1x16xf32>,
        %get3A_1090 = vector.shape_cast %get3A_1089 : vector<1x1x1x16xf32> to vector<16xf32>
        %add3A_1091 = arith.addf %add3A_1019, %get3A_1090 : vector<16xf32>
        %get3A_1092 = arith.constant 0 : i32
        %get3A_1093 = arith.constant 13 : i32
        %get3A_1094 = arith.index_cast %get3A_1092 : i32 to index
        %get3A_1095 = arith.index_cast %scan3A_163 : i32 to index
        %get3A_1096 = arith.index_cast %get3A_1093 : i32 to index
        %get3A_1097 = arith.constant 0 : index
        %get3A_1098 = tpu.vector_load %arg4[%get3A_1094, %get3A_1095, %get3A_1096, %get3A_1097] {strides = array<i32>} : memref<2x5x32x128xf32, #tpu.memory_space<vmem>>, vector<1x1x1x16xf32>,
        %get3A_1099 = vector.shape_cast %get3A_1098 : vector<1x1x1x16xf32> to vector<16xf32>
        %add3A_1100 = arith.addf %add3A_1028, %get3A_1099 : vector<16xf32>
        %get3A_1101 = arith.constant 0 : i32
        %get3A_1102 = arith.constant 13 : i32
        %get3A_1103 = arith.index_cast %get3A_1101 : i32 to index
        %get3A_1104 = arith.index_cast %scan3A_163 : i32 to index
        %get3A_1105 = arith.index_cast %get3A_1102 : i32 to index
        %get3A_1106 = arith.constant 16 : index
        %get3A_1107 = tpu.vector_load %arg4[%get3A_1103, %get3A_1104, %get3A_1105, %get3A_1106] {strides = array<i32>} : memref<2x5x32x128xf32, #tpu.memory_space<vmem>>, vector<1x1x1x16xf32>,
        %get3A_1108 = vector.shape_cast %get3A_1107 : vector<1x1x1x16xf32> to vector<16xf32>
        %add3A_1109 = arith.addf %add3A_1037, %get3A_1108 : vector<16xf32>
        %get3A_1110 = arith.constant 0 : i32
        %get3A_1111 = arith.constant 13 : i32
        %get3A_1112 = arith.index_cast %get3A_1110 : i32 to index
        %get3A_1113 = arith.index_cast %scan3A_163 : i32 to index
        %get3A_1114 = arith.index_cast %get3A_1111 : i32 to index
        %get3A_1115 = arith.constant 32 : index
        %get3A_1116 = tpu.vector_load %arg4[%get3A_1112, %get3A_1113, %get3A_1114, %get3A_1115] {strides = array<i32>} : memref<2x5x32x128xf32, #tpu.memory_space<vmem>>, vector<1x1x1x16xf32>,
        %get3A_1117 = vector.shape_cast %get3A_1116 : vector<1x1x1x16xf32> to vector<16xf32>
        %add3A_1118 = arith.addf %add3A_1046, %get3A_1117 : vector<16xf32>
        %get3A_1119 = arith.constant 0 : i32
        %get3A_1120 = arith.constant 13 : i32
        %get3A_1121 = arith.index_cast %get3A_1119 : i32 to index
        %get3A_1122 = arith.index_cast %scan3A_163 : i32 to index
        %get3A_1123 = arith.index_cast %get3A_1120 : i32 to index
        %get3A_1124 = arith.constant 48 : index
        %get3A_1125 = tpu.vector_load %arg4[%get3A_1121, %get3A_1122, %get3A_1123, %get3A_1124] {strides = array<i32>} : memref<2x5x32x128xf32, #tpu.memory_space<vmem>>, vector<1x1x1x16xf32>,
        %get3A_1126 = vector.shape_cast %get3A_1125 : vector<1x1x1x16xf32> to vector<16xf32>
        %add3A_1127 = arith.addf %add3A_1055, %get3A_1126 : vector<16xf32>
        %get3A_1128 = arith.constant 0 : i32
        %get3A_1129 = arith.constant 13 : i32
        %get3A_1130 = arith.index_cast %get3A_1128 : i32 to index
        %get3A_1131 = arith.index_cast %scan3A_163 : i32 to index
        %get3A_1132 = arith.index_cast %get3A_1129 : i32 to index
        %get3A_1133 = arith.constant 64 : index
        %get3A_1134 = tpu.vector_load %arg4[%get3A_1130, %get3A_1131, %get3A_1132, %get3A_1133] {strides = array<i32>} : memref<2x5x32x128xf32, #tpu.memory_space<vmem>>, vector<1x1x1x16xf32>,
        %get3A_1135 = vector.shape_cast %get3A_1134 : vector<1x1x1x16xf32> to vector<16xf32>
        %add3A_1136 = arith.addf %add3A_1064, %get3A_1135 : vector<16xf32>
        %get3A_1137 = arith.constant 0 : i32
        %get3A_1138 = arith.constant 13 : i32
        %get3A_1139 = arith.index_cast %get3A_1137 : i32 to index
        %get3A_1140 = arith.index_cast %scan3A_163 : i32 to index
        %get3A_1141 = arith.index_cast %get3A_1138 : i32 to index
        %get3A_1142 = arith.constant 80 : index
        %get3A_1143 = tpu.vector_load %arg4[%get3A_1139, %get3A_1140, %get3A_1141, %get3A_1142] {strides = array<i32>} : memref<2x5x32x128xf32, #tpu.memory_space<vmem>>, vector<1x1x1x16xf32>,
        %get3A_1144 = vector.shape_cast %get3A_1143 : vector<1x1x1x16xf32> to vector<16xf32>
        %add3A_1145 = arith.addf %add3A_1073, %get3A_1144 : vector<16xf32>
        %get3A_1146 = arith.constant 0 : i32
        %get3A_1147 = arith.constant 13 : i32
        %get3A_1148 = arith.index_cast %get3A_1146 : i32 to index
        %get3A_1149 = arith.index_cast %scan3A_163 : i32 to index
        %get3A_1150 = arith.index_cast %get3A_1147 : i32 to index
        %get3A_1151 = arith.constant 96 : index
        %get3A_1152 = tpu.vector_load %arg4[%get3A_1148, %get3A_1149, %get3A_1150, %get3A_1151] {strides = array<i32>} : memref<2x5x32x128xf32, #tpu.memory_space<vmem>>, vector<1x1x1x16xf32>,
        %get3A_1153 = vector.shape_cast %get3A_1152 : vector<1x1x1x16xf32> to vector<16xf32>
        %add3A_1154 = arith.addf %add3A_1082, %get3A_1153 : vector<16xf32>
        %get3A_1155 = arith.constant 0 : i32
        %get3A_1156 = arith.constant 13 : i32
        %get3A_1157 = arith.index_cast %get3A_1155 : i32 to index
        %get3A_1158 = arith.index_cast %scan3A_163 : i32 to index
        %get3A_1159 = arith.index_cast %get3A_1156 : i32 to index
        %get3A_1160 = arith.constant 112 : index
        %get3A_1161 = tpu.vector_load %arg4[%get3A_1157, %get3A_1158, %get3A_1159, %get3A_1160] {strides = array<i32>} : memref<2x5x32x128xf32, #tpu.memory_space<vmem>>, vector<1x1x1x16xf32>,
        %get3A_1162 = vector.shape_cast %get3A_1161 : vector<1x1x1x16xf32> to vector<16xf32>
        %add3A_1163 = arith.addf %add3A_1091, %get3A_1162 : vector<16xf32>
        %get3A_1164 = arith.constant 0 : i32
        %get3A_1165 = arith.constant 14 : i32
        %get3A_1166 = arith.index_cast %get3A_1164 : i32 to index
        %get3A_1167 = arith.index_cast %scan3A_163 : i32 to index
        %get3A_1168 = arith.index_cast %get3A_1165 : i32 to index
        %get3A_1169 = arith.constant 0 : index
        %get3A_1170 = tpu.vector_load %arg4[%get3A_1166, %get3A_1167, %get3A_1168, %get3A_1169] {strides = array<i32>} : memref<2x5x32x128xf32, #tpu.memory_space<vmem>>, vector<1x1x1x16xf32>,
        %get3A_1171 = vector.shape_cast %get3A_1170 : vector<1x1x1x16xf32> to vector<16xf32>
        %add3A_1172 = arith.addf %add3A_1100, %get3A_1171 : vector<16xf32>
        %get3A_1173 = arith.constant 0 : i32
        %get3A_1174 = arith.constant 14 : i32
        %get3A_1175 = arith.index_cast %get3A_1173 : i32 to index
        %get3A_1176 = arith.index_cast %scan3A_163 : i32 to index
        %get3A_1177 = arith.index_cast %get3A_1174 : i32 to index
        %get3A_1178 = arith.constant 16 : index
        %get3A_1179 = tpu.vector_load %arg4[%get3A_1175, %get3A_1176, %get3A_1177, %get3A_1178] {strides = array<i32>} : memref<2x5x32x128xf32, #tpu.memory_space<vmem>>, vector<1x1x1x16xf32>,
        %get3A_1180 = vector.shape_cast %get3A_1179 : vector<1x1x1x16xf32> to vector<16xf32>
        %add3A_1181 = arith.addf %add3A_1109, %get3A_1180 : vector<16xf32>
        %get3A_1182 = arith.constant 0 : i32
        %get3A_1183 = arith.constant 14 : i32
        %get3A_1184 = arith.index_cast %get3A_1182 : i32 to index
        %get3A_1185 = arith.index_cast %scan3A_163 : i32 to index
        %get3A_1186 = arith.index_cast %get3A_1183 : i32 to index
        %get3A_1187 = arith.constant 32 : index
        %get3A_1188 = tpu.vector_load %arg4[%get3A_1184, %get3A_1185, %get3A_1186, %get3A_1187] {strides = array<i32>} : memref<2x5x32x128xf32, #tpu.memory_space<vmem>>, vector<1x1x1x16xf32>,
        %get3A_1189 = vector.shape_cast %get3A_1188 : vector<1x1x1x16xf32> to vector<16xf32>
        %add3A_1190 = arith.addf %add3A_1118, %get3A_1189 : vector<16xf32>
        %get3A_1191 = arith.constant 0 : i32
        %get3A_1192 = arith.constant 14 : i32
        %get3A_1193 = arith.index_cast %get3A_1191 : i32 to index
        %get3A_1194 = arith.index_cast %scan3A_163 : i32 to index
        %get3A_1195 = arith.index_cast %get3A_1192 : i32 to index
        %get3A_1196 = arith.constant 48 : index
        %get3A_1197 = tpu.vector_load %arg4[%get3A_1193, %get3A_1194, %get3A_1195, %get3A_1196] {strides = array<i32>} : memref<2x5x32x128xf32, #tpu.memory_space<vmem>>, vector<1x1x1x16xf32>,
        %get3A_1198 = vector.shape_cast %get3A_1197 : vector<1x1x1x16xf32> to vector<16xf32>
        %add3A_1199 = arith.addf %add3A_1127, %get3A_1198 : vector<16xf32>
        %get3A_1200 = arith.constant 0 : i32
        %get3A_1201 = arith.constant 14 : i32
        %get3A_1202 = arith.index_cast %get3A_1200 : i32 to index
        %get3A_1203 = arith.index_cast %scan3A_163 : i32 to index
        %get3A_1204 = arith.index_cast %get3A_1201 : i32 to index
        %get3A_1205 = arith.constant 64 : index
        %get3A_1206 = tpu.vector_load %arg4[%get3A_1202, %get3A_1203, %get3A_1204, %get3A_1205] {strides = array<i32>} : memref<2x5x32x128xf32, #tpu.memory_space<vmem>>, vector<1x1x1x16xf32>,
        %get3A_1207 = vector.shape_cast %get3A_1206 : vector<1x1x1x16xf32> to vector<16xf32>
        %add3A_1208 = arith.addf %add3A_1136, %get3A_1207 : vector<16xf32>
        %get3A_1209 = arith.constant 0 : i32
        %get3A_1210 = arith.constant 14 : i32
        %get3A_1211 = arith.index_cast %get3A_1209 : i32 to index
        %get3A_1212 = arith.index_cast %scan3A_163 : i32 to index
        %get3A_1213 = arith.index_cast %get3A_1210 : i32 to index
        %get3A_1214 = arith.constant 80 : index
        %get3A_1215 = tpu.vector_load %arg4[%get3A_1211, %get3A_1212, %get3A_1213, %get3A_1214] {strides = array<i32>} : memref<2x5x32x128xf32, #tpu.memory_space<vmem>>, vector<1x1x1x16xf32>,
        %get3A_1216 = vector.shape_cast %get3A_1215 : vector<1x1x1x16xf32> to vector<16xf32>
        %add3A_1217 = arith.addf %add3A_1145, %get3A_1216 : vector<16xf32>
        %get3A_1218 = arith.constant 0 : i32
        %get3A_1219 = arith.constant 14 : i32
        %get3A_1220 = arith.index_cast %get3A_1218 : i32 to index
        %get3A_1221 = arith.index_cast %scan3A_163 : i32 to index
        %get3A_1222 = arith.index_cast %get3A_1219 : i32 to index
        %get3A_1223 = arith.constant 96 : index
        %get3A_1224 = tpu.vector_load %arg4[%get3A_1220, %get3A_1221, %get3A_1222, %get3A_1223] {strides = array<i32>} : memref<2x5x32x128xf32, #tpu.memory_space<vmem>>, vector<1x1x1x16xf32>,
        %get3A_1225 = vector.shape_cast %get3A_1224 : vector<1x1x1x16xf32> to vector<16xf32>
        %add3A_1226 = arith.addf %add3A_1154, %get3A_1225 : vector<16xf32>
        %get3A_1227 = arith.constant 0 : i32
        %get3A_1228 = arith.constant 14 : i32
        %get3A_1229 = arith.index_cast %get3A_1227 : i32 to index
        %get3A_1230 = arith.index_cast %scan3A_163 : i32 to index
        %get3A_1231 = arith.index_cast %get3A_1228 : i32 to index
        %get3A_1232 = arith.constant 112 : index
        %get3A_1233 = tpu.vector_load %arg4[%get3A_1229, %get3A_1230, %get3A_1231, %get3A_1232] {strides = array<i32>} : memref<2x5x32x128xf32, #tpu.memory_space<vmem>>, vector<1x1x1x16xf32>,
        %get3A_1234 = vector.shape_cast %get3A_1233 : vector<1x1x1x16xf32> to vector<16xf32>
        %add3A_1235 = arith.addf %add3A_1163, %get3A_1234 : vector<16xf32>
        %get3A_1236 = arith.constant 0 : i32
        %get3A_1237 = arith.constant 15 : i32
        %get3A_1238 = arith.index_cast %get3A_1236 : i32 to index
        %get3A_1239 = arith.index_cast %scan3A_163 : i32 to index
        %get3A_1240 = arith.index_cast %get3A_1237 : i32 to index
        %get3A_1241 = arith.constant 0 : index
        %get3A_1242 = tpu.vector_load %arg4[%get3A_1238, %get3A_1239, %get3A_1240, %get3A_1241] {strides = array<i32>} : memref<2x5x32x128xf32, #tpu.memory_space<vmem>>, vector<1x1x1x16xf32>,
        %get3A_1243 = vector.shape_cast %get3A_1242 : vector<1x1x1x16xf32> to vector<16xf32>
        %add3A_1244 = arith.addf %add3A_1172, %get3A_1243 : vector<16xf32>
        %get3A_1245 = arith.constant 0 : i32
        %get3A_1246 = arith.constant 15 : i32
        %get3A_1247 = arith.index_cast %get3A_1245 : i32 to index
        %get3A_1248 = arith.index_cast %scan3A_163 : i32 to index
        %get3A_1249 = arith.index_cast %get3A_1246 : i32 to index
        %get3A_1250 = arith.constant 16 : index
        %get3A_1251 = tpu.vector_load %arg4[%get3A_1247, %get3A_1248, %get3A_1249, %get3A_1250] {strides = array<i32>} : memref<2x5x32x128xf32, #tpu.memory_space<vmem>>, vector<1x1x1x16xf32>,
        %get3A_1252 = vector.shape_cast %get3A_1251 : vector<1x1x1x16xf32> to vector<16xf32>
        %add3A_1253 = arith.addf %add3A_1181, %get3A_1252 : vector<16xf32>
        %get3A_1254 = arith.constant 0 : i32
        %get3A_1255 = arith.constant 15 : i32
        %get3A_1256 = arith.index_cast %get3A_1254 : i32 to index
        %get3A_1257 = arith.index_cast %scan3A_163 : i32 to index
        %get3A_1258 = arith.index_cast %get3A_1255 : i32 to index
        %get3A_1259 = arith.constant 32 : index
        %get3A_1260 = tpu.vector_load %arg4[%get3A_1256, %get3A_1257, %get3A_1258, %get3A_1259] {strides = array<i32>} : memref<2x5x32x128xf32, #tpu.memory_space<vmem>>, vector<1x1x1x16xf32>,
        %get3A_1261 = vector.shape_cast %get3A_1260 : vector<1x1x1x16xf32> to vector<16xf32>
        %add3A_1262 = arith.addf %add3A_1190, %get3A_1261 : vector<16xf32>
        %get3A_1263 = arith.constant 0 : i32
        %get3A_1264 = arith.constant 15 : i32
        %get3A_1265 = arith.index_cast %get3A_1263 : i32 to index
        %get3A_1266 = arith.index_cast %scan3A_163 : i32 to index
        %get3A_1267 = arith.index_cast %get3A_1264 : i32 to index
        %get3A_1268 = arith.constant 48 : index
        %get3A_1269 = tpu.vector_load %arg4[%get3A_1265, %get3A_1266, %get3A_1267, %get3A_1268] {strides = array<i32>} : memref<2x5x32x128xf32, #tpu.memory_space<vmem>>, vector<1x1x1x16xf32>,
        %get3A_1270 = vector.shape_cast %get3A_1269 : vector<1x1x1x16xf32> to vector<16xf32>
        %add3A_1271 = arith.addf %add3A_1199, %get3A_1270 : vector<16xf32>
        %get3A_1272 = arith.constant 0 : i32
        %get3A_1273 = arith.constant 15 : i32
        %get3A_1274 = arith.index_cast %get3A_1272 : i32 to index
        %get3A_1275 = arith.index_cast %scan3A_163 : i32 to index
        %get3A_1276 = arith.index_cast %get3A_1273 : i32 to index
        %get3A_1277 = arith.constant 64 : index
        %get3A_1278 = tpu.vector_load %arg4[%get3A_1274, %get3A_1275, %get3A_1276, %get3A_1277] {strides = array<i32>} : memref<2x5x32x128xf32, #tpu.memory_space<vmem>>, vector<1x1x1x16xf32>,
        %get3A_1279 = vector.shape_cast %get3A_1278 : vector<1x1x1x16xf32> to vector<16xf32>
        %add3A_1280 = arith.addf %add3A_1208, %get3A_1279 : vector<16xf32>
        %get3A_1281 = arith.constant 0 : i32
        %get3A_1282 = arith.constant 15 : i32
        %get3A_1283 = arith.index_cast %get3A_1281 : i32 to index
        %get3A_1284 = arith.index_cast %scan3A_163 : i32 to index
        %get3A_1285 = arith.index_cast %get3A_1282 : i32 to index
        %get3A_1286 = arith.constant 80 : index
        %get3A_1287 = tpu.vector_load %arg4[%get3A_1283, %get3A_1284, %get3A_1285, %get3A_1286] {strides = array<i32>} : memref<2x5x32x128xf32, #tpu.memory_space<vmem>>, vector<1x1x1x16xf32>,
        %get3A_1288 = vector.shape_cast %get3A_1287 : vector<1x1x1x16xf32> to vector<16xf32>
        %add3A_1289 = arith.addf %add3A_1217, %get3A_1288 : vector<16xf32>
        %get3A_1290 = arith.constant 0 : i32
        %get3A_1291 = arith.constant 15 : i32
        %get3A_1292 = arith.index_cast %get3A_1290 : i32 to index
        %get3A_1293 = arith.index_cast %scan3A_163 : i32 to index
        %get3A_1294 = arith.index_cast %get3A_1291 : i32 to index
        %get3A_1295 = arith.constant 96 : index
        %get3A_1296 = tpu.vector_load %arg4[%get3A_1292, %get3A_1293, %get3A_1294, %get3A_1295] {strides = array<i32>} : memref<2x5x32x128xf32, #tpu.memory_space<vmem>>, vector<1x1x1x16xf32>,
        %get3A_1297 = vector.shape_cast %get3A_1296 : vector<1x1x1x16xf32> to vector<16xf32>
        %add3A_1298 = arith.addf %add3A_1226, %get3A_1297 : vector<16xf32>
        %get3A_1299 = arith.constant 0 : i32
        %get3A_1300 = arith.constant 15 : i32
        %get3A_1301 = arith.index_cast %get3A_1299 : i32 to index
        %get3A_1302 = arith.index_cast %scan3A_163 : i32 to index
        %get3A_1303 = arith.index_cast %get3A_1300 : i32 to index
        %get3A_1304 = arith.constant 112 : index
        %get3A_1305 = tpu.vector_load %arg4[%get3A_1301, %get3A_1302, %get3A_1303, %get3A_1304] {strides = array<i32>} : memref<2x5x32x128xf32, #tpu.memory_space<vmem>>, vector<1x1x1x16xf32>,
        %get3A_1306 = vector.shape_cast %get3A_1305 : vector<1x1x1x16xf32> to vector<16xf32>
        %add3A_1307 = arith.addf %add3A_1235, %get3A_1306 : vector<16xf32>
        %get3A_1308 = arith.constant 0 : i32
        %get3A_1309 = arith.constant 16 : i32
        %get3A_1310 = arith.index_cast %get3A_1308 : i32 to index
        %get3A_1311 = arith.index_cast %scan3A_163 : i32 to index
        %get3A_1312 = arith.index_cast %get3A_1309 : i32 to index
        %get3A_1313 = arith.constant 0 : index
        %get3A_1314 = tpu.vector_load %arg4[%get3A_1310, %get3A_1311, %get3A_1312, %get3A_1313] {strides = array<i32>} : memref<2x5x32x128xf32, #tpu.memory_space<vmem>>, vector<1x1x1x16xf32>,
        %get3A_1315 = vector.shape_cast %get3A_1314 : vector<1x1x1x16xf32> to vector<16xf32>
        %add3A_1316 = arith.addf %add3A_1244, %get3A_1315 : vector<16xf32>
        %get3A_1317 = arith.constant 0 : i32
        %get3A_1318 = arith.constant 16 : i32
        %get3A_1319 = arith.index_cast %get3A_1317 : i32 to index
        %get3A_1320 = arith.index_cast %scan3A_163 : i32 to index
        %get3A_1321 = arith.index_cast %get3A_1318 : i32 to index
        %get3A_1322 = arith.constant 16 : index
        %get3A_1323 = tpu.vector_load %arg4[%get3A_1319, %get3A_1320, %get3A_1321, %get3A_1322] {strides = array<i32>} : memref<2x5x32x128xf32, #tpu.memory_space<vmem>>, vector<1x1x1x16xf32>,
        %get3A_1324 = vector.shape_cast %get3A_1323 : vector<1x1x1x16xf32> to vector<16xf32>
        %add3A_1325 = arith.addf %add3A_1253, %get3A_1324 : vector<16xf32>
        %get3A_1326 = arith.constant 0 : i32
        %get3A_1327 = arith.constant 16 : i32
        %get3A_1328 = arith.index_cast %get3A_1326 : i32 to index
        %get3A_1329 = arith.index_cast %scan3A_163 : i32 to index
        %get3A_1330 = arith.index_cast %get3A_1327 : i32 to index
        %get3A_1331 = arith.constant 32 : index
        %get3A_1332 = tpu.vector_load %arg4[%get3A_1328, %get3A_1329, %get3A_1330, %get3A_1331] {strides = array<i32>} : memref<2x5x32x128xf32, #tpu.memory_space<vmem>>, vector<1x1x1x16xf32>,
        %get3A_1333 = vector.shape_cast %get3A_1332 : vector<1x1x1x16xf32> to vector<16xf32>
        %add3A_1334 = arith.addf %add3A_1262, %get3A_1333 : vector<16xf32>
        %get3A_1335 = arith.constant 0 : i32
        %get3A_1336 = arith.constant 16 : i32
        %get3A_1337 = arith.index_cast %get3A_1335 : i32 to index
        %get3A_1338 = arith.index_cast %scan3A_163 : i32 to index
        %get3A_1339 = arith.index_cast %get3A_1336 : i32 to index
        %get3A_1340 = arith.constant 48 : index
        %get3A_1341 = tpu.vector_load %arg4[%get3A_1337, %get3A_1338, %get3A_1339, %get3A_1340] {strides = array<i32>} : memref<2x5x32x128xf32, #tpu.memory_space<vmem>>, vector<1x1x1x16xf32>,
        %get3A_1342 = vector.shape_cast %get3A_1341 : vector<1x1x1x16xf32> to vector<16xf32>
        %add3A_1343 = arith.addf %add3A_1271, %get3A_1342 : vector<16xf32>
        %get3A_1344 = arith.constant 0 : i32
        %get3A_1345 = arith.constant 16 : i32
        %get3A_1346 = arith.index_cast %get3A_1344 : i32 to index
        %get3A_1347 = arith.index_cast %scan3A_163 : i32 to index
        %get3A_1348 = arith.index_cast %get3A_1345 : i32 to index
        %get3A_1349 = arith.constant 64 : index
        %get3A_1350 = tpu.vector_load %arg4[%get3A_1346, %get3A_1347, %get3A_1348, %get3A_1349] {strides = array<i32>} : memref<2x5x32x128xf32, #tpu.memory_space<vmem>>, vector<1x1x1x16xf32>,
        %get3A_1351 = vector.shape_cast %get3A_1350 : vector<1x1x1x16xf32> to vector<16xf32>
        %add3A_1352 = arith.addf %add3A_1280, %get3A_1351 : vector<16xf32>
        %get3A_1353 = arith.constant 0 : i32
        %get3A_1354 = arith.constant 16 : i32
        %get3A_1355 = arith.index_cast %get3A_1353 : i32 to index
        %get3A_1356 = arith.index_cast %scan3A_163 : i32 to index
        %get3A_1357 = arith.index_cast %get3A_1354 : i32 to index
        %get3A_1358 = arith.constant 80 : index
        %get3A_1359 = tpu.vector_load %arg4[%get3A_1355, %get3A_1356, %get3A_1357, %get3A_1358] {strides = array<i32>} : memref<2x5x32x128xf32, #tpu.memory_space<vmem>>, vector<1x1x1x16xf32>,
        %get3A_1360 = vector.shape_cast %get3A_1359 : vector<1x1x1x16xf32> to vector<16xf32>
        %add3A_1361 = arith.addf %add3A_1289, %get3A_1360 : vector<16xf32>
        %get3A_1362 = arith.constant 0 : i32
        %get3A_1363 = arith.constant 16 : i32
        %get3A_1364 = arith.index_cast %get3A_1362 : i32 to index
        %get3A_1365 = arith.index_cast %scan3A_163 : i32 to index
        %get3A_1366 = arith.index_cast %get3A_1363 : i32 to index
        %get3A_1367 = arith.constant 96 : index
        %get3A_1368 = tpu.vector_load %arg4[%get3A_1364, %get3A_1365, %get3A_1366, %get3A_1367] {strides = array<i32>} : memref<2x5x32x128xf32, #tpu.memory_space<vmem>>, vector<1x1x1x16xf32>,
        %get3A_1369 = vector.shape_cast %get3A_1368 : vector<1x1x1x16xf32> to vector<16xf32>
        %add3A_1370 = arith.addf %add3A_1298, %get3A_1369 : vector<16xf32>
        %get3A_1371 = arith.constant 0 : i32
        %get3A_1372 = arith.constant 16 : i32
        %get3A_1373 = arith.index_cast %get3A_1371 : i32 to index
        %get3A_1374 = arith.index_cast %scan3A_163 : i32 to index
        %get3A_1375 = arith.index_cast %get3A_1372 : i32 to index
        %get3A_1376 = arith.constant 112 : index
        %get3A_1377 = tpu.vector_load %arg4[%get3A_1373, %get3A_1374, %get3A_1375, %get3A_1376] {strides = array<i32>} : memref<2x5x32x128xf32, #tpu.memory_space<vmem>>, vector<1x1x1x16xf32>,
        %get3A_1378 = vector.shape_cast %get3A_1377 : vector<1x1x1x16xf32> to vector<16xf32>
        %add3A_1379 = arith.addf %add3A_1307, %get3A_1378 : vector<16xf32>
        %get3A_1380 = arith.constant 0 : i32
        %get3A_1381 = arith.constant 17 : i32
        %get3A_1382 = arith.index_cast %get3A_1380 : i32 to index
        %get3A_1383 = arith.index_cast %scan3A_163 : i32 to index
        %get3A_1384 = arith.index_cast %get3A_1381 : i32 to index
        %get3A_1385 = arith.constant 0 : index
        %get3A_1386 = tpu.vector_load %arg4[%get3A_1382, %get3A_1383, %get3A_1384, %get3A_1385] {strides = array<i32>} : memref<2x5x32x128xf32, #tpu.memory_space<vmem>>, vector<1x1x1x16xf32>,
        %get3A_1387 = vector.shape_cast %get3A_1386 : vector<1x1x1x16xf32> to vector<16xf32>
        %add3A_1388 = arith.addf %add3A_1316, %get3A_1387 : vector<16xf32>
        %get3A_1389 = arith.constant 0 : i32
        %get3A_1390 = arith.constant 17 : i32
        %get3A_1391 = arith.index_cast %get3A_1389 : i32 to index
        %get3A_1392 = arith.index_cast %scan3A_163 : i32 to index
        %get3A_1393 = arith.index_cast %get3A_1390 : i32 to index
        %get3A_1394 = arith.constant 16 : index
        %get3A_1395 = tpu.vector_load %arg4[%get3A_1391, %get3A_1392, %get3A_1393, %get3A_1394] {strides = array<i32>} : memref<2x5x32x128xf32, #tpu.memory_space<vmem>>, vector<1x1x1x16xf32>,
        %get3A_1396 = vector.shape_cast %get3A_1395 : vector<1x1x1x16xf32> to vector<16xf32>
        %add3A_1397 = arith.addf %add3A_1325, %get3A_1396 : vector<16xf32>
        %get3A_1398 = arith.constant 0 : i32
        %get3A_1399 = arith.constant 17 : i32
        %get3A_1400 = arith.index_cast %get3A_1398 : i32 to index
        %get3A_1401 = arith.index_cast %scan3A_163 : i32 to index
        %get3A_1402 = arith.index_cast %get3A_1399 : i32 to index
        %get3A_1403 = arith.constant 32 : index
        %get3A_1404 = tpu.vector_load %arg4[%get3A_1400, %get3A_1401, %get3A_1402, %get3A_1403] {strides = array<i32>} : memref<2x5x32x128xf32, #tpu.memory_space<vmem>>, vector<1x1x1x16xf32>,
        %get3A_1405 = vector.shape_cast %get3A_1404 : vector<1x1x1x16xf32> to vector<16xf32>
        %add3A_1406 = arith.addf %add3A_1334, %get3A_1405 : vector<16xf32>
        %get3A_1407 = arith.constant 0 : i32
        %get3A_1408 = arith.constant 17 : i32
        %get3A_1409 = arith.index_cast %get3A_1407 : i32 to index
        %get3A_1410 = arith.index_cast %scan3A_163 : i32 to index
        %get3A_1411 = arith.index_cast %get3A_1408 : i32 to index
        %get3A_1412 = arith.constant 48 : index
        %get3A_1413 = tpu.vector_load %arg4[%get3A_1409, %get3A_1410, %get3A_1411, %get3A_1412] {strides = array<i32>} : memref<2x5x32x128xf32, #tpu.memory_space<vmem>>, vector<1x1x1x16xf32>,
        %get3A_1414 = vector.shape_cast %get3A_1413 : vector<1x1x1x16xf32> to vector<16xf32>
        %add3A_1415 = arith.addf %add3A_1343, %get3A_1414 : vector<16xf32>
        %get3A_1416 = arith.constant 0 : i32
        %get3A_1417 = arith.constant 17 : i32
        %get3A_1418 = arith.index_cast %get3A_1416 : i32 to index
        %get3A_1419 = arith.index_cast %scan3A_163 : i32 to index
        %get3A_1420 = arith.index_cast %get3A_1417 : i32 to index
        %get3A_1421 = arith.constant 64 : index
        %get3A_1422 = tpu.vector_load %arg4[%get3A_1418, %get3A_1419, %get3A_1420, %get3A_1421] {strides = array<i32>} : memref<2x5x32x128xf32, #tpu.memory_space<vmem>>, vector<1x1x1x16xf32>,
        %get3A_1423 = vector.shape_cast %get3A_1422 : vector<1x1x1x16xf32> to vector<16xf32>
        %add3A_1424 = arith.addf %add3A_1352, %get3A_1423 : vector<16xf32>
        %get3A_1425 = arith.constant 0 : i32
        %get3A_1426 = arith.constant 17 : i32
        %get3A_1427 = arith.index_cast %get3A_1425 : i32 to index
        %get3A_1428 = arith.index_cast %scan3A_163 : i32 to index
        %get3A_1429 = arith.index_cast %get3A_1426 : i32 to index
        %get3A_1430 = arith.constant 80 : index
        %get3A_1431 = tpu.vector_load %arg4[%get3A_1427, %get3A_1428, %get3A_1429, %get3A_1430] {strides = array<i32>} : memref<2x5x32x128xf32, #tpu.memory_space<vmem>>, vector<1x1x1x16xf32>,
        %get3A_1432 = vector.shape_cast %get3A_1431 : vector<1x1x1x16xf32> to vector<16xf32>
        %add3A_1433 = arith.addf %add3A_1361, %get3A_1432 : vector<16xf32>
        %get3A_1434 = arith.constant 0 : i32
        %get3A_1435 = arith.constant 17 : i32
        %get3A_1436 = arith.index_cast %get3A_1434 : i32 to index
        %get3A_1437 = arith.index_cast %scan3A_163 : i32 to index
        %get3A_1438 = arith.index_cast %get3A_1435 : i32 to index
        %get3A_1439 = arith.constant 96 : index
        %get3A_1440 = tpu.vector_load %arg4[%get3A_1436, %get3A_1437, %get3A_1438, %get3A_1439] {strides = array<i32>} : memref<2x5x32x128xf32, #tpu.memory_space<vmem>>, vector<1x1x1x16xf32>,
        %get3A_1441 = vector.shape_cast %get3A_1440 : vector<1x1x1x16xf32> to vector<16xf32>
        %add3A_1442 = arith.addf %add3A_1370, %get3A_1441 : vector<16xf32>
        %get3A_1443 = arith.constant 0 : i32
        %get3A_1444 = arith.constant 17 : i32
        %get3A_1445 = arith.index_cast %get3A_1443 : i32 to index
        %get3A_1446 = arith.index_cast %scan3A_163 : i32 to index
        %get3A_1447 = arith.index_cast %get3A_1444 : i32 to index
        %get3A_1448 = arith.constant 112 : index
        %get3A_1449 = tpu.vector_load %arg4[%get3A_1445, %get3A_1446, %get3A_1447, %get3A_1448] {strides = array<i32>} : memref<2x5x32x128xf32, #tpu.memory_space<vmem>>, vector<1x1x1x16xf32>,
        %get3A_1450 = vector.shape_cast %get3A_1449 : vector<1x1x1x16xf32> to vector<16xf32>
        %add3A_1451 = arith.addf %add3A_1379, %get3A_1450 : vector<16xf32>
        %get3A_1452 = arith.constant 0 : i32
        %get3A_1453 = arith.constant 18 : i32
        %get3A_1454 = arith.index_cast %get3A_1452 : i32 to index
        %get3A_1455 = arith.index_cast %scan3A_163 : i32 to index
        %get3A_1456 = arith.index_cast %get3A_1453 : i32 to index
        %get3A_1457 = arith.constant 0 : index
        %get3A_1458 = tpu.vector_load %arg4[%get3A_1454, %get3A_1455, %get3A_1456, %get3A_1457] {strides = array<i32>} : memref<2x5x32x128xf32, #tpu.memory_space<vmem>>, vector<1x1x1x16xf32>,
        %get3A_1459 = vector.shape_cast %get3A_1458 : vector<1x1x1x16xf32> to vector<16xf32>
        %add3A_1460 = arith.addf %add3A_1388, %get3A_1459 : vector<16xf32>
        %get3A_1461 = arith.constant 0 : i32
        %get3A_1462 = arith.constant 18 : i32
        %get3A_1463 = arith.index_cast %get3A_1461 : i32 to index
        %get3A_1464 = arith.index_cast %scan3A_163 : i32 to index
        %get3A_1465 = arith.index_cast %get3A_1462 : i32 to index
        %get3A_1466 = arith.constant 16 : index
        %get3A_1467 = tpu.vector_load %arg4[%get3A_1463, %get3A_1464, %get3A_1465, %get3A_1466] {strides = array<i32>} : memref<2x5x32x128xf32, #tpu.memory_space<vmem>>, vector<1x1x1x16xf32>,
        %get3A_1468 = vector.shape_cast %get3A_1467 : vector<1x1x1x16xf32> to vector<16xf32>
        %add3A_1469 = arith.addf %add3A_1397, %get3A_1468 : vector<16xf32>
        %get3A_1470 = arith.constant 0 : i32
        %get3A_1471 = arith.constant 18 : i32
        %get3A_1472 = arith.index_cast %get3A_1470 : i32 to index
        %get3A_1473 = arith.index_cast %scan3A_163 : i32 to index
        %get3A_1474 = arith.index_cast %get3A_1471 : i32 to index
        %get3A_1475 = arith.constant 32 : index
        %get3A_1476 = tpu.vector_load %arg4[%get3A_1472, %get3A_1473, %get3A_1474, %get3A_1475] {strides = array<i32>} : memref<2x5x32x128xf32, #tpu.memory_space<vmem>>, vector<1x1x1x16xf32>,
        %get3A_1477 = vector.shape_cast %get3A_1476 : vector<1x1x1x16xf32> to vector<16xf32>
        %add3A_1478 = arith.addf %add3A_1406, %get3A_1477 : vector<16xf32>
        %get3A_1479 = arith.constant 0 : i32
        %get3A_1480 = arith.constant 18 : i32
        %get3A_1481 = arith.index_cast %get3A_1479 : i32 to index
        %get3A_1482 = arith.index_cast %scan3A_163 : i32 to index
        %get3A_1483 = arith.index_cast %get3A_1480 : i32 to index
        %get3A_1484 = arith.constant 48 : index
        %get3A_1485 = tpu.vector_load %arg4[%get3A_1481, %get3A_1482, %get3A_1483, %get3A_1484] {strides = array<i32>} : memref<2x5x32x128xf32, #tpu.memory_space<vmem>>, vector<1x1x1x16xf32>,
        %get3A_1486 = vector.shape_cast %get3A_1485 : vector<1x1x1x16xf32> to vector<16xf32>
        %add3A_1487 = arith.addf %add3A_1415, %get3A_1486 : vector<16xf32>
        %get3A_1488 = arith.constant 0 : i32
        %get3A_1489 = arith.constant 18 : i32
        %get3A_1490 = arith.index_cast %get3A_1488 : i32 to index
        %get3A_1491 = arith.index_cast %scan3A_163 : i32 to index
        %get3A_1492 = arith.index_cast %get3A_1489 : i32 to index
        %get3A_1493 = arith.constant 64 : index
        %get3A_1494 = tpu.vector_load %arg4[%get3A_1490, %get3A_1491, %get3A_1492, %get3A_1493] {strides = array<i32>} : memref<2x5x32x128xf32, #tpu.memory_space<vmem>>, vector<1x1x1x16xf32>,
        %get3A_1495 = vector.shape_cast %get3A_1494 : vector<1x1x1x16xf32> to vector<16xf32>
        %add3A_1496 = arith.addf %add3A_1424, %get3A_1495 : vector<16xf32>
        %get3A_1497 = arith.constant 0 : i32
        %get3A_1498 = arith.constant 18 : i32
        %get3A_1499 = arith.index_cast %get3A_1497 : i32 to index
        %get3A_1500 = arith.index_cast %scan3A_163 : i32 to index
        %get3A_1501 = arith.index_cast %get3A_1498 : i32 to index
        %get3A_1502 = arith.constant 80 : index
        %get3A_1503 = tpu.vector_load %arg4[%get3A_1499, %get3A_1500, %get3A_1501, %get3A_1502] {strides = array<i32>} : memref<2x5x32x128xf32, #tpu.memory_space<vmem>>, vector<1x1x1x16xf32>,
        %get3A_1504 = vector.shape_cast %get3A_1503 : vector<1x1x1x16xf32> to vector<16xf32>
        %add3A_1505 = arith.addf %add3A_1433, %get3A_1504 : vector<16xf32>
        %get3A_1506 = arith.constant 0 : i32
        %get3A_1507 = arith.constant 18 : i32
        %get3A_1508 = arith.index_cast %get3A_1506 : i32 to index
        %get3A_1509 = arith.index_cast %scan3A_163 : i32 to index
        %get3A_1510 = arith.index_cast %get3A_1507 : i32 to index
        %get3A_1511 = arith.constant 96 : index
        %get3A_1512 = tpu.vector_load %arg4[%get3A_1508, %get3A_1509, %get3A_1510, %get3A_1511] {strides = array<i32>} : memref<2x5x32x128xf32, #tpu.memory_space<vmem>>, vector<1x1x1x16xf32>,
        %get3A_1513 = vector.shape_cast %get3A_1512 : vector<1x1x1x16xf32> to vector<16xf32>
        %add3A_1514 = arith.addf %add3A_1442, %get3A_1513 : vector<16xf32>
        %get3A_1515 = arith.constant 0 : i32
        %get3A_1516 = arith.constant 18 : i32
        %get3A_1517 = arith.index_cast %get3A_1515 : i32 to index
        %get3A_1518 = arith.index_cast %scan3A_163 : i32 to index
        %get3A_1519 = arith.index_cast %get3A_1516 : i32 to index
        %get3A_1520 = arith.constant 112 : index
        %get3A_1521 = tpu.vector_load %arg4[%get3A_1517, %get3A_1518, %get3A_1519, %get3A_1520] {strides = array<i32>} : memref<2x5x32x128xf32, #tpu.memory_space<vmem>>, vector<1x1x1x16xf32>,
        %get3A_1522 = vector.shape_cast %get3A_1521 : vector<1x1x1x16xf32> to vector<16xf32>
        %add3A_1523 = arith.addf %add3A_1451, %get3A_1522 : vector<16xf32>
        %get3A_1524 = arith.constant 0 : i32
        %get3A_1525 = arith.constant 19 : i32
        %get3A_1526 = arith.index_cast %get3A_1524 : i32 to index
        %get3A_1527 = arith.index_cast %scan3A_163 : i32 to index
        %get3A_1528 = arith.index_cast %get3A_1525 : i32 to index
        %get3A_1529 = arith.constant 0 : index
        %get3A_1530 = tpu.vector_load %arg4[%get3A_1526, %get3A_1527, %get3A_1528, %get3A_1529] {strides = array<i32>} : memref<2x5x32x128xf32, #tpu.memory_space<vmem>>, vector<1x1x1x16xf32>,
        %get3A_1531 = vector.shape_cast %get3A_1530 : vector<1x1x1x16xf32> to vector<16xf32>
        %add3A_1532 = arith.addf %add3A_1460, %get3A_1531 : vector<16xf32>
        %get3A_1533 = arith.constant 0 : i32
        %get3A_1534 = arith.constant 19 : i32
        %get3A_1535 = arith.index_cast %get3A_1533 : i32 to index
        %get3A_1536 = arith.index_cast %scan3A_163 : i32 to index
        %get3A_1537 = arith.index_cast %get3A_1534 : i32 to index
        %get3A_1538 = arith.constant 16 : index
        %get3A_1539 = tpu.vector_load %arg4[%get3A_1535, %get3A_1536, %get3A_1537, %get3A_1538] {strides = array<i32>} : memref<2x5x32x128xf32, #tpu.memory_space<vmem>>, vector<1x1x1x16xf32>,
        %get3A_1540 = vector.shape_cast %get3A_1539 : vector<1x1x1x16xf32> to vector<16xf32>
        %add3A_1541 = arith.addf %add3A_1469, %get3A_1540 : vector<16xf32>
        %get3A_1542 = arith.constant 0 : i32
        %get3A_1543 = arith.constant 19 : i32
        %get3A_1544 = arith.index_cast %get3A_1542 : i32 to index
        %get3A_1545 = arith.index_cast %scan3A_163 : i32 to index
        %get3A_1546 = arith.index_cast %get3A_1543 : i32 to index
        %get3A_1547 = arith.constant 32 : index
        %get3A_1548 = tpu.vector_load %arg4[%get3A_1544, %get3A_1545, %get3A_1546, %get3A_1547] {strides = array<i32>} : memref<2x5x32x128xf32, #tpu.memory_space<vmem>>, vector<1x1x1x16xf32>,
        %get3A_1549 = vector.shape_cast %get3A_1548 : vector<1x1x1x16xf32> to vector<16xf32>
        %add3A_1550 = arith.addf %add3A_1478, %get3A_1549 : vector<16xf32>
        %get3A_1551 = arith.constant 0 : i32
        %get3A_1552 = arith.constant 19 : i32
        %get3A_1553 = arith.index_cast %get3A_1551 : i32 to index
        %get3A_1554 = arith.index_cast %scan3A_163 : i32 to index
        %get3A_1555 = arith.index_cast %get3A_1552 : i32 to index
        %get3A_1556 = arith.constant 48 : index
        %get3A_1557 = tpu.vector_load %arg4[%get3A_1553, %get3A_1554, %get3A_1555, %get3A_1556] {strides = array<i32>} : memref<2x5x32x128xf32, #tpu.memory_space<vmem>>, vector<1x1x1x16xf32>,
        %get3A_1558 = vector.shape_cast %get3A_1557 : vector<1x1x1x16xf32> to vector<16xf32>
        %add3A_1559 = arith.addf %add3A_1487, %get3A_1558 : vector<16xf32>
        %get3A_1560 = arith.constant 0 : i32
        %get3A_1561 = arith.constant 19 : i32
        %get3A_1562 = arith.index_cast %get3A_1560 : i32 to index
        %get3A_1563 = arith.index_cast %scan3A_163 : i32 to index
        %get3A_1564 = arith.index_cast %get3A_1561 : i32 to index
        %get3A_1565 = arith.constant 64 : index
        %get3A_1566 = tpu.vector_load %arg4[%get3A_1562, %get3A_1563, %get3A_1564, %get3A_1565] {strides = array<i32>} : memref<2x5x32x128xf32, #tpu.memory_space<vmem>>, vector<1x1x1x16xf32>,
        %get3A_1567 = vector.shape_cast %get3A_1566 : vector<1x1x1x16xf32> to vector<16xf32>
        %add3A_1568 = arith.addf %add3A_1496, %get3A_1567 : vector<16xf32>
        %get3A_1569 = arith.constant 0 : i32
        %get3A_1570 = arith.constant 19 : i32
        %get3A_1571 = arith.index_cast %get3A_1569 : i32 to index
        %get3A_1572 = arith.index_cast %scan3A_163 : i32 to index
        %get3A_1573 = arith.index_cast %get3A_1570 : i32 to index
        %get3A_1574 = arith.constant 80 : index
        %get3A_1575 = tpu.vector_load %arg4[%get3A_1571, %get3A_1572, %get3A_1573, %get3A_1574] {strides = array<i32>} : memref<2x5x32x128xf32, #tpu.memory_space<vmem>>, vector<1x1x1x16xf32>,
        %get3A_1576 = vector.shape_cast %get3A_1575 : vector<1x1x1x16xf32> to vector<16xf32>
        %add3A_1577 = arith.addf %add3A_1505, %get3A_1576 : vector<16xf32>
        %get3A_1578 = arith.constant 0 : i32
        %get3A_1579 = arith.constant 19 : i32
        %get3A_1580 = arith.index_cast %get3A_1578 : i32 to index
        %get3A_1581 = arith.index_cast %scan3A_163 : i32 to index
        %get3A_1582 = arith.index_cast %get3A_1579 : i32 to index
        %get3A_1583 = arith.constant 96 : index
        %get3A_1584 = tpu.vector_load %arg4[%get3A_1580, %get3A_1581, %get3A_1582, %get3A_1583] {strides = array<i32>} : memref<2x5x32x128xf32, #tpu.memory_space<vmem>>, vector<1x1x1x16xf32>,
        %get3A_1585 = vector.shape_cast %get3A_1584 : vector<1x1x1x16xf32> to vector<16xf32>
        %add3A_1586 = arith.addf %add3A_1514, %get3A_1585 : vector<16xf32>
        %get3A_1587 = arith.constant 0 : i32
        %get3A_1588 = arith.constant 19 : i32
        %get3A_1589 = arith.index_cast %get3A_1587 : i32 to index
        %get3A_1590 = arith.index_cast %scan3A_163 : i32 to index
        %get3A_1591 = arith.index_cast %get3A_1588 : i32 to index
        %get3A_1592 = arith.constant 112 : index
        %get3A_1593 = tpu.vector_load %arg4[%get3A_1589, %get3A_1590, %get3A_1591, %get3A_1592] {strides = array<i32>} : memref<2x5x32x128xf32, #tpu.memory_space<vmem>>, vector<1x1x1x16xf32>,
        %get3A_1594 = vector.shape_cast %get3A_1593 : vector<1x1x1x16xf32> to vector<16xf32>
        %add3A_1595 = arith.addf %add3A_1523, %get3A_1594 : vector<16xf32>
        %get3A_1596 = arith.constant 0 : i32
        %get3A_1597 = arith.constant 20 : i32
        %get3A_1598 = arith.index_cast %get3A_1596 : i32 to index
        %get3A_1599 = arith.index_cast %scan3A_163 : i32 to index
        %get3A_1600 = arith.index_cast %get3A_1597 : i32 to index
        %get3A_1601 = arith.constant 0 : index
        %get3A_1602 = tpu.vector_load %arg4[%get3A_1598, %get3A_1599, %get3A_1600, %get3A_1601] {strides = array<i32>} : memref<2x5x32x128xf32, #tpu.memory_space<vmem>>, vector<1x1x1x16xf32>,
        %get3A_1603 = vector.shape_cast %get3A_1602 : vector<1x1x1x16xf32> to vector<16xf32>
        %add3A_1604 = arith.addf %add3A_1532, %get3A_1603 : vector<16xf32>
        %get3A_1605 = arith.constant 0 : i32
        %get3A_1606 = arith.constant 20 : i32
        %get3A_1607 = arith.index_cast %get3A_1605 : i32 to index
        %get3A_1608 = arith.index_cast %scan3A_163 : i32 to index
        %get3A_1609 = arith.index_cast %get3A_1606 : i32 to index
        %get3A_1610 = arith.constant 16 : index
        %get3A_1611 = tpu.vector_load %arg4[%get3A_1607, %get3A_1608, %get3A_1609, %get3A_1610] {strides = array<i32>} : memref<2x5x32x128xf32, #tpu.memory_space<vmem>>, vector<1x1x1x16xf32>,
        %get3A_1612 = vector.shape_cast %get3A_1611 : vector<1x1x1x16xf32> to vector<16xf32>
        %add3A_1613 = arith.addf %add3A_1541, %get3A_1612 : vector<16xf32>
        %get3A_1614 = arith.constant 0 : i32
        %get3A_1615 = arith.constant 20 : i32
        %get3A_1616 = arith.index_cast %get3A_1614 : i32 to index
        %get3A_1617 = arith.index_cast %scan3A_163 : i32 to index
        %get3A_1618 = arith.index_cast %get3A_1615 : i32 to index
        %get3A_1619 = arith.constant 32 : index
        %get3A_1620 = tpu.vector_load %arg4[%get3A_1616, %get3A_1617, %get3A_1618, %get3A_1619] {strides = array<i32>} : memref<2x5x32x128xf32, #tpu.memory_space<vmem>>, vector<1x1x1x16xf32>,
        %get3A_1621 = vector.shape_cast %get3A_1620 : vector<1x1x1x16xf32> to vector<16xf32>
        %add3A_1622 = arith.addf %add3A_1550, %get3A_1621 : vector<16xf32>
        %get3A_1623 = arith.constant 0 : i32
        %get3A_1624 = arith.constant 20 : i32
        %get3A_1625 = arith.index_cast %get3A_1623 : i32 to index
        %get3A_1626 = arith.index_cast %scan3A_163 : i32 to index
        %get3A_1627 = arith.index_cast %get3A_1624 : i32 to index
        %get3A_1628 = arith.constant 48 : index
        %get3A_1629 = tpu.vector_load %arg4[%get3A_1625, %get3A_1626, %get3A_1627, %get3A_1628] {strides = array<i32>} : memref<2x5x32x128xf32, #tpu.memory_space<vmem>>, vector<1x1x1x16xf32>,
        %get3A_1630 = vector.shape_cast %get3A_1629 : vector<1x1x1x16xf32> to vector<16xf32>
        %add3A_1631 = arith.addf %add3A_1559, %get3A_1630 : vector<16xf32>
        %get3A_1632 = arith.constant 0 : i32
        %get3A_1633 = arith.constant 20 : i32
        %get3A_1634 = arith.index_cast %get3A_1632 : i32 to index
        %get3A_1635 = arith.index_cast %scan3A_163 : i32 to index
        %get3A_1636 = arith.index_cast %get3A_1633 : i32 to index
        %get3A_1637 = arith.constant 64 : index
        %get3A_1638 = tpu.vector_load %arg4[%get3A_1634, %get3A_1635, %get3A_1636, %get3A_1637] {strides = array<i32>} : memref<2x5x32x128xf32, #tpu.memory_space<vmem>>, vector<1x1x1x16xf32>,
        %get3A_1639 = vector.shape_cast %get3A_1638 : vector<1x1x1x16xf32> to vector<16xf32>
        %add3A_1640 = arith.addf %add3A_1568, %get3A_1639 : vector<16xf32>
        %get3A_1641 = arith.constant 0 : i32
        %get3A_1642 = arith.constant 20 : i32
        %get3A_1643 = arith.index_cast %get3A_1641 : i32 to index
        %get3A_1644 = arith.index_cast %scan3A_163 : i32 to index
        %get3A_1645 = arith.index_cast %get3A_1642 : i32 to index
        %get3A_1646 = arith.constant 80 : index
        %get3A_1647 = tpu.vector_load %arg4[%get3A_1643, %get3A_1644, %get3A_1645, %get3A_1646] {strides = array<i32>} : memref<2x5x32x128xf32, #tpu.memory_space<vmem>>, vector<1x1x1x16xf32>,
        %get3A_1648 = vector.shape_cast %get3A_1647 : vector<1x1x1x16xf32> to vector<16xf32>
        %add3A_1649 = arith.addf %add3A_1577, %get3A_1648 : vector<16xf32>
        %get3A_1650 = arith.constant 0 : i32
        %get3A_1651 = arith.constant 20 : i32
        %get3A_1652 = arith.index_cast %get3A_1650 : i32 to index
        %get3A_1653 = arith.index_cast %scan3A_163 : i32 to index
        %get3A_1654 = arith.index_cast %get3A_1651 : i32 to index
        %get3A_1655 = arith.constant 96 : index
        %get3A_1656 = tpu.vector_load %arg4[%get3A_1652, %get3A_1653, %get3A_1654, %get3A_1655] {strides = array<i32>} : memref<2x5x32x128xf32, #tpu.memory_space<vmem>>, vector<1x1x1x16xf32>,
        %get3A_1657 = vector.shape_cast %get3A_1656 : vector<1x1x1x16xf32> to vector<16xf32>
        %add3A_1658 = arith.addf %add3A_1586, %get3A_1657 : vector<16xf32>
        %get3A_1659 = arith.constant 0 : i32
        %get3A_1660 = arith.constant 20 : i32
        %get3A_1661 = arith.index_cast %get3A_1659 : i32 to index
        %get3A_1662 = arith.index_cast %scan3A_163 : i32 to index
        %get3A_1663 = arith.index_cast %get3A_1660 : i32 to index
        %get3A_1664 = arith.constant 112 : index
        %get3A_1665 = tpu.vector_load %arg4[%get3A_1661, %get3A_1662, %get3A_1663, %get3A_1664] {strides = array<i32>} : memref<2x5x32x128xf32, #tpu.memory_space<vmem>>, vector<1x1x1x16xf32>,
        %get3A_1666 = vector.shape_cast %get3A_1665 : vector<1x1x1x16xf32> to vector<16xf32>
        %add3A_1667 = arith.addf %add3A_1595, %get3A_1666 : vector<16xf32>
        %get3A_1668 = arith.constant 0 : i32
        %get3A_1669 = arith.constant 21 : i32
        %get3A_1670 = arith.index_cast %get3A_1668 : i32 to index
        %get3A_1671 = arith.index_cast %scan3A_163 : i32 to index
        %get3A_1672 = arith.index_cast %get3A_1669 : i32 to index
        %get3A_1673 = arith.constant 0 : index
        %get3A_1674 = tpu.vector_load %arg4[%get3A_1670, %get3A_1671, %get3A_1672, %get3A_1673] {strides = array<i32>} : memref<2x5x32x128xf32, #tpu.memory_space<vmem>>, vector<1x1x1x16xf32>,
        %get3A_1675 = vector.shape_cast %get3A_1674 : vector<1x1x1x16xf32> to vector<16xf32>
        %add3A_1676 = arith.addf %add3A_1604, %get3A_1675 : vector<16xf32>
        %get3A_1677 = arith.constant 0 : i32
        %get3A_1678 = arith.constant 21 : i32
        %get3A_1679 = arith.index_cast %get3A_1677 : i32 to index
        %get3A_1680 = arith.index_cast %scan3A_163 : i32 to index
        %get3A_1681 = arith.index_cast %get3A_1678 : i32 to index
        %get3A_1682 = arith.constant 16 : index
        %get3A_1683 = tpu.vector_load %arg4[%get3A_1679, %get3A_1680, %get3A_1681, %get3A_1682] {strides = array<i32>} : memref<2x5x32x128xf32, #tpu.memory_space<vmem>>, vector<1x1x1x16xf32>,
        %get3A_1684 = vector.shape_cast %get3A_1683 : vector<1x1x1x16xf32> to vector<16xf32>
        %add3A_1685 = arith.addf %add3A_1613, %get3A_1684 : vector<16xf32>
        %get3A_1686 = arith.constant 0 : i32
        %get3A_1687 = arith.constant 21 : i32
        %get3A_1688 = arith.index_cast %get3A_1686 : i32 to index
        %get3A_1689 = arith.index_cast %scan3A_163 : i32 to index
        %get3A_1690 = arith.index_cast %get3A_1687 : i32 to index
        %get3A_1691 = arith.constant 32 : index
        %get3A_1692 = tpu.vector_load %arg4[%get3A_1688, %get3A_1689, %get3A_1690, %get3A_1691] {strides = array<i32>} : memref<2x5x32x128xf32, #tpu.memory_space<vmem>>, vector<1x1x1x16xf32>,
        %get3A_1693 = vector.shape_cast %get3A_1692 : vector<1x1x1x16xf32> to vector<16xf32>
        %add3A_1694 = arith.addf %add3A_1622, %get3A_1693 : vector<16xf32>
        %get3A_1695 = arith.constant 0 : i32
        %get3A_1696 = arith.constant 21 : i32
        %get3A_1697 = arith.index_cast %get3A_1695 : i32 to index
        %get3A_1698 = arith.index_cast %scan3A_163 : i32 to index
        %get3A_1699 = arith.index_cast %get3A_1696 : i32 to index
        %get3A_1700 = arith.constant 48 : index
        %get3A_1701 = tpu.vector_load %arg4[%get3A_1697, %get3A_1698, %get3A_1699, %get3A_1700] {strides = array<i32>} : memref<2x5x32x128xf32, #tpu.memory_space<vmem>>, vector<1x1x1x16xf32>,
        %get3A_1702 = vector.shape_cast %get3A_1701 : vector<1x1x1x16xf32> to vector<16xf32>
        %add3A_1703 = arith.addf %add3A_1631, %get3A_1702 : vector<16xf32>
        %get3A_1704 = arith.constant 0 : i32
        %get3A_1705 = arith.constant 21 : i32
        %get3A_1706 = arith.index_cast %get3A_1704 : i32 to index
        %get3A_1707 = arith.index_cast %scan3A_163 : i32 to index
        %get3A_1708 = arith.index_cast %get3A_1705 : i32 to index
        %get3A_1709 = arith.constant 64 : index
        %get3A_1710 = tpu.vector_load %arg4[%get3A_1706, %get3A_1707, %get3A_1708, %get3A_1709] {strides = array<i32>} : memref<2x5x32x128xf32, #tpu.memory_space<vmem>>, vector<1x1x1x16xf32>,
        %get3A_1711 = vector.shape_cast %get3A_1710 : vector<1x1x1x16xf32> to vector<16xf32>
        %add3A_1712 = arith.addf %add3A_1640, %get3A_1711 : vector<16xf32>
        %get3A_1713 = arith.constant 0 : i32
        %get3A_1714 = arith.constant 21 : i32
        %get3A_1715 = arith.index_cast %get3A_1713 : i32 to index
        %get3A_1716 = arith.index_cast %scan3A_163 : i32 to index
        %get3A_1717 = arith.index_cast %get3A_1714 : i32 to index
        %get3A_1718 = arith.constant 80 : index
        %get3A_1719 = tpu.vector_load %arg4[%get3A_1715, %get3A_1716, %get3A_1717, %get3A_1718] {strides = array<i32>} : memref<2x5x32x128xf32, #tpu.memory_space<vmem>>, vector<1x1x1x16xf32>,
        %get3A_1720 = vector.shape_cast %get3A_1719 : vector<1x1x1x16xf32> to vector<16xf32>
        %add3A_1721 = arith.addf %add3A_1649, %get3A_1720 : vector<16xf32>
        %get3A_1722 = arith.constant 0 : i32
        %get3A_1723 = arith.constant 21 : i32
        %get3A_1724 = arith.index_cast %get3A_1722 : i32 to index
        %get3A_1725 = arith.index_cast %scan3A_163 : i32 to index
        %get3A_1726 = arith.index_cast %get3A_1723 : i32 to index
        %get3A_1727 = arith.constant 96 : index
        %get3A_1728 = tpu.vector_load %arg4[%get3A_1724, %get3A_1725, %get3A_1726, %get3A_1727] {strides = array<i32>} : memref<2x5x32x128xf32, #tpu.memory_space<vmem>>, vector<1x1x1x16xf32>,
        %get3A_1729 = vector.shape_cast %get3A_1728 : vector<1x1x1x16xf32> to vector<16xf32>
        %add3A_1730 = arith.addf %add3A_1658, %get3A_1729 : vector<16xf32>
        %get3A_1731 = arith.constant 0 : i32
        %get3A_1732 = arith.constant 21 : i32
        %get3A_1733 = arith.index_cast %get3A_1731 : i32 to index
        %get3A_1734 = arith.index_cast %scan3A_163 : i32 to index
        %get3A_1735 = arith.index_cast %get3A_1732 : i32 to index
        %get3A_1736 = arith.constant 112 : index
        %get3A_1737 = tpu.vector_load %arg4[%get3A_1733, %get3A_1734, %get3A_1735, %get3A_1736] {strides = array<i32>} : memref<2x5x32x128xf32, #tpu.memory_space<vmem>>, vector<1x1x1x16xf32>,
        %get3A_1738 = vector.shape_cast %get3A_1737 : vector<1x1x1x16xf32> to vector<16xf32>
        %add3A_1739 = arith.addf %add3A_1667, %get3A_1738 : vector<16xf32>
        %get3A_1740 = arith.constant 0 : i32
        %get3A_1741 = arith.constant 22 : i32
        %get3A_1742 = arith.index_cast %get3A_1740 : i32 to index
        %get3A_1743 = arith.index_cast %scan3A_163 : i32 to index
        %get3A_1744 = arith.index_cast %get3A_1741 : i32 to index
        %get3A_1745 = arith.constant 0 : index
        %get3A_1746 = tpu.vector_load %arg4[%get3A_1742, %get3A_1743, %get3A_1744, %get3A_1745] {strides = array<i32>} : memref<2x5x32x128xf32, #tpu.memory_space<vmem>>, vector<1x1x1x16xf32>,
        %get3A_1747 = vector.shape_cast %get3A_1746 : vector<1x1x1x16xf32> to vector<16xf32>
        %add3A_1748 = arith.addf %add3A_1676, %get3A_1747 : vector<16xf32>
        %get3A_1749 = arith.constant 0 : i32
        %get3A_1750 = arith.constant 22 : i32
        %get3A_1751 = arith.index_cast %get3A_1749 : i32 to index
        %get3A_1752 = arith.index_cast %scan3A_163 : i32 to index
        %get3A_1753 = arith.index_cast %get3A_1750 : i32 to index
        %get3A_1754 = arith.constant 16 : index
        %get3A_1755 = tpu.vector_load %arg4[%get3A_1751, %get3A_1752, %get3A_1753, %get3A_1754] {strides = array<i32>} : memref<2x5x32x128xf32, #tpu.memory_space<vmem>>, vector<1x1x1x16xf32>,
        %get3A_1756 = vector.shape_cast %get3A_1755 : vector<1x1x1x16xf32> to vector<16xf32>
        %add3A_1757 = arith.addf %add3A_1685, %get3A_1756 : vector<16xf32>
        %get3A_1758 = arith.constant 0 : i32
        %get3A_1759 = arith.constant 22 : i32
        %get3A_1760 = arith.index_cast %get3A_1758 : i32 to index
        %get3A_1761 = arith.index_cast %scan3A_163 : i32 to index
        %get3A_1762 = arith.index_cast %get3A_1759 : i32 to index
        %get3A_1763 = arith.constant 32 : index
        %get3A_1764 = tpu.vector_load %arg4[%get3A_1760, %get3A_1761, %get3A_1762, %get3A_1763] {strides = array<i32>} : memref<2x5x32x128xf32, #tpu.memory_space<vmem>>, vector<1x1x1x16xf32>,
        %get3A_1765 = vector.shape_cast %get3A_1764 : vector<1x1x1x16xf32> to vector<16xf32>
        %add3A_1766 = arith.addf %add3A_1694, %get3A_1765 : vector<16xf32>
        %get3A_1767 = arith.constant 0 : i32
        %get3A_1768 = arith.constant 22 : i32
        %get3A_1769 = arith.index_cast %get3A_1767 : i32 to index
        %get3A_1770 = arith.index_cast %scan3A_163 : i32 to index
        %get3A_1771 = arith.index_cast %get3A_1768 : i32 to index
        %get3A_1772 = arith.constant 48 : index
        %get3A_1773 = tpu.vector_load %arg4[%get3A_1769, %get3A_1770, %get3A_1771, %get3A_1772] {strides = array<i32>} : memref<2x5x32x128xf32, #tpu.memory_space<vmem>>, vector<1x1x1x16xf32>,
        %get3A_1774 = vector.shape_cast %get3A_1773 : vector<1x1x1x16xf32> to vector<16xf32>
        %add3A_1775 = arith.addf %add3A_1703, %get3A_1774 : vector<16xf32>
        %get3A_1776 = arith.constant 0 : i32
        %get3A_1777 = arith.constant 22 : i32
        %get3A_1778 = arith.index_cast %get3A_1776 : i32 to index
        %get3A_1779 = arith.index_cast %scan3A_163 : i32 to index
        %get3A_1780 = arith.index_cast %get3A_1777 : i32 to index
        %get3A_1781 = arith.constant 64 : index
        %get3A_1782 = tpu.vector_load %arg4[%get3A_1778, %get3A_1779, %get3A_1780, %get3A_1781] {strides = array<i32>} : memref<2x5x32x128xf32, #tpu.memory_space<vmem>>, vector<1x1x1x16xf32>,
        %get3A_1783 = vector.shape_cast %get3A_1782 : vector<1x1x1x16xf32> to vector<16xf32>
        %add3A_1784 = arith.addf %add3A_1712, %get3A_1783 : vector<16xf32>
        %get3A_1785 = arith.constant 0 : i32
        %get3A_1786 = arith.constant 22 : i32
        %get3A_1787 = arith.index_cast %get3A_1785 : i32 to index
        %get3A_1788 = arith.index_cast %scan3A_163 : i32 to index
        %get3A_1789 = arith.index_cast %get3A_1786 : i32 to index
        %get3A_1790 = arith.constant 80 : index
        %get3A_1791 = tpu.vector_load %arg4[%get3A_1787, %get3A_1788, %get3A_1789, %get3A_1790] {strides = array<i32>} : memref<2x5x32x128xf32, #tpu.memory_space<vmem>>, vector<1x1x1x16xf32>,
        %get3A_1792 = vector.shape_cast %get3A_1791 : vector<1x1x1x16xf32> to vector<16xf32>
        %add3A_1793 = arith.addf %add3A_1721, %get3A_1792 : vector<16xf32>
        %get3A_1794 = arith.constant 0 : i32
        %get3A_1795 = arith.constant 22 : i32
        %get3A_1796 = arith.index_cast %get3A_1794 : i32 to index
        %get3A_1797 = arith.index_cast %scan3A_163 : i32 to index
        %get3A_1798 = arith.index_cast %get3A_1795 : i32 to index
        %get3A_1799 = arith.constant 96 : index
        %get3A_1800 = tpu.vector_load %arg4[%get3A_1796, %get3A_1797, %get3A_1798, %get3A_1799] {strides = array<i32>} : memref<2x5x32x128xf32, #tpu.memory_space<vmem>>, vector<1x1x1x16xf32>,
        %get3A_1801 = vector.shape_cast %get3A_1800 : vector<1x1x1x16xf32> to vector<16xf32>
        %add3A_1802 = arith.addf %add3A_1730, %get3A_1801 : vector<16xf32>
        %get3A_1803 = arith.constant 0 : i32
        %get3A_1804 = arith.constant 22 : i32
        %get3A_1805 = arith.index_cast %get3A_1803 : i32 to index
        %get3A_1806 = arith.index_cast %scan3A_163 : i32 to index
        %get3A_1807 = arith.index_cast %get3A_1804 : i32 to index
        %get3A_1808 = arith.constant 112 : index
        %get3A_1809 = tpu.vector_load %arg4[%get3A_1805, %get3A_1806, %get3A_1807, %get3A_1808] {strides = array<i32>} : memref<2x5x32x128xf32, #tpu.memory_space<vmem>>, vector<1x1x1x16xf32>,
        %get3A_1810 = vector.shape_cast %get3A_1809 : vector<1x1x1x16xf32> to vector<16xf32>
        %add3A_1811 = arith.addf %add3A_1739, %get3A_1810 : vector<16xf32>
        %get3A_1812 = arith.constant 0 : i32
        %get3A_1813 = arith.constant 23 : i32
        %get3A_1814 = arith.index_cast %get3A_1812 : i32 to index
        %get3A_1815 = arith.index_cast %scan3A_163 : i32 to index
        %get3A_1816 = arith.index_cast %get3A_1813 : i32 to index
        %get3A_1817 = arith.constant 0 : index
        %get3A_1818 = tpu.vector_load %arg4[%get3A_1814, %get3A_1815, %get3A_1816, %get3A_1817] {strides = array<i32>} : memref<2x5x32x128xf32, #tpu.memory_space<vmem>>, vector<1x1x1x16xf32>,
        %get3A_1819 = vector.shape_cast %get3A_1818 : vector<1x1x1x16xf32> to vector<16xf32>
        %add3A_1820 = arith.addf %add3A_1748, %get3A_1819 : vector<16xf32>
        %get3A_1821 = arith.constant 0 : i32
        %get3A_1822 = arith.constant 23 : i32
        %get3A_1823 = arith.index_cast %get3A_1821 : i32 to index
        %get3A_1824 = arith.index_cast %scan3A_163 : i32 to index
        %get3A_1825 = arith.index_cast %get3A_1822 : i32 to index
        %get3A_1826 = arith.constant 16 : index
        %get3A_1827 = tpu.vector_load %arg4[%get3A_1823, %get3A_1824, %get3A_1825, %get3A_1826] {strides = array<i32>} : memref<2x5x32x128xf32, #tpu.memory_space<vmem>>, vector<1x1x1x16xf32>,
        %get3A_1828 = vector.shape_cast %get3A_1827 : vector<1x1x1x16xf32> to vector<16xf32>
        %add3A_1829 = arith.addf %add3A_1757, %get3A_1828 : vector<16xf32>
        %get3A_1830 = arith.constant 0 : i32
        %get3A_1831 = arith.constant 23 : i32
        %get3A_1832 = arith.index_cast %get3A_1830 : i32 to index
        %get3A_1833 = arith.index_cast %scan3A_163 : i32 to index
        %get3A_1834 = arith.index_cast %get3A_1831 : i32 to index
        %get3A_1835 = arith.constant 32 : index
        %get3A_1836 = tpu.vector_load %arg4[%get3A_1832, %get3A_1833, %get3A_1834, %get3A_1835] {strides = array<i32>} : memref<2x5x32x128xf32, #tpu.memory_space<vmem>>, vector<1x1x1x16xf32>,
        %get3A_1837 = vector.shape_cast %get3A_1836 : vector<1x1x1x16xf32> to vector<16xf32>
        %add3A_1838 = arith.addf %add3A_1766, %get3A_1837 : vector<16xf32>
        %get3A_1839 = arith.constant 0 : i32
        %get3A_1840 = arith.constant 23 : i32
        %get3A_1841 = arith.index_cast %get3A_1839 : i32 to index
        %get3A_1842 = arith.index_cast %scan3A_163 : i32 to index
        %get3A_1843 = arith.index_cast %get3A_1840 : i32 to index
        %get3A_1844 = arith.constant 48 : index
        %get3A_1845 = tpu.vector_load %arg4[%get3A_1841, %get3A_1842, %get3A_1843, %get3A_1844] {strides = array<i32>} : memref<2x5x32x128xf32, #tpu.memory_space<vmem>>, vector<1x1x1x16xf32>,
        %get3A_1846 = vector.shape_cast %get3A_1845 : vector<1x1x1x16xf32> to vector<16xf32>
        %add3A_1847 = arith.addf %add3A_1775, %get3A_1846 : vector<16xf32>
        %get3A_1848 = arith.constant 0 : i32
        %get3A_1849 = arith.constant 23 : i32
        %get3A_1850 = arith.index_cast %get3A_1848 : i32 to index
        %get3A_1851 = arith.index_cast %scan3A_163 : i32 to index
        %get3A_1852 = arith.index_cast %get3A_1849 : i32 to index
        %get3A_1853 = arith.constant 64 : index
        %get3A_1854 = tpu.vector_load %arg4[%get3A_1850, %get3A_1851, %get3A_1852, %get3A_1853] {strides = array<i32>} : memref<2x5x32x128xf32, #tpu.memory_space<vmem>>, vector<1x1x1x16xf32>,
        %get3A_1855 = vector.shape_cast %get3A_1854 : vector<1x1x1x16xf32> to vector<16xf32>
        %add3A_1856 = arith.addf %add3A_1784, %get3A_1855 : vector<16xf32>
        %get3A_1857 = arith.constant 0 : i32
        %get3A_1858 = arith.constant 23 : i32
        %get3A_1859 = arith.index_cast %get3A_1857 : i32 to index
        %get3A_1860 = arith.index_cast %scan3A_163 : i32 to index
        %get3A_1861 = arith.index_cast %get3A_1858 : i32 to index
        %get3A_1862 = arith.constant 80 : index
        %get3A_1863 = tpu.vector_load %arg4[%get3A_1859, %get3A_1860, %get3A_1861, %get3A_1862] {strides = array<i32>} : memref<2x5x32x128xf32, #tpu.memory_space<vmem>>, vector<1x1x1x16xf32>,
        %get3A_1864 = vector.shape_cast %get3A_1863 : vector<1x1x1x16xf32> to vector<16xf32>
        %add3A_1865 = arith.addf %add3A_1793, %get3A_1864 : vector<16xf32>
        %get3A_1866 = arith.constant 0 : i32
        %get3A_1867 = arith.constant 23 : i32
        %get3A_1868 = arith.index_cast %get3A_1866 : i32 to index
        %get3A_1869 = arith.index_cast %scan3A_163 : i32 to index
        %get3A_1870 = arith.index_cast %get3A_1867 : i32 to index
        %get3A_1871 = arith.constant 96 : index
        %get3A_1872 = tpu.vector_load %arg4[%get3A_1868, %get3A_1869, %get3A_1870, %get3A_1871] {strides = array<i32>} : memref<2x5x32x128xf32, #tpu.memory_space<vmem>>, vector<1x1x1x16xf32>,
        %get3A_1873 = vector.shape_cast %get3A_1872 : vector<1x1x1x16xf32> to vector<16xf32>
        %add3A_1874 = arith.addf %add3A_1802, %get3A_1873 : vector<16xf32>
        %get3A_1875 = arith.constant 0 : i32
        %get3A_1876 = arith.constant 23 : i32
        %get3A_1877 = arith.index_cast %get3A_1875 : i32 to index
        %get3A_1878 = arith.index_cast %scan3A_163 : i32 to index
        %get3A_1879 = arith.index_cast %get3A_1876 : i32 to index
        %get3A_1880 = arith.constant 112 : index
        %get3A_1881 = tpu.vector_load %arg4[%get3A_1877, %get3A_1878, %get3A_1879, %get3A_1880] {strides = array<i32>} : memref<2x5x32x128xf32, #tpu.memory_space<vmem>>, vector<1x1x1x16xf32>,
        %get3A_1882 = vector.shape_cast %get3A_1881 : vector<1x1x1x16xf32> to vector<16xf32>
        %add3A_1883 = arith.addf %add3A_1811, %get3A_1882 : vector<16xf32>
        %get3A_1884 = arith.constant 0 : i32
        %get3A_1885 = arith.constant 24 : i32
        %get3A_1886 = arith.index_cast %get3A_1884 : i32 to index
        %get3A_1887 = arith.index_cast %scan3A_163 : i32 to index
        %get3A_1888 = arith.index_cast %get3A_1885 : i32 to index
        %get3A_1889 = arith.constant 0 : index
        %get3A_1890 = tpu.vector_load %arg4[%get3A_1886, %get3A_1887, %get3A_1888, %get3A_1889] {strides = array<i32>} : memref<2x5x32x128xf32, #tpu.memory_space<vmem>>, vector<1x1x1x16xf32>,
        %get3A_1891 = vector.shape_cast %get3A_1890 : vector<1x1x1x16xf32> to vector<16xf32>
        %add3A_1892 = arith.addf %add3A_1820, %get3A_1891 : vector<16xf32>
        %get3A_1893 = arith.constant 0 : i32
        %get3A_1894 = arith.constant 24 : i32
        %get3A_1895 = arith.index_cast %get3A_1893 : i32 to index
        %get3A_1896 = arith.index_cast %scan3A_163 : i32 to index
        %get3A_1897 = arith.index_cast %get3A_1894 : i32 to index
        %get3A_1898 = arith.constant 16 : index
        %get3A_1899 = tpu.vector_load %arg4[%get3A_1895, %get3A_1896, %get3A_1897, %get3A_1898] {strides = array<i32>} : memref<2x5x32x128xf32, #tpu.memory_space<vmem>>, vector<1x1x1x16xf32>,
        %get3A_1900 = vector.shape_cast %get3A_1899 : vector<1x1x1x16xf32> to vector<16xf32>
        %add3A_1901 = arith.addf %add3A_1829, %get3A_1900 : vector<16xf32>
        %get3A_1902 = arith.constant 0 : i32
        %get3A_1903 = arith.constant 24 : i32
        %get3A_1904 = arith.index_cast %get3A_1902 : i32 to index
        %get3A_1905 = arith.index_cast %scan3A_163 : i32 to index
        %get3A_1906 = arith.index_cast %get3A_1903 : i32 to index
        %get3A_1907 = arith.constant 32 : index
        %get3A_1908 = tpu.vector_load %arg4[%get3A_1904, %get3A_1905, %get3A_1906, %get3A_1907] {strides = array<i32>} : memref<2x5x32x128xf32, #tpu.memory_space<vmem>>, vector<1x1x1x16xf32>,
        %get3A_1909 = vector.shape_cast %get3A_1908 : vector<1x1x1x16xf32> to vector<16xf32>
        %add3A_1910 = arith.addf %add3A_1838, %get3A_1909 : vector<16xf32>
        %get3A_1911 = arith.constant 0 : i32
        %get3A_1912 = arith.constant 24 : i32
        %get3A_1913 = arith.index_cast %get3A_1911 : i32 to index
        %get3A_1914 = arith.index_cast %scan3A_163 : i32 to index
        %get3A_1915 = arith.index_cast %get3A_1912 : i32 to index
        %get3A_1916 = arith.constant 48 : index
        %get3A_1917 = tpu.vector_load %arg4[%get3A_1913, %get3A_1914, %get3A_1915, %get3A_1916] {strides = array<i32>} : memref<2x5x32x128xf32, #tpu.memory_space<vmem>>, vector<1x1x1x16xf32>,
        %get3A_1918 = vector.shape_cast %get3A_1917 : vector<1x1x1x16xf32> to vector<16xf32>
        %add3A_1919 = arith.addf %add3A_1847, %get3A_1918 : vector<16xf32>
        %get3A_1920 = arith.constant 0 : i32
        %get3A_1921 = arith.constant 24 : i32
        %get3A_1922 = arith.index_cast %get3A_1920 : i32 to index
        %get3A_1923 = arith.index_cast %scan3A_163 : i32 to index
        %get3A_1924 = arith.index_cast %get3A_1921 : i32 to index
        %get3A_1925 = arith.constant 64 : index
        %get3A_1926 = tpu.vector_load %arg4[%get3A_1922, %get3A_1923, %get3A_1924, %get3A_1925] {strides = array<i32>} : memref<2x5x32x128xf32, #tpu.memory_space<vmem>>, vector<1x1x1x16xf32>,
        %get3A_1927 = vector.shape_cast %get3A_1926 : vector<1x1x1x16xf32> to vector<16xf32>
        %add3A_1928 = arith.addf %add3A_1856, %get3A_1927 : vector<16xf32>
        %get3A_1929 = arith.constant 0 : i32
        %get3A_1930 = arith.constant 24 : i32
        %get3A_1931 = arith.index_cast %get3A_1929 : i32 to index
        %get3A_1932 = arith.index_cast %scan3A_163 : i32 to index
        %get3A_1933 = arith.index_cast %get3A_1930 : i32 to index
        %get3A_1934 = arith.constant 80 : index
        %get3A_1935 = tpu.vector_load %arg4[%get3A_1931, %get3A_1932, %get3A_1933, %get3A_1934] {strides = array<i32>} : memref<2x5x32x128xf32, #tpu.memory_space<vmem>>, vector<1x1x1x16xf32>,
        %get3A_1936 = vector.shape_cast %get3A_1935 : vector<1x1x1x16xf32> to vector<16xf32>
        %add3A_1937 = arith.addf %add3A_1865, %get3A_1936 : vector<16xf32>
        %get3A_1938 = arith.constant 0 : i32
        %get3A_1939 = arith.constant 24 : i32
        %get3A_1940 = arith.index_cast %get3A_1938 : i32 to index
        %get3A_1941 = arith.index_cast %scan3A_163 : i32 to index
        %get3A_1942 = arith.index_cast %get3A_1939 : i32 to index
        %get3A_1943 = arith.constant 96 : index
        %get3A_1944 = tpu.vector_load %arg4[%get3A_1940, %get3A_1941, %get3A_1942, %get3A_1943] {strides = array<i32>} : memref<2x5x32x128xf32, #tpu.memory_space<vmem>>, vector<1x1x1x16xf32>,
        %get3A_1945 = vector.shape_cast %get3A_1944 : vector<1x1x1x16xf32> to vector<16xf32>
        %add3A_1946 = arith.addf %add3A_1874, %get3A_1945 : vector<16xf32>
        %get3A_1947 = arith.constant 0 : i32
        %get3A_1948 = arith.constant 24 : i32
        %get3A_1949 = arith.index_cast %get3A_1947 : i32 to index
        %get3A_1950 = arith.index_cast %scan3A_163 : i32 to index
        %get3A_1951 = arith.index_cast %get3A_1948 : i32 to index
        %get3A_1952 = arith.constant 112 : index
        %get3A_1953 = tpu.vector_load %arg4[%get3A_1949, %get3A_1950, %get3A_1951, %get3A_1952] {strides = array<i32>} : memref<2x5x32x128xf32, #tpu.memory_space<vmem>>, vector<1x1x1x16xf32>,
        %get3A_1954 = vector.shape_cast %get3A_1953 : vector<1x1x1x16xf32> to vector<16xf32>
        %add3A_1955 = arith.addf %add3A_1883, %get3A_1954 : vector<16xf32>
        %get3A_1956 = arith.constant 0 : i32
        %get3A_1957 = arith.constant 25 : i32
        %get3A_1958 = arith.index_cast %get3A_1956 : i32 to index
        %get3A_1959 = arith.index_cast %scan3A_163 : i32 to index
        %get3A_1960 = arith.index_cast %get3A_1957 : i32 to index
        %get3A_1961 = arith.constant 0 : index
        %get3A_1962 = tpu.vector_load %arg4[%get3A_1958, %get3A_1959, %get3A_1960, %get3A_1961] {strides = array<i32>} : memref<2x5x32x128xf32, #tpu.memory_space<vmem>>, vector<1x1x1x16xf32>,
        %get3A_1963 = vector.shape_cast %get3A_1962 : vector<1x1x1x16xf32> to vector<16xf32>
        %add3A_1964 = arith.addf %add3A_1892, %get3A_1963 : vector<16xf32>
        %get3A_1965 = arith.constant 0 : i32
        %get3A_1966 = arith.constant 25 : i32
        %get3A_1967 = arith.index_cast %get3A_1965 : i32 to index
        %get3A_1968 = arith.index_cast %scan3A_163 : i32 to index
        %get3A_1969 = arith.index_cast %get3A_1966 : i32 to index
        %get3A_1970 = arith.constant 16 : index
        %get3A_1971 = tpu.vector_load %arg4[%get3A_1967, %get3A_1968, %get3A_1969, %get3A_1970] {strides = array<i32>} : memref<2x5x32x128xf32, #tpu.memory_space<vmem>>, vector<1x1x1x16xf32>,
        %get3A_1972 = vector.shape_cast %get3A_1971 : vector<1x1x1x16xf32> to vector<16xf32>
        %add3A_1973 = arith.addf %add3A_1901, %get3A_1972 : vector<16xf32>
        %get3A_1974 = arith.constant 0 : i32
        %get3A_1975 = arith.constant 25 : i32
        %get3A_1976 = arith.index_cast %get3A_1974 : i32 to index
        %get3A_1977 = arith.index_cast %scan3A_163 : i32 to index
        %get3A_1978 = arith.index_cast %get3A_1975 : i32 to index
        %get3A_1979 = arith.constant 32 : index
        %get3A_1980 = tpu.vector_load %arg4[%get3A_1976, %get3A_1977, %get3A_1978, %get3A_1979] {strides = array<i32>} : memref<2x5x32x128xf32, #tpu.memory_space<vmem>>, vector<1x1x1x16xf32>,
        %get3A_1981 = vector.shape_cast %get3A_1980 : vector<1x1x1x16xf32> to vector<16xf32>
        %add3A_1982 = arith.addf %add3A_1910, %get3A_1981 : vector<16xf32>
        %get3A_1983 = arith.constant 0 : i32
        %get3A_1984 = arith.constant 25 : i32
        %get3A_1985 = arith.index_cast %get3A_1983 : i32 to index
        %get3A_1986 = arith.index_cast %scan3A_163 : i32 to index
        %get3A_1987 = arith.index_cast %get3A_1984 : i32 to index
        %get3A_1988 = arith.constant 48 : index
        %get3A_1989 = tpu.vector_load %arg4[%get3A_1985, %get3A_1986, %get3A_1987, %get3A_1988] {strides = array<i32>} : memref<2x5x32x128xf32, #tpu.memory_space<vmem>>, vector<1x1x1x16xf32>,
        %get3A_1990 = vector.shape_cast %get3A_1989 : vector<1x1x1x16xf32> to vector<16xf32>
        %add3A_1991 = arith.addf %add3A_1919, %get3A_1990 : vector<16xf32>
        %get3A_1992 = arith.constant 0 : i32
        %get3A_1993 = arith.constant 25 : i32
        %get3A_1994 = arith.index_cast %get3A_1992 : i32 to index
        %get3A_1995 = arith.index_cast %scan3A_163 : i32 to index
        %get3A_1996 = arith.index_cast %get3A_1993 : i32 to index
        %get3A_1997 = arith.constant 64 : index
        %get3A_1998 = tpu.vector_load %arg4[%get3A_1994, %get3A_1995, %get3A_1996, %get3A_1997] {strides = array<i32>} : memref<2x5x32x128xf32, #tpu.memory_space<vmem>>, vector<1x1x1x16xf32>,
        %get3A_1999 = vector.shape_cast %get3A_1998 : vector<1x1x1x16xf32> to vector<16xf32>
        %add3A_2000 = arith.addf %add3A_1928, %get3A_1999 : vector<16xf32>
        %get3A_2001 = arith.constant 0 : i32
        %get3A_2002 = arith.constant 25 : i32
        %get3A_2003 = arith.index_cast %get3A_2001 : i32 to index
        %get3A_2004 = arith.index_cast %scan3A_163 : i32 to index
        %get3A_2005 = arith.index_cast %get3A_2002 : i32 to index
        %get3A_2006 = arith.constant 80 : index
        %get3A_2007 = tpu.vector_load %arg4[%get3A_2003, %get3A_2004, %get3A_2005, %get3A_2006] {strides = array<i32>} : memref<2x5x32x128xf32, #tpu.memory_space<vmem>>, vector<1x1x1x16xf32>,
        %get3A_2008 = vector.shape_cast %get3A_2007 : vector<1x1x1x16xf32> to vector<16xf32>
        %add3A_2009 = arith.addf %add3A_1937, %get3A_2008 : vector<16xf32>
        %get3A_2010 = arith.constant 0 : i32
        %get3A_2011 = arith.constant 25 : i32
        %get3A_2012 = arith.index_cast %get3A_2010 : i32 to index
        %get3A_2013 = arith.index_cast %scan3A_163 : i32 to index
        %get3A_2014 = arith.index_cast %get3A_2011 : i32 to index
        %get3A_2015 = arith.constant 96 : index
        %get3A_2016 = tpu.vector_load %arg4[%get3A_2012, %get3A_2013, %get3A_2014, %get3A_2015] {strides = array<i32>} : memref<2x5x32x128xf32, #tpu.memory_space<vmem>>, vector<1x1x1x16xf32>,
        %get3A_2017 = vector.shape_cast %get3A_2016 : vector<1x1x1x16xf32> to vector<16xf32>
        %add3A_2018 = arith.addf %add3A_1946, %get3A_2017 : vector<16xf32>
        %get3A_2019 = arith.constant 0 : i32
        %get3A_2020 = arith.constant 25 : i32
        %get3A_2021 = arith.index_cast %get3A_2019 : i32 to index
        %get3A_2022 = arith.index_cast %scan3A_163 : i32 to index
        %get3A_2023 = arith.index_cast %get3A_2020 : i32 to index
        %get3A_2024 = arith.constant 112 : index
        %get3A_2025 = tpu.vector_load %arg4[%get3A_2021, %get3A_2022, %get3A_2023, %get3A_2024] {strides = array<i32>} : memref<2x5x32x128xf32, #tpu.memory_space<vmem>>, vector<1x1x1x16xf32>,
        %get3A_2026 = vector.shape_cast %get3A_2025 : vector<1x1x1x16xf32> to vector<16xf32>
        %add3A_2027 = arith.addf %add3A_1955, %get3A_2026 : vector<16xf32>
        %get3A_2028 = arith.constant 0 : i32
        %get3A_2029 = arith.constant 26 : i32
        %get3A_2030 = arith.index_cast %get3A_2028 : i32 to index
        %get3A_2031 = arith.index_cast %scan3A_163 : i32 to index
        %get3A_2032 = arith.index_cast %get3A_2029 : i32 to index
        %get3A_2033 = arith.constant 0 : index
        %get3A_2034 = tpu.vector_load %arg4[%get3A_2030, %get3A_2031, %get3A_2032, %get3A_2033] {strides = array<i32>} : memref<2x5x32x128xf32, #tpu.memory_space<vmem>>, vector<1x1x1x16xf32>,
        %get3A_2035 = vector.shape_cast %get3A_2034 : vector<1x1x1x16xf32> to vector<16xf32>
        %add3A_2036 = arith.addf %add3A_1964, %get3A_2035 : vector<16xf32>
        %get3A_2037 = arith.constant 0 : i32
        %get3A_2038 = arith.constant 26 : i32
        %get3A_2039 = arith.index_cast %get3A_2037 : i32 to index
        %get3A_2040 = arith.index_cast %scan3A_163 : i32 to index
        %get3A_2041 = arith.index_cast %get3A_2038 : i32 to index
        %get3A_2042 = arith.constant 16 : index
        %get3A_2043 = tpu.vector_load %arg4[%get3A_2039, %get3A_2040, %get3A_2041, %get3A_2042] {strides = array<i32>} : memref<2x5x32x128xf32, #tpu.memory_space<vmem>>, vector<1x1x1x16xf32>,
        %get3A_2044 = vector.shape_cast %get3A_2043 : vector<1x1x1x16xf32> to vector<16xf32>
        %add3A_2045 = arith.addf %add3A_1973, %get3A_2044 : vector<16xf32>
        %get3A_2046 = arith.constant 0 : i32
        %get3A_2047 = arith.constant 26 : i32
        %get3A_2048 = arith.index_cast %get3A_2046 : i32 to index
        %get3A_2049 = arith.index_cast %scan3A_163 : i32 to index
        %get3A_2050 = arith.index_cast %get3A_2047 : i32 to index
        %get3A_2051 = arith.constant 32 : index
        %get3A_2052 = tpu.vector_load %arg4[%get3A_2048, %get3A_2049, %get3A_2050, %get3A_2051] {strides = array<i32>} : memref<2x5x32x128xf32, #tpu.memory_space<vmem>>, vector<1x1x1x16xf32>,
        %get3A_2053 = vector.shape_cast %get3A_2052 : vector<1x1x1x16xf32> to vector<16xf32>
        %add3A_2054 = arith.addf %add3A_1982, %get3A_2053 : vector<16xf32>
        %get3A_2055 = arith.constant 0 : i32
        %get3A_2056 = arith.constant 26 : i32
        %get3A_2057 = arith.index_cast %get3A_2055 : i32 to index
        %get3A_2058 = arith.index_cast %scan3A_163 : i32 to index
        %get3A_2059 = arith.index_cast %get3A_2056 : i32 to index
        %get3A_2060 = arith.constant 48 : index
        %get3A_2061 = tpu.vector_load %arg4[%get3A_2057, %get3A_2058, %get3A_2059, %get3A_2060] {strides = array<i32>} : memref<2x5x32x128xf32, #tpu.memory_space<vmem>>, vector<1x1x1x16xf32>,
        %get3A_2062 = vector.shape_cast %get3A_2061 : vector<1x1x1x16xf32> to vector<16xf32>
        %add3A_2063 = arith.addf %add3A_1991, %get3A_2062 : vector<16xf32>
        %get3A_2064 = arith.constant 0 : i32
        %get3A_2065 = arith.constant 26 : i32
        %get3A_2066 = arith.index_cast %get3A_2064 : i32 to index
        %get3A_2067 = arith.index_cast %scan3A_163 : i32 to index
        %get3A_2068 = arith.index_cast %get3A_2065 : i32 to index
        %get3A_2069 = arith.constant 64 : index
        %get3A_2070 = tpu.vector_load %arg4[%get3A_2066, %get3A_2067, %get3A_2068, %get3A_2069] {strides = array<i32>} : memref<2x5x32x128xf32, #tpu.memory_space<vmem>>, vector<1x1x1x16xf32>,
        %get3A_2071 = vector.shape_cast %get3A_2070 : vector<1x1x1x16xf32> to vector<16xf32>
        %add3A_2072 = arith.addf %add3A_2000, %get3A_2071 : vector<16xf32>
        %get3A_2073 = arith.constant 0 : i32
        %get3A_2074 = arith.constant 26 : i32
        %get3A_2075 = arith.index_cast %get3A_2073 : i32 to index
        %get3A_2076 = arith.index_cast %scan3A_163 : i32 to index
        %get3A_2077 = arith.index_cast %get3A_2074 : i32 to index
        %get3A_2078 = arith.constant 80 : index
        %get3A_2079 = tpu.vector_load %arg4[%get3A_2075, %get3A_2076, %get3A_2077, %get3A_2078] {strides = array<i32>} : memref<2x5x32x128xf32, #tpu.memory_space<vmem>>, vector<1x1x1x16xf32>,
        %get3A_2080 = vector.shape_cast %get3A_2079 : vector<1x1x1x16xf32> to vector<16xf32>
        %add3A_2081 = arith.addf %add3A_2009, %get3A_2080 : vector<16xf32>
        %get3A_2082 = arith.constant 0 : i32
        %get3A_2083 = arith.constant 26 : i32
        %get3A_2084 = arith.index_cast %get3A_2082 : i32 to index
        %get3A_2085 = arith.index_cast %scan3A_163 : i32 to index
        %get3A_2086 = arith.index_cast %get3A_2083 : i32 to index
        %get3A_2087 = arith.constant 96 : index
        %get3A_2088 = tpu.vector_load %arg4[%get3A_2084, %get3A_2085, %get3A_2086, %get3A_2087] {strides = array<i32>} : memref<2x5x32x128xf32, #tpu.memory_space<vmem>>, vector<1x1x1x16xf32>,
        %get3A_2089 = vector.shape_cast %get3A_2088 : vector<1x1x1x16xf32> to vector<16xf32>
        %add3A_2090 = arith.addf %add3A_2018, %get3A_2089 : vector<16xf32>
        %get3A_2091 = arith.constant 0 : i32
        %get3A_2092 = arith.constant 26 : i32
        %get3A_2093 = arith.index_cast %get3A_2091 : i32 to index
        %get3A_2094 = arith.index_cast %scan3A_163 : i32 to index
        %get3A_2095 = arith.index_cast %get3A_2092 : i32 to index
        %get3A_2096 = arith.constant 112 : index
        %get3A_2097 = tpu.vector_load %arg4[%get3A_2093, %get3A_2094, %get3A_2095, %get3A_2096] {strides = array<i32>} : memref<2x5x32x128xf32, #tpu.memory_space<vmem>>, vector<1x1x1x16xf32>,
        %get3A_2098 = vector.shape_cast %get3A_2097 : vector<1x1x1x16xf32> to vector<16xf32>
        %add3A_2099 = arith.addf %add3A_2027, %get3A_2098 : vector<16xf32>
        %get3A_2100 = arith.constant 0 : i32
        %get3A_2101 = arith.constant 27 : i32
        %get3A_2102 = arith.index_cast %get3A_2100 : i32 to index
        %get3A_2103 = arith.index_cast %scan3A_163 : i32 to index
        %get3A_2104 = arith.index_cast %get3A_2101 : i32 to index
        %get3A_2105 = arith.constant 0 : index
        %get3A_2106 = tpu.vector_load %arg4[%get3A_2102, %get3A_2103, %get3A_2104, %get3A_2105] {strides = array<i32>} : memref<2x5x32x128xf32, #tpu.memory_space<vmem>>, vector<1x1x1x16xf32>,
        %get3A_2107 = vector.shape_cast %get3A_2106 : vector<1x1x1x16xf32> to vector<16xf32>
        %add3A_2108 = arith.addf %add3A_2036, %get3A_2107 : vector<16xf32>
        %get3A_2109 = arith.constant 0 : i32
        %get3A_2110 = arith.constant 27 : i32
        %get3A_2111 = arith.index_cast %get3A_2109 : i32 to index
        %get3A_2112 = arith.index_cast %scan3A_163 : i32 to index
        %get3A_2113 = arith.index_cast %get3A_2110 : i32 to index
        %get3A_2114 = arith.constant 16 : index
        %get3A_2115 = tpu.vector_load %arg4[%get3A_2111, %get3A_2112, %get3A_2113, %get3A_2114] {strides = array<i32>} : memref<2x5x32x128xf32, #tpu.memory_space<vmem>>, vector<1x1x1x16xf32>,
        %get3A_2116 = vector.shape_cast %get3A_2115 : vector<1x1x1x16xf32> to vector<16xf32>
        %add3A_2117 = arith.addf %add3A_2045, %get3A_2116 : vector<16xf32>
        %get3A_2118 = arith.constant 0 : i32
        %get3A_2119 = arith.constant 27 : i32
        %get3A_2120 = arith.index_cast %get3A_2118 : i32 to index
        %get3A_2121 = arith.index_cast %scan3A_163 : i32 to index
        %get3A_2122 = arith.index_cast %get3A_2119 : i32 to index
        %get3A_2123 = arith.constant 32 : index
        %get3A_2124 = tpu.vector_load %arg4[%get3A_2120, %get3A_2121, %get3A_2122, %get3A_2123] {strides = array<i32>} : memref<2x5x32x128xf32, #tpu.memory_space<vmem>>, vector<1x1x1x16xf32>,
        %get3A_2125 = vector.shape_cast %get3A_2124 : vector<1x1x1x16xf32> to vector<16xf32>
        %add3A_2126 = arith.addf %add3A_2054, %get3A_2125 : vector<16xf32>
        %get3A_2127 = arith.constant 0 : i32
        %get3A_2128 = arith.constant 27 : i32
        %get3A_2129 = arith.index_cast %get3A_2127 : i32 to index
        %get3A_2130 = arith.index_cast %scan3A_163 : i32 to index
        %get3A_2131 = arith.index_cast %get3A_2128 : i32 to index
        %get3A_2132 = arith.constant 48 : index
        %get3A_2133 = tpu.vector_load %arg4[%get3A_2129, %get3A_2130, %get3A_2131, %get3A_2132] {strides = array<i32>} : memref<2x5x32x128xf32, #tpu.memory_space<vmem>>, vector<1x1x1x16xf32>,
        %get3A_2134 = vector.shape_cast %get3A_2133 : vector<1x1x1x16xf32> to vector<16xf32>
        %add3A_2135 = arith.addf %add3A_2063, %get3A_2134 : vector<16xf32>
        %get3A_2136 = arith.constant 0 : i32
        %get3A_2137 = arith.constant 27 : i32
        %get3A_2138 = arith.index_cast %get3A_2136 : i32 to index
        %get3A_2139 = arith.index_cast %scan3A_163 : i32 to index
        %get3A_2140 = arith.index_cast %get3A_2137 : i32 to index
        %get3A_2141 = arith.constant 64 : index
        %get3A_2142 = tpu.vector_load %arg4[%get3A_2138, %get3A_2139, %get3A_2140, %get3A_2141] {strides = array<i32>} : memref<2x5x32x128xf32, #tpu.memory_space<vmem>>, vector<1x1x1x16xf32>,
        %get3A_2143 = vector.shape_cast %get3A_2142 : vector<1x1x1x16xf32> to vector<16xf32>
        %add3A_2144 = arith.addf %add3A_2072, %get3A_2143 : vector<16xf32>
        %get3A_2145 = arith.constant 0 : i32
        %get3A_2146 = arith.constant 27 : i32
        %get3A_2147 = arith.index_cast %get3A_2145 : i32 to index
        %get3A_2148 = arith.index_cast %scan3A_163 : i32 to index
        %get3A_2149 = arith.index_cast %get3A_2146 : i32 to index
        %get3A_2150 = arith.constant 80 : index
        %get3A_2151 = tpu.vector_load %arg4[%get3A_2147, %get3A_2148, %get3A_2149, %get3A_2150] {strides = array<i32>} : memref<2x5x32x128xf32, #tpu.memory_space<vmem>>, vector<1x1x1x16xf32>,
        %get3A_2152 = vector.shape_cast %get3A_2151 : vector<1x1x1x16xf32> to vector<16xf32>
        %add3A_2153 = arith.addf %add3A_2081, %get3A_2152 : vector<16xf32>
        %get3A_2154 = arith.constant 0 : i32
        %get3A_2155 = arith.constant 27 : i32
        %get3A_2156 = arith.index_cast %get3A_2154 : i32 to index
        %get3A_2157 = arith.index_cast %scan3A_163 : i32 to index
        %get3A_2158 = arith.index_cast %get3A_2155 : i32 to index
        %get3A_2159 = arith.constant 96 : index
        %get3A_2160 = tpu.vector_load %arg4[%get3A_2156, %get3A_2157, %get3A_2158, %get3A_2159] {strides = array<i32>} : memref<2x5x32x128xf32, #tpu.memory_space<vmem>>, vector<1x1x1x16xf32>,
        %get3A_2161 = vector.shape_cast %get3A_2160 : vector<1x1x1x16xf32> to vector<16xf32>
        %add3A_2162 = arith.addf %add3A_2090, %get3A_2161 : vector<16xf32>
        %get3A_2163 = arith.constant 0 : i32
        %get3A_2164 = arith.constant 27 : i32
        %get3A_2165 = arith.index_cast %get3A_2163 : i32 to index
        %get3A_2166 = arith.index_cast %scan3A_163 : i32 to index
        %get3A_2167 = arith.index_cast %get3A_2164 : i32 to index
        %get3A_2168 = arith.constant 112 : index
        %get3A_2169 = tpu.vector_load %arg4[%get3A_2165, %get3A_2166, %get3A_2167, %get3A_2168] {strides = array<i32>} : memref<2x5x32x128xf32, #tpu.memory_space<vmem>>, vector<1x1x1x16xf32>,
        %get3A_2170 = vector.shape_cast %get3A_2169 : vector<1x1x1x16xf32> to vector<16xf32>
        %add3A_2171 = arith.addf %add3A_2099, %get3A_2170 : vector<16xf32>
        %get3A_2172 = arith.constant 0 : i32
        %get3A_2173 = arith.constant 28 : i32
        %get3A_2174 = arith.index_cast %get3A_2172 : i32 to index
        %get3A_2175 = arith.index_cast %scan3A_163 : i32 to index
        %get3A_2176 = arith.index_cast %get3A_2173 : i32 to index
        %get3A_2177 = arith.constant 0 : index
        %get3A_2178 = tpu.vector_load %arg4[%get3A_2174, %get3A_2175, %get3A_2176, %get3A_2177] {strides = array<i32>} : memref<2x5x32x128xf32, #tpu.memory_space<vmem>>, vector<1x1x1x16xf32>,
        %get3A_2179 = vector.shape_cast %get3A_2178 : vector<1x1x1x16xf32> to vector<16xf32>
        %add3A_2180 = arith.addf %add3A_2108, %get3A_2179 : vector<16xf32>
        %get3A_2181 = arith.constant 0 : i32
        %get3A_2182 = arith.constant 28 : i32
        %get3A_2183 = arith.index_cast %get3A_2181 : i32 to index
        %get3A_2184 = arith.index_cast %scan3A_163 : i32 to index
        %get3A_2185 = arith.index_cast %get3A_2182 : i32 to index
        %get3A_2186 = arith.constant 16 : index
        %get3A_2187 = tpu.vector_load %arg4[%get3A_2183, %get3A_2184, %get3A_2185, %get3A_2186] {strides = array<i32>} : memref<2x5x32x128xf32, #tpu.memory_space<vmem>>, vector<1x1x1x16xf32>,
        %get3A_2188 = vector.shape_cast %get3A_2187 : vector<1x1x1x16xf32> to vector<16xf32>
        %add3A_2189 = arith.addf %add3A_2117, %get3A_2188 : vector<16xf32>
        %get3A_2190 = arith.constant 0 : i32
        %get3A_2191 = arith.constant 28 : i32
        %get3A_2192 = arith.index_cast %get3A_2190 : i32 to index
        %get3A_2193 = arith.index_cast %scan3A_163 : i32 to index
        %get3A_2194 = arith.index_cast %get3A_2191 : i32 to index
        %get3A_2195 = arith.constant 32 : index
        %get3A_2196 = tpu.vector_load %arg4[%get3A_2192, %get3A_2193, %get3A_2194, %get3A_2195] {strides = array<i32>} : memref<2x5x32x128xf32, #tpu.memory_space<vmem>>, vector<1x1x1x16xf32>,
        %get3A_2197 = vector.shape_cast %get3A_2196 : vector<1x1x1x16xf32> to vector<16xf32>
        %add3A_2198 = arith.addf %add3A_2126, %get3A_2197 : vector<16xf32>
        %get3A_2199 = arith.constant 0 : i32
        %get3A_2200 = arith.constant 28 : i32
        %get3A_2201 = arith.index_cast %get3A_2199 : i32 to index
        %get3A_2202 = arith.index_cast %scan3A_163 : i32 to index
        %get3A_2203 = arith.index_cast %get3A_2200 : i32 to index
        %get3A_2204 = arith.constant 48 : index
        %get3A_2205 = tpu.vector_load %arg4[%get3A_2201, %get3A_2202, %get3A_2203, %get3A_2204] {strides = array<i32>} : memref<2x5x32x128xf32, #tpu.memory_space<vmem>>, vector<1x1x1x16xf32>,
        %get3A_2206 = vector.shape_cast %get3A_2205 : vector<1x1x1x16xf32> to vector<16xf32>
        %add3A_2207 = arith.addf %add3A_2135, %get3A_2206 : vector<16xf32>
        %get3A_2208 = arith.constant 0 : i32
        %get3A_2209 = arith.constant 28 : i32
        %get3A_2210 = arith.index_cast %get3A_2208 : i32 to index
        %get3A_2211 = arith.index_cast %scan3A_163 : i32 to index
        %get3A_2212 = arith.index_cast %get3A_2209 : i32 to index
        %get3A_2213 = arith.constant 64 : index
        %get3A_2214 = tpu.vector_load %arg4[%get3A_2210, %get3A_2211, %get3A_2212, %get3A_2213] {strides = array<i32>} : memref<2x5x32x128xf32, #tpu.memory_space<vmem>>, vector<1x1x1x16xf32>,
        %get3A_2215 = vector.shape_cast %get3A_2214 : vector<1x1x1x16xf32> to vector<16xf32>
        %add3A_2216 = arith.addf %add3A_2144, %get3A_2215 : vector<16xf32>
        %get3A_2217 = arith.constant 0 : i32
        %get3A_2218 = arith.constant 28 : i32
        %get3A_2219 = arith.index_cast %get3A_2217 : i32 to index
        %get3A_2220 = arith.index_cast %scan3A_163 : i32 to index
        %get3A_2221 = arith.index_cast %get3A_2218 : i32 to index
        %get3A_2222 = arith.constant 80 : index
        %get3A_2223 = tpu.vector_load %arg4[%get3A_2219, %get3A_2220, %get3A_2221, %get3A_2222] {strides = array<i32>} : memref<2x5x32x128xf32, #tpu.memory_space<vmem>>, vector<1x1x1x16xf32>,
        %get3A_2224 = vector.shape_cast %get3A_2223 : vector<1x1x1x16xf32> to vector<16xf32>
        %add3A_2225 = arith.addf %add3A_2153, %get3A_2224 : vector<16xf32>
        %get3A_2226 = arith.constant 0 : i32
        %get3A_2227 = arith.constant 28 : i32
        %get3A_2228 = arith.index_cast %get3A_2226 : i32 to index
        %get3A_2229 = arith.index_cast %scan3A_163 : i32 to index
        %get3A_2230 = arith.index_cast %get3A_2227 : i32 to index
        %get3A_2231 = arith.constant 96 : index
        %get3A_2232 = tpu.vector_load %arg4[%get3A_2228, %get3A_2229, %get3A_2230, %get3A_2231] {strides = array<i32>} : memref<2x5x32x128xf32, #tpu.memory_space<vmem>>, vector<1x1x1x16xf32>,
        %get3A_2233 = vector.shape_cast %get3A_2232 : vector<1x1x1x16xf32> to vector<16xf32>
        %add3A_2234 = arith.addf %add3A_2162, %get3A_2233 : vector<16xf32>
        %get3A_2235 = arith.constant 0 : i32
        %get3A_2236 = arith.constant 28 : i32
        %get3A_2237 = arith.index_cast %get3A_2235 : i32 to index
        %get3A_2238 = arith.index_cast %scan3A_163 : i32 to index
        %get3A_2239 = arith.index_cast %get3A_2236 : i32 to index
        %get3A_2240 = arith.constant 112 : index
        %get3A_2241 = tpu.vector_load %arg4[%get3A_2237, %get3A_2238, %get3A_2239, %get3A_2240] {strides = array<i32>} : memref<2x5x32x128xf32, #tpu.memory_space<vmem>>, vector<1x1x1x16xf32>,
        %get3A_2242 = vector.shape_cast %get3A_2241 : vector<1x1x1x16xf32> to vector<16xf32>
        %add3A_2243 = arith.addf %add3A_2171, %get3A_2242 : vector<16xf32>
        %get3A_2244 = arith.constant 0 : i32
        %get3A_2245 = arith.constant 29 : i32
        %get3A_2246 = arith.index_cast %get3A_2244 : i32 to index
        %get3A_2247 = arith.index_cast %scan3A_163 : i32 to index
        %get3A_2248 = arith.index_cast %get3A_2245 : i32 to index
        %get3A_2249 = arith.constant 0 : index
        %get3A_2250 = tpu.vector_load %arg4[%get3A_2246, %get3A_2247, %get3A_2248, %get3A_2249] {strides = array<i32>} : memref<2x5x32x128xf32, #tpu.memory_space<vmem>>, vector<1x1x1x16xf32>,
        %get3A_2251 = vector.shape_cast %get3A_2250 : vector<1x1x1x16xf32> to vector<16xf32>
        %add3A_2252 = arith.addf %add3A_2180, %get3A_2251 : vector<16xf32>
        %get3A_2253 = arith.constant 0 : i32
        %get3A_2254 = arith.constant 29 : i32
        %get3A_2255 = arith.index_cast %get3A_2253 : i32 to index
        %get3A_2256 = arith.index_cast %scan3A_163 : i32 to index
        %get3A_2257 = arith.index_cast %get3A_2254 : i32 to index
        %get3A_2258 = arith.constant 16 : index
        %get3A_2259 = tpu.vector_load %arg4[%get3A_2255, %get3A_2256, %get3A_2257, %get3A_2258] {strides = array<i32>} : memref<2x5x32x128xf32, #tpu.memory_space<vmem>>, vector<1x1x1x16xf32>,
        %get3A_2260 = vector.shape_cast %get3A_2259 : vector<1x1x1x16xf32> to vector<16xf32>
        %add3A_2261 = arith.addf %add3A_2189, %get3A_2260 : vector<16xf32>
        %get3A_2262 = arith.constant 0 : i32
        %get3A_2263 = arith.constant 29 : i32
        %get3A_2264 = arith.index_cast %get3A_2262 : i32 to index
        %get3A_2265 = arith.index_cast %scan3A_163 : i32 to index
        %get3A_2266 = arith.index_cast %get3A_2263 : i32 to index
        %get3A_2267 = arith.constant 32 : index
        %get3A_2268 = tpu.vector_load %arg4[%get3A_2264, %get3A_2265, %get3A_2266, %get3A_2267] {strides = array<i32>} : memref<2x5x32x128xf32, #tpu.memory_space<vmem>>, vector<1x1x1x16xf32>,
        %get3A_2269 = vector.shape_cast %get3A_2268 : vector<1x1x1x16xf32> to vector<16xf32>
        %add3A_2270 = arith.addf %add3A_2198, %get3A_2269 : vector<16xf32>
        %get3A_2271 = arith.constant 0 : i32
        %get3A_2272 = arith.constant 29 : i32
        %get3A_2273 = arith.index_cast %get3A_2271 : i32 to index
        %get3A_2274 = arith.index_cast %scan3A_163 : i32 to index
        %get3A_2275 = arith.index_cast %get3A_2272 : i32 to index
        %get3A_2276 = arith.constant 48 : index
        %get3A_2277 = tpu.vector_load %arg4[%get3A_2273, %get3A_2274, %get3A_2275, %get3A_2276] {strides = array<i32>} : memref<2x5x32x128xf32, #tpu.memory_space<vmem>>, vector<1x1x1x16xf32>,
        %get3A_2278 = vector.shape_cast %get3A_2277 : vector<1x1x1x16xf32> to vector<16xf32>
        %add3A_2279 = arith.addf %add3A_2207, %get3A_2278 : vector<16xf32>
        %get3A_2280 = arith.constant 0 : i32
        %get3A_2281 = arith.constant 29 : i32
        %get3A_2282 = arith.index_cast %get3A_2280 : i32 to index
        %get3A_2283 = arith.index_cast %scan3A_163 : i32 to index
        %get3A_2284 = arith.index_cast %get3A_2281 : i32 to index
        %get3A_2285 = arith.constant 64 : index
        %get3A_2286 = tpu.vector_load %arg4[%get3A_2282, %get3A_2283, %get3A_2284, %get3A_2285] {strides = array<i32>} : memref<2x5x32x128xf32, #tpu.memory_space<vmem>>, vector<1x1x1x16xf32>,
        %get3A_2287 = vector.shape_cast %get3A_2286 : vector<1x1x1x16xf32> to vector<16xf32>
        %add3A_2288 = arith.addf %add3A_2216, %get3A_2287 : vector<16xf32>
        %get3A_2289 = arith.constant 0 : i32
        %get3A_2290 = arith.constant 29 : i32
        %get3A_2291 = arith.index_cast %get3A_2289 : i32 to index
        %get3A_2292 = arith.index_cast %scan3A_163 : i32 to index
        %get3A_2293 = arith.index_cast %get3A_2290 : i32 to index
        %get3A_2294 = arith.constant 80 : index
        %get3A_2295 = tpu.vector_load %arg4[%get3A_2291, %get3A_2292, %get3A_2293, %get3A_2294] {strides = array<i32>} : memref<2x5x32x128xf32, #tpu.memory_space<vmem>>, vector<1x1x1x16xf32>,
        %get3A_2296 = vector.shape_cast %get3A_2295 : vector<1x1x1x16xf32> to vector<16xf32>
        %add3A_2297 = arith.addf %add3A_2225, %get3A_2296 : vector<16xf32>
        %get3A_2298 = arith.constant 0 : i32
        %get3A_2299 = arith.constant 29 : i32
        %get3A_2300 = arith.index_cast %get3A_2298 : i32 to index
        %get3A_2301 = arith.index_cast %scan3A_163 : i32 to index
        %get3A_2302 = arith.index_cast %get3A_2299 : i32 to index
        %get3A_2303 = arith.constant 96 : index
        %get3A_2304 = tpu.vector_load %arg4[%get3A_2300, %get3A_2301, %get3A_2302, %get3A_2303] {strides = array<i32>} : memref<2x5x32x128xf32, #tpu.memory_space<vmem>>, vector<1x1x1x16xf32>,
        %get3A_2305 = vector.shape_cast %get3A_2304 : vector<1x1x1x16xf32> to vector<16xf32>
        %add3A_2306 = arith.addf %add3A_2234, %get3A_2305 : vector<16xf32>
        %get3A_2307 = arith.constant 0 : i32
        %get3A_2308 = arith.constant 29 : i32
        %get3A_2309 = arith.index_cast %get3A_2307 : i32 to index
        %get3A_2310 = arith.index_cast %scan3A_163 : i32 to index
        %get3A_2311 = arith.index_cast %get3A_2308 : i32 to index
        %get3A_2312 = arith.constant 112 : index
        %get3A_2313 = tpu.vector_load %arg4[%get3A_2309, %get3A_2310, %get3A_2311, %get3A_2312] {strides = array<i32>} : memref<2x5x32x128xf32, #tpu.memory_space<vmem>>, vector<1x1x1x16xf32>,
        %get3A_2314 = vector.shape_cast %get3A_2313 : vector<1x1x1x16xf32> to vector<16xf32>
        %add3A_2315 = arith.addf %add3A_2243, %get3A_2314 : vector<16xf32>
        %get3A_2316 = arith.constant 0 : i32
        %get3A_2317 = arith.constant 30 : i32
        %get3A_2318 = arith.index_cast %get3A_2316 : i32 to index
        %get3A_2319 = arith.index_cast %scan3A_163 : i32 to index
        %get3A_2320 = arith.index_cast %get3A_2317 : i32 to index
        %get3A_2321 = arith.constant 0 : index
        %get3A_2322 = tpu.vector_load %arg4[%get3A_2318, %get3A_2319, %get3A_2320, %get3A_2321] {strides = array<i32>} : memref<2x5x32x128xf32, #tpu.memory_space<vmem>>, vector<1x1x1x16xf32>,
        %get3A_2323 = vector.shape_cast %get3A_2322 : vector<1x1x1x16xf32> to vector<16xf32>
        %add3A_2324 = arith.addf %add3A_2252, %get3A_2323 : vector<16xf32>
        %get3A_2325 = arith.constant 0 : i32
        %get3A_2326 = arith.constant 30 : i32
        %get3A_2327 = arith.index_cast %get3A_2325 : i32 to index
        %get3A_2328 = arith.index_cast %scan3A_163 : i32 to index
        %get3A_2329 = arith.index_cast %get3A_2326 : i32 to index
        %get3A_2330 = arith.constant 16 : index
        %get3A_2331 = tpu.vector_load %arg4[%get3A_2327, %get3A_2328, %get3A_2329, %get3A_2330] {strides = array<i32>} : memref<2x5x32x128xf32, #tpu.memory_space<vmem>>, vector<1x1x1x16xf32>,
        %get3A_2332 = vector.shape_cast %get3A_2331 : vector<1x1x1x16xf32> to vector<16xf32>
        %add3A_2333 = arith.addf %add3A_2261, %get3A_2332 : vector<16xf32>
        %get3A_2334 = arith.constant 0 : i32
        %get3A_2335 = arith.constant 30 : i32
        %get3A_2336 = arith.index_cast %get3A_2334 : i32 to index
        %get3A_2337 = arith.index_cast %scan3A_163 : i32 to index
        %get3A_2338 = arith.index_cast %get3A_2335 : i32 to index
        %get3A_2339 = arith.constant 32 : index
        %get3A_2340 = tpu.vector_load %arg4[%get3A_2336, %get3A_2337, %get3A_2338, %get3A_2339] {strides = array<i32>} : memref<2x5x32x128xf32, #tpu.memory_space<vmem>>, vector<1x1x1x16xf32>,
        %get3A_2341 = vector.shape_cast %get3A_2340 : vector<1x1x1x16xf32> to vector<16xf32>
        %add3A_2342 = arith.addf %add3A_2270, %get3A_2341 : vector<16xf32>
        %get3A_2343 = arith.constant 0 : i32
        %get3A_2344 = arith.constant 30 : i32
        %get3A_2345 = arith.index_cast %get3A_2343 : i32 to index
        %get3A_2346 = arith.index_cast %scan3A_163 : i32 to index
        %get3A_2347 = arith.index_cast %get3A_2344 : i32 to index
        %get3A_2348 = arith.constant 48 : index
        %get3A_2349 = tpu.vector_load %arg4[%get3A_2345, %get3A_2346, %get3A_2347, %get3A_2348] {strides = array<i32>} : memref<2x5x32x128xf32, #tpu.memory_space<vmem>>, vector<1x1x1x16xf32>,
        %get3A_2350 = vector.shape_cast %get3A_2349 : vector<1x1x1x16xf32> to vector<16xf32>
        %add3A_2351 = arith.addf %add3A_2279, %get3A_2350 : vector<16xf32>
        %get3A_2352 = arith.constant 0 : i32
        %get3A_2353 = arith.constant 30 : i32
        %get3A_2354 = arith.index_cast %get3A_2352 : i32 to index
        %get3A_2355 = arith.index_cast %scan3A_163 : i32 to index
        %get3A_2356 = arith.index_cast %get3A_2353 : i32 to index
        %get3A_2357 = arith.constant 64 : index
        %get3A_2358 = tpu.vector_load %arg4[%get3A_2354, %get3A_2355, %get3A_2356, %get3A_2357] {strides = array<i32>} : memref<2x5x32x128xf32, #tpu.memory_space<vmem>>, vector<1x1x1x16xf32>,
        %get3A_2359 = vector.shape_cast %get3A_2358 : vector<1x1x1x16xf32> to vector<16xf32>
        %add3A_2360 = arith.addf %add3A_2288, %get3A_2359 : vector<16xf32>
        %get3A_2361 = arith.constant 0 : i32
        %get3A_2362 = arith.constant 30 : i32
        %get3A_2363 = arith.index_cast %get3A_2361 : i32 to index
        %get3A_2364 = arith.index_cast %scan3A_163 : i32 to index
        %get3A_2365 = arith.index_cast %get3A_2362 : i32 to index
        %get3A_2366 = arith.constant 80 : index
        %get3A_2367 = tpu.vector_load %arg4[%get3A_2363, %get3A_2364, %get3A_2365, %get3A_2366] {strides = array<i32>} : memref<2x5x32x128xf32, #tpu.memory_space<vmem>>, vector<1x1x1x16xf32>,
        %get3A_2368 = vector.shape_cast %get3A_2367 : vector<1x1x1x16xf32> to vector<16xf32>
        %add3A_2369 = arith.addf %add3A_2297, %get3A_2368 : vector<16xf32>
        %get3A_2370 = arith.constant 0 : i32
        %get3A_2371 = arith.constant 30 : i32
        %get3A_2372 = arith.index_cast %get3A_2370 : i32 to index
        %get3A_2373 = arith.index_cast %scan3A_163 : i32 to index
        %get3A_2374 = arith.index_cast %get3A_2371 : i32 to index
        %get3A_2375 = arith.constant 96 : index
        %get3A_2376 = tpu.vector_load %arg4[%get3A_2372, %get3A_2373, %get3A_2374, %get3A_2375] {strides = array<i32>} : memref<2x5x32x128xf32, #tpu.memory_space<vmem>>, vector<1x1x1x16xf32>,
        %get3A_2377 = vector.shape_cast %get3A_2376 : vector<1x1x1x16xf32> to vector<16xf32>
        %add3A_2378 = arith.addf %add3A_2306, %get3A_2377 : vector<16xf32>
        %get3A_2379 = arith.constant 0 : i32
        %get3A_2380 = arith.constant 30 : i32
        %get3A_2381 = arith.index_cast %get3A_2379 : i32 to index
        %get3A_2382 = arith.index_cast %scan3A_163 : i32 to index
        %get3A_2383 = arith.index_cast %get3A_2380 : i32 to index
        %get3A_2384 = arith.constant 112 : index
        %get3A_2385 = tpu.vector_load %arg4[%get3A_2381, %get3A_2382, %get3A_2383, %get3A_2384] {strides = array<i32>} : memref<2x5x32x128xf32, #tpu.memory_space<vmem>>, vector<1x1x1x16xf32>,
        %get3A_2386 = vector.shape_cast %get3A_2385 : vector<1x1x1x16xf32> to vector<16xf32>
        %add3A_2387 = arith.addf %add3A_2315, %get3A_2386 : vector<16xf32>
        %get3A_2388 = arith.constant 0 : i32
        %get3A_2389 = arith.constant 31 : i32
        %get3A_2390 = arith.index_cast %get3A_2388 : i32 to index
        %get3A_2391 = arith.index_cast %scan3A_163 : i32 to index
        %get3A_2392 = arith.index_cast %get3A_2389 : i32 to index
        %get3A_2393 = arith.constant 0 : index
        %get3A_2394 = tpu.vector_load %arg4[%get3A_2390, %get3A_2391, %get3A_2392, %get3A_2393] {strides = array<i32>} : memref<2x5x32x128xf32, #tpu.memory_space<vmem>>, vector<1x1x1x16xf32>,
        %get3A_2395 = vector.shape_cast %get3A_2394 : vector<1x1x1x16xf32> to vector<16xf32>
        %add3A_2396 = arith.addf %add3A_2324, %get3A_2395 : vector<16xf32>
        %get3A_2397 = arith.constant 0 : i32
        %get3A_2398 = arith.constant 31 : i32
        %get3A_2399 = arith.index_cast %get3A_2397 : i32 to index
        %get3A_2400 = arith.index_cast %scan3A_163 : i32 to index
        %get3A_2401 = arith.index_cast %get3A_2398 : i32 to index
        %get3A_2402 = arith.constant 16 : index
        %get3A_2403 = tpu.vector_load %arg4[%get3A_2399, %get3A_2400, %get3A_2401, %get3A_2402] {strides = array<i32>} : memref<2x5x32x128xf32, #tpu.memory_space<vmem>>, vector<1x1x1x16xf32>,
        %get3A_2404 = vector.shape_cast %get3A_2403 : vector<1x1x1x16xf32> to vector<16xf32>
        %add3A_2405 = arith.addf %add3A_2333, %get3A_2404 : vector<16xf32>
        %get3A_2406 = arith.constant 0 : i32
        %get3A_2407 = arith.constant 31 : i32
        %get3A_2408 = arith.index_cast %get3A_2406 : i32 to index
        %get3A_2409 = arith.index_cast %scan3A_163 : i32 to index
        %get3A_2410 = arith.index_cast %get3A_2407 : i32 to index
        %get3A_2411 = arith.constant 32 : index
        %get3A_2412 = tpu.vector_load %arg4[%get3A_2408, %get3A_2409, %get3A_2410, %get3A_2411] {strides = array<i32>} : memref<2x5x32x128xf32, #tpu.memory_space<vmem>>, vector<1x1x1x16xf32>,
        %get3A_2413 = vector.shape_cast %get3A_2412 : vector<1x1x1x16xf32> to vector<16xf32>
        %add3A_2414 = arith.addf %add3A_2342, %get3A_2413 : vector<16xf32>
        %get3A_2415 = arith.constant 0 : i32
        %get3A_2416 = arith.constant 31 : i32
        %get3A_2417 = arith.index_cast %get3A_2415 : i32 to index
        %get3A_2418 = arith.index_cast %scan3A_163 : i32 to index
        %get3A_2419 = arith.index_cast %get3A_2416 : i32 to index
        %get3A_2420 = arith.constant 48 : index
        %get3A_2421 = tpu.vector_load %arg4[%get3A_2417, %get3A_2418, %get3A_2419, %get3A_2420] {strides = array<i32>} : memref<2x5x32x128xf32, #tpu.memory_space<vmem>>, vector<1x1x1x16xf32>,
        %get3A_2422 = vector.shape_cast %get3A_2421 : vector<1x1x1x16xf32> to vector<16xf32>
        %add3A_2423 = arith.addf %add3A_2351, %get3A_2422 : vector<16xf32>
        %get3A_2424 = arith.constant 0 : i32
        %get3A_2425 = arith.constant 31 : i32
        %get3A_2426 = arith.index_cast %get3A_2424 : i32 to index
        %get3A_2427 = arith.index_cast %scan3A_163 : i32 to index
        %get3A_2428 = arith.index_cast %get3A_2425 : i32 to index
        %get3A_2429 = arith.constant 64 : index
        %get3A_2430 = tpu.vector_load %arg4[%get3A_2426, %get3A_2427, %get3A_2428, %get3A_2429] {strides = array<i32>} : memref<2x5x32x128xf32, #tpu.memory_space<vmem>>, vector<1x1x1x16xf32>,
        %get3A_2431 = vector.shape_cast %get3A_2430 : vector<1x1x1x16xf32> to vector<16xf32>
        %add3A_2432 = arith.addf %add3A_2360, %get3A_2431 : vector<16xf32>
        %get3A_2433 = arith.constant 0 : i32
        %get3A_2434 = arith.constant 31 : i32
        %get3A_2435 = arith.index_cast %get3A_2433 : i32 to index
        %get3A_2436 = arith.index_cast %scan3A_163 : i32 to index
        %get3A_2437 = arith.index_cast %get3A_2434 : i32 to index
        %get3A_2438 = arith.constant 80 : index
        %get3A_2439 = tpu.vector_load %arg4[%get3A_2435, %get3A_2436, %get3A_2437, %get3A_2438] {strides = array<i32>} : memref<2x5x32x128xf32, #tpu.memory_space<vmem>>, vector<1x1x1x16xf32>,
        %get3A_2440 = vector.shape_cast %get3A_2439 : vector<1x1x1x16xf32> to vector<16xf32>
        %add3A_2441 = arith.addf %add3A_2369, %get3A_2440 : vector<16xf32>
        %get3A_2442 = arith.constant 0 : i32
        %get3A_2443 = arith.constant 31 : i32
        %get3A_2444 = arith.index_cast %get3A_2442 : i32 to index
        %get3A_2445 = arith.index_cast %scan3A_163 : i32 to index
        %get3A_2446 = arith.index_cast %get3A_2443 : i32 to index
        %get3A_2447 = arith.constant 96 : index
        %get3A_2448 = tpu.vector_load %arg4[%get3A_2444, %get3A_2445, %get3A_2446, %get3A_2447] {strides = array<i32>} : memref<2x5x32x128xf32, #tpu.memory_space<vmem>>, vector<1x1x1x16xf32>,
        %get3A_2449 = vector.shape_cast %get3A_2448 : vector<1x1x1x16xf32> to vector<16xf32>
        %add3A_2450 = arith.addf %add3A_2378, %get3A_2449 : vector<16xf32>
        %get3A_2451 = arith.constant 0 : i32
        %get3A_2452 = arith.constant 31 : i32
        %get3A_2453 = arith.index_cast %get3A_2451 : i32 to index
        %get3A_2454 = arith.index_cast %scan3A_163 : i32 to index
        %get3A_2455 = arith.index_cast %get3A_2452 : i32 to index
        %get3A_2456 = arith.constant 112 : index
        %get3A_2457 = tpu.vector_load %arg4[%get3A_2453, %get3A_2454, %get3A_2455, %get3A_2456] {strides = array<i32>} : memref<2x5x32x128xf32, #tpu.memory_space<vmem>>, vector<1x1x1x16xf32>,
        %get3A_2458 = vector.shape_cast %get3A_2457 : vector<1x1x1x16xf32> to vector<16xf32>
        %add3A_2459 = arith.addf %add3A_2387, %get3A_2458 : vector<16xf32>
        %mul3A_2460 = arith.constant 128 : i32
        %mul3A_2461 = arith.muli %scan3A_163, %mul3A_2460 : i32
        %add3A_2462 = arith.constant 0 : i32
        %add3A_2463 = arith.addi %mul3A_2461, %add3A_2462 : i32
        %swap3A = arith.constant 0 : i32
        %swap3A_2464 = arith.index_cast %swap3A : i32 to index
        %swap3A_2465 = arith.index_cast %add3A_2463 : i32 to index
        %swap3A_2466 = tpu.vector_load %arg5[%swap3A_2464, %swap3A_2465] {strides = array<i32>} : memref<2x640xf32, #tpu.memory_space<vmem>>, vector<1x16xf32>,
        %swap3A_2467 = vector.shape_cast %swap3A_2466 : vector<1x16xf32> to vector<16xf32>
        %swap3A_2468 = vector.shape_cast %add3A_2396 : vector<16xf32> to vector<1x16xf32>
        tpu.vector_store %arg5[%swap3A_2464, %swap3A_2465], %swap3A_2468 {strides = array<i32>} : memref<2x640xf32, #tpu.memory_space<vmem>>, vector<1x16xf32>,
        %mul3A_2469 = arith.constant 128 : i32
        %mul3A_2470 = arith.muli %scan3A_163, %mul3A_2469 : i32
        %add3A_2471 = arith.constant 16 : i32
        %add3A_2472 = arith.addi %mul3A_2470, %add3A_2471 : i32
        %swap3A_2473 = arith.constant 0 : i32
        %swap3A_2474 = arith.index_cast %swap3A_2473 : i32 to index
        %swap3A_2475 = arith.index_cast %add3A_2472 : i32 to index
        %swap3A_2476 = tpu.vector_load %arg5[%swap3A_2474, %swap3A_2475] {strides = array<i32>} : memref<2x640xf32, #tpu.memory_space<vmem>>, vector<1x16xf32>,
        %swap3A_2477 = vector.shape_cast %swap3A_2476 : vector<1x16xf32> to vector<16xf32>
        %swap3A_2478 = vector.shape_cast %add3A_2405 : vector<16xf32> to vector<1x16xf32>
        tpu.vector_store %arg5[%swap3A_2474, %swap3A_2475], %swap3A_2478 {strides = array<i32>} : memref<2x640xf32, #tpu.memory_space<vmem>>, vector<1x16xf32>,
        %mul3A_2479 = arith.constant 128 : i32
        %mul3A_2480 = arith.muli %scan3A_163, %mul3A_2479 : i32
        %add3A_2481 = arith.constant 32 : i32
        %add3A_2482 = arith.addi %mul3A_2480, %add3A_2481 : i32
        %swap3A_2483 = arith.constant 0 : i32
        %swap3A_2484 = arith.index_cast %swap3A_2483 : i32 to index
        %swap3A_2485 = arith.index_cast %add3A_2482 : i32 to index
        %swap3A_2486 = tpu.vector_load %arg5[%swap3A_2484, %swap3A_2485] {strides = array<i32>} : memref<2x640xf32, #tpu.memory_space<vmem>>, vector<1x16xf32>,
        %swap3A_2487 = vector.shape_cast %swap3A_2486 : vector<1x16xf32> to vector<16xf32>
        %swap3A_2488 = vector.shape_cast %add3A_2414 : vector<16xf32> to vector<1x16xf32>
        tpu.vector_store %arg5[%swap3A_2484, %swap3A_2485], %swap3A_2488 {strides = array<i32>} : memref<2x640xf32, #tpu.memory_space<vmem>>, vector<1x16xf32>,
        %mul3A_2489 = arith.constant 128 : i32
        %mul3A_2490 = arith.muli %scan3A_163, %mul3A_2489 : i32
        %add3A_2491 = arith.constant 48 : i32
        %add3A_2492 = arith.addi %mul3A_2490, %add3A_2491 : i32
        %swap3A_2493 = arith.constant 0 : i32
        %swap3A_2494 = arith.index_cast %swap3A_2493 : i32 to index
        %swap3A_2495 = arith.index_cast %add3A_2492 : i32 to index
        %swap3A_2496 = tpu.vector_load %arg5[%swap3A_2494, %swap3A_2495] {strides = array<i32>} : memref<2x640xf32, #tpu.memory_space<vmem>>, vector<1x16xf32>,
        %swap3A_2497 = vector.shape_cast %swap3A_2496 : vector<1x16xf32> to vector<16xf32>
        %swap3A_2498 = vector.shape_cast %add3A_2423 : vector<16xf32> to vector<1x16xf32>
        tpu.vector_store %arg5[%swap3A_2494, %swap3A_2495], %swap3A_2498 {strides = array<i32>} : memref<2x640xf32, #tpu.memory_space<vmem>>, vector<1x16xf32>,
        %mul3A_2499 = arith.constant 128 : i32
        %mul3A_2500 = arith.muli %scan3A_163, %mul3A_2499 : i32
        %add3A_2501 = arith.constant 64 : i32
        %add3A_2502 = arith.addi %mul3A_2500, %add3A_2501 : i32
        %swap3A_2503 = arith.constant 0 : i32
        %swap3A_2504 = arith.index_cast %swap3A_2503 : i32 to index
        %swap3A_2505 = arith.index_cast %add3A_2502 : i32 to index
        %swap3A_2506 = tpu.vector_load %arg5[%swap3A_2504, %swap3A_2505] {strides = array<i32>} : memref<2x640xf32, #tpu.memory_space<vmem>>, vector<1x16xf32>,
        %swap3A_2507 = vector.shape_cast %swap3A_2506 : vector<1x16xf32> to vector<16xf32>
        %swap3A_2508 = vector.shape_cast %add3A_2432 : vector<16xf32> to vector<1x16xf32>
        tpu.vector_store %arg5[%swap3A_2504, %swap3A_2505], %swap3A_2508 {strides = array<i32>} : memref<2x640xf32, #tpu.memory_space<vmem>>, vector<1x16xf32>,
        %mul3A_2509 = arith.constant 128 : i32
        %mul3A_2510 = arith.muli %scan3A_163, %mul3A_2509 : i32
        %add3A_2511 = arith.constant 80 : i32
        %add3A_2512 = arith.addi %mul3A_2510, %add3A_2511 : i32
        %swap3A_2513 = arith.constant 0 : i32
        %swap3A_2514 = arith.index_cast %swap3A_2513 : i32 to index
        %swap3A_2515 = arith.index_cast %add3A_2512 : i32 to index
        %swap3A_2516 = tpu.vector_load %arg5[%swap3A_2514, %swap3A_2515] {strides = array<i32>} : memref<2x640xf32, #tpu.memory_space<vmem>>, vector<1x16xf32>,
        %swap3A_2517 = vector.shape_cast %swap3A_2516 : vector<1x16xf32> to vector<16xf32>
        %swap3A_2518 = vector.shape_cast %add3A_2441 : vector<16xf32> to vector<1x16xf32>
        tpu.vector_store %arg5[%swap3A_2514, %swap3A_2515], %swap3A_2518 {strides = array<i32>} : memref<2x640xf32, #tpu.memory_space<vmem>>, vector<1x16xf32>,
        %mul3A_2519 = arith.constant 128 : i32
        %mul3A_2520 = arith.muli %scan3A_163, %mul3A_2519 : i32
        %add3A_2521 = arith.constant 96 : i32
        %add3A_2522 = arith.addi %mul3A_2520, %add3A_2521 : i32
        %swap3A_2523 = arith.constant 0 : i32
        %swap3A_2524 = arith.index_cast %swap3A_2523 : i32 to index
        %swap3A_2525 = arith.index_cast %add3A_2522 : i32 to index
        %swap3A_2526 = tpu.vector_load %arg5[%swap3A_2524, %swap3A_2525] {strides = array<i32>} : memref<2x640xf32, #tpu.memory_space<vmem>>, vector<1x16xf32>,
        %swap3A_2527 = vector.shape_cast %swap3A_2526 : vector<1x16xf32> to vector<16xf32>
        %swap3A_2528 = vector.shape_cast %add3A_2450 : vector<16xf32> to vector<1x16xf32>
        tpu.vector_store %arg5[%swap3A_2524, %swap3A_2525], %swap3A_2528 {strides = array<i32>} : memref<2x640xf32, #tpu.memory_space<vmem>>, vector<1x16xf32>,
        %mul3A_2529 = arith.constant 128 : i32
        %mul3A_2530 = arith.muli %scan3A_163, %mul3A_2529 : i32
        %add3A_2531 = arith.constant 112 : i32
        %add3A_2532 = arith.addi %mul3A_2530, %add3A_2531 : i32
        %swap3A_2533 = arith.constant 0 : i32
        %swap3A_2534 = arith.index_cast %swap3A_2533 : i32 to index
        %swap3A_2535 = arith.index_cast %add3A_2532 : i32 to index
        %swap3A_2536 = tpu.vector_load %arg5[%swap3A_2534, %swap3A_2535] {strides = array<i32>} : memref<2x640xf32, #tpu.memory_space<vmem>>, vector<1x16xf32>,
        %swap3A_2537 = vector.shape_cast %swap3A_2536 : vector<1x16xf32> to vector<16xf32>
        %swap3A_2538 = vector.shape_cast %add3A_2459 : vector<16xf32> to vector<1x16xf32>
        tpu.vector_store %arg5[%swap3A_2534, %swap3A_2535], %swap3A_2538 {strides = array<i32>} : memref<2x640xf32, #tpu.memory_space<vmem>>, vector<1x16xf32>,
        %scan3A_2539 = arith.constant 0 : i32
        scf.yield %scan3A_2539 : i32
      }
      %scan3A_90 = arith.constant 5 : i32
      %mul3A_91 = arith.constant 5 : i32
      %mul3A_92 = arith.muli %mul3A_55, %mul3A_91 : i32
      %add3A_93 = arith.addi %mul3A_2, %mul3A_92 : i32
      %mul3A_94 = arith.constant 128 : i32
      %mul3A_95 = arith.muli %add3A_93, %mul3A_94 : i32
      %dma_start3A_96 = arith.constant 0 : i32
      %dma_start3A_97 = arith.constant 0 : i32
      %dma_start3A_98 = tpu.memref_slice %arg5[%dma_start3A_96, %dma_start3A_97] : memref<2x640xf32, #tpu.memory_space<vmem>> -> memref<1x640xf32, #tpu.memory_space<vmem>>
      %dma_start3A_99 = tpu.memref_squeeze %dma_start3A_98 : memref<1x640xf32, #tpu.memory_space<vmem>> -> memref<640xf32, #tpu.memory_space<vmem>>
      %dma_start3A_100 = tpu.memref_slice %arg3[%mul3A_95] : memref<204800xf32, #tpu.memory_space<hbm>> -> memref<640xf32, #tpu.memory_space<hbm>>
      %dma_start3A_101 = tpu.memref_slice %arg3[%mul3A_95] : memref<204800xf32, #tpu.memory_space<hbm>> -> memref<640xf32, #tpu.memory_space<hbm>>
      %dma_start3A_102 = arith.constant 0 : i32
      %dma_start3A_103 = tpu.memref_slice %arg5[%dma_start3A_96, %dma_start3A_102] : memref<2x640xf32, #tpu.memory_space<vmem>> -> memref<1x640xf32, #tpu.memory_space<vmem>>
      %dma_start3A_104 = tpu.memref_squeeze %dma_start3A_103 : memref<1x640xf32, #tpu.memory_space<vmem>> -> memref<640xf32, #tpu.memory_space<vmem>>
      tpu.enqueue_dma source(%dma_start3A_104 : memref<640xf32, #tpu.memory_space<vmem>>) target(%dma_start3A_101 : memref<640xf32, #tpu.memory_space<hbm>>) target_semaphore(%arg7 : memref<!tpu.dma_semaphore, #tpu.memory_space<semaphore_mem>>)
      %mul3A_105 = arith.constant 2 : i32
      %mul3A_106 = arith.muli %mul3A_105, %scan3A_52 : i32
      %add3A_107 = arith.constant 1 : i32
      %add3A_108 = arith.addi %mul3A_106, %add3A_107 : i32
      %mul3A_109 = arith.constant 5 : i32
      %mul3A_110 = arith.muli %add3A_108, %mul3A_109 : i32
      %add3A_111 = arith.addi %mul3A_2, %mul3A_110 : i32
      %dma_wait3A_112 = arith.constant 1 : i32
      %dma_wait3A_113 = arith.constant 0 : i32
      %dma_wait3A_114 = arith.constant 0 : i32
      %dma_wait3A_115 = arith.constant 0 : i32
      %dma_wait3A_116 = tpu.memref_slice %arg4[%dma_wait3A_112, %dma_wait3A_113, %dma_wait3A_114, %dma_wait3A_115] : memref<2x5x32x128xf32, #tpu.memory_space<vmem>> -> memref<1x5x32x128xf32, #tpu.memory_space<vmem>>
      %dma_wait3A_117 = tpu.memref_squeeze %dma_wait3A_116 : memref<1x5x32x128xf32, #tpu.memory_space<vmem>> -> memref<5x32x128xf32, #tpu.memory_space<vmem>>
      %dma_wait3A_118 = arith.constant 0 : i32
      %dma_wait3A_119 = arith.constant 0 : i32
      %dma_wait3A_120 = tpu.memref_slice %arg2[%add3A_111, %dma_wait3A_118, %dma_wait3A_119] : memref<10000x32x128xf32, #tpu.memory_space<hbm>> -> memref<5x32x128xf32, #tpu.memory_space<hbm>>
      %dma_wait3A_121 = arith.constant 0 : i32
      %dma_wait3A_122 = arith.constant 0 : i32
      %dma_wait3A_123 = arith.constant 0 : i32
      %dma_wait3A_124 = tpu.memref_slice %arg4[%dma_wait3A_112, %dma_wait3A_121, %dma_wait3A_122, %dma_wait3A_123] : memref<2x5x32x128xf32, #tpu.memory_space<vmem>> -> memref<1x5x32x128xf32, #tpu.memory_space<vmem>>
      %dma_wait3A_125 = tpu.memref_squeeze %dma_wait3A_124 : memref<1x5x32x128xf32, #tpu.memory_space<vmem>> -> memref<5x32x128xf32, #tpu.memory_space<vmem>>
      %dma_wait3A_126 = arith.constant 0 : i32
      %dma_wait3A_127 = arith.constant 0 : i32
      %dma_wait3A_128 = tpu.memref_slice %arg2[%add3A_111, %dma_wait3A_126, %dma_wait3A_127] : memref<10000x32x128xf32, #tpu.memory_space<hbm>> -> memref<5x32x128xf32, #tpu.memory_space<hbm>>
      tpu.wait_dma2 semaphore(%arg6 : memref<!tpu.dma_semaphore, #tpu.memory_space<semaphore_mem>>) src(%dma_wait3A_128 : memref<5x32x128xf32, #tpu.memory_space<hbm>>) dst(%dma_wait3A_125 : memref<5x32x128xf32, #tpu.memory_space<vmem>>)
      %add3A_129 = arith.constant 1 : i32
      %add3A_130 = arith.addi %add3A_108, %add3A_129 : i32
      %lt3A_131 = arith.constant 10 : i32
      %lt3A_132 = arith.cmpi slt, %add3A_130, %lt3A_131 : i32
      %convert_element_type3A_133 = arith.extui %lt3A_132 : i1 to i32
      %cond3A_134 = arith.constant 0 : i32
      %cond3A_135 = arith.cmpi ne, %convert_element_type3A_133, %cond3A_134 : i32
      scf.if %cond3A_135 {
        %add3A_163 = arith.constant 1 : i32
        %add3A_164 = arith.addi %add3A_108, %add3A_163 : i32
        %mul3A_165 = arith.constant 5 : i32
        %mul3A_166 = arith.muli %add3A_164, %mul3A_165 : i32
        %add3A_167 = arith.addi %mul3A_2, %mul3A_166 : i32
        %dma_start3A_168 = arith.constant 0 : i32
        %dma_start3A_169 = arith.constant 0 : i32
        %dma_start3A_170 = arith.constant 0 : i32
        %dma_start3A_171 = arith.constant 0 : i32
        %dma_start3A_172 = tpu.memref_slice %arg4[%dma_start3A_168, %dma_start3A_169, %dma_start3A_170, %dma_start3A_171] : memref<2x5x32x128xf32, #tpu.memory_space<vmem>> -> memref<1x5x32x128xf32, #tpu.memory_space<vmem>>
        %dma_start3A_173 = tpu.memref_squeeze %dma_start3A_172 : memref<1x5x32x128xf32, #tpu.memory_space<vmem>> -> memref<5x32x128xf32, #tpu.memory_space<vmem>>
        %dma_start3A_174 = arith.constant 0 : i32
        %dma_start3A_175 = arith.constant 0 : i32
        %dma_start3A_176 = tpu.memref_slice %arg2[%add3A_167, %dma_start3A_174, %dma_start3A_175] : memref<10000x32x128xf32, #tpu.memory_space<hbm>> -> memref<5x32x128xf32, #tpu.memory_space<hbm>>
        %dma_start3A_177 = arith.constant 0 : i32
        %dma_start3A_178 = arith.constant 0 : i32
        %dma_start3A_179 = arith.constant 0 : i32
        %dma_start3A_180 = tpu.memref_slice %arg4[%dma_start3A_168, %dma_start3A_177, %dma_start3A_178, %dma_start3A_179] : memref<2x5x32x128xf32, #tpu.memory_space<vmem>> -> memref<1x5x32x128xf32, #tpu.memory_space<vmem>>
        %dma_start3A_181 = tpu.memref_squeeze %dma_start3A_180 : memref<1x5x32x128xf32, #tpu.memory_space<vmem>> -> memref<5x32x128xf32, #tpu.memory_space<vmem>>
        %dma_start3A_182 = arith.constant 0 : i32
        %dma_start3A_183 = arith.constant 0 : i32
        %dma_start3A_184 = tpu.memref_slice %arg2[%add3A_167, %dma_start3A_182, %dma_start3A_183] : memref<10000x32x128xf32, #tpu.memory_space<hbm>> -> memref<5x32x128xf32, #tpu.memory_space<hbm>>
        tpu.enqueue_dma source(%dma_start3A_184 : memref<5x32x128xf32, #tpu.memory_space<hbm>>) target(%dma_start3A_181 : memref<5x32x128xf32, #tpu.memory_space<vmem>>) target_semaphore(%arg6 : memref<!tpu.dma_semaphore, #tpu.memory_space<semaphore_mem>>)
      } else {
      }
      %ge3A_136 = arith.constant 2 : i32
      %ge3A_137 = arith.cmpi sge, %add3A_108, %ge3A_136 : i32
      %convert_element_type3A_138 = arith.extui %ge3A_137 : i1 to i32
      %cond3A_139 = arith.constant 0 : i32
      %cond3A_140 = arith.cmpi ne, %convert_element_type3A_138, %cond3A_139 : i32
      scf.if %cond3A_140 {
        %mul3A_163 = arith.constant 5 : i32
        %mul3A_164 = arith.muli %add3A_108, %mul3A_163 : i32
        %add3A_165 = arith.addi %mul3A_2, %mul3A_164 : i32
        %mul3A_166 = arith.constant 128 : i32
        %mul3A_167 = arith.muli %add3A_165, %mul3A_166 : i32
        %dma_wait3A_168 = arith.constant 1 : i32
        %dma_wait3A_169 = arith.constant 0 : i32
        %dma_wait3A_170 = tpu.memref_slice %arg5[%dma_wait3A_168, %dma_wait3A_169] : memref<2x640xf32, #tpu.memory_space<vmem>> -> memref<1x640xf32, #tpu.memory_space<vmem>>
        %dma_wait3A_171 = tpu.memref_squeeze %dma_wait3A_170 : memref<1x640xf32, #tpu.memory_space<vmem>> -> memref<640xf32, #tpu.memory_space<vmem>>
        %dma_wait3A_172 = tpu.memref_slice %arg3[%mul3A_167] : memref<204800xf32, #tpu.memory_space<hbm>> -> memref<640xf32, #tpu.memory_space<hbm>>
        %dma_wait3A_173 = tpu.memref_slice %arg3[%mul3A_167] : memref<204800xf32, #tpu.memory_space<hbm>> -> memref<640xf32, #tpu.memory_space<hbm>>
        %dma_wait3A_174 = arith.constant 0 : i32
        %dma_wait3A_175 = tpu.memref_slice %arg5[%dma_wait3A_168, %dma_wait3A_174] : memref<2x640xf32, #tpu.memory_space<vmem>> -> memref<1x640xf32, #tpu.memory_space<vmem>>
        %dma_wait3A_176 = tpu.memref_squeeze %dma_wait3A_175 : memref<1x640xf32, #tpu.memory_space<vmem>> -> memref<640xf32, #tpu.memory_space<vmem>>
        tpu.wait_dma2 semaphore(%arg7 : memref<!tpu.dma_semaphore, #tpu.memory_space<semaphore_mem>>) src(%dma_wait3A_176 : memref<640xf32, #tpu.memory_space<vmem>>) dst(%dma_wait3A_173 : memref<640xf32, #tpu.memory_space<hbm>>)
      } else {
      }
      %scan3A_141 = arith.constant 0 : i32
      %scan3A_142 = arith.constant 0 : i32
      %scan3A_143 = arith.constant 5 : i32
      %scan3A_144 = arith.addi %scan3A_142, %scan3A_143 : i32
      %scan3A_145 = arith.constant 1 : i32
      %scan3A_146 = scf.for %scan3A_163 = %scan3A_142 to %scan3A_144 step %scan3A_145 iter_args(%scan3A_164 = %scan3A_141) -> (i32)  : i32 {
        %get3A = arith.constant 1 : i32
        %get3A_165 = arith.constant 0 : i32
        %get3A_166 = arith.index_cast %get3A : i32 to index
        %get3A_167 = arith.index_cast %scan3A_163 : i32 to index
        %get3A_168 = arith.index_cast %get3A_165 : i32 to index
        %get3A_169 = arith.constant 0 : index
        %get3A_170 = tpu.vector_load %arg4[%get3A_166, %get3A_167, %get3A_168, %get3A_169] {strides = array<i32>} : memref<2x5x32x128xf32, #tpu.memory_space<vmem>>, vector<1x1x1x16xf32>,
        %get3A_171 = vector.shape_cast %get3A_170 : vector<1x1x1x16xf32> to vector<16xf32>
        %get3A_172 = arith.constant 1 : i32
        %get3A_173 = arith.constant 0 : i32
        %get3A_174 = arith.index_cast %get3A_172 : i32 to index
        %get3A_175 = arith.index_cast %scan3A_163 : i32 to index
        %get3A_176 = arith.index_cast %get3A_173 : i32 to index
        %get3A_177 = arith.constant 16 : index
        %get3A_178 = tpu.vector_load %arg4[%get3A_174, %get3A_175, %get3A_176, %get3A_177] {strides = array<i32>} : memref<2x5x32x128xf32, #tpu.memory_space<vmem>>, vector<1x1x1x16xf32>,
        %get3A_179 = vector.shape_cast %get3A_178 : vector<1x1x1x16xf32> to vector<16xf32>
        %get3A_180 = arith.constant 1 : i32
        %get3A_181 = arith.constant 0 : i32
        %get3A_182 = arith.index_cast %get3A_180 : i32 to index
        %get3A_183 = arith.index_cast %scan3A_163 : i32 to index
        %get3A_184 = arith.index_cast %get3A_181 : i32 to index
        %get3A_185 = arith.constant 32 : index
        %get3A_186 = tpu.vector_load %arg4[%get3A_182, %get3A_183, %get3A_184, %get3A_185] {strides = array<i32>} : memref<2x5x32x128xf32, #tpu.memory_space<vmem>>, vector<1x1x1x16xf32>,
        %get3A_187 = vector.shape_cast %get3A_186 : vector<1x1x1x16xf32> to vector<16xf32>
        %get3A_188 = arith.constant 1 : i32
        %get3A_189 = arith.constant 0 : i32
        %get3A_190 = arith.index_cast %get3A_188 : i32 to index
        %get3A_191 = arith.index_cast %scan3A_163 : i32 to index
        %get3A_192 = arith.index_cast %get3A_189 : i32 to index
        %get3A_193 = arith.constant 48 : index
        %get3A_194 = tpu.vector_load %arg4[%get3A_190, %get3A_191, %get3A_192, %get3A_193] {strides = array<i32>} : memref<2x5x32x128xf32, #tpu.memory_space<vmem>>, vector<1x1x1x16xf32>,
        %get3A_195 = vector.shape_cast %get3A_194 : vector<1x1x1x16xf32> to vector<16xf32>
        %get3A_196 = arith.constant 1 : i32
        %get3A_197 = arith.constant 0 : i32
        %get3A_198 = arith.index_cast %get3A_196 : i32 to index
        %get3A_199 = arith.index_cast %scan3A_163 : i32 to index
        %get3A_200 = arith.index_cast %get3A_197 : i32 to index
        %get3A_201 = arith.constant 64 : index
        %get3A_202 = tpu.vector_load %arg4[%get3A_198, %get3A_199, %get3A_200, %get3A_201] {strides = array<i32>} : memref<2x5x32x128xf32, #tpu.memory_space<vmem>>, vector<1x1x1x16xf32>,
        %get3A_203 = vector.shape_cast %get3A_202 : vector<1x1x1x16xf32> to vector<16xf32>
        %get3A_204 = arith.constant 1 : i32
        %get3A_205 = arith.constant 0 : i32
        %get3A_206 = arith.index_cast %get3A_204 : i32 to index
        %get3A_207 = arith.index_cast %scan3A_163 : i32 to index
        %get3A_208 = arith.index_cast %get3A_205 : i32 to index
        %get3A_209 = arith.constant 80 : index
        %get3A_210 = tpu.vector_load %arg4[%get3A_206, %get3A_207, %get3A_208, %get3A_209] {strides = array<i32>} : memref<2x5x32x128xf32, #tpu.memory_space<vmem>>, vector<1x1x1x16xf32>,
        %get3A_211 = vector.shape_cast %get3A_210 : vector<1x1x1x16xf32> to vector<16xf32>
        %get3A_212 = arith.constant 1 : i32
        %get3A_213 = arith.constant 0 : i32
        %get3A_214 = arith.index_cast %get3A_212 : i32 to index
        %get3A_215 = arith.index_cast %scan3A_163 : i32 to index
        %get3A_216 = arith.index_cast %get3A_213 : i32 to index
        %get3A_217 = arith.constant 96 : index
        %get3A_218 = tpu.vector_load %arg4[%get3A_214, %get3A_215, %get3A_216, %get3A_217] {strides = array<i32>} : memref<2x5x32x128xf32, #tpu.memory_space<vmem>>, vector<1x1x1x16xf32>,
        %get3A_219 = vector.shape_cast %get3A_218 : vector<1x1x1x16xf32> to vector<16xf32>
        %get3A_220 = arith.constant 1 : i32
        %get3A_221 = arith.constant 0 : i32
        %get3A_222 = arith.index_cast %get3A_220 : i32 to index
        %get3A_223 = arith.index_cast %scan3A_163 : i32 to index
        %get3A_224 = arith.index_cast %get3A_221 : i32 to index
        %get3A_225 = arith.constant 112 : index
        %get3A_226 = tpu.vector_load %arg4[%get3A_222, %get3A_223, %get3A_224, %get3A_225] {strides = array<i32>} : memref<2x5x32x128xf32, #tpu.memory_space<vmem>>, vector<1x1x1x16xf32>,
        %get3A_227 = vector.shape_cast %get3A_226 : vector<1x1x1x16xf32> to vector<16xf32>
        %get3A_228 = arith.constant 1 : i32
        %get3A_229 = arith.constant 1 : i32
        %get3A_230 = arith.index_cast %get3A_228 : i32 to index
        %get3A_231 = arith.index_cast %scan3A_163 : i32 to index
        %get3A_232 = arith.index_cast %get3A_229 : i32 to index
        %get3A_233 = arith.constant 0 : index
        %get3A_234 = tpu.vector_load %arg4[%get3A_230, %get3A_231, %get3A_232, %get3A_233] {strides = array<i32>} : memref<2x5x32x128xf32, #tpu.memory_space<vmem>>, vector<1x1x1x16xf32>,
        %get3A_235 = vector.shape_cast %get3A_234 : vector<1x1x1x16xf32> to vector<16xf32>
        %add3A_236 = arith.addf %get3A_171, %get3A_235 : vector<16xf32>
        %get3A_237 = arith.constant 1 : i32
        %get3A_238 = arith.constant 1 : i32
        %get3A_239 = arith.index_cast %get3A_237 : i32 to index
        %get3A_240 = arith.index_cast %scan3A_163 : i32 to index
        %get3A_241 = arith.index_cast %get3A_238 : i32 to index
        %get3A_242 = arith.constant 16 : index
        %get3A_243 = tpu.vector_load %arg4[%get3A_239, %get3A_240, %get3A_241, %get3A_242] {strides = array<i32>} : memref<2x5x32x128xf32, #tpu.memory_space<vmem>>, vector<1x1x1x16xf32>,
        %get3A_244 = vector.shape_cast %get3A_243 : vector<1x1x1x16xf32> to vector<16xf32>
        %add3A_245 = arith.addf %get3A_179, %get3A_244 : vector<16xf32>
        %get3A_246 = arith.constant 1 : i32
        %get3A_247 = arith.constant 1 : i32
        %get3A_248 = arith.index_cast %get3A_246 : i32 to index
        %get3A_249 = arith.index_cast %scan3A_163 : i32 to index
        %get3A_250 = arith.index_cast %get3A_247 : i32 to index
        %get3A_251 = arith.constant 32 : index
        %get3A_252 = tpu.vector_load %arg4[%get3A_248, %get3A_249, %get3A_250, %get3A_251] {strides = array<i32>} : memref<2x5x32x128xf32, #tpu.memory_space<vmem>>, vector<1x1x1x16xf32>,
        %get3A_253 = vector.shape_cast %get3A_252 : vector<1x1x1x16xf32> to vector<16xf32>
        %add3A_254 = arith.addf %get3A_187, %get3A_253 : vector<16xf32>
        %get3A_255 = arith.constant 1 : i32
        %get3A_256 = arith.constant 1 : i32
        %get3A_257 = arith.index_cast %get3A_255 : i32 to index
        %get3A_258 = arith.index_cast %scan3A_163 : i32 to index
        %get3A_259 = arith.index_cast %get3A_256 : i32 to index
        %get3A_260 = arith.constant 48 : index
        %get3A_261 = tpu.vector_load %arg4[%get3A_257, %get3A_258, %get3A_259, %get3A_260] {strides = array<i32>} : memref<2x5x32x128xf32, #tpu.memory_space<vmem>>, vector<1x1x1x16xf32>,
        %get3A_262 = vector.shape_cast %get3A_261 : vector<1x1x1x16xf32> to vector<16xf32>
        %add3A_263 = arith.addf %get3A_195, %get3A_262 : vector<16xf32>
        %get3A_264 = arith.constant 1 : i32
        %get3A_265 = arith.constant 1 : i32
        %get3A_266 = arith.index_cast %get3A_264 : i32 to index
        %get3A_267 = arith.index_cast %scan3A_163 : i32 to index
        %get3A_268 = arith.index_cast %get3A_265 : i32 to index
        %get3A_269 = arith.constant 64 : index
        %get3A_270 = tpu.vector_load %arg4[%get3A_266, %get3A_267, %get3A_268, %get3A_269] {strides = array<i32>} : memref<2x5x32x128xf32, #tpu.memory_space<vmem>>, vector<1x1x1x16xf32>,
        %get3A_271 = vector.shape_cast %get3A_270 : vector<1x1x1x16xf32> to vector<16xf32>
        %add3A_272 = arith.addf %get3A_203, %get3A_271 : vector<16xf32>
        %get3A_273 = arith.constant 1 : i32
        %get3A_274 = arith.constant 1 : i32
        %get3A_275 = arith.index_cast %get3A_273 : i32 to index
        %get3A_276 = arith.index_cast %scan3A_163 : i32 to index
        %get3A_277 = arith.index_cast %get3A_274 : i32 to index
        %get3A_278 = arith.constant 80 : index
        %get3A_279 = tpu.vector_load %arg4[%get3A_275, %get3A_276, %get3A_277, %get3A_278] {strides = array<i32>} : memref<2x5x32x128xf32, #tpu.memory_space<vmem>>, vector<1x1x1x16xf32>,
        %get3A_280 = vector.shape_cast %get3A_279 : vector<1x1x1x16xf32> to vector<16xf32>
        %add3A_281 = arith.addf %get3A_211, %get3A_280 : vector<16xf32>
        %get3A_282 = arith.constant 1 : i32
        %get3A_283 = arith.constant 1 : i32
        %get3A_284 = arith.index_cast %get3A_282 : i32 to index
        %get3A_285 = arith.index_cast %scan3A_163 : i32 to index
        %get3A_286 = arith.index_cast %get3A_283 : i32 to index
        %get3A_287 = arith.constant 96 : index
        %get3A_288 = tpu.vector_load %arg4[%get3A_284, %get3A_285, %get3A_286, %get3A_287] {strides = array<i32>} : memref<2x5x32x128xf32, #tpu.memory_space<vmem>>, vector<1x1x1x16xf32>,
        %get3A_289 = vector.shape_cast %get3A_288 : vector<1x1x1x16xf32> to vector<16xf32>
        %add3A_290 = arith.addf %get3A_219, %get3A_289 : vector<16xf32>
        %get3A_291 = arith.constant 1 : i32
        %get3A_292 = arith.constant 1 : i32
        %get3A_293 = arith.index_cast %get3A_291 : i32 to index
        %get3A_294 = arith.index_cast %scan3A_163 : i32 to index
        %get3A_295 = arith.index_cast %get3A_292 : i32 to index
        %get3A_296 = arith.constant 112 : index
        %get3A_297 = tpu.vector_load %arg4[%get3A_293, %get3A_294, %get3A_295, %get3A_296] {strides = array<i32>} : memref<2x5x32x128xf32, #tpu.memory_space<vmem>>, vector<1x1x1x16xf32>,
        %get3A_298 = vector.shape_cast %get3A_297 : vector<1x1x1x16xf32> to vector<16xf32>
        %add3A_299 = arith.addf %get3A_227, %get3A_298 : vector<16xf32>
        %get3A_300 = arith.constant 1 : i32
        %get3A_301 = arith.constant 2 : i32
        %get3A_302 = arith.index_cast %get3A_300 : i32 to index
        %get3A_303 = arith.index_cast %scan3A_163 : i32 to index
        %get3A_304 = arith.index_cast %get3A_301 : i32 to index
        %get3A_305 = arith.constant 0 : index
        %get3A_306 = tpu.vector_load %arg4[%get3A_302, %get3A_303, %get3A_304, %get3A_305] {strides = array<i32>} : memref<2x5x32x128xf32, #tpu.memory_space<vmem>>, vector<1x1x1x16xf32>,
        %get3A_307 = vector.shape_cast %get3A_306 : vector<1x1x1x16xf32> to vector<16xf32>
        %add3A_308 = arith.addf %add3A_236, %get3A_307 : vector<16xf32>
        %get3A_309 = arith.constant 1 : i32
        %get3A_310 = arith.constant 2 : i32
        %get3A_311 = arith.index_cast %get3A_309 : i32 to index
        %get3A_312 = arith.index_cast %scan3A_163 : i32 to index
        %get3A_313 = arith.index_cast %get3A_310 : i32 to index
        %get3A_314 = arith.constant 16 : index
        %get3A_315 = tpu.vector_load %arg4[%get3A_311, %get3A_312, %get3A_313, %get3A_314] {strides = array<i32>} : memref<2x5x32x128xf32, #tpu.memory_space<vmem>>, vector<1x1x1x16xf32>,
        %get3A_316 = vector.shape_cast %get3A_315 : vector<1x1x1x16xf32> to vector<16xf32>
        %add3A_317 = arith.addf %add3A_245, %get3A_316 : vector<16xf32>
        %get3A_318 = arith.constant 1 : i32
        %get3A_319 = arith.constant 2 : i32
        %get3A_320 = arith.index_cast %get3A_318 : i32 to index
        %get3A_321 = arith.index_cast %scan3A_163 : i32 to index
        %get3A_322 = arith.index_cast %get3A_319 : i32 to index
        %get3A_323 = arith.constant 32 : index
        %get3A_324 = tpu.vector_load %arg4[%get3A_320, %get3A_321, %get3A_322, %get3A_323] {strides = array<i32>} : memref<2x5x32x128xf32, #tpu.memory_space<vmem>>, vector<1x1x1x16xf32>,
        %get3A_325 = vector.shape_cast %get3A_324 : vector<1x1x1x16xf32> to vector<16xf32>
        %add3A_326 = arith.addf %add3A_254, %get3A_325 : vector<16xf32>
        %get3A_327 = arith.constant 1 : i32
        %get3A_328 = arith.constant 2 : i32
        %get3A_329 = arith.index_cast %get3A_327 : i32 to index
        %get3A_330 = arith.index_cast %scan3A_163 : i32 to index
        %get3A_331 = arith.index_cast %get3A_328 : i32 to index
        %get3A_332 = arith.constant 48 : index
        %get3A_333 = tpu.vector_load %arg4[%get3A_329, %get3A_330, %get3A_331, %get3A_332] {strides = array<i32>} : memref<2x5x32x128xf32, #tpu.memory_space<vmem>>, vector<1x1x1x16xf32>,
        %get3A_334 = vector.shape_cast %get3A_333 : vector<1x1x1x16xf32> to vector<16xf32>
        %add3A_335 = arith.addf %add3A_263, %get3A_334 : vector<16xf32>
        %get3A_336 = arith.constant 1 : i32
        %get3A_337 = arith.constant 2 : i32
        %get3A_338 = arith.index_cast %get3A_336 : i32 to index
        %get3A_339 = arith.index_cast %scan3A_163 : i32 to index
        %get3A_340 = arith.index_cast %get3A_337 : i32 to index
        %get3A_341 = arith.constant 64 : index
        %get3A_342 = tpu.vector_load %arg4[%get3A_338, %get3A_339, %get3A_340, %get3A_341] {strides = array<i32>} : memref<2x5x32x128xf32, #tpu.memory_space<vmem>>, vector<1x1x1x16xf32>,
        %get3A_343 = vector.shape_cast %get3A_342 : vector<1x1x1x16xf32> to vector<16xf32>
        %add3A_344 = arith.addf %add3A_272, %get3A_343 : vector<16xf32>
        %get3A_345 = arith.constant 1 : i32
        %get3A_346 = arith.constant 2 : i32
        %get3A_347 = arith.index_cast %get3A_345 : i32 to index
        %get3A_348 = arith.index_cast %scan3A_163 : i32 to index
        %get3A_349 = arith.index_cast %get3A_346 : i32 to index
        %get3A_350 = arith.constant 80 : index
        %get3A_351 = tpu.vector_load %arg4[%get3A_347, %get3A_348, %get3A_349, %get3A_350] {strides = array<i32>} : memref<2x5x32x128xf32, #tpu.memory_space<vmem>>, vector<1x1x1x16xf32>,
        %get3A_352 = vector.shape_cast %get3A_351 : vector<1x1x1x16xf32> to vector<16xf32>
        %add3A_353 = arith.addf %add3A_281, %get3A_352 : vector<16xf32>
        %get3A_354 = arith.constant 1 : i32
        %get3A_355 = arith.constant 2 : i32
        %get3A_356 = arith.index_cast %get3A_354 : i32 to index
        %get3A_357 = arith.index_cast %scan3A_163 : i32 to index
        %get3A_358 = arith.index_cast %get3A_355 : i32 to index
        %get3A_359 = arith.constant 96 : index
        %get3A_360 = tpu.vector_load %arg4[%get3A_356, %get3A_357, %get3A_358, %get3A_359] {strides = array<i32>} : memref<2x5x32x128xf32, #tpu.memory_space<vmem>>, vector<1x1x1x16xf32>,
        %get3A_361 = vector.shape_cast %get3A_360 : vector<1x1x1x16xf32> to vector<16xf32>
        %add3A_362 = arith.addf %add3A_290, %get3A_361 : vector<16xf32>
        %get3A_363 = arith.constant 1 : i32
        %get3A_364 = arith.constant 2 : i32
        %get3A_365 = arith.index_cast %get3A_363 : i32 to index
        %get3A_366 = arith.index_cast %scan3A_163 : i32 to index
        %get3A_367 = arith.index_cast %get3A_364 : i32 to index
        %get3A_368 = arith.constant 112 : index
        %get3A_369 = tpu.vector_load %arg4[%get3A_365, %get3A_366, %get3A_367, %get3A_368] {strides = array<i32>} : memref<2x5x32x128xf32, #tpu.memory_space<vmem>>, vector<1x1x1x16xf32>,
        %get3A_370 = vector.shape_cast %get3A_369 : vector<1x1x1x16xf32> to vector<16xf32>
        %add3A_371 = arith.addf %add3A_299, %get3A_370 : vector<16xf32>
        %get3A_372 = arith.constant 1 : i32
        %get3A_373 = arith.constant 3 : i32
        %get3A_374 = arith.index_cast %get3A_372 : i32 to index
        %get3A_375 = arith.index_cast %scan3A_163 : i32 to index
        %get3A_376 = arith.index_cast %get3A_373 : i32 to index
        %get3A_377 = arith.constant 0 : index
        %get3A_378 = tpu.vector_load %arg4[%get3A_374, %get3A_375, %get3A_376, %get3A_377] {strides = array<i32>} : memref<2x5x32x128xf32, #tpu.memory_space<vmem>>, vector<1x1x1x16xf32>,
        %get3A_379 = vector.shape_cast %get3A_378 : vector<1x1x1x16xf32> to vector<16xf32>
        %add3A_380 = arith.addf %add3A_308, %get3A_379 : vector<16xf32>
        %get3A_381 = arith.constant 1 : i32
        %get3A_382 = arith.constant 3 : i32
        %get3A_383 = arith.index_cast %get3A_381 : i32 to index
        %get3A_384 = arith.index_cast %scan3A_163 : i32 to index
        %get3A_385 = arith.index_cast %get3A_382 : i32 to index
        %get3A_386 = arith.constant 16 : index
        %get3A_387 = tpu.vector_load %arg4[%get3A_383, %get3A_384, %get3A_385, %get3A_386] {strides = array<i32>} : memref<2x5x32x128xf32, #tpu.memory_space<vmem>>, vector<1x1x1x16xf32>,
        %get3A_388 = vector.shape_cast %get3A_387 : vector<1x1x1x16xf32> to vector<16xf32>
        %add3A_389 = arith.addf %add3A_317, %get3A_388 : vector<16xf32>
        %get3A_390 = arith.constant 1 : i32
        %get3A_391 = arith.constant 3 : i32
        %get3A_392 = arith.index_cast %get3A_390 : i32 to index
        %get3A_393 = arith.index_cast %scan3A_163 : i32 to index
        %get3A_394 = arith.index_cast %get3A_391 : i32 to index
        %get3A_395 = arith.constant 32 : index
        %get3A_396 = tpu.vector_load %arg4[%get3A_392, %get3A_393, %get3A_394, %get3A_395] {strides = array<i32>} : memref<2x5x32x128xf32, #tpu.memory_space<vmem>>, vector<1x1x1x16xf32>,
        %get3A_397 = vector.shape_cast %get3A_396 : vector<1x1x1x16xf32> to vector<16xf32>
        %add3A_398 = arith.addf %add3A_326, %get3A_397 : vector<16xf32>
        %get3A_399 = arith.constant 1 : i32
        %get3A_400 = arith.constant 3 : i32
        %get3A_401 = arith.index_cast %get3A_399 : i32 to index
        %get3A_402 = arith.index_cast %scan3A_163 : i32 to index
        %get3A_403 = arith.index_cast %get3A_400 : i32 to index
        %get3A_404 = arith.constant 48 : index
        %get3A_405 = tpu.vector_load %arg4[%get3A_401, %get3A_402, %get3A_403, %get3A_404] {strides = array<i32>} : memref<2x5x32x128xf32, #tpu.memory_space<vmem>>, vector<1x1x1x16xf32>,
        %get3A_406 = vector.shape_cast %get3A_405 : vector<1x1x1x16xf32> to vector<16xf32>
        %add3A_407 = arith.addf %add3A_335, %get3A_406 : vector<16xf32>
        %get3A_408 = arith.constant 1 : i32
        %get3A_409 = arith.constant 3 : i32
        %get3A_410 = arith.index_cast %get3A_408 : i32 to index
        %get3A_411 = arith.index_cast %scan3A_163 : i32 to index
        %get3A_412 = arith.index_cast %get3A_409 : i32 to index
        %get3A_413 = arith.constant 64 : index
        %get3A_414 = tpu.vector_load %arg4[%get3A_410, %get3A_411, %get3A_412, %get3A_413] {strides = array<i32>} : memref<2x5x32x128xf32, #tpu.memory_space<vmem>>, vector<1x1x1x16xf32>,
        %get3A_415 = vector.shape_cast %get3A_414 : vector<1x1x1x16xf32> to vector<16xf32>
        %add3A_416 = arith.addf %add3A_344, %get3A_415 : vector<16xf32>
        %get3A_417 = arith.constant 1 : i32
        %get3A_418 = arith.constant 3 : i32
        %get3A_419 = arith.index_cast %get3A_417 : i32 to index
        %get3A_420 = arith.index_cast %scan3A_163 : i32 to index
        %get3A_421 = arith.index_cast %get3A_418 : i32 to index
        %get3A_422 = arith.constant 80 : index
        %get3A_423 = tpu.vector_load %arg4[%get3A_419, %get3A_420, %get3A_421, %get3A_422] {strides = array<i32>} : memref<2x5x32x128xf32, #tpu.memory_space<vmem>>, vector<1x1x1x16xf32>,
        %get3A_424 = vector.shape_cast %get3A_423 : vector<1x1x1x16xf32> to vector<16xf32>
        %add3A_425 = arith.addf %add3A_353, %get3A_424 : vector<16xf32>
        %get3A_426 = arith.constant 1 : i32
        %get3A_427 = arith.constant 3 : i32
        %get3A_428 = arith.index_cast %get3A_426 : i32 to index
        %get3A_429 = arith.index_cast %scan3A_163 : i32 to index
        %get3A_430 = arith.index_cast %get3A_427 : i32 to index
        %get3A_431 = arith.constant 96 : index
        %get3A_432 = tpu.vector_load %arg4[%get3A_428, %get3A_429, %get3A_430, %get3A_431] {strides = array<i32>} : memref<2x5x32x128xf32, #tpu.memory_space<vmem>>, vector<1x1x1x16xf32>,
        %get3A_433 = vector.shape_cast %get3A_432 : vector<1x1x1x16xf32> to vector<16xf32>
        %add3A_434 = arith.addf %add3A_362, %get3A_433 : vector<16xf32>
        %get3A_435 = arith.constant 1 : i32
        %get3A_436 = arith.constant 3 : i32
        %get3A_437 = arith.index_cast %get3A_435 : i32 to index
        %get3A_438 = arith.index_cast %scan3A_163 : i32 to index
        %get3A_439 = arith.index_cast %get3A_436 : i32 to index
        %get3A_440 = arith.constant 112 : index
        %get3A_441 = tpu.vector_load %arg4[%get3A_437, %get3A_438, %get3A_439, %get3A_440] {strides = array<i32>} : memref<2x5x32x128xf32, #tpu.memory_space<vmem>>, vector<1x1x1x16xf32>,
        %get3A_442 = vector.shape_cast %get3A_441 : vector<1x1x1x16xf32> to vector<16xf32>
        %add3A_443 = arith.addf %add3A_371, %get3A_442 : vector<16xf32>
        %get3A_444 = arith.constant 1 : i32
        %get3A_445 = arith.constant 4 : i32
        %get3A_446 = arith.index_cast %get3A_444 : i32 to index
        %get3A_447 = arith.index_cast %scan3A_163 : i32 to index
        %get3A_448 = arith.index_cast %get3A_445 : i32 to index
        %get3A_449 = arith.constant 0 : index
        %get3A_450 = tpu.vector_load %arg4[%get3A_446, %get3A_447, %get3A_448, %get3A_449] {strides = array<i32>} : memref<2x5x32x128xf32, #tpu.memory_space<vmem>>, vector<1x1x1x16xf32>,
        %get3A_451 = vector.shape_cast %get3A_450 : vector<1x1x1x16xf32> to vector<16xf32>
        %add3A_452 = arith.addf %add3A_380, %get3A_451 : vector<16xf32>
        %get3A_453 = arith.constant 1 : i32
        %get3A_454 = arith.constant 4 : i32
        %get3A_455 = arith.index_cast %get3A_453 : i32 to index
        %get3A_456 = arith.index_cast %scan3A_163 : i32 to index
        %get3A_457 = arith.index_cast %get3A_454 : i32 to index
        %get3A_458 = arith.constant 16 : index
        %get3A_459 = tpu.vector_load %arg4[%get3A_455, %get3A_456, %get3A_457, %get3A_458] {strides = array<i32>} : memref<2x5x32x128xf32, #tpu.memory_space<vmem>>, vector<1x1x1x16xf32>,
        %get3A_460 = vector.shape_cast %get3A_459 : vector<1x1x1x16xf32> to vector<16xf32>
        %add3A_461 = arith.addf %add3A_389, %get3A_460 : vector<16xf32>
        %get3A_462 = arith.constant 1 : i32
        %get3A_463 = arith.constant 4 : i32
        %get3A_464 = arith.index_cast %get3A_462 : i32 to index
        %get3A_465 = arith.index_cast %scan3A_163 : i32 to index
        %get3A_466 = arith.index_cast %get3A_463 : i32 to index
        %get3A_467 = arith.constant 32 : index
        %get3A_468 = tpu.vector_load %arg4[%get3A_464, %get3A_465, %get3A_466, %get3A_467] {strides = array<i32>} : memref<2x5x32x128xf32, #tpu.memory_space<vmem>>, vector<1x1x1x16xf32>,
        %get3A_469 = vector.shape_cast %get3A_468 : vector<1x1x1x16xf32> to vector<16xf32>
        %add3A_470 = arith.addf %add3A_398, %get3A_469 : vector<16xf32>
        %get3A_471 = arith.constant 1 : i32
        %get3A_472 = arith.constant 4 : i32
        %get3A_473 = arith.index_cast %get3A_471 : i32 to index
        %get3A_474 = arith.index_cast %scan3A_163 : i32 to index
        %get3A_475 = arith.index_cast %get3A_472 : i32 to index
        %get3A_476 = arith.constant 48 : index
        %get3A_477 = tpu.vector_load %arg4[%get3A_473, %get3A_474, %get3A_475, %get3A_476] {strides = array<i32>} : memref<2x5x32x128xf32, #tpu.memory_space<vmem>>, vector<1x1x1x16xf32>,
        %get3A_478 = vector.shape_cast %get3A_477 : vector<1x1x1x16xf32> to vector<16xf32>
        %add3A_479 = arith.addf %add3A_407, %get3A_478 : vector<16xf32>
        %get3A_480 = arith.constant 1 : i32
        %get3A_481 = arith.constant 4 : i32
        %get3A_482 = arith.index_cast %get3A_480 : i32 to index
        %get3A_483 = arith.index_cast %scan3A_163 : i32 to index
        %get3A_484 = arith.index_cast %get3A_481 : i32 to index
        %get3A_485 = arith.constant 64 : index
        %get3A_486 = tpu.vector_load %arg4[%get3A_482, %get3A_483, %get3A_484, %get3A_485] {strides = array<i32>} : memref<2x5x32x128xf32, #tpu.memory_space<vmem>>, vector<1x1x1x16xf32>,
        %get3A_487 = vector.shape_cast %get3A_486 : vector<1x1x1x16xf32> to vector<16xf32>
        %add3A_488 = arith.addf %add3A_416, %get3A_487 : vector<16xf32>
        %get3A_489 = arith.constant 1 : i32
        %get3A_490 = arith.constant 4 : i32
        %get3A_491 = arith.index_cast %get3A_489 : i32 to index
        %get3A_492 = arith.index_cast %scan3A_163 : i32 to index
        %get3A_493 = arith.index_cast %get3A_490 : i32 to index
        %get3A_494 = arith.constant 80 : index
        %get3A_495 = tpu.vector_load %arg4[%get3A_491, %get3A_492, %get3A_493, %get3A_494] {strides = array<i32>} : memref<2x5x32x128xf32, #tpu.memory_space<vmem>>, vector<1x1x1x16xf32>,
        %get3A_496 = vector.shape_cast %get3A_495 : vector<1x1x1x16xf32> to vector<16xf32>
        %add3A_497 = arith.addf %add3A_425, %get3A_496 : vector<16xf32>
        %get3A_498 = arith.constant 1 : i32
        %get3A_499 = arith.constant 4 : i32
        %get3A_500 = arith.index_cast %get3A_498 : i32 to index
        %get3A_501 = arith.index_cast %scan3A_163 : i32 to index
        %get3A_502 = arith.index_cast %get3A_499 : i32 to index
        %get3A_503 = arith.constant 96 : index
        %get3A_504 = tpu.vector_load %arg4[%get3A_500, %get3A_501, %get3A_502, %get3A_503] {strides = array<i32>} : memref<2x5x32x128xf32, #tpu.memory_space<vmem>>, vector<1x1x1x16xf32>,
        %get3A_505 = vector.shape_cast %get3A_504 : vector<1x1x1x16xf32> to vector<16xf32>
        %add3A_506 = arith.addf %add3A_434, %get3A_505 : vector<16xf32>
        %get3A_507 = arith.constant 1 : i32
        %get3A_508 = arith.constant 4 : i32
        %get3A_509 = arith.index_cast %get3A_507 : i32 to index
        %get3A_510 = arith.index_cast %scan3A_163 : i32 to index
        %get3A_511 = arith.index_cast %get3A_508 : i32 to index
        %get3A_512 = arith.constant 112 : index
        %get3A_513 = tpu.vector_load %arg4[%get3A_509, %get3A_510, %get3A_511, %get3A_512] {strides = array<i32>} : memref<2x5x32x128xf32, #tpu.memory_space<vmem>>, vector<1x1x1x16xf32>,
        %get3A_514 = vector.shape_cast %get3A_513 : vector<1x1x1x16xf32> to vector<16xf32>
        %add3A_515 = arith.addf %add3A_443, %get3A_514 : vector<16xf32>
        %get3A_516 = arith.constant 1 : i32
        %get3A_517 = arith.constant 5 : i32
        %get3A_518 = arith.index_cast %get3A_516 : i32 to index
        %get3A_519 = arith.index_cast %scan3A_163 : i32 to index
        %get3A_520 = arith.index_cast %get3A_517 : i32 to index
        %get3A_521 = arith.constant 0 : index
        %get3A_522 = tpu.vector_load %arg4[%get3A_518, %get3A_519, %get3A_520, %get3A_521] {strides = array<i32>} : memref<2x5x32x128xf32, #tpu.memory_space<vmem>>, vector<1x1x1x16xf32>,
        %get3A_523 = vector.shape_cast %get3A_522 : vector<1x1x1x16xf32> to vector<16xf32>
        %add3A_524 = arith.addf %add3A_452, %get3A_523 : vector<16xf32>
        %get3A_525 = arith.constant 1 : i32
        %get3A_526 = arith.constant 5 : i32
        %get3A_527 = arith.index_cast %get3A_525 : i32 to index
        %get3A_528 = arith.index_cast %scan3A_163 : i32 to index
        %get3A_529 = arith.index_cast %get3A_526 : i32 to index
        %get3A_530 = arith.constant 16 : index
        %get3A_531 = tpu.vector_load %arg4[%get3A_527, %get3A_528, %get3A_529, %get3A_530] {strides = array<i32>} : memref<2x5x32x128xf32, #tpu.memory_space<vmem>>, vector<1x1x1x16xf32>,
        %get3A_532 = vector.shape_cast %get3A_531 : vector<1x1x1x16xf32> to vector<16xf32>
        %add3A_533 = arith.addf %add3A_461, %get3A_532 : vector<16xf32>
        %get3A_534 = arith.constant 1 : i32
        %get3A_535 = arith.constant 5 : i32
        %get3A_536 = arith.index_cast %get3A_534 : i32 to index
        %get3A_537 = arith.index_cast %scan3A_163 : i32 to index
        %get3A_538 = arith.index_cast %get3A_535 : i32 to index
        %get3A_539 = arith.constant 32 : index
        %get3A_540 = tpu.vector_load %arg4[%get3A_536, %get3A_537, %get3A_538, %get3A_539] {strides = array<i32>} : memref<2x5x32x128xf32, #tpu.memory_space<vmem>>, vector<1x1x1x16xf32>,
        %get3A_541 = vector.shape_cast %get3A_540 : vector<1x1x1x16xf32> to vector<16xf32>
        %add3A_542 = arith.addf %add3A_470, %get3A_541 : vector<16xf32>
        %get3A_543 = arith.constant 1 : i32
        %get3A_544 = arith.constant 5 : i32
        %get3A_545 = arith.index_cast %get3A_543 : i32 to index
        %get3A_546 = arith.index_cast %scan3A_163 : i32 to index
        %get3A_547 = arith.index_cast %get3A_544 : i32 to index
        %get3A_548 = arith.constant 48 : index
        %get3A_549 = tpu.vector_load %arg4[%get3A_545, %get3A_546, %get3A_547, %get3A_548] {strides = array<i32>} : memref<2x5x32x128xf32, #tpu.memory_space<vmem>>, vector<1x1x1x16xf32>,
        %get3A_550 = vector.shape_cast %get3A_549 : vector<1x1x1x16xf32> to vector<16xf32>
        %add3A_551 = arith.addf %add3A_479, %get3A_550 : vector<16xf32>
        %get3A_552 = arith.constant 1 : i32
        %get3A_553 = arith.constant 5 : i32
        %get3A_554 = arith.index_cast %get3A_552 : i32 to index
        %get3A_555 = arith.index_cast %scan3A_163 : i32 to index
        %get3A_556 = arith.index_cast %get3A_553 : i32 to index
        %get3A_557 = arith.constant 64 : index
        %get3A_558 = tpu.vector_load %arg4[%get3A_554, %get3A_555, %get3A_556, %get3A_557] {strides = array<i32>} : memref<2x5x32x128xf32, #tpu.memory_space<vmem>>, vector<1x1x1x16xf32>,
        %get3A_559 = vector.shape_cast %get3A_558 : vector<1x1x1x16xf32> to vector<16xf32>
        %add3A_560 = arith.addf %add3A_488, %get3A_559 : vector<16xf32>
        %get3A_561 = arith.constant 1 : i32
        %get3A_562 = arith.constant 5 : i32
        %get3A_563 = arith.index_cast %get3A_561 : i32 to index
        %get3A_564 = arith.index_cast %scan3A_163 : i32 to index
        %get3A_565 = arith.index_cast %get3A_562 : i32 to index
        %get3A_566 = arith.constant 80 : index
        %get3A_567 = tpu.vector_load %arg4[%get3A_563, %get3A_564, %get3A_565, %get3A_566] {strides = array<i32>} : memref<2x5x32x128xf32, #tpu.memory_space<vmem>>, vector<1x1x1x16xf32>,
        %get3A_568 = vector.shape_cast %get3A_567 : vector<1x1x1x16xf32> to vector<16xf32>
        %add3A_569 = arith.addf %add3A_497, %get3A_568 : vector<16xf32>
        %get3A_570 = arith.constant 1 : i32
        %get3A_571 = arith.constant 5 : i32
        %get3A_572 = arith.index_cast %get3A_570 : i32 to index
        %get3A_573 = arith.index_cast %scan3A_163 : i32 to index
        %get3A_574 = arith.index_cast %get3A_571 : i32 to index
        %get3A_575 = arith.constant 96 : index
        %get3A_576 = tpu.vector_load %arg4[%get3A_572, %get3A_573, %get3A_574, %get3A_575] {strides = array<i32>} : memref<2x5x32x128xf32, #tpu.memory_space<vmem>>, vector<1x1x1x16xf32>,
        %get3A_577 = vector.shape_cast %get3A_576 : vector<1x1x1x16xf32> to vector<16xf32>
        %add3A_578 = arith.addf %add3A_506, %get3A_577 : vector<16xf32>
        %get3A_579 = arith.constant 1 : i32
        %get3A_580 = arith.constant 5 : i32
        %get3A_581 = arith.index_cast %get3A_579 : i32 to index
        %get3A_582 = arith.index_cast %scan3A_163 : i32 to index
        %get3A_583 = arith.index_cast %get3A_580 : i32 to index
        %get3A_584 = arith.constant 112 : index
        %get3A_585 = tpu.vector_load %arg4[%get3A_581, %get3A_582, %get3A_583, %get3A_584] {strides = array<i32>} : memref<2x5x32x128xf32, #tpu.memory_space<vmem>>, vector<1x1x1x16xf32>,
        %get3A_586 = vector.shape_cast %get3A_585 : vector<1x1x1x16xf32> to vector<16xf32>
        %add3A_587 = arith.addf %add3A_515, %get3A_586 : vector<16xf32>
        %get3A_588 = arith.constant 1 : i32
        %get3A_589 = arith.constant 6 : i32
        %get3A_590 = arith.index_cast %get3A_588 : i32 to index
        %get3A_591 = arith.index_cast %scan3A_163 : i32 to index
        %get3A_592 = arith.index_cast %get3A_589 : i32 to index
        %get3A_593 = arith.constant 0 : index
        %get3A_594 = tpu.vector_load %arg4[%get3A_590, %get3A_591, %get3A_592, %get3A_593] {strides = array<i32>} : memref<2x5x32x128xf32, #tpu.memory_space<vmem>>, vector<1x1x1x16xf32>,
        %get3A_595 = vector.shape_cast %get3A_594 : vector<1x1x1x16xf32> to vector<16xf32>
        %add3A_596 = arith.addf %add3A_524, %get3A_595 : vector<16xf32>
        %get3A_597 = arith.constant 1 : i32
        %get3A_598 = arith.constant 6 : i32
        %get3A_599 = arith.index_cast %get3A_597 : i32 to index
        %get3A_600 = arith.index_cast %scan3A_163 : i32 to index
        %get3A_601 = arith.index_cast %get3A_598 : i32 to index
        %get3A_602 = arith.constant 16 : index
        %get3A_603 = tpu.vector_load %arg4[%get3A_599, %get3A_600, %get3A_601, %get3A_602] {strides = array<i32>} : memref<2x5x32x128xf32, #tpu.memory_space<vmem>>, vector<1x1x1x16xf32>,
        %get3A_604 = vector.shape_cast %get3A_603 : vector<1x1x1x16xf32> to vector<16xf32>
        %add3A_605 = arith.addf %add3A_533, %get3A_604 : vector<16xf32>
        %get3A_606 = arith.constant 1 : i32
        %get3A_607 = arith.constant 6 : i32
        %get3A_608 = arith.index_cast %get3A_606 : i32 to index
        %get3A_609 = arith.index_cast %scan3A_163 : i32 to index
        %get3A_610 = arith.index_cast %get3A_607 : i32 to index
        %get3A_611 = arith.constant 32 : index
        %get3A_612 = tpu.vector_load %arg4[%get3A_608, %get3A_609, %get3A_610, %get3A_611] {strides = array<i32>} : memref<2x5x32x128xf32, #tpu.memory_space<vmem>>, vector<1x1x1x16xf32>,
        %get3A_613 = vector.shape_cast %get3A_612 : vector<1x1x1x16xf32> to vector<16xf32>
        %add3A_614 = arith.addf %add3A_542, %get3A_613 : vector<16xf32>
        %get3A_615 = arith.constant 1 : i32
        %get3A_616 = arith.constant 6 : i32
        %get3A_617 = arith.index_cast %get3A_615 : i32 to index
        %get3A_618 = arith.index_cast %scan3A_163 : i32 to index
        %get3A_619 = arith.index_cast %get3A_616 : i32 to index
        %get3A_620 = arith.constant 48 : index
        %get3A_621 = tpu.vector_load %arg4[%get3A_617, %get3A_618, %get3A_619, %get3A_620] {strides = array<i32>} : memref<2x5x32x128xf32, #tpu.memory_space<vmem>>, vector<1x1x1x16xf32>,
        %get3A_622 = vector.shape_cast %get3A_621 : vector<1x1x1x16xf32> to vector<16xf32>
        %add3A_623 = arith.addf %add3A_551, %get3A_622 : vector<16xf32>
        %get3A_624 = arith.constant 1 : i32
        %get3A_625 = arith.constant 6 : i32
        %get3A_626 = arith.index_cast %get3A_624 : i32 to index
        %get3A_627 = arith.index_cast %scan3A_163 : i32 to index
        %get3A_628 = arith.index_cast %get3A_625 : i32 to index
        %get3A_629 = arith.constant 64 : index
        %get3A_630 = tpu.vector_load %arg4[%get3A_626, %get3A_627, %get3A_628, %get3A_629] {strides = array<i32>} : memref<2x5x32x128xf32, #tpu.memory_space<vmem>>, vector<1x1x1x16xf32>,
        %get3A_631 = vector.shape_cast %get3A_630 : vector<1x1x1x16xf32> to vector<16xf32>
        %add3A_632 = arith.addf %add3A_560, %get3A_631 : vector<16xf32>
        %get3A_633 = arith.constant 1 : i32
        %get3A_634 = arith.constant 6 : i32
        %get3A_635 = arith.index_cast %get3A_633 : i32 to index
        %get3A_636 = arith.index_cast %scan3A_163 : i32 to index
        %get3A_637 = arith.index_cast %get3A_634 : i32 to index
        %get3A_638 = arith.constant 80 : index
        %get3A_639 = tpu.vector_load %arg4[%get3A_635, %get3A_636, %get3A_637, %get3A_638] {strides = array<i32>} : memref<2x5x32x128xf32, #tpu.memory_space<vmem>>, vector<1x1x1x16xf32>,
        %get3A_640 = vector.shape_cast %get3A_639 : vector<1x1x1x16xf32> to vector<16xf32>
        %add3A_641 = arith.addf %add3A_569, %get3A_640 : vector<16xf32>
        %get3A_642 = arith.constant 1 : i32
        %get3A_643 = arith.constant 6 : i32
        %get3A_644 = arith.index_cast %get3A_642 : i32 to index
        %get3A_645 = arith.index_cast %scan3A_163 : i32 to index
        %get3A_646 = arith.index_cast %get3A_643 : i32 to index
        %get3A_647 = arith.constant 96 : index
        %get3A_648 = tpu.vector_load %arg4[%get3A_644, %get3A_645, %get3A_646, %get3A_647] {strides = array<i32>} : memref<2x5x32x128xf32, #tpu.memory_space<vmem>>, vector<1x1x1x16xf32>,
        %get3A_649 = vector.shape_cast %get3A_648 : vector<1x1x1x16xf32> to vector<16xf32>
        %add3A_650 = arith.addf %add3A_578, %get3A_649 : vector<16xf32>
        %get3A_651 = arith.constant 1 : i32
        %get3A_652 = arith.constant 6 : i32
        %get3A_653 = arith.index_cast %get3A_651 : i32 to index
        %get3A_654 = arith.index_cast %scan3A_163 : i32 to index
        %get3A_655 = arith.index_cast %get3A_652 : i32 to index
        %get3A_656 = arith.constant 112 : index
        %get3A_657 = tpu.vector_load %arg4[%get3A_653, %get3A_654, %get3A_655, %get3A_656] {strides = array<i32>} : memref<2x5x32x128xf32, #tpu.memory_space<vmem>>, vector<1x1x1x16xf32>,
        %get3A_658 = vector.shape_cast %get3A_657 : vector<1x1x1x16xf32> to vector<16xf32>
        %add3A_659 = arith.addf %add3A_587, %get3A_658 : vector<16xf32>
        %get3A_660 = arith.constant 1 : i32
        %get3A_661 = arith.constant 7 : i32
        %get3A_662 = arith.index_cast %get3A_660 : i32 to index
        %get3A_663 = arith.index_cast %scan3A_163 : i32 to index
        %get3A_664 = arith.index_cast %get3A_661 : i32 to index
        %get3A_665 = arith.constant 0 : index
        %get3A_666 = tpu.vector_load %arg4[%get3A_662, %get3A_663, %get3A_664, %get3A_665] {strides = array<i32>} : memref<2x5x32x128xf32, #tpu.memory_space<vmem>>, vector<1x1x1x16xf32>,
        %get3A_667 = vector.shape_cast %get3A_666 : vector<1x1x1x16xf32> to vector<16xf32>
        %add3A_668 = arith.addf %add3A_596, %get3A_667 : vector<16xf32>
        %get3A_669 = arith.constant 1 : i32
        %get3A_670 = arith.constant 7 : i32
        %get3A_671 = arith.index_cast %get3A_669 : i32 to index
        %get3A_672 = arith.index_cast %scan3A_163 : i32 to index
        %get3A_673 = arith.index_cast %get3A_670 : i32 to index
        %get3A_674 = arith.constant 16 : index
        %get3A_675 = tpu.vector_load %arg4[%get3A_671, %get3A_672, %get3A_673, %get3A_674] {strides = array<i32>} : memref<2x5x32x128xf32, #tpu.memory_space<vmem>>, vector<1x1x1x16xf32>,
        %get3A_676 = vector.shape_cast %get3A_675 : vector<1x1x1x16xf32> to vector<16xf32>
        %add3A_677 = arith.addf %add3A_605, %get3A_676 : vector<16xf32>
        %get3A_678 = arith.constant 1 : i32
        %get3A_679 = arith.constant 7 : i32
        %get3A_680 = arith.index_cast %get3A_678 : i32 to index
        %get3A_681 = arith.index_cast %scan3A_163 : i32 to index
        %get3A_682 = arith.index_cast %get3A_679 : i32 to index
        %get3A_683 = arith.constant 32 : index
        %get3A_684 = tpu.vector_load %arg4[%get3A_680, %get3A_681, %get3A_682, %get3A_683] {strides = array<i32>} : memref<2x5x32x128xf32, #tpu.memory_space<vmem>>, vector<1x1x1x16xf32>,
        %get3A_685 = vector.shape_cast %get3A_684 : vector<1x1x1x16xf32> to vector<16xf32>
        %add3A_686 = arith.addf %add3A_614, %get3A_685 : vector<16xf32>
        %get3A_687 = arith.constant 1 : i32
        %get3A_688 = arith.constant 7 : i32
        %get3A_689 = arith.index_cast %get3A_687 : i32 to index
        %get3A_690 = arith.index_cast %scan3A_163 : i32 to index
        %get3A_691 = arith.index_cast %get3A_688 : i32 to index
        %get3A_692 = arith.constant 48 : index
        %get3A_693 = tpu.vector_load %arg4[%get3A_689, %get3A_690, %get3A_691, %get3A_692] {strides = array<i32>} : memref<2x5x32x128xf32, #tpu.memory_space<vmem>>, vector<1x1x1x16xf32>,
        %get3A_694 = vector.shape_cast %get3A_693 : vector<1x1x1x16xf32> to vector<16xf32>
        %add3A_695 = arith.addf %add3A_623, %get3A_694 : vector<16xf32>
        %get3A_696 = arith.constant 1 : i32
        %get3A_697 = arith.constant 7 : i32
        %get3A_698 = arith.index_cast %get3A_696 : i32 to index
        %get3A_699 = arith.index_cast %scan3A_163 : i32 to index
        %get3A_700 = arith.index_cast %get3A_697 : i32 to index
        %get3A_701 = arith.constant 64 : index
        %get3A_702 = tpu.vector_load %arg4[%get3A_698, %get3A_699, %get3A_700, %get3A_701] {strides = array<i32>} : memref<2x5x32x128xf32, #tpu.memory_space<vmem>>, vector<1x1x1x16xf32>,
        %get3A_703 = vector.shape_cast %get3A_702 : vector<1x1x1x16xf32> to vector<16xf32>
        %add3A_704 = arith.addf %add3A_632, %get3A_703 : vector<16xf32>
        %get3A_705 = arith.constant 1 : i32
        %get3A_706 = arith.constant 7 : i32
        %get3A_707 = arith.index_cast %get3A_705 : i32 to index
        %get3A_708 = arith.index_cast %scan3A_163 : i32 to index
        %get3A_709 = arith.index_cast %get3A_706 : i32 to index
        %get3A_710 = arith.constant 80 : index
        %get3A_711 = tpu.vector_load %arg4[%get3A_707, %get3A_708, %get3A_709, %get3A_710] {strides = array<i32>} : memref<2x5x32x128xf32, #tpu.memory_space<vmem>>, vector<1x1x1x16xf32>,
        %get3A_712 = vector.shape_cast %get3A_711 : vector<1x1x1x16xf32> to vector<16xf32>
        %add3A_713 = arith.addf %add3A_641, %get3A_712 : vector<16xf32>
        %get3A_714 = arith.constant 1 : i32
        %get3A_715 = arith.constant 7 : i32
        %get3A_716 = arith.index_cast %get3A_714 : i32 to index
        %get3A_717 = arith.index_cast %scan3A_163 : i32 to index
        %get3A_718 = arith.index_cast %get3A_715 : i32 to index
        %get3A_719 = arith.constant 96 : index
        %get3A_720 = tpu.vector_load %arg4[%get3A_716, %get3A_717, %get3A_718, %get3A_719] {strides = array<i32>} : memref<2x5x32x128xf32, #tpu.memory_space<vmem>>, vector<1x1x1x16xf32>,
        %get3A_721 = vector.shape_cast %get3A_720 : vector<1x1x1x16xf32> to vector<16xf32>
        %add3A_722 = arith.addf %add3A_650, %get3A_721 : vector<16xf32>
        %get3A_723 = arith.constant 1 : i32
        %get3A_724 = arith.constant 7 : i32
        %get3A_725 = arith.index_cast %get3A_723 : i32 to index
        %get3A_726 = arith.index_cast %scan3A_163 : i32 to index
        %get3A_727 = arith.index_cast %get3A_724 : i32 to index
        %get3A_728 = arith.constant 112 : index
        %get3A_729 = tpu.vector_load %arg4[%get3A_725, %get3A_726, %get3A_727, %get3A_728] {strides = array<i32>} : memref<2x5x32x128xf32, #tpu.memory_space<vmem>>, vector<1x1x1x16xf32>,
        %get3A_730 = vector.shape_cast %get3A_729 : vector<1x1x1x16xf32> to vector<16xf32>
        %add3A_731 = arith.addf %add3A_659, %get3A_730 : vector<16xf32>
        %get3A_732 = arith.constant 1 : i32
        %get3A_733 = arith.constant 8 : i32
        %get3A_734 = arith.index_cast %get3A_732 : i32 to index
        %get3A_735 = arith.index_cast %scan3A_163 : i32 to index
        %get3A_736 = arith.index_cast %get3A_733 : i32 to index
        %get3A_737 = arith.constant 0 : index
        %get3A_738 = tpu.vector_load %arg4[%get3A_734, %get3A_735, %get3A_736, %get3A_737] {strides = array<i32>} : memref<2x5x32x128xf32, #tpu.memory_space<vmem>>, vector<1x1x1x16xf32>,
        %get3A_739 = vector.shape_cast %get3A_738 : vector<1x1x1x16xf32> to vector<16xf32>
        %add3A_740 = arith.addf %add3A_668, %get3A_739 : vector<16xf32>
        %get3A_741 = arith.constant 1 : i32
        %get3A_742 = arith.constant 8 : i32
        %get3A_743 = arith.index_cast %get3A_741 : i32 to index
        %get3A_744 = arith.index_cast %scan3A_163 : i32 to index
        %get3A_745 = arith.index_cast %get3A_742 : i32 to index
        %get3A_746 = arith.constant 16 : index
        %get3A_747 = tpu.vector_load %arg4[%get3A_743, %get3A_744, %get3A_745, %get3A_746] {strides = array<i32>} : memref<2x5x32x128xf32, #tpu.memory_space<vmem>>, vector<1x1x1x16xf32>,
        %get3A_748 = vector.shape_cast %get3A_747 : vector<1x1x1x16xf32> to vector<16xf32>
        %add3A_749 = arith.addf %add3A_677, %get3A_748 : vector<16xf32>
        %get3A_750 = arith.constant 1 : i32
        %get3A_751 = arith.constant 8 : i32
        %get3A_752 = arith.index_cast %get3A_750 : i32 to index
        %get3A_753 = arith.index_cast %scan3A_163 : i32 to index
        %get3A_754 = arith.index_cast %get3A_751 : i32 to index
        %get3A_755 = arith.constant 32 : index
        %get3A_756 = tpu.vector_load %arg4[%get3A_752, %get3A_753, %get3A_754, %get3A_755] {strides = array<i32>} : memref<2x5x32x128xf32, #tpu.memory_space<vmem>>, vector<1x1x1x16xf32>,
        %get3A_757 = vector.shape_cast %get3A_756 : vector<1x1x1x16xf32> to vector<16xf32>
        %add3A_758 = arith.addf %add3A_686, %get3A_757 : vector<16xf32>
        %get3A_759 = arith.constant 1 : i32
        %get3A_760 = arith.constant 8 : i32
        %get3A_761 = arith.index_cast %get3A_759 : i32 to index
        %get3A_762 = arith.index_cast %scan3A_163 : i32 to index
        %get3A_763 = arith.index_cast %get3A_760 : i32 to index
        %get3A_764 = arith.constant 48 : index
        %get3A_765 = tpu.vector_load %arg4[%get3A_761, %get3A_762, %get3A_763, %get3A_764] {strides = array<i32>} : memref<2x5x32x128xf32, #tpu.memory_space<vmem>>, vector<1x1x1x16xf32>,
        %get3A_766 = vector.shape_cast %get3A_765 : vector<1x1x1x16xf32> to vector<16xf32>
        %add3A_767 = arith.addf %add3A_695, %get3A_766 : vector<16xf32>
        %get3A_768 = arith.constant 1 : i32
        %get3A_769 = arith.constant 8 : i32
        %get3A_770 = arith.index_cast %get3A_768 : i32 to index
        %get3A_771 = arith.index_cast %scan3A_163 : i32 to index
        %get3A_772 = arith.index_cast %get3A_769 : i32 to index
        %get3A_773 = arith.constant 64 : index
        %get3A_774 = tpu.vector_load %arg4[%get3A_770, %get3A_771, %get3A_772, %get3A_773] {strides = array<i32>} : memref<2x5x32x128xf32, #tpu.memory_space<vmem>>, vector<1x1x1x16xf32>,
        %get3A_775 = vector.shape_cast %get3A_774 : vector<1x1x1x16xf32> to vector<16xf32>
        %add3A_776 = arith.addf %add3A_704, %get3A_775 : vector<16xf32>
        %get3A_777 = arith.constant 1 : i32
        %get3A_778 = arith.constant 8 : i32
        %get3A_779 = arith.index_cast %get3A_777 : i32 to index
        %get3A_780 = arith.index_cast %scan3A_163 : i32 to index
        %get3A_781 = arith.index_cast %get3A_778 : i32 to index
        %get3A_782 = arith.constant 80 : index
        %get3A_783 = tpu.vector_load %arg4[%get3A_779, %get3A_780, %get3A_781, %get3A_782] {strides = array<i32>} : memref<2x5x32x128xf32, #tpu.memory_space<vmem>>, vector<1x1x1x16xf32>,
        %get3A_784 = vector.shape_cast %get3A_783 : vector<1x1x1x16xf32> to vector<16xf32>
        %add3A_785 = arith.addf %add3A_713, %get3A_784 : vector<16xf32>
        %get3A_786 = arith.constant 1 : i32
        %get3A_787 = arith.constant 8 : i32
        %get3A_788 = arith.index_cast %get3A_786 : i32 to index
        %get3A_789 = arith.index_cast %scan3A_163 : i32 to index
        %get3A_790 = arith.index_cast %get3A_787 : i32 to index
        %get3A_791 = arith.constant 96 : index
        %get3A_792 = tpu.vector_load %arg4[%get3A_788, %get3A_789, %get3A_790, %get3A_791] {strides = array<i32>} : memref<2x5x32x128xf32, #tpu.memory_space<vmem>>, vector<1x1x1x16xf32>,
        %get3A_793 = vector.shape_cast %get3A_792 : vector<1x1x1x16xf32> to vector<16xf32>
        %add3A_794 = arith.addf %add3A_722, %get3A_793 : vector<16xf32>
        %get3A_795 = arith.constant 1 : i32
        %get3A_796 = arith.constant 8 : i32
        %get3A_797 = arith.index_cast %get3A_795 : i32 to index
        %get3A_798 = arith.index_cast %scan3A_163 : i32 to index
        %get3A_799 = arith.index_cast %get3A_796 : i32 to index
        %get3A_800 = arith.constant 112 : index
        %get3A_801 = tpu.vector_load %arg4[%get3A_797, %get3A_798, %get3A_799, %get3A_800] {strides = array<i32>} : memref<2x5x32x128xf32, #tpu.memory_space<vmem>>, vector<1x1x1x16xf32>,
        %get3A_802 = vector.shape_cast %get3A_801 : vector<1x1x1x16xf32> to vector<16xf32>
        %add3A_803 = arith.addf %add3A_731, %get3A_802 : vector<16xf32>
        %get3A_804 = arith.constant 1 : i32
        %get3A_805 = arith.constant 9 : i32
        %get3A_806 = arith.index_cast %get3A_804 : i32 to index
        %get3A_807 = arith.index_cast %scan3A_163 : i32 to index
        %get3A_808 = arith.index_cast %get3A_805 : i32 to index
        %get3A_809 = arith.constant 0 : index
        %get3A_810 = tpu.vector_load %arg4[%get3A_806, %get3A_807, %get3A_808, %get3A_809] {strides = array<i32>} : memref<2x5x32x128xf32, #tpu.memory_space<vmem>>, vector<1x1x1x16xf32>,
        %get3A_811 = vector.shape_cast %get3A_810 : vector<1x1x1x16xf32> to vector<16xf32>
        %add3A_812 = arith.addf %add3A_740, %get3A_811 : vector<16xf32>
        %get3A_813 = arith.constant 1 : i32
        %get3A_814 = arith.constant 9 : i32
        %get3A_815 = arith.index_cast %get3A_813 : i32 to index
        %get3A_816 = arith.index_cast %scan3A_163 : i32 to index
        %get3A_817 = arith.index_cast %get3A_814 : i32 to index
        %get3A_818 = arith.constant 16 : index
        %get3A_819 = tpu.vector_load %arg4[%get3A_815, %get3A_816, %get3A_817, %get3A_818] {strides = array<i32>} : memref<2x5x32x128xf32, #tpu.memory_space<vmem>>, vector<1x1x1x16xf32>,
        %get3A_820 = vector.shape_cast %get3A_819 : vector<1x1x1x16xf32> to vector<16xf32>
        %add3A_821 = arith.addf %add3A_749, %get3A_820 : vector<16xf32>
        %get3A_822 = arith.constant 1 : i32
        %get3A_823 = arith.constant 9 : i32
        %get3A_824 = arith.index_cast %get3A_822 : i32 to index
        %get3A_825 = arith.index_cast %scan3A_163 : i32 to index
        %get3A_826 = arith.index_cast %get3A_823 : i32 to index
        %get3A_827 = arith.constant 32 : index
        %get3A_828 = tpu.vector_load %arg4[%get3A_824, %get3A_825, %get3A_826, %get3A_827] {strides = array<i32>} : memref<2x5x32x128xf32, #tpu.memory_space<vmem>>, vector<1x1x1x16xf32>,
        %get3A_829 = vector.shape_cast %get3A_828 : vector<1x1x1x16xf32> to vector<16xf32>
        %add3A_830 = arith.addf %add3A_758, %get3A_829 : vector<16xf32>
        %get3A_831 = arith.constant 1 : i32
        %get3A_832 = arith.constant 9 : i32
        %get3A_833 = arith.index_cast %get3A_831 : i32 to index
        %get3A_834 = arith.index_cast %scan3A_163 : i32 to index
        %get3A_835 = arith.index_cast %get3A_832 : i32 to index
        %get3A_836 = arith.constant 48 : index
        %get3A_837 = tpu.vector_load %arg4[%get3A_833, %get3A_834, %get3A_835, %get3A_836] {strides = array<i32>} : memref<2x5x32x128xf32, #tpu.memory_space<vmem>>, vector<1x1x1x16xf32>,
        %get3A_838 = vector.shape_cast %get3A_837 : vector<1x1x1x16xf32> to vector<16xf32>
        %add3A_839 = arith.addf %add3A_767, %get3A_838 : vector<16xf32>
        %get3A_840 = arith.constant 1 : i32
        %get3A_841 = arith.constant 9 : i32
        %get3A_842 = arith.index_cast %get3A_840 : i32 to index
        %get3A_843 = arith.index_cast %scan3A_163 : i32 to index
        %get3A_844 = arith.index_cast %get3A_841 : i32 to index
        %get3A_845 = arith.constant 64 : index
        %get3A_846 = tpu.vector_load %arg4[%get3A_842, %get3A_843, %get3A_844, %get3A_845] {strides = array<i32>} : memref<2x5x32x128xf32, #tpu.memory_space<vmem>>, vector<1x1x1x16xf32>,
        %get3A_847 = vector.shape_cast %get3A_846 : vector<1x1x1x16xf32> to vector<16xf32>
        %add3A_848 = arith.addf %add3A_776, %get3A_847 : vector<16xf32>
        %get3A_849 = arith.constant 1 : i32
        %get3A_850 = arith.constant 9 : i32
        %get3A_851 = arith.index_cast %get3A_849 : i32 to index
        %get3A_852 = arith.index_cast %scan3A_163 : i32 to index
        %get3A_853 = arith.index_cast %get3A_850 : i32 to index
        %get3A_854 = arith.constant 80 : index
        %get3A_855 = tpu.vector_load %arg4[%get3A_851, %get3A_852, %get3A_853, %get3A_854] {strides = array<i32>} : memref<2x5x32x128xf32, #tpu.memory_space<vmem>>, vector<1x1x1x16xf32>,
        %get3A_856 = vector.shape_cast %get3A_855 : vector<1x1x1x16xf32> to vector<16xf32>
        %add3A_857 = arith.addf %add3A_785, %get3A_856 : vector<16xf32>
        %get3A_858 = arith.constant 1 : i32
        %get3A_859 = arith.constant 9 : i32
        %get3A_860 = arith.index_cast %get3A_858 : i32 to index
        %get3A_861 = arith.index_cast %scan3A_163 : i32 to index
        %get3A_862 = arith.index_cast %get3A_859 : i32 to index
        %get3A_863 = arith.constant 96 : index
        %get3A_864 = tpu.vector_load %arg4[%get3A_860, %get3A_861, %get3A_862, %get3A_863] {strides = array<i32>} : memref<2x5x32x128xf32, #tpu.memory_space<vmem>>, vector<1x1x1x16xf32>,
        %get3A_865 = vector.shape_cast %get3A_864 : vector<1x1x1x16xf32> to vector<16xf32>
        %add3A_866 = arith.addf %add3A_794, %get3A_865 : vector<16xf32>
        %get3A_867 = arith.constant 1 : i32
        %get3A_868 = arith.constant 9 : i32
        %get3A_869 = arith.index_cast %get3A_867 : i32 to index
        %get3A_870 = arith.index_cast %scan3A_163 : i32 to index
        %get3A_871 = arith.index_cast %get3A_868 : i32 to index
        %get3A_872 = arith.constant 112 : index
        %get3A_873 = tpu.vector_load %arg4[%get3A_869, %get3A_870, %get3A_871, %get3A_872] {strides = array<i32>} : memref<2x5x32x128xf32, #tpu.memory_space<vmem>>, vector<1x1x1x16xf32>,
        %get3A_874 = vector.shape_cast %get3A_873 : vector<1x1x1x16xf32> to vector<16xf32>
        %add3A_875 = arith.addf %add3A_803, %get3A_874 : vector<16xf32>
        %get3A_876 = arith.constant 1 : i32
        %get3A_877 = arith.constant 10 : i32
        %get3A_878 = arith.index_cast %get3A_876 : i32 to index
        %get3A_879 = arith.index_cast %scan3A_163 : i32 to index
        %get3A_880 = arith.index_cast %get3A_877 : i32 to index
        %get3A_881 = arith.constant 0 : index
        %get3A_882 = tpu.vector_load %arg4[%get3A_878, %get3A_879, %get3A_880, %get3A_881] {strides = array<i32>} : memref<2x5x32x128xf32, #tpu.memory_space<vmem>>, vector<1x1x1x16xf32>,
        %get3A_883 = vector.shape_cast %get3A_882 : vector<1x1x1x16xf32> to vector<16xf32>
        %add3A_884 = arith.addf %add3A_812, %get3A_883 : vector<16xf32>
        %get3A_885 = arith.constant 1 : i32
        %get3A_886 = arith.constant 10 : i32
        %get3A_887 = arith.index_cast %get3A_885 : i32 to index
        %get3A_888 = arith.index_cast %scan3A_163 : i32 to index
        %get3A_889 = arith.index_cast %get3A_886 : i32 to index
        %get3A_890 = arith.constant 16 : index
        %get3A_891 = tpu.vector_load %arg4[%get3A_887, %get3A_888, %get3A_889, %get3A_890] {strides = array<i32>} : memref<2x5x32x128xf32, #tpu.memory_space<vmem>>, vector<1x1x1x16xf32>,
        %get3A_892 = vector.shape_cast %get3A_891 : vector<1x1x1x16xf32> to vector<16xf32>
        %add3A_893 = arith.addf %add3A_821, %get3A_892 : vector<16xf32>
        %get3A_894 = arith.constant 1 : i32
        %get3A_895 = arith.constant 10 : i32
        %get3A_896 = arith.index_cast %get3A_894 : i32 to index
        %get3A_897 = arith.index_cast %scan3A_163 : i32 to index
        %get3A_898 = arith.index_cast %get3A_895 : i32 to index
        %get3A_899 = arith.constant 32 : index
        %get3A_900 = tpu.vector_load %arg4[%get3A_896, %get3A_897, %get3A_898, %get3A_899] {strides = array<i32>} : memref<2x5x32x128xf32, #tpu.memory_space<vmem>>, vector<1x1x1x16xf32>,
        %get3A_901 = vector.shape_cast %get3A_900 : vector<1x1x1x16xf32> to vector<16xf32>
        %add3A_902 = arith.addf %add3A_830, %get3A_901 : vector<16xf32>
        %get3A_903 = arith.constant 1 : i32
        %get3A_904 = arith.constant 10 : i32
        %get3A_905 = arith.index_cast %get3A_903 : i32 to index
        %get3A_906 = arith.index_cast %scan3A_163 : i32 to index
        %get3A_907 = arith.index_cast %get3A_904 : i32 to index
        %get3A_908 = arith.constant 48 : index
        %get3A_909 = tpu.vector_load %arg4[%get3A_905, %get3A_906, %get3A_907, %get3A_908] {strides = array<i32>} : memref<2x5x32x128xf32, #tpu.memory_space<vmem>>, vector<1x1x1x16xf32>,
        %get3A_910 = vector.shape_cast %get3A_909 : vector<1x1x1x16xf32> to vector<16xf32>
        %add3A_911 = arith.addf %add3A_839, %get3A_910 : vector<16xf32>
        %get3A_912 = arith.constant 1 : i32
        %get3A_913 = arith.constant 10 : i32
        %get3A_914 = arith.index_cast %get3A_912 : i32 to index
        %get3A_915 = arith.index_cast %scan3A_163 : i32 to index
        %get3A_916 = arith.index_cast %get3A_913 : i32 to index
        %get3A_917 = arith.constant 64 : index
        %get3A_918 = tpu.vector_load %arg4[%get3A_914, %get3A_915, %get3A_916, %get3A_917] {strides = array<i32>} : memref<2x5x32x128xf32, #tpu.memory_space<vmem>>, vector<1x1x1x16xf32>,
        %get3A_919 = vector.shape_cast %get3A_918 : vector<1x1x1x16xf32> to vector<16xf32>
        %add3A_920 = arith.addf %add3A_848, %get3A_919 : vector<16xf32>
        %get3A_921 = arith.constant 1 : i32
        %get3A_922 = arith.constant 10 : i32
        %get3A_923 = arith.index_cast %get3A_921 : i32 to index
        %get3A_924 = arith.index_cast %scan3A_163 : i32 to index
        %get3A_925 = arith.index_cast %get3A_922 : i32 to index
        %get3A_926 = arith.constant 80 : index
        %get3A_927 = tpu.vector_load %arg4[%get3A_923, %get3A_924, %get3A_925, %get3A_926] {strides = array<i32>} : memref<2x5x32x128xf32, #tpu.memory_space<vmem>>, vector<1x1x1x16xf32>,
        %get3A_928 = vector.shape_cast %get3A_927 : vector<1x1x1x16xf32> to vector<16xf32>
        %add3A_929 = arith.addf %add3A_857, %get3A_928 : vector<16xf32>
        %get3A_930 = arith.constant 1 : i32
        %get3A_931 = arith.constant 10 : i32
        %get3A_932 = arith.index_cast %get3A_930 : i32 to index
        %get3A_933 = arith.index_cast %scan3A_163 : i32 to index
        %get3A_934 = arith.index_cast %get3A_931 : i32 to index
        %get3A_935 = arith.constant 96 : index
        %get3A_936 = tpu.vector_load %arg4[%get3A_932, %get3A_933, %get3A_934, %get3A_935] {strides = array<i32>} : memref<2x5x32x128xf32, #tpu.memory_space<vmem>>, vector<1x1x1x16xf32>,
        %get3A_937 = vector.shape_cast %get3A_936 : vector<1x1x1x16xf32> to vector<16xf32>
        %add3A_938 = arith.addf %add3A_866, %get3A_937 : vector<16xf32>
        %get3A_939 = arith.constant 1 : i32
        %get3A_940 = arith.constant 10 : i32
        %get3A_941 = arith.index_cast %get3A_939 : i32 to index
        %get3A_942 = arith.index_cast %scan3A_163 : i32 to index
        %get3A_943 = arith.index_cast %get3A_940 : i32 to index
        %get3A_944 = arith.constant 112 : index
        %get3A_945 = tpu.vector_load %arg4[%get3A_941, %get3A_942, %get3A_943, %get3A_944] {strides = array<i32>} : memref<2x5x32x128xf32, #tpu.memory_space<vmem>>, vector<1x1x1x16xf32>,
        %get3A_946 = vector.shape_cast %get3A_945 : vector<1x1x1x16xf32> to vector<16xf32>
        %add3A_947 = arith.addf %add3A_875, %get3A_946 : vector<16xf32>
        %get3A_948 = arith.constant 1 : i32
        %get3A_949 = arith.constant 11 : i32
        %get3A_950 = arith.index_cast %get3A_948 : i32 to index
        %get3A_951 = arith.index_cast %scan3A_163 : i32 to index
        %get3A_952 = arith.index_cast %get3A_949 : i32 to index
        %get3A_953 = arith.constant 0 : index
        %get3A_954 = tpu.vector_load %arg4[%get3A_950, %get3A_951, %get3A_952, %get3A_953] {strides = array<i32>} : memref<2x5x32x128xf32, #tpu.memory_space<vmem>>, vector<1x1x1x16xf32>,
        %get3A_955 = vector.shape_cast %get3A_954 : vector<1x1x1x16xf32> to vector<16xf32>
        %add3A_956 = arith.addf %add3A_884, %get3A_955 : vector<16xf32>
        %get3A_957 = arith.constant 1 : i32
        %get3A_958 = arith.constant 11 : i32
        %get3A_959 = arith.index_cast %get3A_957 : i32 to index
        %get3A_960 = arith.index_cast %scan3A_163 : i32 to index
        %get3A_961 = arith.index_cast %get3A_958 : i32 to index
        %get3A_962 = arith.constant 16 : index
        %get3A_963 = tpu.vector_load %arg4[%get3A_959, %get3A_960, %get3A_961, %get3A_962] {strides = array<i32>} : memref<2x5x32x128xf32, #tpu.memory_space<vmem>>, vector<1x1x1x16xf32>,
        %get3A_964 = vector.shape_cast %get3A_963 : vector<1x1x1x16xf32> to vector<16xf32>
        %add3A_965 = arith.addf %add3A_893, %get3A_964 : vector<16xf32>
        %get3A_966 = arith.constant 1 : i32
        %get3A_967 = arith.constant 11 : i32
        %get3A_968 = arith.index_cast %get3A_966 : i32 to index
        %get3A_969 = arith.index_cast %scan3A_163 : i32 to index
        %get3A_970 = arith.index_cast %get3A_967 : i32 to index
        %get3A_971 = arith.constant 32 : index
        %get3A_972 = tpu.vector_load %arg4[%get3A_968, %get3A_969, %get3A_970, %get3A_971] {strides = array<i32>} : memref<2x5x32x128xf32, #tpu.memory_space<vmem>>, vector<1x1x1x16xf32>,
        %get3A_973 = vector.shape_cast %get3A_972 : vector<1x1x1x16xf32> to vector<16xf32>
        %add3A_974 = arith.addf %add3A_902, %get3A_973 : vector<16xf32>
        %get3A_975 = arith.constant 1 : i32
        %get3A_976 = arith.constant 11 : i32
        %get3A_977 = arith.index_cast %get3A_975 : i32 to index
        %get3A_978 = arith.index_cast %scan3A_163 : i32 to index
        %get3A_979 = arith.index_cast %get3A_976 : i32 to index
        %get3A_980 = arith.constant 48 : index
        %get3A_981 = tpu.vector_load %arg4[%get3A_977, %get3A_978, %get3A_979, %get3A_980] {strides = array<i32>} : memref<2x5x32x128xf32, #tpu.memory_space<vmem>>, vector<1x1x1x16xf32>,
        %get3A_982 = vector.shape_cast %get3A_981 : vector<1x1x1x16xf32> to vector<16xf32>
        %add3A_983 = arith.addf %add3A_911, %get3A_982 : vector<16xf32>
        %get3A_984 = arith.constant 1 : i32
        %get3A_985 = arith.constant 11 : i32
        %get3A_986 = arith.index_cast %get3A_984 : i32 to index
        %get3A_987 = arith.index_cast %scan3A_163 : i32 to index
        %get3A_988 = arith.index_cast %get3A_985 : i32 to index
        %get3A_989 = arith.constant 64 : index
        %get3A_990 = tpu.vector_load %arg4[%get3A_986, %get3A_987, %get3A_988, %get3A_989] {strides = array<i32>} : memref<2x5x32x128xf32, #tpu.memory_space<vmem>>, vector<1x1x1x16xf32>,
        %get3A_991 = vector.shape_cast %get3A_990 : vector<1x1x1x16xf32> to vector<16xf32>
        %add3A_992 = arith.addf %add3A_920, %get3A_991 : vector<16xf32>
        %get3A_993 = arith.constant 1 : i32
        %get3A_994 = arith.constant 11 : i32
        %get3A_995 = arith.index_cast %get3A_993 : i32 to index
        %get3A_996 = arith.index_cast %scan3A_163 : i32 to index
        %get3A_997 = arith.index_cast %get3A_994 : i32 to index
        %get3A_998 = arith.constant 80 : index
        %get3A_999 = tpu.vector_load %arg4[%get3A_995, %get3A_996, %get3A_997, %get3A_998] {strides = array<i32>} : memref<2x5x32x128xf32, #tpu.memory_space<vmem>>, vector<1x1x1x16xf32>,
        %get3A_1000 = vector.shape_cast %get3A_999 : vector<1x1x1x16xf32> to vector<16xf32>
        %add3A_1001 = arith.addf %add3A_929, %get3A_1000 : vector<16xf32>
        %get3A_1002 = arith.constant 1 : i32
        %get3A_1003 = arith.constant 11 : i32
        %get3A_1004 = arith.index_cast %get3A_1002 : i32 to index
        %get3A_1005 = arith.index_cast %scan3A_163 : i32 to index
        %get3A_1006 = arith.index_cast %get3A_1003 : i32 to index
        %get3A_1007 = arith.constant 96 : index
        %get3A_1008 = tpu.vector_load %arg4[%get3A_1004, %get3A_1005, %get3A_1006, %get3A_1007] {strides = array<i32>} : memref<2x5x32x128xf32, #tpu.memory_space<vmem>>, vector<1x1x1x16xf32>,
        %get3A_1009 = vector.shape_cast %get3A_1008 : vector<1x1x1x16xf32> to vector<16xf32>
        %add3A_1010 = arith.addf %add3A_938, %get3A_1009 : vector<16xf32>
        %get3A_1011 = arith.constant 1 : i32
        %get3A_1012 = arith.constant 11 : i32
        %get3A_1013 = arith.index_cast %get3A_1011 : i32 to index
        %get3A_1014 = arith.index_cast %scan3A_163 : i32 to index
        %get3A_1015 = arith.index_cast %get3A_1012 : i32 to index
        %get3A_1016 = arith.constant 112 : index
        %get3A_1017 = tpu.vector_load %arg4[%get3A_1013, %get3A_1014, %get3A_1015, %get3A_1016] {strides = array<i32>} : memref<2x5x32x128xf32, #tpu.memory_space<vmem>>, vector<1x1x1x16xf32>,
        %get3A_1018 = vector.shape_cast %get3A_1017 : vector<1x1x1x16xf32> to vector<16xf32>
        %add3A_1019 = arith.addf %add3A_947, %get3A_1018 : vector<16xf32>
        %get3A_1020 = arith.constant 1 : i32
        %get3A_1021 = arith.constant 12 : i32
        %get3A_1022 = arith.index_cast %get3A_1020 : i32 to index
        %get3A_1023 = arith.index_cast %scan3A_163 : i32 to index
        %get3A_1024 = arith.index_cast %get3A_1021 : i32 to index
        %get3A_1025 = arith.constant 0 : index
        %get3A_1026 = tpu.vector_load %arg4[%get3A_1022, %get3A_1023, %get3A_1024, %get3A_1025] {strides = array<i32>} : memref<2x5x32x128xf32, #tpu.memory_space<vmem>>, vector<1x1x1x16xf32>,
        %get3A_1027 = vector.shape_cast %get3A_1026 : vector<1x1x1x16xf32> to vector<16xf32>
        %add3A_1028 = arith.addf %add3A_956, %get3A_1027 : vector<16xf32>
        %get3A_1029 = arith.constant 1 : i32
        %get3A_1030 = arith.constant 12 : i32
        %get3A_1031 = arith.index_cast %get3A_1029 : i32 to index
        %get3A_1032 = arith.index_cast %scan3A_163 : i32 to index
        %get3A_1033 = arith.index_cast %get3A_1030 : i32 to index
        %get3A_1034 = arith.constant 16 : index
        %get3A_1035 = tpu.vector_load %arg4[%get3A_1031, %get3A_1032, %get3A_1033, %get3A_1034] {strides = array<i32>} : memref<2x5x32x128xf32, #tpu.memory_space<vmem>>, vector<1x1x1x16xf32>,
        %get3A_1036 = vector.shape_cast %get3A_1035 : vector<1x1x1x16xf32> to vector<16xf32>
        %add3A_1037 = arith.addf %add3A_965, %get3A_1036 : vector<16xf32>
        %get3A_1038 = arith.constant 1 : i32
        %get3A_1039 = arith.constant 12 : i32
        %get3A_1040 = arith.index_cast %get3A_1038 : i32 to index
        %get3A_1041 = arith.index_cast %scan3A_163 : i32 to index
        %get3A_1042 = arith.index_cast %get3A_1039 : i32 to index
        %get3A_1043 = arith.constant 32 : index
        %get3A_1044 = tpu.vector_load %arg4[%get3A_1040, %get3A_1041, %get3A_1042, %get3A_1043] {strides = array<i32>} : memref<2x5x32x128xf32, #tpu.memory_space<vmem>>, vector<1x1x1x16xf32>,
        %get3A_1045 = vector.shape_cast %get3A_1044 : vector<1x1x1x16xf32> to vector<16xf32>
        %add3A_1046 = arith.addf %add3A_974, %get3A_1045 : vector<16xf32>
        %get3A_1047 = arith.constant 1 : i32
        %get3A_1048 = arith.constant 12 : i32
        %get3A_1049 = arith.index_cast %get3A_1047 : i32 to index
        %get3A_1050 = arith.index_cast %scan3A_163 : i32 to index
        %get3A_1051 = arith.index_cast %get3A_1048 : i32 to index
        %get3A_1052 = arith.constant 48 : index
        %get3A_1053 = tpu.vector_load %arg4[%get3A_1049, %get3A_1050, %get3A_1051, %get3A_1052] {strides = array<i32>} : memref<2x5x32x128xf32, #tpu.memory_space<vmem>>, vector<1x1x1x16xf32>,
        %get3A_1054 = vector.shape_cast %get3A_1053 : vector<1x1x1x16xf32> to vector<16xf32>
        %add3A_1055 = arith.addf %add3A_983, %get3A_1054 : vector<16xf32>
        %get3A_1056 = arith.constant 1 : i32
        %get3A_1057 = arith.constant 12 : i32
        %get3A_1058 = arith.index_cast %get3A_1056 : i32 to index
        %get3A_1059 = arith.index_cast %scan3A_163 : i32 to index
        %get3A_1060 = arith.index_cast %get3A_1057 : i32 to index
        %get3A_1061 = arith.constant 64 : index
        %get3A_1062 = tpu.vector_load %arg4[%get3A_1058, %get3A_1059, %get3A_1060, %get3A_1061] {strides = array<i32>} : memref<2x5x32x128xf32, #tpu.memory_space<vmem>>, vector<1x1x1x16xf32>,
        %get3A_1063 = vector.shape_cast %get3A_1062 : vector<1x1x1x16xf32> to vector<16xf32>
        %add3A_1064 = arith.addf %add3A_992, %get3A_1063 : vector<16xf32>
        %get3A_1065 = arith.constant 1 : i32
        %get3A_1066 = arith.constant 12 : i32
        %get3A_1067 = arith.index_cast %get3A_1065 : i32 to index
        %get3A_1068 = arith.index_cast %scan3A_163 : i32 to index
        %get3A_1069 = arith.index_cast %get3A_1066 : i32 to index
        %get3A_1070 = arith.constant 80 : index
        %get3A_1071 = tpu.vector_load %arg4[%get3A_1067, %get3A_1068, %get3A_1069, %get3A_1070] {strides = array<i32>} : memref<2x5x32x128xf32, #tpu.memory_space<vmem>>, vector<1x1x1x16xf32>,
        %get3A_1072 = vector.shape_cast %get3A_1071 : vector<1x1x1x16xf32> to vector<16xf32>
        %add3A_1073 = arith.addf %add3A_1001, %get3A_1072 : vector<16xf32>
        %get3A_1074 = arith.constant 1 : i32
        %get3A_1075 = arith.constant 12 : i32
        %get3A_1076 = arith.index_cast %get3A_1074 : i32 to index
        %get3A_1077 = arith.index_cast %scan3A_163 : i32 to index
        %get3A_1078 = arith.index_cast %get3A_1075 : i32 to index
        %get3A_1079 = arith.constant 96 : index
        %get3A_1080 = tpu.vector_load %arg4[%get3A_1076, %get3A_1077, %get3A_1078, %get3A_1079] {strides = array<i32>} : memref<2x5x32x128xf32, #tpu.memory_space<vmem>>, vector<1x1x1x16xf32>,
        %get3A_1081 = vector.shape_cast %get3A_1080 : vector<1x1x1x16xf32> to vector<16xf32>
        %add3A_1082 = arith.addf %add3A_1010, %get3A_1081 : vector<16xf32>
        %get3A_1083 = arith.constant 1 : i32
        %get3A_1084 = arith.constant 12 : i32
        %get3A_1085 = arith.index_cast %get3A_1083 : i32 to index
        %get3A_1086 = arith.index_cast %scan3A_163 : i32 to index
        %get3A_1087 = arith.index_cast %get3A_1084 : i32 to index
        %get3A_1088 = arith.constant 112 : index
        %get3A_1089 = tpu.vector_load %arg4[%get3A_1085, %get3A_1086, %get3A_1087, %get3A_1088] {strides = array<i32>} : memref<2x5x32x128xf32, #tpu.memory_space<vmem>>, vector<1x1x1x16xf32>,
        %get3A_1090 = vector.shape_cast %get3A_1089 : vector<1x1x1x16xf32> to vector<16xf32>
        %add3A_1091 = arith.addf %add3A_1019, %get3A_1090 : vector<16xf32>
        %get3A_1092 = arith.constant 1 : i32
        %get3A_1093 = arith.constant 13 : i32
        %get3A_1094 = arith.index_cast %get3A_1092 : i32 to index
        %get3A_1095 = arith.index_cast %scan3A_163 : i32 to index
        %get3A_1096 = arith.index_cast %get3A_1093 : i32 to index
        %get3A_1097 = arith.constant 0 : index
        %get3A_1098 = tpu.vector_load %arg4[%get3A_1094, %get3A_1095, %get3A_1096, %get3A_1097] {strides = array<i32>} : memref<2x5x32x128xf32, #tpu.memory_space<vmem>>, vector<1x1x1x16xf32>,
        %get3A_1099 = vector.shape_cast %get3A_1098 : vector<1x1x1x16xf32> to vector<16xf32>
        %add3A_1100 = arith.addf %add3A_1028, %get3A_1099 : vector<16xf32>
        %get3A_1101 = arith.constant 1 : i32
        %get3A_1102 = arith.constant 13 : i32
        %get3A_1103 = arith.index_cast %get3A_1101 : i32 to index
        %get3A_1104 = arith.index_cast %scan3A_163 : i32 to index
        %get3A_1105 = arith.index_cast %get3A_1102 : i32 to index
        %get3A_1106 = arith.constant 16 : index
        %get3A_1107 = tpu.vector_load %arg4[%get3A_1103, %get3A_1104, %get3A_1105, %get3A_1106] {strides = array<i32>} : memref<2x5x32x128xf32, #tpu.memory_space<vmem>>, vector<1x1x1x16xf32>,
        %get3A_1108 = vector.shape_cast %get3A_1107 : vector<1x1x1x16xf32> to vector<16xf32>
        %add3A_1109 = arith.addf %add3A_1037, %get3A_1108 : vector<16xf32>
        %get3A_1110 = arith.constant 1 : i32
        %get3A_1111 = arith.constant 13 : i32
        %get3A_1112 = arith.index_cast %get3A_1110 : i32 to index
        %get3A_1113 = arith.index_cast %scan3A_163 : i32 to index
        %get3A_1114 = arith.index_cast %get3A_1111 : i32 to index
        %get3A_1115 = arith.constant 32 : index
        %get3A_1116 = tpu.vector_load %arg4[%get3A_1112, %get3A_1113, %get3A_1114, %get3A_1115] {strides = array<i32>} : memref<2x5x32x128xf32, #tpu.memory_space<vmem>>, vector<1x1x1x16xf32>,
        %get3A_1117 = vector.shape_cast %get3A_1116 : vector<1x1x1x16xf32> to vector<16xf32>
        %add3A_1118 = arith.addf %add3A_1046, %get3A_1117 : vector<16xf32>
        %get3A_1119 = arith.constant 1 : i32
        %get3A_1120 = arith.constant 13 : i32
        %get3A_1121 = arith.index_cast %get3A_1119 : i32 to index
        %get3A_1122 = arith.index_cast %scan3A_163 : i32 to index
        %get3A_1123 = arith.index_cast %get3A_1120 : i32 to index
        %get3A_1124 = arith.constant 48 : index
        %get3A_1125 = tpu.vector_load %arg4[%get3A_1121, %get3A_1122, %get3A_1123, %get3A_1124] {strides = array<i32>} : memref<2x5x32x128xf32, #tpu.memory_space<vmem>>, vector<1x1x1x16xf32>,
        %get3A_1126 = vector.shape_cast %get3A_1125 : vector<1x1x1x16xf32> to vector<16xf32>
        %add3A_1127 = arith.addf %add3A_1055, %get3A_1126 : vector<16xf32>
        %get3A_1128 = arith.constant 1 : i32
        %get3A_1129 = arith.constant 13 : i32
        %get3A_1130 = arith.index_cast %get3A_1128 : i32 to index
        %get3A_1131 = arith.index_cast %scan3A_163 : i32 to index
        %get3A_1132 = arith.index_cast %get3A_1129 : i32 to index
        %get3A_1133 = arith.constant 64 : index
        %get3A_1134 = tpu.vector_load %arg4[%get3A_1130, %get3A_1131, %get3A_1132, %get3A_1133] {strides = array<i32>} : memref<2x5x32x128xf32, #tpu.memory_space<vmem>>, vector<1x1x1x16xf32>,
        %get3A_1135 = vector.shape_cast %get3A_1134 : vector<1x1x1x16xf32> to vector<16xf32>
        %add3A_1136 = arith.addf %add3A_1064, %get3A_1135 : vector<16xf32>
        %get3A_1137 = arith.constant 1 : i32
        %get3A_1138 = arith.constant 13 : i32
        %get3A_1139 = arith.index_cast %get3A_1137 : i32 to index
        %get3A_1140 = arith.index_cast %scan3A_163 : i32 to index
        %get3A_1141 = arith.index_cast %get3A_1138 : i32 to index
        %get3A_1142 = arith.constant 80 : index
        %get3A_1143 = tpu.vector_load %arg4[%get3A_1139, %get3A_1140, %get3A_1141, %get3A_1142] {strides = array<i32>} : memref<2x5x32x128xf32, #tpu.memory_space<vmem>>, vector<1x1x1x16xf32>,
        %get3A_1144 = vector.shape_cast %get3A_1143 : vector<1x1x1x16xf32> to vector<16xf32>
        %add3A_1145 = arith.addf %add3A_1073, %get3A_1144 : vector<16xf32>
        %get3A_1146 = arith.constant 1 : i32
        %get3A_1147 = arith.constant 13 : i32
        %get3A_1148 = arith.index_cast %get3A_1146 : i32 to index
        %get3A_1149 = arith.index_cast %scan3A_163 : i32 to index
        %get3A_1150 = arith.index_cast %get3A_1147 : i32 to index
        %get3A_1151 = arith.constant 96 : index
        %get3A_1152 = tpu.vector_load %arg4[%get3A_1148, %get3A_1149, %get3A_1150, %get3A_1151] {strides = array<i32>} : memref<2x5x32x128xf32, #tpu.memory_space<vmem>>, vector<1x1x1x16xf32>,
        %get3A_1153 = vector.shape_cast %get3A_1152 : vector<1x1x1x16xf32> to vector<16xf32>
        %add3A_1154 = arith.addf %add3A_1082, %get3A_1153 : vector<16xf32>
        %get3A_1155 = arith.constant 1 : i32
        %get3A_1156 = arith.constant 13 : i32
        %get3A_1157 = arith.index_cast %get3A_1155 : i32 to index
        %get3A_1158 = arith.index_cast %scan3A_163 : i32 to index
        %get3A_1159 = arith.index_cast %get3A_1156 : i32 to index
        %get3A_1160 = arith.constant 112 : index
        %get3A_1161 = tpu.vector_load %arg4[%get3A_1157, %get3A_1158, %get3A_1159, %get3A_1160] {strides = array<i32>} : memref<2x5x32x128xf32, #tpu.memory_space<vmem>>, vector<1x1x1x16xf32>,
        %get3A_1162 = vector.shape_cast %get3A_1161 : vector<1x1x1x16xf32> to vector<16xf32>
        %add3A_1163 = arith.addf %add3A_1091, %get3A_1162 : vector<16xf32>
        %get3A_1164 = arith.constant 1 : i32
        %get3A_1165 = arith.constant 14 : i32
        %get3A_1166 = arith.index_cast %get3A_1164 : i32 to index
        %get3A_1167 = arith.index_cast %scan3A_163 : i32 to index
        %get3A_1168 = arith.index_cast %get3A_1165 : i32 to index
        %get3A_1169 = arith.constant 0 : index
        %get3A_1170 = tpu.vector_load %arg4[%get3A_1166, %get3A_1167, %get3A_1168, %get3A_1169] {strides = array<i32>} : memref<2x5x32x128xf32, #tpu.memory_space<vmem>>, vector<1x1x1x16xf32>,
        %get3A_1171 = vector.shape_cast %get3A_1170 : vector<1x1x1x16xf32> to vector<16xf32>
        %add3A_1172 = arith.addf %add3A_1100, %get3A_1171 : vector<16xf32>
        %get3A_1173 = arith.constant 1 : i32
        %get3A_1174 = arith.constant 14 : i32
        %get3A_1175 = arith.index_cast %get3A_1173 : i32 to index
        %get3A_1176 = arith.index_cast %scan3A_163 : i32 to index
        %get3A_1177 = arith.index_cast %get3A_1174 : i32 to index
        %get3A_1178 = arith.constant 16 : index
        %get3A_1179 = tpu.vector_load %arg4[%get3A_1175, %get3A_1176, %get3A_1177, %get3A_1178] {strides = array<i32>} : memref<2x5x32x128xf32, #tpu.memory_space<vmem>>, vector<1x1x1x16xf32>,
        %get3A_1180 = vector.shape_cast %get3A_1179 : vector<1x1x1x16xf32> to vector<16xf32>
        %add3A_1181 = arith.addf %add3A_1109, %get3A_1180 : vector<16xf32>
        %get3A_1182 = arith.constant 1 : i32
        %get3A_1183 = arith.constant 14 : i32
        %get3A_1184 = arith.index_cast %get3A_1182 : i32 to index
        %get3A_1185 = arith.index_cast %scan3A_163 : i32 to index
        %get3A_1186 = arith.index_cast %get3A_1183 : i32 to index
        %get3A_1187 = arith.constant 32 : index
        %get3A_1188 = tpu.vector_load %arg4[%get3A_1184, %get3A_1185, %get3A_1186, %get3A_1187] {strides = array<i32>} : memref<2x5x32x128xf32, #tpu.memory_space<vmem>>, vector<1x1x1x16xf32>,
        %get3A_1189 = vector.shape_cast %get3A_1188 : vector<1x1x1x16xf32> to vector<16xf32>
        %add3A_1190 = arith.addf %add3A_1118, %get3A_1189 : vector<16xf32>
        %get3A_1191 = arith.constant 1 : i32
        %get3A_1192 = arith.constant 14 : i32
        %get3A_1193 = arith.index_cast %get3A_1191 : i32 to index
        %get3A_1194 = arith.index_cast %scan3A_163 : i32 to index
        %get3A_1195 = arith.index_cast %get3A_1192 : i32 to index
        %get3A_1196 = arith.constant 48 : index
        %get3A_1197 = tpu.vector_load %arg4[%get3A_1193, %get3A_1194, %get3A_1195, %get3A_1196] {strides = array<i32>} : memref<2x5x32x128xf32, #tpu.memory_space<vmem>>, vector<1x1x1x16xf32>,
        %get3A_1198 = vector.shape_cast %get3A_1197 : vector<1x1x1x16xf32> to vector<16xf32>
        %add3A_1199 = arith.addf %add3A_1127, %get3A_1198 : vector<16xf32>
        %get3A_1200 = arith.constant 1 : i32
        %get3A_1201 = arith.constant 14 : i32
        %get3A_1202 = arith.index_cast %get3A_1200 : i32 to index
        %get3A_1203 = arith.index_cast %scan3A_163 : i32 to index
        %get3A_1204 = arith.index_cast %get3A_1201 : i32 to index
        %get3A_1205 = arith.constant 64 : index
        %get3A_1206 = tpu.vector_load %arg4[%get3A_1202, %get3A_1203, %get3A_1204, %get3A_1205] {strides = array<i32>} : memref<2x5x32x128xf32, #tpu.memory_space<vmem>>, vector<1x1x1x16xf32>,
        %get3A_1207 = vector.shape_cast %get3A_1206 : vector<1x1x1x16xf32> to vector<16xf32>
        %add3A_1208 = arith.addf %add3A_1136, %get3A_1207 : vector<16xf32>
        %get3A_1209 = arith.constant 1 : i32
        %get3A_1210 = arith.constant 14 : i32
        %get3A_1211 = arith.index_cast %get3A_1209 : i32 to index
        %get3A_1212 = arith.index_cast %scan3A_163 : i32 to index
        %get3A_1213 = arith.index_cast %get3A_1210 : i32 to index
        %get3A_1214 = arith.constant 80 : index
        %get3A_1215 = tpu.vector_load %arg4[%get3A_1211, %get3A_1212, %get3A_1213, %get3A_1214] {strides = array<i32>} : memref<2x5x32x128xf32, #tpu.memory_space<vmem>>, vector<1x1x1x16xf32>,
        %get3A_1216 = vector.shape_cast %get3A_1215 : vector<1x1x1x16xf32> to vector<16xf32>
        %add3A_1217 = arith.addf %add3A_1145, %get3A_1216 : vector<16xf32>
        %get3A_1218 = arith.constant 1 : i32
        %get3A_1219 = arith.constant 14 : i32
        %get3A_1220 = arith.index_cast %get3A_1218 : i32 to index
        %get3A_1221 = arith.index_cast %scan3A_163 : i32 to index
        %get3A_1222 = arith.index_cast %get3A_1219 : i32 to index
        %get3A_1223 = arith.constant 96 : index
        %get3A_1224 = tpu.vector_load %arg4[%get3A_1220, %get3A_1221, %get3A_1222, %get3A_1223] {strides = array<i32>} : memref<2x5x32x128xf32, #tpu.memory_space<vmem>>, vector<1x1x1x16xf32>,
        %get3A_1225 = vector.shape_cast %get3A_1224 : vector<1x1x1x16xf32> to vector<16xf32>
        %add3A_1226 = arith.addf %add3A_1154, %get3A_1225 : vector<16xf32>
        %get3A_1227 = arith.constant 1 : i32
        %get3A_1228 = arith.constant 14 : i32
        %get3A_1229 = arith.index_cast %get3A_1227 : i32 to index
        %get3A_1230 = arith.index_cast %scan3A_163 : i32 to index
        %get3A_1231 = arith.index_cast %get3A_1228 : i32 to index
        %get3A_1232 = arith.constant 112 : index
        %get3A_1233 = tpu.vector_load %arg4[%get3A_1229, %get3A_1230, %get3A_1231, %get3A_1232] {strides = array<i32>} : memref<2x5x32x128xf32, #tpu.memory_space<vmem>>, vector<1x1x1x16xf32>,
        %get3A_1234 = vector.shape_cast %get3A_1233 : vector<1x1x1x16xf32> to vector<16xf32>
        %add3A_1235 = arith.addf %add3A_1163, %get3A_1234 : vector<16xf32>
        %get3A_1236 = arith.constant 1 : i32
        %get3A_1237 = arith.constant 15 : i32
        %get3A_1238 = arith.index_cast %get3A_1236 : i32 to index
        %get3A_1239 = arith.index_cast %scan3A_163 : i32 to index
        %get3A_1240 = arith.index_cast %get3A_1237 : i32 to index
        %get3A_1241 = arith.constant 0 : index
        %get3A_1242 = tpu.vector_load %arg4[%get3A_1238, %get3A_1239, %get3A_1240, %get3A_1241] {strides = array<i32>} : memref<2x5x32x128xf32, #tpu.memory_space<vmem>>, vector<1x1x1x16xf32>,
        %get3A_1243 = vector.shape_cast %get3A_1242 : vector<1x1x1x16xf32> to vector<16xf32>
        %add3A_1244 = arith.addf %add3A_1172, %get3A_1243 : vector<16xf32>
        %get3A_1245 = arith.constant 1 : i32
        %get3A_1246 = arith.constant 15 : i32
        %get3A_1247 = arith.index_cast %get3A_1245 : i32 to index
        %get3A_1248 = arith.index_cast %scan3A_163 : i32 to index
        %get3A_1249 = arith.index_cast %get3A_1246 : i32 to index
        %get3A_1250 = arith.constant 16 : index
        %get3A_1251 = tpu.vector_load %arg4[%get3A_1247, %get3A_1248, %get3A_1249, %get3A_1250] {strides = array<i32>} : memref<2x5x32x128xf32, #tpu.memory_space<vmem>>, vector<1x1x1x16xf32>,
        %get3A_1252 = vector.shape_cast %get3A_1251 : vector<1x1x1x16xf32> to vector<16xf32>
        %add3A_1253 = arith.addf %add3A_1181, %get3A_1252 : vector<16xf32>
        %get3A_1254 = arith.constant 1 : i32
        %get3A_1255 = arith.constant 15 : i32
        %get3A_1256 = arith.index_cast %get3A_1254 : i32 to index
        %get3A_1257 = arith.index_cast %scan3A_163 : i32 to index
        %get3A_1258 = arith.index_cast %get3A_1255 : i32 to index
        %get3A_1259 = arith.constant 32 : index
        %get3A_1260 = tpu.vector_load %arg4[%get3A_1256, %get3A_1257, %get3A_1258, %get3A_1259] {strides = array<i32>} : memref<2x5x32x128xf32, #tpu.memory_space<vmem>>, vector<1x1x1x16xf32>,
        %get3A_1261 = vector.shape_cast %get3A_1260 : vector<1x1x1x16xf32> to vector<16xf32>
        %add3A_1262 = arith.addf %add3A_1190, %get3A_1261 : vector<16xf32>
        %get3A_1263 = arith.constant 1 : i32
        %get3A_1264 = arith.constant 15 : i32
        %get3A_1265 = arith.index_cast %get3A_1263 : i32 to index
        %get3A_1266 = arith.index_cast %scan3A_163 : i32 to index
        %get3A_1267 = arith.index_cast %get3A_1264 : i32 to index
        %get3A_1268 = arith.constant 48 : index
        %get3A_1269 = tpu.vector_load %arg4[%get3A_1265, %get3A_1266, %get3A_1267, %get3A_1268] {strides = array<i32>} : memref<2x5x32x128xf32, #tpu.memory_space<vmem>>, vector<1x1x1x16xf32>,
        %get3A_1270 = vector.shape_cast %get3A_1269 : vector<1x1x1x16xf32> to vector<16xf32>
        %add3A_1271 = arith.addf %add3A_1199, %get3A_1270 : vector<16xf32>
        %get3A_1272 = arith.constant 1 : i32
        %get3A_1273 = arith.constant 15 : i32
        %get3A_1274 = arith.index_cast %get3A_1272 : i32 to index
        %get3A_1275 = arith.index_cast %scan3A_163 : i32 to index
        %get3A_1276 = arith.index_cast %get3A_1273 : i32 to index
        %get3A_1277 = arith.constant 64 : index
        %get3A_1278 = tpu.vector_load %arg4[%get3A_1274, %get3A_1275, %get3A_1276, %get3A_1277] {strides = array<i32>} : memref<2x5x32x128xf32, #tpu.memory_space<vmem>>, vector<1x1x1x16xf32>,
        %get3A_1279 = vector.shape_cast %get3A_1278 : vector<1x1x1x16xf32> to vector<16xf32>
        %add3A_1280 = arith.addf %add3A_1208, %get3A_1279 : vector<16xf32>
        %get3A_1281 = arith.constant 1 : i32
        %get3A_1282 = arith.constant 15 : i32
        %get3A_1283 = arith.index_cast %get3A_1281 : i32 to index
        %get3A_1284 = arith.index_cast %scan3A_163 : i32 to index
        %get3A_1285 = arith.index_cast %get3A_1282 : i32 to index
        %get3A_1286 = arith.constant 80 : index
        %get3A_1287 = tpu.vector_load %arg4[%get3A_1283, %get3A_1284, %get3A_1285, %get3A_1286] {strides = array<i32>} : memref<2x5x32x128xf32, #tpu.memory_space<vmem>>, vector<1x1x1x16xf32>,
        %get3A_1288 = vector.shape_cast %get3A_1287 : vector<1x1x1x16xf32> to vector<16xf32>
        %add3A_1289 = arith.addf %add3A_1217, %get3A_1288 : vector<16xf32>
        %get3A_1290 = arith.constant 1 : i32
        %get3A_1291 = arith.constant 15 : i32
        %get3A_1292 = arith.index_cast %get3A_1290 : i32 to index
        %get3A_1293 = arith.index_cast %scan3A_163 : i32 to index
        %get3A_1294 = arith.index_cast %get3A_1291 : i32 to index
        %get3A_1295 = arith.constant 96 : index
        %get3A_1296 = tpu.vector_load %arg4[%get3A_1292, %get3A_1293, %get3A_1294, %get3A_1295] {strides = array<i32>} : memref<2x5x32x128xf32, #tpu.memory_space<vmem>>, vector<1x1x1x16xf32>,
        %get3A_1297 = vector.shape_cast %get3A_1296 : vector<1x1x1x16xf32> to vector<16xf32>
        %add3A_1298 = arith.addf %add3A_1226, %get3A_1297 : vector<16xf32>
        %get3A_1299 = arith.constant 1 : i32
        %get3A_1300 = arith.constant 15 : i32
        %get3A_1301 = arith.index_cast %get3A_1299 : i32 to index
        %get3A_1302 = arith.index_cast %scan3A_163 : i32 to index
        %get3A_1303 = arith.index_cast %get3A_1300 : i32 to index
        %get3A_1304 = arith.constant 112 : index
        %get3A_1305 = tpu.vector_load %arg4[%get3A_1301, %get3A_1302, %get3A_1303, %get3A_1304] {strides = array<i32>} : memref<2x5x32x128xf32, #tpu.memory_space<vmem>>, vector<1x1x1x16xf32>,
        %get3A_1306 = vector.shape_cast %get3A_1305 : vector<1x1x1x16xf32> to vector<16xf32>
        %add3A_1307 = arith.addf %add3A_1235, %get3A_1306 : vector<16xf32>
        %get3A_1308 = arith.constant 1 : i32
        %get3A_1309 = arith.constant 16 : i32
        %get3A_1310 = arith.index_cast %get3A_1308 : i32 to index
        %get3A_1311 = arith.index_cast %scan3A_163 : i32 to index
        %get3A_1312 = arith.index_cast %get3A_1309 : i32 to index
        %get3A_1313 = arith.constant 0 : index
        %get3A_1314 = tpu.vector_load %arg4[%get3A_1310, %get3A_1311, %get3A_1312, %get3A_1313] {strides = array<i32>} : memref<2x5x32x128xf32, #tpu.memory_space<vmem>>, vector<1x1x1x16xf32>,
        %get3A_1315 = vector.shape_cast %get3A_1314 : vector<1x1x1x16xf32> to vector<16xf32>
        %add3A_1316 = arith.addf %add3A_1244, %get3A_1315 : vector<16xf32>
        %get3A_1317 = arith.constant 1 : i32
        %get3A_1318 = arith.constant 16 : i32
        %get3A_1319 = arith.index_cast %get3A_1317 : i32 to index
        %get3A_1320 = arith.index_cast %scan3A_163 : i32 to index
        %get3A_1321 = arith.index_cast %get3A_1318 : i32 to index
        %get3A_1322 = arith.constant 16 : index
        %get3A_1323 = tpu.vector_load %arg4[%get3A_1319, %get3A_1320, %get3A_1321, %get3A_1322] {strides = array<i32>} : memref<2x5x32x128xf32, #tpu.memory_space<vmem>>, vector<1x1x1x16xf32>,
        %get3A_1324 = vector.shape_cast %get3A_1323 : vector<1x1x1x16xf32> to vector<16xf32>
        %add3A_1325 = arith.addf %add3A_1253, %get3A_1324 : vector<16xf32>
        %get3A_1326 = arith.constant 1 : i32
        %get3A_1327 = arith.constant 16 : i32
        %get3A_1328 = arith.index_cast %get3A_1326 : i32 to index
        %get3A_1329 = arith.index_cast %scan3A_163 : i32 to index
        %get3A_1330 = arith.index_cast %get3A_1327 : i32 to index
        %get3A_1331 = arith.constant 32 : index
        %get3A_1332 = tpu.vector_load %arg4[%get3A_1328, %get3A_1329, %get3A_1330, %get3A_1331] {strides = array<i32>} : memref<2x5x32x128xf32, #tpu.memory_space<vmem>>, vector<1x1x1x16xf32>,
        %get3A_1333 = vector.shape_cast %get3A_1332 : vector<1x1x1x16xf32> to vector<16xf32>
        %add3A_1334 = arith.addf %add3A_1262, %get3A_1333 : vector<16xf32>
        %get3A_1335 = arith.constant 1 : i32
        %get3A_1336 = arith.constant 16 : i32
        %get3A_1337 = arith.index_cast %get3A_1335 : i32 to index
        %get3A_1338 = arith.index_cast %scan3A_163 : i32 to index
        %get3A_1339 = arith.index_cast %get3A_1336 : i32 to index
        %get3A_1340 = arith.constant 48 : index
        %get3A_1341 = tpu.vector_load %arg4[%get3A_1337, %get3A_1338, %get3A_1339, %get3A_1340] {strides = array<i32>} : memref<2x5x32x128xf32, #tpu.memory_space<vmem>>, vector<1x1x1x16xf32>,
        %get3A_1342 = vector.shape_cast %get3A_1341 : vector<1x1x1x16xf32> to vector<16xf32>
        %add3A_1343 = arith.addf %add3A_1271, %get3A_1342 : vector<16xf32>
        %get3A_1344 = arith.constant 1 : i32
        %get3A_1345 = arith.constant 16 : i32
        %get3A_1346 = arith.index_cast %get3A_1344 : i32 to index
        %get3A_1347 = arith.index_cast %scan3A_163 : i32 to index
        %get3A_1348 = arith.index_cast %get3A_1345 : i32 to index
        %get3A_1349 = arith.constant 64 : index
        %get3A_1350 = tpu.vector_load %arg4[%get3A_1346, %get3A_1347, %get3A_1348, %get3A_1349] {strides = array<i32>} : memref<2x5x32x128xf32, #tpu.memory_space<vmem>>, vector<1x1x1x16xf32>,
        %get3A_1351 = vector.shape_cast %get3A_1350 : vector<1x1x1x16xf32> to vector<16xf32>
        %add3A_1352 = arith.addf %add3A_1280, %get3A_1351 : vector<16xf32>
        %get3A_1353 = arith.constant 1 : i32
        %get3A_1354 = arith.constant 16 : i32
        %get3A_1355 = arith.index_cast %get3A_1353 : i32 to index
        %get3A_1356 = arith.index_cast %scan3A_163 : i32 to index
        %get3A_1357 = arith.index_cast %get3A_1354 : i32 to index
        %get3A_1358 = arith.constant 80 : index
        %get3A_1359 = tpu.vector_load %arg4[%get3A_1355, %get3A_1356, %get3A_1357, %get3A_1358] {strides = array<i32>} : memref<2x5x32x128xf32, #tpu.memory_space<vmem>>, vector<1x1x1x16xf32>,
        %get3A_1360 = vector.shape_cast %get3A_1359 : vector<1x1x1x16xf32> to vector<16xf32>
        %add3A_1361 = arith.addf %add3A_1289, %get3A_1360 : vector<16xf32>
        %get3A_1362 = arith.constant 1 : i32
        %get3A_1363 = arith.constant 16 : i32
        %get3A_1364 = arith.index_cast %get3A_1362 : i32 to index
        %get3A_1365 = arith.index_cast %scan3A_163 : i32 to index
        %get3A_1366 = arith.index_cast %get3A_1363 : i32 to index
        %get3A_1367 = arith.constant 96 : index
        %get3A_1368 = tpu.vector_load %arg4[%get3A_1364, %get3A_1365, %get3A_1366, %get3A_1367] {strides = array<i32>} : memref<2x5x32x128xf32, #tpu.memory_space<vmem>>, vector<1x1x1x16xf32>,
        %get3A_1369 = vector.shape_cast %get3A_1368 : vector<1x1x1x16xf32> to vector<16xf32>
        %add3A_1370 = arith.addf %add3A_1298, %get3A_1369 : vector<16xf32>
        %get3A_1371 = arith.constant 1 : i32
        %get3A_1372 = arith.constant 16 : i32
        %get3A_1373 = arith.index_cast %get3A_1371 : i32 to index
        %get3A_1374 = arith.index_cast %scan3A_163 : i32 to index
        %get3A_1375 = arith.index_cast %get3A_1372 : i32 to index
        %get3A_1376 = arith.constant 112 : index
        %get3A_1377 = tpu.vector_load %arg4[%get3A_1373, %get3A_1374, %get3A_1375, %get3A_1376] {strides = array<i32>} : memref<2x5x32x128xf32, #tpu.memory_space<vmem>>, vector<1x1x1x16xf32>,
        %get3A_1378 = vector.shape_cast %get3A_1377 : vector<1x1x1x16xf32> to vector<16xf32>
        %add3A_1379 = arith.addf %add3A_1307, %get3A_1378 : vector<16xf32>
        %get3A_1380 = arith.constant 1 : i32
        %get3A_1381 = arith.constant 17 : i32
        %get3A_1382 = arith.index_cast %get3A_1380 : i32 to index
        %get3A_1383 = arith.index_cast %scan3A_163 : i32 to index
        %get3A_1384 = arith.index_cast %get3A_1381 : i32 to index
        %get3A_1385 = arith.constant 0 : index
        %get3A_1386 = tpu.vector_load %arg4[%get3A_1382, %get3A_1383, %get3A_1384, %get3A_1385] {strides = array<i32>} : memref<2x5x32x128xf32, #tpu.memory_space<vmem>>, vector<1x1x1x16xf32>,
        %get3A_1387 = vector.shape_cast %get3A_1386 : vector<1x1x1x16xf32> to vector<16xf32>
        %add3A_1388 = arith.addf %add3A_1316, %get3A_1387 : vector<16xf32>
        %get3A_1389 = arith.constant 1 : i32
        %get3A_1390 = arith.constant 17 : i32
        %get3A_1391 = arith.index_cast %get3A_1389 : i32 to index
        %get3A_1392 = arith.index_cast %scan3A_163 : i32 to index
        %get3A_1393 = arith.index_cast %get3A_1390 : i32 to index
        %get3A_1394 = arith.constant 16 : index
        %get3A_1395 = tpu.vector_load %arg4[%get3A_1391, %get3A_1392, %get3A_1393, %get3A_1394] {strides = array<i32>} : memref<2x5x32x128xf32, #tpu.memory_space<vmem>>, vector<1x1x1x16xf32>,
        %get3A_1396 = vector.shape_cast %get3A_1395 : vector<1x1x1x16xf32> to vector<16xf32>
        %add3A_1397 = arith.addf %add3A_1325, %get3A_1396 : vector<16xf32>
        %get3A_1398 = arith.constant 1 : i32
        %get3A_1399 = arith.constant 17 : i32
        %get3A_1400 = arith.index_cast %get3A_1398 : i32 to index
        %get3A_1401 = arith.index_cast %scan3A_163 : i32 to index
        %get3A_1402 = arith.index_cast %get3A_1399 : i32 to index
        %get3A_1403 = arith.constant 32 : index
        %get3A_1404 = tpu.vector_load %arg4[%get3A_1400, %get3A_1401, %get3A_1402, %get3A_1403] {strides = array<i32>} : memref<2x5x32x128xf32, #tpu.memory_space<vmem>>, vector<1x1x1x16xf32>,
        %get3A_1405 = vector.shape_cast %get3A_1404 : vector<1x1x1x16xf32> to vector<16xf32>
        %add3A_1406 = arith.addf %add3A_1334, %get3A_1405 : vector<16xf32>
        %get3A_1407 = arith.constant 1 : i32
        %get3A_1408 = arith.constant 17 : i32
        %get3A_1409 = arith.index_cast %get3A_1407 : i32 to index
        %get3A_1410 = arith.index_cast %scan3A_163 : i32 to index
        %get3A_1411 = arith.index_cast %get3A_1408 : i32 to index
        %get3A_1412 = arith.constant 48 : index
        %get3A_1413 = tpu.vector_load %arg4[%get3A_1409, %get3A_1410, %get3A_1411, %get3A_1412] {strides = array<i32>} : memref<2x5x32x128xf32, #tpu.memory_space<vmem>>, vector<1x1x1x16xf32>,
        %get3A_1414 = vector.shape_cast %get3A_1413 : vector<1x1x1x16xf32> to vector<16xf32>
        %add3A_1415 = arith.addf %add3A_1343, %get3A_1414 : vector<16xf32>
        %get3A_1416 = arith.constant 1 : i32
        %get3A_1417 = arith.constant 17 : i32
        %get3A_1418 = arith.index_cast %get3A_1416 : i32 to index
        %get3A_1419 = arith.index_cast %scan3A_163 : i32 to index
        %get3A_1420 = arith.index_cast %get3A_1417 : i32 to index
        %get3A_1421 = arith.constant 64 : index
        %get3A_1422 = tpu.vector_load %arg4[%get3A_1418, %get3A_1419, %get3A_1420, %get3A_1421] {strides = array<i32>} : memref<2x5x32x128xf32, #tpu.memory_space<vmem>>, vector<1x1x1x16xf32>,
        %get3A_1423 = vector.shape_cast %get3A_1422 : vector<1x1x1x16xf32> to vector<16xf32>
        %add3A_1424 = arith.addf %add3A_1352, %get3A_1423 : vector<16xf32>
        %get3A_1425 = arith.constant 1 : i32
        %get3A_1426 = arith.constant 17 : i32
        %get3A_1427 = arith.index_cast %get3A_1425 : i32 to index
        %get3A_1428 = arith.index_cast %scan3A_163 : i32 to index
        %get3A_1429 = arith.index_cast %get3A_1426 : i32 to index
        %get3A_1430 = arith.constant 80 : index
        %get3A_1431 = tpu.vector_load %arg4[%get3A_1427, %get3A_1428, %get3A_1429, %get3A_1430] {strides = array<i32>} : memref<2x5x32x128xf32, #tpu.memory_space<vmem>>, vector<1x1x1x16xf32>,
        %get3A_1432 = vector.shape_cast %get3A_1431 : vector<1x1x1x16xf32> to vector<16xf32>
        %add3A_1433 = arith.addf %add3A_1361, %get3A_1432 : vector<16xf32>
        %get3A_1434 = arith.constant 1 : i32
        %get3A_1435 = arith.constant 17 : i32
        %get3A_1436 = arith.index_cast %get3A_1434 : i32 to index
        %get3A_1437 = arith.index_cast %scan3A_163 : i32 to index
        %get3A_1438 = arith.index_cast %get3A_1435 : i32 to index
        %get3A_1439 = arith.constant 96 : index
        %get3A_1440 = tpu.vector_load %arg4[%get3A_1436, %get3A_1437, %get3A_1438, %get3A_1439] {strides = array<i32>} : memref<2x5x32x128xf32, #tpu.memory_space<vmem>>, vector<1x1x1x16xf32>,
        %get3A_1441 = vector.shape_cast %get3A_1440 : vector<1x1x1x16xf32> to vector<16xf32>
        %add3A_1442 = arith.addf %add3A_1370, %get3A_1441 : vector<16xf32>
        %get3A_1443 = arith.constant 1 : i32
        %get3A_1444 = arith.constant 17 : i32
        %get3A_1445 = arith.index_cast %get3A_1443 : i32 to index
        %get3A_1446 = arith.index_cast %scan3A_163 : i32 to index
        %get3A_1447 = arith.index_cast %get3A_1444 : i32 to index
        %get3A_1448 = arith.constant 112 : index
        %get3A_1449 = tpu.vector_load %arg4[%get3A_1445, %get3A_1446, %get3A_1447, %get3A_1448] {strides = array<i32>} : memref<2x5x32x128xf32, #tpu.memory_space<vmem>>, vector<1x1x1x16xf32>,
        %get3A_1450 = vector.shape_cast %get3A_1449 : vector<1x1x1x16xf32> to vector<16xf32>
        %add3A_1451 = arith.addf %add3A_1379, %get3A_1450 : vector<16xf32>
        %get3A_1452 = arith.constant 1 : i32
        %get3A_1453 = arith.constant 18 : i32
        %get3A_1454 = arith.index_cast %get3A_1452 : i32 to index
        %get3A_1455 = arith.index_cast %scan3A_163 : i32 to index
        %get3A_1456 = arith.index_cast %get3A_1453 : i32 to index
        %get3A_1457 = arith.constant 0 : index
        %get3A_1458 = tpu.vector_load %arg4[%get3A_1454, %get3A_1455, %get3A_1456, %get3A_1457] {strides = array<i32>} : memref<2x5x32x128xf32, #tpu.memory_space<vmem>>, vector<1x1x1x16xf32>,
        %get3A_1459 = vector.shape_cast %get3A_1458 : vector<1x1x1x16xf32> to vector<16xf32>
        %add3A_1460 = arith.addf %add3A_1388, %get3A_1459 : vector<16xf32>
        %get3A_1461 = arith.constant 1 : i32
        %get3A_1462 = arith.constant 18 : i32
        %get3A_1463 = arith.index_cast %get3A_1461 : i32 to index
        %get3A_1464 = arith.index_cast %scan3A_163 : i32 to index
        %get3A_1465 = arith.index_cast %get3A_1462 : i32 to index
        %get3A_1466 = arith.constant 16 : index
        %get3A_1467 = tpu.vector_load %arg4[%get3A_1463, %get3A_1464, %get3A_1465, %get3A_1466] {strides = array<i32>} : memref<2x5x32x128xf32, #tpu.memory_space<vmem>>, vector<1x1x1x16xf32>,
        %get3A_1468 = vector.shape_cast %get3A_1467 : vector<1x1x1x16xf32> to vector<16xf32>
        %add3A_1469 = arith.addf %add3A_1397, %get3A_1468 : vector<16xf32>
        %get3A_1470 = arith.constant 1 : i32
        %get3A_1471 = arith.constant 18 : i32
        %get3A_1472 = arith.index_cast %get3A_1470 : i32 to index
        %get3A_1473 = arith.index_cast %scan3A_163 : i32 to index
        %get3A_1474 = arith.index_cast %get3A_1471 : i32 to index
        %get3A_1475 = arith.constant 32 : index
        %get3A_1476 = tpu.vector_load %arg4[%get3A_1472, %get3A_1473, %get3A_1474, %get3A_1475] {strides = array<i32>} : memref<2x5x32x128xf32, #tpu.memory_space<vmem>>, vector<1x1x1x16xf32>,
        %get3A_1477 = vector.shape_cast %get3A_1476 : vector<1x1x1x16xf32> to vector<16xf32>
        %add3A_1478 = arith.addf %add3A_1406, %get3A_1477 : vector<16xf32>
        %get3A_1479 = arith.constant 1 : i32
        %get3A_1480 = arith.constant 18 : i32
        %get3A_1481 = arith.index_cast %get3A_1479 : i32 to index
        %get3A_1482 = arith.index_cast %scan3A_163 : i32 to index
        %get3A_1483 = arith.index_cast %get3A_1480 : i32 to index
        %get3A_1484 = arith.constant 48 : index
        %get3A_1485 = tpu.vector_load %arg4[%get3A_1481, %get3A_1482, %get3A_1483, %get3A_1484] {strides = array<i32>} : memref<2x5x32x128xf32, #tpu.memory_space<vmem>>, vector<1x1x1x16xf32>,
        %get3A_1486 = vector.shape_cast %get3A_1485 : vector<1x1x1x16xf32> to vector<16xf32>
        %add3A_1487 = arith.addf %add3A_1415, %get3A_1486 : vector<16xf32>
        %get3A_1488 = arith.constant 1 : i32
        %get3A_1489 = arith.constant 18 : i32
        %get3A_1490 = arith.index_cast %get3A_1488 : i32 to index
        %get3A_1491 = arith.index_cast %scan3A_163 : i32 to index
        %get3A_1492 = arith.index_cast %get3A_1489 : i32 to index
        %get3A_1493 = arith.constant 64 : index
        %get3A_1494 = tpu.vector_load %arg4[%get3A_1490, %get3A_1491, %get3A_1492, %get3A_1493] {strides = array<i32>} : memref<2x5x32x128xf32, #tpu.memory_space<vmem>>, vector<1x1x1x16xf32>,
        %get3A_1495 = vector.shape_cast %get3A_1494 : vector<1x1x1x16xf32> to vector<16xf32>
        %add3A_1496 = arith.addf %add3A_1424, %get3A_1495 : vector<16xf32>
        %get3A_1497 = arith.constant 1 : i32
        %get3A_1498 = arith.constant 18 : i32
        %get3A_1499 = arith.index_cast %get3A_1497 : i32 to index
        %get3A_1500 = arith.index_cast %scan3A_163 : i32 to index
        %get3A_1501 = arith.index_cast %get3A_1498 : i32 to index
        %get3A_1502 = arith.constant 80 : index
        %get3A_1503 = tpu.vector_load %arg4[%get3A_1499, %get3A_1500, %get3A_1501, %get3A_1502] {strides = array<i32>} : memref<2x5x32x128xf32, #tpu.memory_space<vmem>>, vector<1x1x1x16xf32>,
        %get3A_1504 = vector.shape_cast %get3A_1503 : vector<1x1x1x16xf32> to vector<16xf32>
        %add3A_1505 = arith.addf %add3A_1433, %get3A_1504 : vector<16xf32>
        %get3A_1506 = arith.constant 1 : i32
        %get3A_1507 = arith.constant 18 : i32
        %get3A_1508 = arith.index_cast %get3A_1506 : i32 to index
        %get3A_1509 = arith.index_cast %scan3A_163 : i32 to index
        %get3A_1510 = arith.index_cast %get3A_1507 : i32 to index
        %get3A_1511 = arith.constant 96 : index
        %get3A_1512 = tpu.vector_load %arg4[%get3A_1508, %get3A_1509, %get3A_1510, %get3A_1511] {strides = array<i32>} : memref<2x5x32x128xf32, #tpu.memory_space<vmem>>, vector<1x1x1x16xf32>,
        %get3A_1513 = vector.shape_cast %get3A_1512 : vector<1x1x1x16xf32> to vector<16xf32>
        %add3A_1514 = arith.addf %add3A_1442, %get3A_1513 : vector<16xf32>
        %get3A_1515 = arith.constant 1 : i32
        %get3A_1516 = arith.constant 18 : i32
        %get3A_1517 = arith.index_cast %get3A_1515 : i32 to index
        %get3A_1518 = arith.index_cast %scan3A_163 : i32 to index
        %get3A_1519 = arith.index_cast %get3A_1516 : i32 to index
        %get3A_1520 = arith.constant 112 : index
        %get3A_1521 = tpu.vector_load %arg4[%get3A_1517, %get3A_1518, %get3A_1519, %get3A_1520] {strides = array<i32>} : memref<2x5x32x128xf32, #tpu.memory_space<vmem>>, vector<1x1x1x16xf32>,
        %get3A_1522 = vector.shape_cast %get3A_1521 : vector<1x1x1x16xf32> to vector<16xf32>
        %add3A_1523 = arith.addf %add3A_1451, %get3A_1522 : vector<16xf32>
        %get3A_1524 = arith.constant 1 : i32
        %get3A_1525 = arith.constant 19 : i32
        %get3A_1526 = arith.index_cast %get3A_1524 : i32 to index
        %get3A_1527 = arith.index_cast %scan3A_163 : i32 to index
        %get3A_1528 = arith.index_cast %get3A_1525 : i32 to index
        %get3A_1529 = arith.constant 0 : index
        %get3A_1530 = tpu.vector_load %arg4[%get3A_1526, %get3A_1527, %get3A_1528, %get3A_1529] {strides = array<i32>} : memref<2x5x32x128xf32, #tpu.memory_space<vmem>>, vector<1x1x1x16xf32>,
        %get3A_1531 = vector.shape_cast %get3A_1530 : vector<1x1x1x16xf32> to vector<16xf32>
        %add3A_1532 = arith.addf %add3A_1460, %get3A_1531 : vector<16xf32>
        %get3A_1533 = arith.constant 1 : i32
        %get3A_1534 = arith.constant 19 : i32
        %get3A_1535 = arith.index_cast %get3A_1533 : i32 to index
        %get3A_1536 = arith.index_cast %scan3A_163 : i32 to index
        %get3A_1537 = arith.index_cast %get3A_1534 : i32 to index
        %get3A_1538 = arith.constant 16 : index
        %get3A_1539 = tpu.vector_load %arg4[%get3A_1535, %get3A_1536, %get3A_1537, %get3A_1538] {strides = array<i32>} : memref<2x5x32x128xf32, #tpu.memory_space<vmem>>, vector<1x1x1x16xf32>,
        %get3A_1540 = vector.shape_cast %get3A_1539 : vector<1x1x1x16xf32> to vector<16xf32>
        %add3A_1541 = arith.addf %add3A_1469, %get3A_1540 : vector<16xf32>
        %get3A_1542 = arith.constant 1 : i32
        %get3A_1543 = arith.constant 19 : i32
        %get3A_1544 = arith.index_cast %get3A_1542 : i32 to index
        %get3A_1545 = arith.index_cast %scan3A_163 : i32 to index
        %get3A_1546 = arith.index_cast %get3A_1543 : i32 to index
        %get3A_1547 = arith.constant 32 : index
        %get3A_1548 = tpu.vector_load %arg4[%get3A_1544, %get3A_1545, %get3A_1546, %get3A_1547] {strides = array<i32>} : memref<2x5x32x128xf32, #tpu.memory_space<vmem>>, vector<1x1x1x16xf32>,
        %get3A_1549 = vector.shape_cast %get3A_1548 : vector<1x1x1x16xf32> to vector<16xf32>
        %add3A_1550 = arith.addf %add3A_1478, %get3A_1549 : vector<16xf32>
        %get3A_1551 = arith.constant 1 : i32
        %get3A_1552 = arith.constant 19 : i32
        %get3A_1553 = arith.index_cast %get3A_1551 : i32 to index
        %get3A_1554 = arith.index_cast %scan3A_163 : i32 to index
        %get3A_1555 = arith.index_cast %get3A_1552 : i32 to index
        %get3A_1556 = arith.constant 48 : index
        %get3A_1557 = tpu.vector_load %arg4[%get3A_1553, %get3A_1554, %get3A_1555, %get3A_1556] {strides = array<i32>} : memref<2x5x32x128xf32, #tpu.memory_space<vmem>>, vector<1x1x1x16xf32>,
        %get3A_1558 = vector.shape_cast %get3A_1557 : vector<1x1x1x16xf32> to vector<16xf32>
        %add3A_1559 = arith.addf %add3A_1487, %get3A_1558 : vector<16xf32>
        %get3A_1560 = arith.constant 1 : i32
        %get3A_1561 = arith.constant 19 : i32
        %get3A_1562 = arith.index_cast %get3A_1560 : i32 to index
        %get3A_1563 = arith.index_cast %scan3A_163 : i32 to index
        %get3A_1564 = arith.index_cast %get3A_1561 : i32 to index
        %get3A_1565 = arith.constant 64 : index
        %get3A_1566 = tpu.vector_load %arg4[%get3A_1562, %get3A_1563, %get3A_1564, %get3A_1565] {strides = array<i32>} : memref<2x5x32x128xf32, #tpu.memory_space<vmem>>, vector<1x1x1x16xf32>,
        %get3A_1567 = vector.shape_cast %get3A_1566 : vector<1x1x1x16xf32> to vector<16xf32>
        %add3A_1568 = arith.addf %add3A_1496, %get3A_1567 : vector<16xf32>
        %get3A_1569 = arith.constant 1 : i32
        %get3A_1570 = arith.constant 19 : i32
        %get3A_1571 = arith.index_cast %get3A_1569 : i32 to index
        %get3A_1572 = arith.index_cast %scan3A_163 : i32 to index
        %get3A_1573 = arith.index_cast %get3A_1570 : i32 to index
        %get3A_1574 = arith.constant 80 : index
        %get3A_1575 = tpu.vector_load %arg4[%get3A_1571, %get3A_1572, %get3A_1573, %get3A_1574] {strides = array<i32>} : memref<2x5x32x128xf32, #tpu.memory_space<vmem>>, vector<1x1x1x16xf32>,
        %get3A_1576 = vector.shape_cast %get3A_1575 : vector<1x1x1x16xf32> to vector<16xf32>
        %add3A_1577 = arith.addf %add3A_1505, %get3A_1576 : vector<16xf32>
        %get3A_1578 = arith.constant 1 : i32
        %get3A_1579 = arith.constant 19 : i32
        %get3A_1580 = arith.index_cast %get3A_1578 : i32 to index
        %get3A_1581 = arith.index_cast %scan3A_163 : i32 to index
        %get3A_1582 = arith.index_cast %get3A_1579 : i32 to index
        %get3A_1583 = arith.constant 96 : index
        %get3A_1584 = tpu.vector_load %arg4[%get3A_1580, %get3A_1581, %get3A_1582, %get3A_1583] {strides = array<i32>} : memref<2x5x32x128xf32, #tpu.memory_space<vmem>>, vector<1x1x1x16xf32>,
        %get3A_1585 = vector.shape_cast %get3A_1584 : vector<1x1x1x16xf32> to vector<16xf32>
        %add3A_1586 = arith.addf %add3A_1514, %get3A_1585 : vector<16xf32>
        %get3A_1587 = arith.constant 1 : i32
        %get3A_1588 = arith.constant 19 : i32
        %get3A_1589 = arith.index_cast %get3A_1587 : i32 to index
        %get3A_1590 = arith.index_cast %scan3A_163 : i32 to index
        %get3A_1591 = arith.index_cast %get3A_1588 : i32 to index
        %get3A_1592 = arith.constant 112 : index
        %get3A_1593 = tpu.vector_load %arg4[%get3A_1589, %get3A_1590, %get3A_1591, %get3A_1592] {strides = array<i32>} : memref<2x5x32x128xf32, #tpu.memory_space<vmem>>, vector<1x1x1x16xf32>,
        %get3A_1594 = vector.shape_cast %get3A_1593 : vector<1x1x1x16xf32> to vector<16xf32>
        %add3A_1595 = arith.addf %add3A_1523, %get3A_1594 : vector<16xf32>
        %get3A_1596 = arith.constant 1 : i32
        %get3A_1597 = arith.constant 20 : i32
        %get3A_1598 = arith.index_cast %get3A_1596 : i32 to index
        %get3A_1599 = arith.index_cast %scan3A_163 : i32 to index
        %get3A_1600 = arith.index_cast %get3A_1597 : i32 to index
        %get3A_1601 = arith.constant 0 : index
        %get3A_1602 = tpu.vector_load %arg4[%get3A_1598, %get3A_1599, %get3A_1600, %get3A_1601] {strides = array<i32>} : memref<2x5x32x128xf32, #tpu.memory_space<vmem>>, vector<1x1x1x16xf32>,
        %get3A_1603 = vector.shape_cast %get3A_1602 : vector<1x1x1x16xf32> to vector<16xf32>
        %add3A_1604 = arith.addf %add3A_1532, %get3A_1603 : vector<16xf32>
        %get3A_1605 = arith.constant 1 : i32
        %get3A_1606 = arith.constant 20 : i32
        %get3A_1607 = arith.index_cast %get3A_1605 : i32 to index
        %get3A_1608 = arith.index_cast %scan3A_163 : i32 to index
        %get3A_1609 = arith.index_cast %get3A_1606 : i32 to index
        %get3A_1610 = arith.constant 16 : index
        %get3A_1611 = tpu.vector_load %arg4[%get3A_1607, %get3A_1608, %get3A_1609, %get3A_1610] {strides = array<i32>} : memref<2x5x32x128xf32, #tpu.memory_space<vmem>>, vector<1x1x1x16xf32>,
        %get3A_1612 = vector.shape_cast %get3A_1611 : vector<1x1x1x16xf32> to vector<16xf32>
        %add3A_1613 = arith.addf %add3A_1541, %get3A_1612 : vector<16xf32>
        %get3A_1614 = arith.constant 1 : i32
        %get3A_1615 = arith.constant 20 : i32
        %get3A_1616 = arith.index_cast %get3A_1614 : i32 to index
        %get3A_1617 = arith.index_cast %scan3A_163 : i32 to index
        %get3A_1618 = arith.index_cast %get3A_1615 : i32 to index
        %get3A_1619 = arith.constant 32 : index
        %get3A_1620 = tpu.vector_load %arg4[%get3A_1616, %get3A_1617, %get3A_1618, %get3A_1619] {strides = array<i32>} : memref<2x5x32x128xf32, #tpu.memory_space<vmem>>, vector<1x1x1x16xf32>,
        %get3A_1621 = vector.shape_cast %get3A_1620 : vector<1x1x1x16xf32> to vector<16xf32>
        %add3A_1622 = arith.addf %add3A_1550, %get3A_1621 : vector<16xf32>
        %get3A_1623 = arith.constant 1 : i32
        %get3A_1624 = arith.constant 20 : i32
        %get3A_1625 = arith.index_cast %get3A_1623 : i32 to index
        %get3A_1626 = arith.index_cast %scan3A_163 : i32 to index
        %get3A_1627 = arith.index_cast %get3A_1624 : i32 to index
        %get3A_1628 = arith.constant 48 : index
        %get3A_1629 = tpu.vector_load %arg4[%get3A_1625, %get3A_1626, %get3A_1627, %get3A_1628] {strides = array<i32>} : memref<2x5x32x128xf32, #tpu.memory_space<vmem>>, vector<1x1x1x16xf32>,
        %get3A_1630 = vector.shape_cast %get3A_1629 : vector<1x1x1x16xf32> to vector<16xf32>
        %add3A_1631 = arith.addf %add3A_1559, %get3A_1630 : vector<16xf32>
        %get3A_1632 = arith.constant 1 : i32
        %get3A_1633 = arith.constant 20 : i32
        %get3A_1634 = arith.index_cast %get3A_1632 : i32 to index
        %get3A_1635 = arith.index_cast %scan3A_163 : i32 to index
        %get3A_1636 = arith.index_cast %get3A_1633 : i32 to index
        %get3A_1637 = arith.constant 64 : index
        %get3A_1638 = tpu.vector_load %arg4[%get3A_1634, %get3A_1635, %get3A_1636, %get3A_1637] {strides = array<i32>} : memref<2x5x32x128xf32, #tpu.memory_space<vmem>>, vector<1x1x1x16xf32>,
        %get3A_1639 = vector.shape_cast %get3A_1638 : vector<1x1x1x16xf32> to vector<16xf32>
        %add3A_1640 = arith.addf %add3A_1568, %get3A_1639 : vector<16xf32>
        %get3A_1641 = arith.constant 1 : i32
        %get3A_1642 = arith.constant 20 : i32
        %get3A_1643 = arith.index_cast %get3A_1641 : i32 to index
        %get3A_1644 = arith.index_cast %scan3A_163 : i32 to index
        %get3A_1645 = arith.index_cast %get3A_1642 : i32 to index
        %get3A_1646 = arith.constant 80 : index
        %get3A_1647 = tpu.vector_load %arg4[%get3A_1643, %get3A_1644, %get3A_1645, %get3A_1646] {strides = array<i32>} : memref<2x5x32x128xf32, #tpu.memory_space<vmem>>, vector<1x1x1x16xf32>,
        %get3A_1648 = vector.shape_cast %get3A_1647 : vector<1x1x1x16xf32> to vector<16xf32>
        %add3A_1649 = arith.addf %add3A_1577, %get3A_1648 : vector<16xf32>
        %get3A_1650 = arith.constant 1 : i32
        %get3A_1651 = arith.constant 20 : i32
        %get3A_1652 = arith.index_cast %get3A_1650 : i32 to index
        %get3A_1653 = arith.index_cast %scan3A_163 : i32 to index
        %get3A_1654 = arith.index_cast %get3A_1651 : i32 to index
        %get3A_1655 = arith.constant 96 : index
        %get3A_1656 = tpu.vector_load %arg4[%get3A_1652, %get3A_1653, %get3A_1654, %get3A_1655] {strides = array<i32>} : memref<2x5x32x128xf32, #tpu.memory_space<vmem>>, vector<1x1x1x16xf32>,
        %get3A_1657 = vector.shape_cast %get3A_1656 : vector<1x1x1x16xf32> to vector<16xf32>
        %add3A_1658 = arith.addf %add3A_1586, %get3A_1657 : vector<16xf32>
        %get3A_1659 = arith.constant 1 : i32
        %get3A_1660 = arith.constant 20 : i32
        %get3A_1661 = arith.index_cast %get3A_1659 : i32 to index
        %get3A_1662 = arith.index_cast %scan3A_163 : i32 to index
        %get3A_1663 = arith.index_cast %get3A_1660 : i32 to index
        %get3A_1664 = arith.constant 112 : index
        %get3A_1665 = tpu.vector_load %arg4[%get3A_1661, %get3A_1662, %get3A_1663, %get3A_1664] {strides = array<i32>} : memref<2x5x32x128xf32, #tpu.memory_space<vmem>>, vector<1x1x1x16xf32>,
        %get3A_1666 = vector.shape_cast %get3A_1665 : vector<1x1x1x16xf32> to vector<16xf32>
        %add3A_1667 = arith.addf %add3A_1595, %get3A_1666 : vector<16xf32>
        %get3A_1668 = arith.constant 1 : i32
        %get3A_1669 = arith.constant 21 : i32
        %get3A_1670 = arith.index_cast %get3A_1668 : i32 to index
        %get3A_1671 = arith.index_cast %scan3A_163 : i32 to index
        %get3A_1672 = arith.index_cast %get3A_1669 : i32 to index
        %get3A_1673 = arith.constant 0 : index
        %get3A_1674 = tpu.vector_load %arg4[%get3A_1670, %get3A_1671, %get3A_1672, %get3A_1673] {strides = array<i32>} : memref<2x5x32x128xf32, #tpu.memory_space<vmem>>, vector<1x1x1x16xf32>,
        %get3A_1675 = vector.shape_cast %get3A_1674 : vector<1x1x1x16xf32> to vector<16xf32>
        %add3A_1676 = arith.addf %add3A_1604, %get3A_1675 : vector<16xf32>
        %get3A_1677 = arith.constant 1 : i32
        %get3A_1678 = arith.constant 21 : i32
        %get3A_1679 = arith.index_cast %get3A_1677 : i32 to index
        %get3A_1680 = arith.index_cast %scan3A_163 : i32 to index
        %get3A_1681 = arith.index_cast %get3A_1678 : i32 to index
        %get3A_1682 = arith.constant 16 : index
        %get3A_1683 = tpu.vector_load %arg4[%get3A_1679, %get3A_1680, %get3A_1681, %get3A_1682] {strides = array<i32>} : memref<2x5x32x128xf32, #tpu.memory_space<vmem>>, vector<1x1x1x16xf32>,
        %get3A_1684 = vector.shape_cast %get3A_1683 : vector<1x1x1x16xf32> to vector<16xf32>
        %add3A_1685 = arith.addf %add3A_1613, %get3A_1684 : vector<16xf32>
        %get3A_1686 = arith.constant 1 : i32
        %get3A_1687 = arith.constant 21 : i32
        %get3A_1688 = arith.index_cast %get3A_1686 : i32 to index
        %get3A_1689 = arith.index_cast %scan3A_163 : i32 to index
        %get3A_1690 = arith.index_cast %get3A_1687 : i32 to index
        %get3A_1691 = arith.constant 32 : index
        %get3A_1692 = tpu.vector_load %arg4[%get3A_1688, %get3A_1689, %get3A_1690, %get3A_1691] {strides = array<i32>} : memref<2x5x32x128xf32, #tpu.memory_space<vmem>>, vector<1x1x1x16xf32>,
        %get3A_1693 = vector.shape_cast %get3A_1692 : vector<1x1x1x16xf32> to vector<16xf32>
        %add3A_1694 = arith.addf %add3A_1622, %get3A_1693 : vector<16xf32>
        %get3A_1695 = arith.constant 1 : i32
        %get3A_1696 = arith.constant 21 : i32
        %get3A_1697 = arith.index_cast %get3A_1695 : i32 to index
        %get3A_1698 = arith.index_cast %scan3A_163 : i32 to index
        %get3A_1699 = arith.index_cast %get3A_1696 : i32 to index
        %get3A_1700 = arith.constant 48 : index
        %get3A_1701 = tpu.vector_load %arg4[%get3A_1697, %get3A_1698, %get3A_1699, %get3A_1700] {strides = array<i32>} : memref<2x5x32x128xf32, #tpu.memory_space<vmem>>, vector<1x1x1x16xf32>,
        %get3A_1702 = vector.shape_cast %get3A_1701 : vector<1x1x1x16xf32> to vector<16xf32>
        %add3A_1703 = arith.addf %add3A_1631, %get3A_1702 : vector<16xf32>
        %get3A_1704 = arith.constant 1 : i32
        %get3A_1705 = arith.constant 21 : i32
        %get3A_1706 = arith.index_cast %get3A_1704 : i32 to index
        %get3A_1707 = arith.index_cast %scan3A_163 : i32 to index
        %get3A_1708 = arith.index_cast %get3A_1705 : i32 to index
        %get3A_1709 = arith.constant 64 : index
        %get3A_1710 = tpu.vector_load %arg4[%get3A_1706, %get3A_1707, %get3A_1708, %get3A_1709] {strides = array<i32>} : memref<2x5x32x128xf32, #tpu.memory_space<vmem>>, vector<1x1x1x16xf32>,
        %get3A_1711 = vector.shape_cast %get3A_1710 : vector<1x1x1x16xf32> to vector<16xf32>
        %add3A_1712 = arith.addf %add3A_1640, %get3A_1711 : vector<16xf32>
        %get3A_1713 = arith.constant 1 : i32
        %get3A_1714 = arith.constant 21 : i32
        %get3A_1715 = arith.index_cast %get3A_1713 : i32 to index
        %get3A_1716 = arith.index_cast %scan3A_163 : i32 to index
        %get3A_1717 = arith.index_cast %get3A_1714 : i32 to index
        %get3A_1718 = arith.constant 80 : index
        %get3A_1719 = tpu.vector_load %arg4[%get3A_1715, %get3A_1716, %get3A_1717, %get3A_1718] {strides = array<i32>} : memref<2x5x32x128xf32, #tpu.memory_space<vmem>>, vector<1x1x1x16xf32>,
        %get3A_1720 = vector.shape_cast %get3A_1719 : vector<1x1x1x16xf32> to vector<16xf32>
        %add3A_1721 = arith.addf %add3A_1649, %get3A_1720 : vector<16xf32>
        %get3A_1722 = arith.constant 1 : i32
        %get3A_1723 = arith.constant 21 : i32
        %get3A_1724 = arith.index_cast %get3A_1722 : i32 to index
        %get3A_1725 = arith.index_cast %scan3A_163 : i32 to index
        %get3A_1726 = arith.index_cast %get3A_1723 : i32 to index
        %get3A_1727 = arith.constant 96 : index
        %get3A_1728 = tpu.vector_load %arg4[%get3A_1724, %get3A_1725, %get3A_1726, %get3A_1727] {strides = array<i32>} : memref<2x5x32x128xf32, #tpu.memory_space<vmem>>, vector<1x1x1x16xf32>,
        %get3A_1729 = vector.shape_cast %get3A_1728 : vector<1x1x1x16xf32> to vector<16xf32>
        %add3A_1730 = arith.addf %add3A_1658, %get3A_1729 : vector<16xf32>
        %get3A_1731 = arith.constant 1 : i32
        %get3A_1732 = arith.constant 21 : i32
        %get3A_1733 = arith.index_cast %get3A_1731 : i32 to index
        %get3A_1734 = arith.index_cast %scan3A_163 : i32 to index
        %get3A_1735 = arith.index_cast %get3A_1732 : i32 to index
        %get3A_1736 = arith.constant 112 : index
        %get3A_1737 = tpu.vector_load %arg4[%get3A_1733, %get3A_1734, %get3A_1735, %get3A_1736] {strides = array<i32>} : memref<2x5x32x128xf32, #tpu.memory_space<vmem>>, vector<1x1x1x16xf32>,
        %get3A_1738 = vector.shape_cast %get3A_1737 : vector<1x1x1x16xf32> to vector<16xf32>
        %add3A_1739 = arith.addf %add3A_1667, %get3A_1738 : vector<16xf32>
        %get3A_1740 = arith.constant 1 : i32
        %get3A_1741 = arith.constant 22 : i32
        %get3A_1742 = arith.index_cast %get3A_1740 : i32 to index
        %get3A_1743 = arith.index_cast %scan3A_163 : i32 to index
        %get3A_1744 = arith.index_cast %get3A_1741 : i32 to index
        %get3A_1745 = arith.constant 0 : index
        %get3A_1746 = tpu.vector_load %arg4[%get3A_1742, %get3A_1743, %get3A_1744, %get3A_1745] {strides = array<i32>} : memref<2x5x32x128xf32, #tpu.memory_space<vmem>>, vector<1x1x1x16xf32>,
        %get3A_1747 = vector.shape_cast %get3A_1746 : vector<1x1x1x16xf32> to vector<16xf32>
        %add3A_1748 = arith.addf %add3A_1676, %get3A_1747 : vector<16xf32>
        %get3A_1749 = arith.constant 1 : i32
        %get3A_1750 = arith.constant 22 : i32
        %get3A_1751 = arith.index_cast %get3A_1749 : i32 to index
        %get3A_1752 = arith.index_cast %scan3A_163 : i32 to index
        %get3A_1753 = arith.index_cast %get3A_1750 : i32 to index
        %get3A_1754 = arith.constant 16 : index
        %get3A_1755 = tpu.vector_load %arg4[%get3A_1751, %get3A_1752, %get3A_1753, %get3A_1754] {strides = array<i32>} : memref<2x5x32x128xf32, #tpu.memory_space<vmem>>, vector<1x1x1x16xf32>,
        %get3A_1756 = vector.shape_cast %get3A_1755 : vector<1x1x1x16xf32> to vector<16xf32>
        %add3A_1757 = arith.addf %add3A_1685, %get3A_1756 : vector<16xf32>
        %get3A_1758 = arith.constant 1 : i32
        %get3A_1759 = arith.constant 22 : i32
        %get3A_1760 = arith.index_cast %get3A_1758 : i32 to index
        %get3A_1761 = arith.index_cast %scan3A_163 : i32 to index
        %get3A_1762 = arith.index_cast %get3A_1759 : i32 to index
        %get3A_1763 = arith.constant 32 : index
        %get3A_1764 = tpu.vector_load %arg4[%get3A_1760, %get3A_1761, %get3A_1762, %get3A_1763] {strides = array<i32>} : memref<2x5x32x128xf32, #tpu.memory_space<vmem>>, vector<1x1x1x16xf32>,
        %get3A_1765 = vector.shape_cast %get3A_1764 : vector<1x1x1x16xf32> to vector<16xf32>
        %add3A_1766 = arith.addf %add3A_1694, %get3A_1765 : vector<16xf32>
        %get3A_1767 = arith.constant 1 : i32
        %get3A_1768 = arith.constant 22 : i32
        %get3A_1769 = arith.index_cast %get3A_1767 : i32 to index
        %get3A_1770 = arith.index_cast %scan3A_163 : i32 to index
        %get3A_1771 = arith.index_cast %get3A_1768 : i32 to index
        %get3A_1772 = arith.constant 48 : index
        %get3A_1773 = tpu.vector_load %arg4[%get3A_1769, %get3A_1770, %get3A_1771, %get3A_1772] {strides = array<i32>} : memref<2x5x32x128xf32, #tpu.memory_space<vmem>>, vector<1x1x1x16xf32>,
        %get3A_1774 = vector.shape_cast %get3A_1773 : vector<1x1x1x16xf32> to vector<16xf32>
        %add3A_1775 = arith.addf %add3A_1703, %get3A_1774 : vector<16xf32>
        %get3A_1776 = arith.constant 1 : i32
        %get3A_1777 = arith.constant 22 : i32
        %get3A_1778 = arith.index_cast %get3A_1776 : i32 to index
        %get3A_1779 = arith.index_cast %scan3A_163 : i32 to index
        %get3A_1780 = arith.index_cast %get3A_1777 : i32 to index
        %get3A_1781 = arith.constant 64 : index
        %get3A_1782 = tpu.vector_load %arg4[%get3A_1778, %get3A_1779, %get3A_1780, %get3A_1781] {strides = array<i32>} : memref<2x5x32x128xf32, #tpu.memory_space<vmem>>, vector<1x1x1x16xf32>,
        %get3A_1783 = vector.shape_cast %get3A_1782 : vector<1x1x1x16xf32> to vector<16xf32>
        %add3A_1784 = arith.addf %add3A_1712, %get3A_1783 : vector<16xf32>
        %get3A_1785 = arith.constant 1 : i32
        %get3A_1786 = arith.constant 22 : i32
        %get3A_1787 = arith.index_cast %get3A_1785 : i32 to index
        %get3A_1788 = arith.index_cast %scan3A_163 : i32 to index
        %get3A_1789 = arith.index_cast %get3A_1786 : i32 to index
        %get3A_1790 = arith.constant 80 : index
        %get3A_1791 = tpu.vector_load %arg4[%get3A_1787, %get3A_1788, %get3A_1789, %get3A_1790] {strides = array<i32>} : memref<2x5x32x128xf32, #tpu.memory_space<vmem>>, vector<1x1x1x16xf32>,
        %get3A_1792 = vector.shape_cast %get3A_1791 : vector<1x1x1x16xf32> to vector<16xf32>
        %add3A_1793 = arith.addf %add3A_1721, %get3A_1792 : vector<16xf32>
        %get3A_1794 = arith.constant 1 : i32
        %get3A_1795 = arith.constant 22 : i32
        %get3A_1796 = arith.index_cast %get3A_1794 : i32 to index
        %get3A_1797 = arith.index_cast %scan3A_163 : i32 to index
        %get3A_1798 = arith.index_cast %get3A_1795 : i32 to index
        %get3A_1799 = arith.constant 96 : index
        %get3A_1800 = tpu.vector_load %arg4[%get3A_1796, %get3A_1797, %get3A_1798, %get3A_1799] {strides = array<i32>} : memref<2x5x32x128xf32, #tpu.memory_space<vmem>>, vector<1x1x1x16xf32>,
        %get3A_1801 = vector.shape_cast %get3A_1800 : vector<1x1x1x16xf32> to vector<16xf32>
        %add3A_1802 = arith.addf %add3A_1730, %get3A_1801 : vector<16xf32>
        %get3A_1803 = arith.constant 1 : i32
        %get3A_1804 = arith.constant 22 : i32
        %get3A_1805 = arith.index_cast %get3A_1803 : i32 to index
        %get3A_1806 = arith.index_cast %scan3A_163 : i32 to index
        %get3A_1807 = arith.index_cast %get3A_1804 : i32 to index
        %get3A_1808 = arith.constant 112 : index
        %get3A_1809 = tpu.vector_load %arg4[%get3A_1805, %get3A_1806, %get3A_1807, %get3A_1808] {strides = array<i32>} : memref<2x5x32x128xf32, #tpu.memory_space<vmem>>, vector<1x1x1x16xf32>,
        %get3A_1810 = vector.shape_cast %get3A_1809 : vector<1x1x1x16xf32> to vector<16xf32>
        %add3A_1811 = arith.addf %add3A_1739, %get3A_1810 : vector<16xf32>
        %get3A_1812 = arith.constant 1 : i32
        %get3A_1813 = arith.constant 23 : i32
        %get3A_1814 = arith.index_cast %get3A_1812 : i32 to index
        %get3A_1815 = arith.index_cast %scan3A_163 : i32 to index
        %get3A_1816 = arith.index_cast %get3A_1813 : i32 to index
        %get3A_1817 = arith.constant 0 : index
        %get3A_1818 = tpu.vector_load %arg4[%get3A_1814, %get3A_1815, %get3A_1816, %get3A_1817] {strides = array<i32>} : memref<2x5x32x128xf32, #tpu.memory_space<vmem>>, vector<1x1x1x16xf32>,
        %get3A_1819 = vector.shape_cast %get3A_1818 : vector<1x1x1x16xf32> to vector<16xf32>
        %add3A_1820 = arith.addf %add3A_1748, %get3A_1819 : vector<16xf32>
        %get3A_1821 = arith.constant 1 : i32
        %get3A_1822 = arith.constant 23 : i32
        %get3A_1823 = arith.index_cast %get3A_1821 : i32 to index
        %get3A_1824 = arith.index_cast %scan3A_163 : i32 to index
        %get3A_1825 = arith.index_cast %get3A_1822 : i32 to index
        %get3A_1826 = arith.constant 16 : index
        %get3A_1827 = tpu.vector_load %arg4[%get3A_1823, %get3A_1824, %get3A_1825, %get3A_1826] {strides = array<i32>} : memref<2x5x32x128xf32, #tpu.memory_space<vmem>>, vector<1x1x1x16xf32>,
        %get3A_1828 = vector.shape_cast %get3A_1827 : vector<1x1x1x16xf32> to vector<16xf32>
        %add3A_1829 = arith.addf %add3A_1757, %get3A_1828 : vector<16xf32>
        %get3A_1830 = arith.constant 1 : i32
        %get3A_1831 = arith.constant 23 : i32
        %get3A_1832 = arith.index_cast %get3A_1830 : i32 to index
        %get3A_1833 = arith.index_cast %scan3A_163 : i32 to index
        %get3A_1834 = arith.index_cast %get3A_1831 : i32 to index
        %get3A_1835 = arith.constant 32 : index
        %get3A_1836 = tpu.vector_load %arg4[%get3A_1832, %get3A_1833, %get3A_1834, %get3A_1835] {strides = array<i32>} : memref<2x5x32x128xf32, #tpu.memory_space<vmem>>, vector<1x1x1x16xf32>,
        %get3A_1837 = vector.shape_cast %get3A_1836 : vector<1x1x1x16xf32> to vector<16xf32>
        %add3A_1838 = arith.addf %add3A_1766, %get3A_1837 : vector<16xf32>
        %get3A_1839 = arith.constant 1 : i32
        %get3A_1840 = arith.constant 23 : i32
        %get3A_1841 = arith.index_cast %get3A_1839 : i32 to index
        %get3A_1842 = arith.index_cast %scan3A_163 : i32 to index
        %get3A_1843 = arith.index_cast %get3A_1840 : i32 to index
        %get3A_1844 = arith.constant 48 : index
        %get3A_1845 = tpu.vector_load %arg4[%get3A_1841, %get3A_1842, %get3A_1843, %get3A_1844] {strides = array<i32>} : memref<2x5x32x128xf32, #tpu.memory_space<vmem>>, vector<1x1x1x16xf32>,
        %get3A_1846 = vector.shape_cast %get3A_1845 : vector<1x1x1x16xf32> to vector<16xf32>
        %add3A_1847 = arith.addf %add3A_1775, %get3A_1846 : vector<16xf32>
        %get3A_1848 = arith.constant 1 : i32
        %get3A_1849 = arith.constant 23 : i32
        %get3A_1850 = arith.index_cast %get3A_1848 : i32 to index
        %get3A_1851 = arith.index_cast %scan3A_163 : i32 to index
        %get3A_1852 = arith.index_cast %get3A_1849 : i32 to index
        %get3A_1853 = arith.constant 64 : index
        %get3A_1854 = tpu.vector_load %arg4[%get3A_1850, %get3A_1851, %get3A_1852, %get3A_1853] {strides = array<i32>} : memref<2x5x32x128xf32, #tpu.memory_space<vmem>>, vector<1x1x1x16xf32>,
        %get3A_1855 = vector.shape_cast %get3A_1854 : vector<1x1x1x16xf32> to vector<16xf32>
        %add3A_1856 = arith.addf %add3A_1784, %get3A_1855 : vector<16xf32>
        %get3A_1857 = arith.constant 1 : i32
        %get3A_1858 = arith.constant 23 : i32
        %get3A_1859 = arith.index_cast %get3A_1857 : i32 to index
        %get3A_1860 = arith.index_cast %scan3A_163 : i32 to index
        %get3A_1861 = arith.index_cast %get3A_1858 : i32 to index
        %get3A_1862 = arith.constant 80 : index
        %get3A_1863 = tpu.vector_load %arg4[%get3A_1859, %get3A_1860, %get3A_1861, %get3A_1862] {strides = array<i32>} : memref<2x5x32x128xf32, #tpu.memory_space<vmem>>, vector<1x1x1x16xf32>,
        %get3A_1864 = vector.shape_cast %get3A_1863 : vector<1x1x1x16xf32> to vector<16xf32>
        %add3A_1865 = arith.addf %add3A_1793, %get3A_1864 : vector<16xf32>
        %get3A_1866 = arith.constant 1 : i32
        %get3A_1867 = arith.constant 23 : i32
        %get3A_1868 = arith.index_cast %get3A_1866 : i32 to index
        %get3A_1869 = arith.index_cast %scan3A_163 : i32 to index
        %get3A_1870 = arith.index_cast %get3A_1867 : i32 to index
        %get3A_1871 = arith.constant 96 : index
        %get3A_1872 = tpu.vector_load %arg4[%get3A_1868, %get3A_1869, %get3A_1870, %get3A_1871] {strides = array<i32>} : memref<2x5x32x128xf32, #tpu.memory_space<vmem>>, vector<1x1x1x16xf32>,
        %get3A_1873 = vector.shape_cast %get3A_1872 : vector<1x1x1x16xf32> to vector<16xf32>
        %add3A_1874 = arith.addf %add3A_1802, %get3A_1873 : vector<16xf32>
        %get3A_1875 = arith.constant 1 : i32
        %get3A_1876 = arith.constant 23 : i32
        %get3A_1877 = arith.index_cast %get3A_1875 : i32 to index
        %get3A_1878 = arith.index_cast %scan3A_163 : i32 to index
        %get3A_1879 = arith.index_cast %get3A_1876 : i32 to index
        %get3A_1880 = arith.constant 112 : index
        %get3A_1881 = tpu.vector_load %arg4[%get3A_1877, %get3A_1878, %get3A_1879, %get3A_1880] {strides = array<i32>} : memref<2x5x32x128xf32, #tpu.memory_space<vmem>>, vector<1x1x1x16xf32>,
        %get3A_1882 = vector.shape_cast %get3A_1881 : vector<1x1x1x16xf32> to vector<16xf32>
        %add3A_1883 = arith.addf %add3A_1811, %get3A_1882 : vector<16xf32>
        %get3A_1884 = arith.constant 1 : i32
        %get3A_1885 = arith.constant 24 : i32
        %get3A_1886 = arith.index_cast %get3A_1884 : i32 to index
        %get3A_1887 = arith.index_cast %scan3A_163 : i32 to index
        %get3A_1888 = arith.index_cast %get3A_1885 : i32 to index
        %get3A_1889 = arith.constant 0 : index
        %get3A_1890 = tpu.vector_load %arg4[%get3A_1886, %get3A_1887, %get3A_1888, %get3A_1889] {strides = array<i32>} : memref<2x5x32x128xf32, #tpu.memory_space<vmem>>, vector<1x1x1x16xf32>,
        %get3A_1891 = vector.shape_cast %get3A_1890 : vector<1x1x1x16xf32> to vector<16xf32>
        %add3A_1892 = arith.addf %add3A_1820, %get3A_1891 : vector<16xf32>
        %get3A_1893 = arith.constant 1 : i32
        %get3A_1894 = arith.constant 24 : i32
        %get3A_1895 = arith.index_cast %get3A_1893 : i32 to index
        %get3A_1896 = arith.index_cast %scan3A_163 : i32 to index
        %get3A_1897 = arith.index_cast %get3A_1894 : i32 to index
        %get3A_1898 = arith.constant 16 : index
        %get3A_1899 = tpu.vector_load %arg4[%get3A_1895, %get3A_1896, %get3A_1897, %get3A_1898] {strides = array<i32>} : memref<2x5x32x128xf32, #tpu.memory_space<vmem>>, vector<1x1x1x16xf32>,
        %get3A_1900 = vector.shape_cast %get3A_1899 : vector<1x1x1x16xf32> to vector<16xf32>
        %add3A_1901 = arith.addf %add3A_1829, %get3A_1900 : vector<16xf32>
        %get3A_1902 = arith.constant 1 : i32
        %get3A_1903 = arith.constant 24 : i32
        %get3A_1904 = arith.index_cast %get3A_1902 : i32 to index
        %get3A_1905 = arith.index_cast %scan3A_163 : i32 to index
        %get3A_1906 = arith.index_cast %get3A_1903 : i32 to index
        %get3A_1907 = arith.constant 32 : index
        %get3A_1908 = tpu.vector_load %arg4[%get3A_1904, %get3A_1905, %get3A_1906, %get3A_1907] {strides = array<i32>} : memref<2x5x32x128xf32, #tpu.memory_space<vmem>>, vector<1x1x1x16xf32>,
        %get3A_1909 = vector.shape_cast %get3A_1908 : vector<1x1x1x16xf32> to vector<16xf32>
        %add3A_1910 = arith.addf %add3A_1838, %get3A_1909 : vector<16xf32>
        %get3A_1911 = arith.constant 1 : i32
        %get3A_1912 = arith.constant 24 : i32
        %get3A_1913 = arith.index_cast %get3A_1911 : i32 to index
        %get3A_1914 = arith.index_cast %scan3A_163 : i32 to index
        %get3A_1915 = arith.index_cast %get3A_1912 : i32 to index
        %get3A_1916 = arith.constant 48 : index
        %get3A_1917 = tpu.vector_load %arg4[%get3A_1913, %get3A_1914, %get3A_1915, %get3A_1916] {strides = array<i32>} : memref<2x5x32x128xf32, #tpu.memory_space<vmem>>, vector<1x1x1x16xf32>,
        %get3A_1918 = vector.shape_cast %get3A_1917 : vector<1x1x1x16xf32> to vector<16xf32>
        %add3A_1919 = arith.addf %add3A_1847, %get3A_1918 : vector<16xf32>
        %get3A_1920 = arith.constant 1 : i32
        %get3A_1921 = arith.constant 24 : i32
        %get3A_1922 = arith.index_cast %get3A_1920 : i32 to index
        %get3A_1923 = arith.index_cast %scan3A_163 : i32 to index
        %get3A_1924 = arith.index_cast %get3A_1921 : i32 to index
        %get3A_1925 = arith.constant 64 : index
        %get3A_1926 = tpu.vector_load %arg4[%get3A_1922, %get3A_1923, %get3A_1924, %get3A_1925] {strides = array<i32>} : memref<2x5x32x128xf32, #tpu.memory_space<vmem>>, vector<1x1x1x16xf32>,
        %get3A_1927 = vector.shape_cast %get3A_1926 : vector<1x1x1x16xf32> to vector<16xf32>
        %add3A_1928 = arith.addf %add3A_1856, %get3A_1927 : vector<16xf32>
        %get3A_1929 = arith.constant 1 : i32
        %get3A_1930 = arith.constant 24 : i32
        %get3A_1931 = arith.index_cast %get3A_1929 : i32 to index
        %get3A_1932 = arith.index_cast %scan3A_163 : i32 to index
        %get3A_1933 = arith.index_cast %get3A_1930 : i32 to index
        %get3A_1934 = arith.constant 80 : index
        %get3A_1935 = tpu.vector_load %arg4[%get3A_1931, %get3A_1932, %get3A_1933, %get3A_1934] {strides = array<i32>} : memref<2x5x32x128xf32, #tpu.memory_space<vmem>>, vector<1x1x1x16xf32>,
        %get3A_1936 = vector.shape_cast %get3A_1935 : vector<1x1x1x16xf32> to vector<16xf32>
        %add3A_1937 = arith.addf %add3A_1865, %get3A_1936 : vector<16xf32>
        %get3A_1938 = arith.constant 1 : i32
        %get3A_1939 = arith.constant 24 : i32
        %get3A_1940 = arith.index_cast %get3A_1938 : i32 to index
        %get3A_1941 = arith.index_cast %scan3A_163 : i32 to index
        %get3A_1942 = arith.index_cast %get3A_1939 : i32 to index
        %get3A_1943 = arith.constant 96 : index
        %get3A_1944 = tpu.vector_load %arg4[%get3A_1940, %get3A_1941, %get3A_1942, %get3A_1943] {strides = array<i32>} : memref<2x5x32x128xf32, #tpu.memory_space<vmem>>, vector<1x1x1x16xf32>,
        %get3A_1945 = vector.shape_cast %get3A_1944 : vector<1x1x1x16xf32> to vector<16xf32>
        %add3A_1946 = arith.addf %add3A_1874, %get3A_1945 : vector<16xf32>
        %get3A_1947 = arith.constant 1 : i32
        %get3A_1948 = arith.constant 24 : i32
        %get3A_1949 = arith.index_cast %get3A_1947 : i32 to index
        %get3A_1950 = arith.index_cast %scan3A_163 : i32 to index
        %get3A_1951 = arith.index_cast %get3A_1948 : i32 to index
        %get3A_1952 = arith.constant 112 : index
        %get3A_1953 = tpu.vector_load %arg4[%get3A_1949, %get3A_1950, %get3A_1951, %get3A_1952] {strides = array<i32>} : memref<2x5x32x128xf32, #tpu.memory_space<vmem>>, vector<1x1x1x16xf32>,
        %get3A_1954 = vector.shape_cast %get3A_1953 : vector<1x1x1x16xf32> to vector<16xf32>
        %add3A_1955 = arith.addf %add3A_1883, %get3A_1954 : vector<16xf32>
        %get3A_1956 = arith.constant 1 : i32
        %get3A_1957 = arith.constant 25 : i32
        %get3A_1958 = arith.index_cast %get3A_1956 : i32 to index
        %get3A_1959 = arith.index_cast %scan3A_163 : i32 to index
        %get3A_1960 = arith.index_cast %get3A_1957 : i32 to index
        %get3A_1961 = arith.constant 0 : index
        %get3A_1962 = tpu.vector_load %arg4[%get3A_1958, %get3A_1959, %get3A_1960, %get3A_1961] {strides = array<i32>} : memref<2x5x32x128xf32, #tpu.memory_space<vmem>>, vector<1x1x1x16xf32>,
        %get3A_1963 = vector.shape_cast %get3A_1962 : vector<1x1x1x16xf32> to vector<16xf32>
        %add3A_1964 = arith.addf %add3A_1892, %get3A_1963 : vector<16xf32>
        %get3A_1965 = arith.constant 1 : i32
        %get3A_1966 = arith.constant 25 : i32
        %get3A_1967 = arith.index_cast %get3A_1965 : i32 to index
        %get3A_1968 = arith.index_cast %scan3A_163 : i32 to index
        %get3A_1969 = arith.index_cast %get3A_1966 : i32 to index
        %get3A_1970 = arith.constant 16 : index
        %get3A_1971 = tpu.vector_load %arg4[%get3A_1967, %get3A_1968, %get3A_1969, %get3A_1970] {strides = array<i32>} : memref<2x5x32x128xf32, #tpu.memory_space<vmem>>, vector<1x1x1x16xf32>,
        %get3A_1972 = vector.shape_cast %get3A_1971 : vector<1x1x1x16xf32> to vector<16xf32>
        %add3A_1973 = arith.addf %add3A_1901, %get3A_1972 : vector<16xf32>
        %get3A_1974 = arith.constant 1 : i32
        %get3A_1975 = arith.constant 25 : i32
        %get3A_1976 = arith.index_cast %get3A_1974 : i32 to index
        %get3A_1977 = arith.index_cast %scan3A_163 : i32 to index
        %get3A_1978 = arith.index_cast %get3A_1975 : i32 to index
        %get3A_1979 = arith.constant 32 : index
        %get3A_1980 = tpu.vector_load %arg4[%get3A_1976, %get3A_1977, %get3A_1978, %get3A_1979] {strides = array<i32>} : memref<2x5x32x128xf32, #tpu.memory_space<vmem>>, vector<1x1x1x16xf32>,
        %get3A_1981 = vector.shape_cast %get3A_1980 : vector<1x1x1x16xf32> to vector<16xf32>
        %add3A_1982 = arith.addf %add3A_1910, %get3A_1981 : vector<16xf32>
        %get3A_1983 = arith.constant 1 : i32
        %get3A_1984 = arith.constant 25 : i32
        %get3A_1985 = arith.index_cast %get3A_1983 : i32 to index
        %get3A_1986 = arith.index_cast %scan3A_163 : i32 to index
        %get3A_1987 = arith.index_cast %get3A_1984 : i32 to index
        %get3A_1988 = arith.constant 48 : index
        %get3A_1989 = tpu.vector_load %arg4[%get3A_1985, %get3A_1986, %get3A_1987, %get3A_1988] {strides = array<i32>} : memref<2x5x32x128xf32, #tpu.memory_space<vmem>>, vector<1x1x1x16xf32>,
        %get3A_1990 = vector.shape_cast %get3A_1989 : vector<1x1x1x16xf32> to vector<16xf32>
        %add3A_1991 = arith.addf %add3A_1919, %get3A_1990 : vector<16xf32>
        %get3A_1992 = arith.constant 1 : i32
        %get3A_1993 = arith.constant 25 : i32
        %get3A_1994 = arith.index_cast %get3A_1992 : i32 to index
        %get3A_1995 = arith.index_cast %scan3A_163 : i32 to index
        %get3A_1996 = arith.index_cast %get3A_1993 : i32 to index
        %get3A_1997 = arith.constant 64 : index
        %get3A_1998 = tpu.vector_load %arg4[%get3A_1994, %get3A_1995, %get3A_1996, %get3A_1997] {strides = array<i32>} : memref<2x5x32x128xf32, #tpu.memory_space<vmem>>, vector<1x1x1x16xf32>,
        %get3A_1999 = vector.shape_cast %get3A_1998 : vector<1x1x1x16xf32> to vector<16xf32>
        %add3A_2000 = arith.addf %add3A_1928, %get3A_1999 : vector<16xf32>
        %get3A_2001 = arith.constant 1 : i32
        %get3A_2002 = arith.constant 25 : i32
        %get3A_2003 = arith.index_cast %get3A_2001 : i32 to index
        %get3A_2004 = arith.index_cast %scan3A_163 : i32 to index
        %get3A_2005 = arith.index_cast %get3A_2002 : i32 to index
        %get3A_2006 = arith.constant 80 : index
        %get3A_2007 = tpu.vector_load %arg4[%get3A_2003, %get3A_2004, %get3A_2005, %get3A_2006] {strides = array<i32>} : memref<2x5x32x128xf32, #tpu.memory_space<vmem>>, vector<1x1x1x16xf32>,
        %get3A_2008 = vector.shape_cast %get3A_2007 : vector<1x1x1x16xf32> to vector<16xf32>
        %add3A_2009 = arith.addf %add3A_1937, %get3A_2008 : vector<16xf32>
        %get3A_2010 = arith.constant 1 : i32
        %get3A_2011 = arith.constant 25 : i32
        %get3A_2012 = arith.index_cast %get3A_2010 : i32 to index
        %get3A_2013 = arith.index_cast %scan3A_163 : i32 to index
        %get3A_2014 = arith.index_cast %get3A_2011 : i32 to index
        %get3A_2015 = arith.constant 96 : index
        %get3A_2016 = tpu.vector_load %arg4[%get3A_2012, %get3A_2013, %get3A_2014, %get3A_2015] {strides = array<i32>} : memref<2x5x32x128xf32, #tpu.memory_space<vmem>>, vector<1x1x1x16xf32>,
        %get3A_2017 = vector.shape_cast %get3A_2016 : vector<1x1x1x16xf32> to vector<16xf32>
        %add3A_2018 = arith.addf %add3A_1946, %get3A_2017 : vector<16xf32>
        %get3A_2019 = arith.constant 1 : i32
        %get3A_2020 = arith.constant 25 : i32
        %get3A_2021 = arith.index_cast %get3A_2019 : i32 to index
        %get3A_2022 = arith.index_cast %scan3A_163 : i32 to index
        %get3A_2023 = arith.index_cast %get3A_2020 : i32 to index
        %get3A_2024 = arith.constant 112 : index
        %get3A_2025 = tpu.vector_load %arg4[%get3A_2021, %get3A_2022, %get3A_2023, %get3A_2024] {strides = array<i32>} : memref<2x5x32x128xf32, #tpu.memory_space<vmem>>, vector<1x1x1x16xf32>,
        %get3A_2026 = vector.shape_cast %get3A_2025 : vector<1x1x1x16xf32> to vector<16xf32>
        %add3A_2027 = arith.addf %add3A_1955, %get3A_2026 : vector<16xf32>
        %get3A_2028 = arith.constant 1 : i32
        %get3A_2029 = arith.constant 26 : i32
        %get3A_2030 = arith.index_cast %get3A_2028 : i32 to index
        %get3A_2031 = arith.index_cast %scan3A_163 : i32 to index
        %get3A_2032 = arith.index_cast %get3A_2029 : i32 to index
        %get3A_2033 = arith.constant 0 : index
        %get3A_2034 = tpu.vector_load %arg4[%get3A_2030, %get3A_2031, %get3A_2032, %get3A_2033] {strides = array<i32>} : memref<2x5x32x128xf32, #tpu.memory_space<vmem>>, vector<1x1x1x16xf32>,
        %get3A_2035 = vector.shape_cast %get3A_2034 : vector<1x1x1x16xf32> to vector<16xf32>
        %add3A_2036 = arith.addf %add3A_1964, %get3A_2035 : vector<16xf32>
        %get3A_2037 = arith.constant 1 : i32
        %get3A_2038 = arith.constant 26 : i32
        %get3A_2039 = arith.index_cast %get3A_2037 : i32 to index
        %get3A_2040 = arith.index_cast %scan3A_163 : i32 to index
        %get3A_2041 = arith.index_cast %get3A_2038 : i32 to index
        %get3A_2042 = arith.constant 16 : index
        %get3A_2043 = tpu.vector_load %arg4[%get3A_2039, %get3A_2040, %get3A_2041, %get3A_2042] {strides = array<i32>} : memref<2x5x32x128xf32, #tpu.memory_space<vmem>>, vector<1x1x1x16xf32>,
        %get3A_2044 = vector.shape_cast %get3A_2043 : vector<1x1x1x16xf32> to vector<16xf32>
        %add3A_2045 = arith.addf %add3A_1973, %get3A_2044 : vector<16xf32>
        %get3A_2046 = arith.constant 1 : i32
        %get3A_2047 = arith.constant 26 : i32
        %get3A_2048 = arith.index_cast %get3A_2046 : i32 to index
        %get3A_2049 = arith.index_cast %scan3A_163 : i32 to index
        %get3A_2050 = arith.index_cast %get3A_2047 : i32 to index
        %get3A_2051 = arith.constant 32 : index
        %get3A_2052 = tpu.vector_load %arg4[%get3A_2048, %get3A_2049, %get3A_2050, %get3A_2051] {strides = array<i32>} : memref<2x5x32x128xf32, #tpu.memory_space<vmem>>, vector<1x1x1x16xf32>,
        %get3A_2053 = vector.shape_cast %get3A_2052 : vector<1x1x1x16xf32> to vector<16xf32>
        %add3A_2054 = arith.addf %add3A_1982, %get3A_2053 : vector<16xf32>
        %get3A_2055 = arith.constant 1 : i32
        %get3A_2056 = arith.constant 26 : i32
        %get3A_2057 = arith.index_cast %get3A_2055 : i32 to index
        %get3A_2058 = arith.index_cast %scan3A_163 : i32 to index
        %get3A_2059 = arith.index_cast %get3A_2056 : i32 to index
        %get3A_2060 = arith.constant 48 : index
        %get3A_2061 = tpu.vector_load %arg4[%get3A_2057, %get3A_2058, %get3A_2059, %get3A_2060] {strides = array<i32>} : memref<2x5x32x128xf32, #tpu.memory_space<vmem>>, vector<1x1x1x16xf32>,
        %get3A_2062 = vector.shape_cast %get3A_2061 : vector<1x1x1x16xf32> to vector<16xf32>
        %add3A_2063 = arith.addf %add3A_1991, %get3A_2062 : vector<16xf32>
        %get3A_2064 = arith.constant 1 : i32
        %get3A_2065 = arith.constant 26 : i32
        %get3A_2066 = arith.index_cast %get3A_2064 : i32 to index
        %get3A_2067 = arith.index_cast %scan3A_163 : i32 to index
        %get3A_2068 = arith.index_cast %get3A_2065 : i32 to index
        %get3A_2069 = arith.constant 64 : index
        %get3A_2070 = tpu.vector_load %arg4[%get3A_2066, %get3A_2067, %get3A_2068, %get3A_2069] {strides = array<i32>} : memref<2x5x32x128xf32, #tpu.memory_space<vmem>>, vector<1x1x1x16xf32>,
        %get3A_2071 = vector.shape_cast %get3A_2070 : vector<1x1x1x16xf32> to vector<16xf32>
        %add3A_2072 = arith.addf %add3A_2000, %get3A_2071 : vector<16xf32>
        %get3A_2073 = arith.constant 1 : i32
        %get3A_2074 = arith.constant 26 : i32
        %get3A_2075 = arith.index_cast %get3A_2073 : i32 to index
        %get3A_2076 = arith.index_cast %scan3A_163 : i32 to index
        %get3A_2077 = arith.index_cast %get3A_2074 : i32 to index
        %get3A_2078 = arith.constant 80 : index
        %get3A_2079 = tpu.vector_load %arg4[%get3A_2075, %get3A_2076, %get3A_2077, %get3A_2078] {strides = array<i32>} : memref<2x5x32x128xf32, #tpu.memory_space<vmem>>, vector<1x1x1x16xf32>,
        %get3A_2080 = vector.shape_cast %get3A_2079 : vector<1x1x1x16xf32> to vector<16xf32>
        %add3A_2081 = arith.addf %add3A_2009, %get3A_2080 : vector<16xf32>
        %get3A_2082 = arith.constant 1 : i32
        %get3A_2083 = arith.constant 26 : i32
        %get3A_2084 = arith.index_cast %get3A_2082 : i32 to index
        %get3A_2085 = arith.index_cast %scan3A_163 : i32 to index
        %get3A_2086 = arith.index_cast %get3A_2083 : i32 to index
        %get3A_2087 = arith.constant 96 : index
        %get3A_2088 = tpu.vector_load %arg4[%get3A_2084, %get3A_2085, %get3A_2086, %get3A_2087] {strides = array<i32>} : memref<2x5x32x128xf32, #tpu.memory_space<vmem>>, vector<1x1x1x16xf32>,
        %get3A_2089 = vector.shape_cast %get3A_2088 : vector<1x1x1x16xf32> to vector<16xf32>
        %add3A_2090 = arith.addf %add3A_2018, %get3A_2089 : vector<16xf32>
        %get3A_2091 = arith.constant 1 : i32
        %get3A_2092 = arith.constant 26 : i32
        %get3A_2093 = arith.index_cast %get3A_2091 : i32 to index
        %get3A_2094 = arith.index_cast %scan3A_163 : i32 to index
        %get3A_2095 = arith.index_cast %get3A_2092 : i32 to index
        %get3A_2096 = arith.constant 112 : index
        %get3A_2097 = tpu.vector_load %arg4[%get3A_2093, %get3A_2094, %get3A_2095, %get3A_2096] {strides = array<i32>} : memref<2x5x32x128xf32, #tpu.memory_space<vmem>>, vector<1x1x1x16xf32>,
        %get3A_2098 = vector.shape_cast %get3A_2097 : vector<1x1x1x16xf32> to vector<16xf32>
        %add3A_2099 = arith.addf %add3A_2027, %get3A_2098 : vector<16xf32>
        %get3A_2100 = arith.constant 1 : i32
        %get3A_2101 = arith.constant 27 : i32
        %get3A_2102 = arith.index_cast %get3A_2100 : i32 to index
        %get3A_2103 = arith.index_cast %scan3A_163 : i32 to index
        %get3A_2104 = arith.index_cast %get3A_2101 : i32 to index
        %get3A_2105 = arith.constant 0 : index
        %get3A_2106 = tpu.vector_load %arg4[%get3A_2102, %get3A_2103, %get3A_2104, %get3A_2105] {strides = array<i32>} : memref<2x5x32x128xf32, #tpu.memory_space<vmem>>, vector<1x1x1x16xf32>,
        %get3A_2107 = vector.shape_cast %get3A_2106 : vector<1x1x1x16xf32> to vector<16xf32>
        %add3A_2108 = arith.addf %add3A_2036, %get3A_2107 : vector<16xf32>
        %get3A_2109 = arith.constant 1 : i32
        %get3A_2110 = arith.constant 27 : i32
        %get3A_2111 = arith.index_cast %get3A_2109 : i32 to index
        %get3A_2112 = arith.index_cast %scan3A_163 : i32 to index
        %get3A_2113 = arith.index_cast %get3A_2110 : i32 to index
        %get3A_2114 = arith.constant 16 : index
        %get3A_2115 = tpu.vector_load %arg4[%get3A_2111, %get3A_2112, %get3A_2113, %get3A_2114] {strides = array<i32>} : memref<2x5x32x128xf32, #tpu.memory_space<vmem>>, vector<1x1x1x16xf32>,
        %get3A_2116 = vector.shape_cast %get3A_2115 : vector<1x1x1x16xf32> to vector<16xf32>
        %add3A_2117 = arith.addf %add3A_2045, %get3A_2116 : vector<16xf32>
        %get3A_2118 = arith.constant 1 : i32
        %get3A_2119 = arith.constant 27 : i32
        %get3A_2120 = arith.index_cast %get3A_2118 : i32 to index
        %get3A_2121 = arith.index_cast %scan3A_163 : i32 to index
        %get3A_2122 = arith.index_cast %get3A_2119 : i32 to index
        %get3A_2123 = arith.constant 32 : index
        %get3A_2124 = tpu.vector_load %arg4[%get3A_2120, %get3A_2121, %get3A_2122, %get3A_2123] {strides = array<i32>} : memref<2x5x32x128xf32, #tpu.memory_space<vmem>>, vector<1x1x1x16xf32>,
        %get3A_2125 = vector.shape_cast %get3A_2124 : vector<1x1x1x16xf32> to vector<16xf32>
        %add3A_2126 = arith.addf %add3A_2054, %get3A_2125 : vector<16xf32>
        %get3A_2127 = arith.constant 1 : i32
        %get3A_2128 = arith.constant 27 : i32
        %get3A_2129 = arith.index_cast %get3A_2127 : i32 to index
        %get3A_2130 = arith.index_cast %scan3A_163 : i32 to index
        %get3A_2131 = arith.index_cast %get3A_2128 : i32 to index
        %get3A_2132 = arith.constant 48 : index
        %get3A_2133 = tpu.vector_load %arg4[%get3A_2129, %get3A_2130, %get3A_2131, %get3A_2132] {strides = array<i32>} : memref<2x5x32x128xf32, #tpu.memory_space<vmem>>, vector<1x1x1x16xf32>,
        %get3A_2134 = vector.shape_cast %get3A_2133 : vector<1x1x1x16xf32> to vector<16xf32>
        %add3A_2135 = arith.addf %add3A_2063, %get3A_2134 : vector<16xf32>
        %get3A_2136 = arith.constant 1 : i32
        %get3A_2137 = arith.constant 27 : i32
        %get3A_2138 = arith.index_cast %get3A_2136 : i32 to index
        %get3A_2139 = arith.index_cast %scan3A_163 : i32 to index
        %get3A_2140 = arith.index_cast %get3A_2137 : i32 to index
        %get3A_2141 = arith.constant 64 : index
        %get3A_2142 = tpu.vector_load %arg4[%get3A_2138, %get3A_2139, %get3A_2140, %get3A_2141] {strides = array<i32>} : memref<2x5x32x128xf32, #tpu.memory_space<vmem>>, vector<1x1x1x16xf32>,
        %get3A_2143 = vector.shape_cast %get3A_2142 : vector<1x1x1x16xf32> to vector<16xf32>
        %add3A_2144 = arith.addf %add3A_2072, %get3A_2143 : vector<16xf32>
        %get3A_2145 = arith.constant 1 : i32
        %get3A_2146 = arith.constant 27 : i32
        %get3A_2147 = arith.index_cast %get3A_2145 : i32 to index
        %get3A_2148 = arith.index_cast %scan3A_163 : i32 to index
        %get3A_2149 = arith.index_cast %get3A_2146 : i32 to index
        %get3A_2150 = arith.constant 80 : index
        %get3A_2151 = tpu.vector_load %arg4[%get3A_2147, %get3A_2148, %get3A_2149, %get3A_2150] {strides = array<i32>} : memref<2x5x32x128xf32, #tpu.memory_space<vmem>>, vector<1x1x1x16xf32>,
        %get3A_2152 = vector.shape_cast %get3A_2151 : vector<1x1x1x16xf32> to vector<16xf32>
        %add3A_2153 = arith.addf %add3A_2081, %get3A_2152 : vector<16xf32>
        %get3A_2154 = arith.constant 1 : i32
        %get3A_2155 = arith.constant 27 : i32
        %get3A_2156 = arith.index_cast %get3A_2154 : i32 to index
        %get3A_2157 = arith.index_cast %scan3A_163 : i32 to index
        %get3A_2158 = arith.index_cast %get3A_2155 : i32 to index
        %get3A_2159 = arith.constant 96 : index
        %get3A_2160 = tpu.vector_load %arg4[%get3A_2156, %get3A_2157, %get3A_2158, %get3A_2159] {strides = array<i32>} : memref<2x5x32x128xf32, #tpu.memory_space<vmem>>, vector<1x1x1x16xf32>,
        %get3A_2161 = vector.shape_cast %get3A_2160 : vector<1x1x1x16xf32> to vector<16xf32>
        %add3A_2162 = arith.addf %add3A_2090, %get3A_2161 : vector<16xf32>
        %get3A_2163 = arith.constant 1 : i32
        %get3A_2164 = arith.constant 27 : i32
        %get3A_2165 = arith.index_cast %get3A_2163 : i32 to index
        %get3A_2166 = arith.index_cast %scan3A_163 : i32 to index
        %get3A_2167 = arith.index_cast %get3A_2164 : i32 to index
        %get3A_2168 = arith.constant 112 : index
        %get3A_2169 = tpu.vector_load %arg4[%get3A_2165, %get3A_2166, %get3A_2167, %get3A_2168] {strides = array<i32>} : memref<2x5x32x128xf32, #tpu.memory_space<vmem>>, vector<1x1x1x16xf32>,
        %get3A_2170 = vector.shape_cast %get3A_2169 : vector<1x1x1x16xf32> to vector<16xf32>
        %add3A_2171 = arith.addf %add3A_2099, %get3A_2170 : vector<16xf32>
        %get3A_2172 = arith.constant 1 : i32
        %get3A_2173 = arith.constant 28 : i32
        %get3A_2174 = arith.index_cast %get3A_2172 : i32 to index
        %get3A_2175 = arith.index_cast %scan3A_163 : i32 to index
        %get3A_2176 = arith.index_cast %get3A_2173 : i32 to index
        %get3A_2177 = arith.constant 0 : index
        %get3A_2178 = tpu.vector_load %arg4[%get3A_2174, %get3A_2175, %get3A_2176, %get3A_2177] {strides = array<i32>} : memref<2x5x32x128xf32, #tpu.memory_space<vmem>>, vector<1x1x1x16xf32>,
        %get3A_2179 = vector.shape_cast %get3A_2178 : vector<1x1x1x16xf32> to vector<16xf32>
        %add3A_2180 = arith.addf %add3A_2108, %get3A_2179 : vector<16xf32>
        %get3A_2181 = arith.constant 1 : i32
        %get3A_2182 = arith.constant 28 : i32
        %get3A_2183 = arith.index_cast %get3A_2181 : i32 to index
        %get3A_2184 = arith.index_cast %scan3A_163 : i32 to index
        %get3A_2185 = arith.index_cast %get3A_2182 : i32 to index
        %get3A_2186 = arith.constant 16 : index
        %get3A_2187 = tpu.vector_load %arg4[%get3A_2183, %get3A_2184, %get3A_2185, %get3A_2186] {strides = array<i32>} : memref<2x5x32x128xf32, #tpu.memory_space<vmem>>, vector<1x1x1x16xf32>,
        %get3A_2188 = vector.shape_cast %get3A_2187 : vector<1x1x1x16xf32> to vector<16xf32>
        %add3A_2189 = arith.addf %add3A_2117, %get3A_2188 : vector<16xf32>
        %get3A_2190 = arith.constant 1 : i32
        %get3A_2191 = arith.constant 28 : i32
        %get3A_2192 = arith.index_cast %get3A_2190 : i32 to index
        %get3A_2193 = arith.index_cast %scan3A_163 : i32 to index
        %get3A_2194 = arith.index_cast %get3A_2191 : i32 to index
        %get3A_2195 = arith.constant 32 : index
        %get3A_2196 = tpu.vector_load %arg4[%get3A_2192, %get3A_2193, %get3A_2194, %get3A_2195] {strides = array<i32>} : memref<2x5x32x128xf32, #tpu.memory_space<vmem>>, vector<1x1x1x16xf32>,
        %get3A_2197 = vector.shape_cast %get3A_2196 : vector<1x1x1x16xf32> to vector<16xf32>
        %add3A_2198 = arith.addf %add3A_2126, %get3A_2197 : vector<16xf32>
        %get3A_2199 = arith.constant 1 : i32
        %get3A_2200 = arith.constant 28 : i32
        %get3A_2201 = arith.index_cast %get3A_2199 : i32 to index
        %get3A_2202 = arith.index_cast %scan3A_163 : i32 to index
        %get3A_2203 = arith.index_cast %get3A_2200 : i32 to index
        %get3A_2204 = arith.constant 48 : index
        %get3A_2205 = tpu.vector_load %arg4[%get3A_2201, %get3A_2202, %get3A_2203, %get3A_2204] {strides = array<i32>} : memref<2x5x32x128xf32, #tpu.memory_space<vmem>>, vector<1x1x1x16xf32>,
        %get3A_2206 = vector.shape_cast %get3A_2205 : vector<1x1x1x16xf32> to vector<16xf32>
        %add3A_2207 = arith.addf %add3A_2135, %get3A_2206 : vector<16xf32>
        %get3A_2208 = arith.constant 1 : i32
        %get3A_2209 = arith.constant 28 : i32
        %get3A_2210 = arith.index_cast %get3A_2208 : i32 to index
        %get3A_2211 = arith.index_cast %scan3A_163 : i32 to index
        %get3A_2212 = arith.index_cast %get3A_2209 : i32 to index
        %get3A_2213 = arith.constant 64 : index
        %get3A_2214 = tpu.vector_load %arg4[%get3A_2210, %get3A_2211, %get3A_2212, %get3A_2213] {strides = array<i32>} : memref<2x5x32x128xf32, #tpu.memory_space<vmem>>, vector<1x1x1x16xf32>,
        %get3A_2215 = vector.shape_cast %get3A_2214 : vector<1x1x1x16xf32> to vector<16xf32>
        %add3A_2216 = arith.addf %add3A_2144, %get3A_2215 : vector<16xf32>
        %get3A_2217 = arith.constant 1 : i32
        %get3A_2218 = arith.constant 28 : i32
        %get3A_2219 = arith.index_cast %get3A_2217 : i32 to index
        %get3A_2220 = arith.index_cast %scan3A_163 : i32 to index
        %get3A_2221 = arith.index_cast %get3A_2218 : i32 to index
        %get3A_2222 = arith.constant 80 : index
        %get3A_2223 = tpu.vector_load %arg4[%get3A_2219, %get3A_2220, %get3A_2221, %get3A_2222] {strides = array<i32>} : memref<2x5x32x128xf32, #tpu.memory_space<vmem>>, vector<1x1x1x16xf32>,
        %get3A_2224 = vector.shape_cast %get3A_2223 : vector<1x1x1x16xf32> to vector<16xf32>
        %add3A_2225 = arith.addf %add3A_2153, %get3A_2224 : vector<16xf32>
        %get3A_2226 = arith.constant 1 : i32
        %get3A_2227 = arith.constant 28 : i32
        %get3A_2228 = arith.index_cast %get3A_2226 : i32 to index
        %get3A_2229 = arith.index_cast %scan3A_163 : i32 to index
        %get3A_2230 = arith.index_cast %get3A_2227 : i32 to index
        %get3A_2231 = arith.constant 96 : index
        %get3A_2232 = tpu.vector_load %arg4[%get3A_2228, %get3A_2229, %get3A_2230, %get3A_2231] {strides = array<i32>} : memref<2x5x32x128xf32, #tpu.memory_space<vmem>>, vector<1x1x1x16xf32>,
        %get3A_2233 = vector.shape_cast %get3A_2232 : vector<1x1x1x16xf32> to vector<16xf32>
        %add3A_2234 = arith.addf %add3A_2162, %get3A_2233 : vector<16xf32>
        %get3A_2235 = arith.constant 1 : i32
        %get3A_2236 = arith.constant 28 : i32
        %get3A_2237 = arith.index_cast %get3A_2235 : i32 to index
        %get3A_2238 = arith.index_cast %scan3A_163 : i32 to index
        %get3A_2239 = arith.index_cast %get3A_2236 : i32 to index
        %get3A_2240 = arith.constant 112 : index
        %get3A_2241 = tpu.vector_load %arg4[%get3A_2237, %get3A_2238, %get3A_2239, %get3A_2240] {strides = array<i32>} : memref<2x5x32x128xf32, #tpu.memory_space<vmem>>, vector<1x1x1x16xf32>,
        %get3A_2242 = vector.shape_cast %get3A_2241 : vector<1x1x1x16xf32> to vector<16xf32>
        %add3A_2243 = arith.addf %add3A_2171, %get3A_2242 : vector<16xf32>
        %get3A_2244 = arith.constant 1 : i32
        %get3A_2245 = arith.constant 29 : i32
        %get3A_2246 = arith.index_cast %get3A_2244 : i32 to index
        %get3A_2247 = arith.index_cast %scan3A_163 : i32 to index
        %get3A_2248 = arith.index_cast %get3A_2245 : i32 to index
        %get3A_2249 = arith.constant 0 : index
        %get3A_2250 = tpu.vector_load %arg4[%get3A_2246, %get3A_2247, %get3A_2248, %get3A_2249] {strides = array<i32>} : memref<2x5x32x128xf32, #tpu.memory_space<vmem>>, vector<1x1x1x16xf32>,
        %get3A_2251 = vector.shape_cast %get3A_2250 : vector<1x1x1x16xf32> to vector<16xf32>
        %add3A_2252 = arith.addf %add3A_2180, %get3A_2251 : vector<16xf32>
        %get3A_2253 = arith.constant 1 : i32
        %get3A_2254 = arith.constant 29 : i32
        %get3A_2255 = arith.index_cast %get3A_2253 : i32 to index
        %get3A_2256 = arith.index_cast %scan3A_163 : i32 to index
        %get3A_2257 = arith.index_cast %get3A_2254 : i32 to index
        %get3A_2258 = arith.constant 16 : index
        %get3A_2259 = tpu.vector_load %arg4[%get3A_2255, %get3A_2256, %get3A_2257, %get3A_2258] {strides = array<i32>} : memref<2x5x32x128xf32, #tpu.memory_space<vmem>>, vector<1x1x1x16xf32>,
        %get3A_2260 = vector.shape_cast %get3A_2259 : vector<1x1x1x16xf32> to vector<16xf32>
        %add3A_2261 = arith.addf %add3A_2189, %get3A_2260 : vector<16xf32>
        %get3A_2262 = arith.constant 1 : i32
        %get3A_2263 = arith.constant 29 : i32
        %get3A_2264 = arith.index_cast %get3A_2262 : i32 to index
        %get3A_2265 = arith.index_cast %scan3A_163 : i32 to index
        %get3A_2266 = arith.index_cast %get3A_2263 : i32 to index
        %get3A_2267 = arith.constant 32 : index
        %get3A_2268 = tpu.vector_load %arg4[%get3A_2264, %get3A_2265, %get3A_2266, %get3A_2267] {strides = array<i32>} : memref<2x5x32x128xf32, #tpu.memory_space<vmem>>, vector<1x1x1x16xf32>,
        %get3A_2269 = vector.shape_cast %get3A_2268 : vector<1x1x1x16xf32> to vector<16xf32>
        %add3A_2270 = arith.addf %add3A_2198, %get3A_2269 : vector<16xf32>
        %get3A_2271 = arith.constant 1 : i32
        %get3A_2272 = arith.constant 29 : i32
        %get3A_2273 = arith.index_cast %get3A_2271 : i32 to index
        %get3A_2274 = arith.index_cast %scan3A_163 : i32 to index
        %get3A_2275 = arith.index_cast %get3A_2272 : i32 to index
        %get3A_2276 = arith.constant 48 : index
        %get3A_2277 = tpu.vector_load %arg4[%get3A_2273, %get3A_2274, %get3A_2275, %get3A_2276] {strides = array<i32>} : memref<2x5x32x128xf32, #tpu.memory_space<vmem>>, vector<1x1x1x16xf32>,
        %get3A_2278 = vector.shape_cast %get3A_2277 : vector<1x1x1x16xf32> to vector<16xf32>
        %add3A_2279 = arith.addf %add3A_2207, %get3A_2278 : vector<16xf32>
        %get3A_2280 = arith.constant 1 : i32
        %get3A_2281 = arith.constant 29 : i32
        %get3A_2282 = arith.index_cast %get3A_2280 : i32 to index
        %get3A_2283 = arith.index_cast %scan3A_163 : i32 to index
        %get3A_2284 = arith.index_cast %get3A_2281 : i32 to index
        %get3A_2285 = arith.constant 64 : index
        %get3A_2286 = tpu.vector_load %arg4[%get3A_2282, %get3A_2283, %get3A_2284, %get3A_2285] {strides = array<i32>} : memref<2x5x32x128xf32, #tpu.memory_space<vmem>>, vector<1x1x1x16xf32>,
        %get3A_2287 = vector.shape_cast %get3A_2286 : vector<1x1x1x16xf32> to vector<16xf32>
        %add3A_2288 = arith.addf %add3A_2216, %get3A_2287 : vector<16xf32>
        %get3A_2289 = arith.constant 1 : i32
        %get3A_2290 = arith.constant 29 : i32
        %get3A_2291 = arith.index_cast %get3A_2289 : i32 to index
        %get3A_2292 = arith.index_cast %scan3A_163 : i32 to index
        %get3A_2293 = arith.index_cast %get3A_2290 : i32 to index
        %get3A_2294 = arith.constant 80 : index
        %get3A_2295 = tpu.vector_load %arg4[%get3A_2291, %get3A_2292, %get3A_2293, %get3A_2294] {strides = array<i32>} : memref<2x5x32x128xf32, #tpu.memory_space<vmem>>, vector<1x1x1x16xf32>,
        %get3A_2296 = vector.shape_cast %get3A_2295 : vector<1x1x1x16xf32> to vector<16xf32>
        %add3A_2297 = arith.addf %add3A_2225, %get3A_2296 : vector<16xf32>
        %get3A_2298 = arith.constant 1 : i32
        %get3A_2299 = arith.constant 29 : i32
        %get3A_2300 = arith.index_cast %get3A_2298 : i32 to index
        %get3A_2301 = arith.index_cast %scan3A_163 : i32 to index
        %get3A_2302 = arith.index_cast %get3A_2299 : i32 to index
        %get3A_2303 = arith.constant 96 : index
        %get3A_2304 = tpu.vector_load %arg4[%get3A_2300, %get3A_2301, %get3A_2302, %get3A_2303] {strides = array<i32>} : memref<2x5x32x128xf32, #tpu.memory_space<vmem>>, vector<1x1x1x16xf32>,
        %get3A_2305 = vector.shape_cast %get3A_2304 : vector<1x1x1x16xf32> to vector<16xf32>
        %add3A_2306 = arith.addf %add3A_2234, %get3A_2305 : vector<16xf32>
        %get3A_2307 = arith.constant 1 : i32
        %get3A_2308 = arith.constant 29 : i32
        %get3A_2309 = arith.index_cast %get3A_2307 : i32 to index
        %get3A_2310 = arith.index_cast %scan3A_163 : i32 to index
        %get3A_2311 = arith.index_cast %get3A_2308 : i32 to index
        %get3A_2312 = arith.constant 112 : index
        %get3A_2313 = tpu.vector_load %arg4[%get3A_2309, %get3A_2310, %get3A_2311, %get3A_2312] {strides = array<i32>} : memref<2x5x32x128xf32, #tpu.memory_space<vmem>>, vector<1x1x1x16xf32>,
        %get3A_2314 = vector.shape_cast %get3A_2313 : vector<1x1x1x16xf32> to vector<16xf32>
        %add3A_2315 = arith.addf %add3A_2243, %get3A_2314 : vector<16xf32>
        %get3A_2316 = arith.constant 1 : i32
        %get3A_2317 = arith.constant 30 : i32
        %get3A_2318 = arith.index_cast %get3A_2316 : i32 to index
        %get3A_2319 = arith.index_cast %scan3A_163 : i32 to index
        %get3A_2320 = arith.index_cast %get3A_2317 : i32 to index
        %get3A_2321 = arith.constant 0 : index
        %get3A_2322 = tpu.vector_load %arg4[%get3A_2318, %get3A_2319, %get3A_2320, %get3A_2321] {strides = array<i32>} : memref<2x5x32x128xf32, #tpu.memory_space<vmem>>, vector<1x1x1x16xf32>,
        %get3A_2323 = vector.shape_cast %get3A_2322 : vector<1x1x1x16xf32> to vector<16xf32>
        %add3A_2324 = arith.addf %add3A_2252, %get3A_2323 : vector<16xf32>
        %get3A_2325 = arith.constant 1 : i32
        %get3A_2326 = arith.constant 30 : i32
        %get3A_2327 = arith.index_cast %get3A_2325 : i32 to index
        %get3A_2328 = arith.index_cast %scan3A_163 : i32 to index
        %get3A_2329 = arith.index_cast %get3A_2326 : i32 to index
        %get3A_2330 = arith.constant 16 : index
        %get3A_2331 = tpu.vector_load %arg4[%get3A_2327, %get3A_2328, %get3A_2329, %get3A_2330] {strides = array<i32>} : memref<2x5x32x128xf32, #tpu.memory_space<vmem>>, vector<1x1x1x16xf32>,
        %get3A_2332 = vector.shape_cast %get3A_2331 : vector<1x1x1x16xf32> to vector<16xf32>
        %add3A_2333 = arith.addf %add3A_2261, %get3A_2332 : vector<16xf32>
        %get3A_2334 = arith.constant 1 : i32
        %get3A_2335 = arith.constant 30 : i32
        %get3A_2336 = arith.index_cast %get3A_2334 : i32 to index
        %get3A_2337 = arith.index_cast %scan3A_163 : i32 to index
        %get3A_2338 = arith.index_cast %get3A_2335 : i32 to index
        %get3A_2339 = arith.constant 32 : index
        %get3A_2340 = tpu.vector_load %arg4[%get3A_2336, %get3A_2337, %get3A_2338, %get3A_2339] {strides = array<i32>} : memref<2x5x32x128xf32, #tpu.memory_space<vmem>>, vector<1x1x1x16xf32>,
        %get3A_2341 = vector.shape_cast %get3A_2340 : vector<1x1x1x16xf32> to vector<16xf32>
        %add3A_2342 = arith.addf %add3A_2270, %get3A_2341 : vector<16xf32>
        %get3A_2343 = arith.constant 1 : i32
        %get3A_2344 = arith.constant 30 : i32
        %get3A_2345 = arith.index_cast %get3A_2343 : i32 to index
        %get3A_2346 = arith.index_cast %scan3A_163 : i32 to index
        %get3A_2347 = arith.index_cast %get3A_2344 : i32 to index
        %get3A_2348 = arith.constant 48 : index
        %get3A_2349 = tpu.vector_load %arg4[%get3A_2345, %get3A_2346, %get3A_2347, %get3A_2348] {strides = array<i32>} : memref<2x5x32x128xf32, #tpu.memory_space<vmem>>, vector<1x1x1x16xf32>,
        %get3A_2350 = vector.shape_cast %get3A_2349 : vector<1x1x1x16xf32> to vector<16xf32>
        %add3A_2351 = arith.addf %add3A_2279, %get3A_2350 : vector<16xf32>
        %get3A_2352 = arith.constant 1 : i32
        %get3A_2353 = arith.constant 30 : i32
        %get3A_2354 = arith.index_cast %get3A_2352 : i32 to index
        %get3A_2355 = arith.index_cast %scan3A_163 : i32 to index
        %get3A_2356 = arith.index_cast %get3A_2353 : i32 to index
        %get3A_2357 = arith.constant 64 : index
        %get3A_2358 = tpu.vector_load %arg4[%get3A_2354, %get3A_2355, %get3A_2356, %get3A_2357] {strides = array<i32>} : memref<2x5x32x128xf32, #tpu.memory_space<vmem>>, vector<1x1x1x16xf32>,
        %get3A_2359 = vector.shape_cast %get3A_2358 : vector<1x1x1x16xf32> to vector<16xf32>
        %add3A_2360 = arith.addf %add3A_2288, %get3A_2359 : vector<16xf32>
        %get3A_2361 = arith.constant 1 : i32
        %get3A_2362 = arith.constant 30 : i32
        %get3A_2363 = arith.index_cast %get3A_2361 : i32 to index
        %get3A_2364 = arith.index_cast %scan3A_163 : i32 to index
        %get3A_2365 = arith.index_cast %get3A_2362 : i32 to index
        %get3A_2366 = arith.constant 80 : index
        %get3A_2367 = tpu.vector_load %arg4[%get3A_2363, %get3A_2364, %get3A_2365, %get3A_2366] {strides = array<i32>} : memref<2x5x32x128xf32, #tpu.memory_space<vmem>>, vector<1x1x1x16xf32>,
        %get3A_2368 = vector.shape_cast %get3A_2367 : vector<1x1x1x16xf32> to vector<16xf32>
        %add3A_2369 = arith.addf %add3A_2297, %get3A_2368 : vector<16xf32>
        %get3A_2370 = arith.constant 1 : i32
        %get3A_2371 = arith.constant 30 : i32
        %get3A_2372 = arith.index_cast %get3A_2370 : i32 to index
        %get3A_2373 = arith.index_cast %scan3A_163 : i32 to index
        %get3A_2374 = arith.index_cast %get3A_2371 : i32 to index
        %get3A_2375 = arith.constant 96 : index
        %get3A_2376 = tpu.vector_load %arg4[%get3A_2372, %get3A_2373, %get3A_2374, %get3A_2375] {strides = array<i32>} : memref<2x5x32x128xf32, #tpu.memory_space<vmem>>, vector<1x1x1x16xf32>,
        %get3A_2377 = vector.shape_cast %get3A_2376 : vector<1x1x1x16xf32> to vector<16xf32>
        %add3A_2378 = arith.addf %add3A_2306, %get3A_2377 : vector<16xf32>
        %get3A_2379 = arith.constant 1 : i32
        %get3A_2380 = arith.constant 30 : i32
        %get3A_2381 = arith.index_cast %get3A_2379 : i32 to index
        %get3A_2382 = arith.index_cast %scan3A_163 : i32 to index
        %get3A_2383 = arith.index_cast %get3A_2380 : i32 to index
        %get3A_2384 = arith.constant 112 : index
        %get3A_2385 = tpu.vector_load %arg4[%get3A_2381, %get3A_2382, %get3A_2383, %get3A_2384] {strides = array<i32>} : memref<2x5x32x128xf32, #tpu.memory_space<vmem>>, vector<1x1x1x16xf32>,
        %get3A_2386 = vector.shape_cast %get3A_2385 : vector<1x1x1x16xf32> to vector<16xf32>
        %add3A_2387 = arith.addf %add3A_2315, %get3A_2386 : vector<16xf32>
        %get3A_2388 = arith.constant 1 : i32
        %get3A_2389 = arith.constant 31 : i32
        %get3A_2390 = arith.index_cast %get3A_2388 : i32 to index
        %get3A_2391 = arith.index_cast %scan3A_163 : i32 to index
        %get3A_2392 = arith.index_cast %get3A_2389 : i32 to index
        %get3A_2393 = arith.constant 0 : index
        %get3A_2394 = tpu.vector_load %arg4[%get3A_2390, %get3A_2391, %get3A_2392, %get3A_2393] {strides = array<i32>} : memref<2x5x32x128xf32, #tpu.memory_space<vmem>>, vector<1x1x1x16xf32>,
        %get3A_2395 = vector.shape_cast %get3A_2394 : vector<1x1x1x16xf32> to vector<16xf32>
        %add3A_2396 = arith.addf %add3A_2324, %get3A_2395 : vector<16xf32>
        %get3A_2397 = arith.constant 1 : i32
        %get3A_2398 = arith.constant 31 : i32
        %get3A_2399 = arith.index_cast %get3A_2397 : i32 to index
        %get3A_2400 = arith.index_cast %scan3A_163 : i32 to index
        %get3A_2401 = arith.index_cast %get3A_2398 : i32 to index
        %get3A_2402 = arith.constant 16 : index
        %get3A_2403 = tpu.vector_load %arg4[%get3A_2399, %get3A_2400, %get3A_2401, %get3A_2402] {strides = array<i32>} : memref<2x5x32x128xf32, #tpu.memory_space<vmem>>, vector<1x1x1x16xf32>,
        %get3A_2404 = vector.shape_cast %get3A_2403 : vector<1x1x1x16xf32> to vector<16xf32>
        %add3A_2405 = arith.addf %add3A_2333, %get3A_2404 : vector<16xf32>
        %get3A_2406 = arith.constant 1 : i32
        %get3A_2407 = arith.constant 31 : i32
        %get3A_2408 = arith.index_cast %get3A_2406 : i32 to index
        %get3A_2409 = arith.index_cast %scan3A_163 : i32 to index
        %get3A_2410 = arith.index_cast %get3A_2407 : i32 to index
        %get3A_2411 = arith.constant 32 : index
        %get3A_2412 = tpu.vector_load %arg4[%get3A_2408, %get3A_2409, %get3A_2410, %get3A_2411] {strides = array<i32>} : memref<2x5x32x128xf32, #tpu.memory_space<vmem>>, vector<1x1x1x16xf32>,
        %get3A_2413 = vector.shape_cast %get3A_2412 : vector<1x1x1x16xf32> to vector<16xf32>
        %add3A_2414 = arith.addf %add3A_2342, %get3A_2413 : vector<16xf32>
        %get3A_2415 = arith.constant 1 : i32
        %get3A_2416 = arith.constant 31 : i32
        %get3A_2417 = arith.index_cast %get3A_2415 : i32 to index
        %get3A_2418 = arith.index_cast %scan3A_163 : i32 to index
        %get3A_2419 = arith.index_cast %get3A_2416 : i32 to index
        %get3A_2420 = arith.constant 48 : index
        %get3A_2421 = tpu.vector_load %arg4[%get3A_2417, %get3A_2418, %get3A_2419, %get3A_2420] {strides = array<i32>} : memref<2x5x32x128xf32, #tpu.memory_space<vmem>>, vector<1x1x1x16xf32>,
        %get3A_2422 = vector.shape_cast %get3A_2421 : vector<1x1x1x16xf32> to vector<16xf32>
        %add3A_2423 = arith.addf %add3A_2351, %get3A_2422 : vector<16xf32>
        %get3A_2424 = arith.constant 1 : i32
        %get3A_2425 = arith.constant 31 : i32
        %get3A_2426 = arith.index_cast %get3A_2424 : i32 to index
        %get3A_2427 = arith.index_cast %scan3A_163 : i32 to index
        %get3A_2428 = arith.index_cast %get3A_2425 : i32 to index
        %get3A_2429 = arith.constant 64 : index
        %get3A_2430 = tpu.vector_load %arg4[%get3A_2426, %get3A_2427, %get3A_2428, %get3A_2429] {strides = array<i32>} : memref<2x5x32x128xf32, #tpu.memory_space<vmem>>, vector<1x1x1x16xf32>,
        %get3A_2431 = vector.shape_cast %get3A_2430 : vector<1x1x1x16xf32> to vector<16xf32>
        %add3A_2432 = arith.addf %add3A_2360, %get3A_2431 : vector<16xf32>
        %get3A_2433 = arith.constant 1 : i32
        %get3A_2434 = arith.constant 31 : i32
        %get3A_2435 = arith.index_cast %get3A_2433 : i32 to index
        %get3A_2436 = arith.index_cast %scan3A_163 : i32 to index
        %get3A_2437 = arith.index_cast %get3A_2434 : i32 to index
        %get3A_2438 = arith.constant 80 : index
        %get3A_2439 = tpu.vector_load %arg4[%get3A_2435, %get3A_2436, %get3A_2437, %get3A_2438] {strides = array<i32>} : memref<2x5x32x128xf32, #tpu.memory_space<vmem>>, vector<1x1x1x16xf32>,
        %get3A_2440 = vector.shape_cast %get3A_2439 : vector<1x1x1x16xf32> to vector<16xf32>
        %add3A_2441 = arith.addf %add3A_2369, %get3A_2440 : vector<16xf32>
        %get3A_2442 = arith.constant 1 : i32
        %get3A_2443 = arith.constant 31 : i32
        %get3A_2444 = arith.index_cast %get3A_2442 : i32 to index
        %get3A_2445 = arith.index_cast %scan3A_163 : i32 to index
        %get3A_2446 = arith.index_cast %get3A_2443 : i32 to index
        %get3A_2447 = arith.constant 96 : index
        %get3A_2448 = tpu.vector_load %arg4[%get3A_2444, %get3A_2445, %get3A_2446, %get3A_2447] {strides = array<i32>} : memref<2x5x32x128xf32, #tpu.memory_space<vmem>>, vector<1x1x1x16xf32>,
        %get3A_2449 = vector.shape_cast %get3A_2448 : vector<1x1x1x16xf32> to vector<16xf32>
        %add3A_2450 = arith.addf %add3A_2378, %get3A_2449 : vector<16xf32>
        %get3A_2451 = arith.constant 1 : i32
        %get3A_2452 = arith.constant 31 : i32
        %get3A_2453 = arith.index_cast %get3A_2451 : i32 to index
        %get3A_2454 = arith.index_cast %scan3A_163 : i32 to index
        %get3A_2455 = arith.index_cast %get3A_2452 : i32 to index
        %get3A_2456 = arith.constant 112 : index
        %get3A_2457 = tpu.vector_load %arg4[%get3A_2453, %get3A_2454, %get3A_2455, %get3A_2456] {strides = array<i32>} : memref<2x5x32x128xf32, #tpu.memory_space<vmem>>, vector<1x1x1x16xf32>,
        %get3A_2458 = vector.shape_cast %get3A_2457 : vector<1x1x1x16xf32> to vector<16xf32>
        %add3A_2459 = arith.addf %add3A_2387, %get3A_2458 : vector<16xf32>
        %mul3A_2460 = arith.constant 128 : i32
        %mul3A_2461 = arith.muli %scan3A_163, %mul3A_2460 : i32
        %add3A_2462 = arith.constant 0 : i32
        %add3A_2463 = arith.addi %mul3A_2461, %add3A_2462 : i32
        %swap3A = arith.constant 1 : i32
        %swap3A_2464 = arith.index_cast %swap3A : i32 to index
        %swap3A_2465 = arith.index_cast %add3A_2463 : i32 to index
        %swap3A_2466 = tpu.vector_load %arg5[%swap3A_2464, %swap3A_2465] {strides = array<i32>} : memref<2x640xf32, #tpu.memory_space<vmem>>, vector<1x16xf32>,
        %swap3A_2467 = vector.shape_cast %swap3A_2466 : vector<1x16xf32> to vector<16xf32>
        %swap3A_2468 = vector.shape_cast %add3A_2396 : vector<16xf32> to vector<1x16xf32>
        tpu.vector_store %arg5[%swap3A_2464, %swap3A_2465], %swap3A_2468 {strides = array<i32>} : memref<2x640xf32, #tpu.memory_space<vmem>>, vector<1x16xf32>,
        %mul3A_2469 = arith.constant 128 : i32
        %mul3A_2470 = arith.muli %scan3A_163, %mul3A_2469 : i32
        %add3A_2471 = arith.constant 16 : i32
        %add3A_2472 = arith.addi %mul3A_2470, %add3A_2471 : i32
        %swap3A_2473 = arith.constant 1 : i32
        %swap3A_2474 = arith.index_cast %swap3A_2473 : i32 to index
        %swap3A_2475 = arith.index_cast %add3A_2472 : i32 to index
        %swap3A_2476 = tpu.vector_load %arg5[%swap3A_2474, %swap3A_2475] {strides = array<i32>} : memref<2x640xf32, #tpu.memory_space<vmem>>, vector<1x16xf32>,
        %swap3A_2477 = vector.shape_cast %swap3A_2476 : vector<1x16xf32> to vector<16xf32>
        %swap3A_2478 = vector.shape_cast %add3A_2405 : vector<16xf32> to vector<1x16xf32>
        tpu.vector_store %arg5[%swap3A_2474, %swap3A_2475], %swap3A_2478 {strides = array<i32>} : memref<2x640xf32, #tpu.memory_space<vmem>>, vector<1x16xf32>,
        %mul3A_2479 = arith.constant 128 : i32
        %mul3A_2480 = arith.muli %scan3A_163, %mul3A_2479 : i32
        %add3A_2481 = arith.constant 32 : i32
        %add3A_2482 = arith.addi %mul3A_2480, %add3A_2481 : i32
        %swap3A_2483 = arith.constant 1 : i32
        %swap3A_2484 = arith.index_cast %swap3A_2483 : i32 to index
        %swap3A_2485 = arith.index_cast %add3A_2482 : i32 to index
        %swap3A_2486 = tpu.vector_load %arg5[%swap3A_2484, %swap3A_2485] {strides = array<i32>} : memref<2x640xf32, #tpu.memory_space<vmem>>, vector<1x16xf32>,
        %swap3A_2487 = vector.shape_cast %swap3A_2486 : vector<1x16xf32> to vector<16xf32>
        %swap3A_2488 = vector.shape_cast %add3A_2414 : vector<16xf32> to vector<1x16xf32>
        tpu.vector_store %arg5[%swap3A_2484, %swap3A_2485], %swap3A_2488 {strides = array<i32>} : memref<2x640xf32, #tpu.memory_space<vmem>>, vector<1x16xf32>,
        %mul3A_2489 = arith.constant 128 : i32
        %mul3A_2490 = arith.muli %scan3A_163, %mul3A_2489 : i32
        %add3A_2491 = arith.constant 48 : i32
        %add3A_2492 = arith.addi %mul3A_2490, %add3A_2491 : i32
        %swap3A_2493 = arith.constant 1 : i32
        %swap3A_2494 = arith.index_cast %swap3A_2493 : i32 to index
        %swap3A_2495 = arith.index_cast %add3A_2492 : i32 to index
        %swap3A_2496 = tpu.vector_load %arg5[%swap3A_2494, %swap3A_2495] {strides = array<i32>} : memref<2x640xf32, #tpu.memory_space<vmem>>, vector<1x16xf32>,
        %swap3A_2497 = vector.shape_cast %swap3A_2496 : vector<1x16xf32> to vector<16xf32>
        %swap3A_2498 = vector.shape_cast %add3A_2423 : vector<16xf32> to vector<1x16xf32>
        tpu.vector_store %arg5[%swap3A_2494, %swap3A_2495], %swap3A_2498 {strides = array<i32>} : memref<2x640xf32, #tpu.memory_space<vmem>>, vector<1x16xf32>,
        %mul3A_2499 = arith.constant 128 : i32
        %mul3A_2500 = arith.muli %scan3A_163, %mul3A_2499 : i32
        %add3A_2501 = arith.constant 64 : i32
        %add3A_2502 = arith.addi %mul3A_2500, %add3A_2501 : i32
        %swap3A_2503 = arith.constant 1 : i32
        %swap3A_2504 = arith.index_cast %swap3A_2503 : i32 to index
        %swap3A_2505 = arith.index_cast %add3A_2502 : i32 to index
        %swap3A_2506 = tpu.vector_load %arg5[%swap3A_2504, %swap3A_2505] {strides = array<i32>} : memref<2x640xf32, #tpu.memory_space<vmem>>, vector<1x16xf32>,
        %swap3A_2507 = vector.shape_cast %swap3A_2506 : vector<1x16xf32> to vector<16xf32>
        %swap3A_2508 = vector.shape_cast %add3A_2432 : vector<16xf32> to vector<1x16xf32>
        tpu.vector_store %arg5[%swap3A_2504, %swap3A_2505], %swap3A_2508 {strides = array<i32>} : memref<2x640xf32, #tpu.memory_space<vmem>>, vector<1x16xf32>,
        %mul3A_2509 = arith.constant 128 : i32
        %mul3A_2510 = arith.muli %scan3A_163, %mul3A_2509 : i32
        %add3A_2511 = arith.constant 80 : i32
        %add3A_2512 = arith.addi %mul3A_2510, %add3A_2511 : i32
        %swap3A_2513 = arith.constant 1 : i32
        %swap3A_2514 = arith.index_cast %swap3A_2513 : i32 to index
        %swap3A_2515 = arith.index_cast %add3A_2512 : i32 to index
        %swap3A_2516 = tpu.vector_load %arg5[%swap3A_2514, %swap3A_2515] {strides = array<i32>} : memref<2x640xf32, #tpu.memory_space<vmem>>, vector<1x16xf32>,
        %swap3A_2517 = vector.shape_cast %swap3A_2516 : vector<1x16xf32> to vector<16xf32>
        %swap3A_2518 = vector.shape_cast %add3A_2441 : vector<16xf32> to vector<1x16xf32>
        tpu.vector_store %arg5[%swap3A_2514, %swap3A_2515], %swap3A_2518 {strides = array<i32>} : memref<2x640xf32, #tpu.memory_space<vmem>>, vector<1x16xf32>,
        %mul3A_2519 = arith.constant 128 : i32
        %mul3A_2520 = arith.muli %scan3A_163, %mul3A_2519 : i32
        %add3A_2521 = arith.constant 96 : i32
        %add3A_2522 = arith.addi %mul3A_2520, %add3A_2521 : i32
        %swap3A_2523 = arith.constant 1 : i32
        %swap3A_2524 = arith.index_cast %swap3A_2523 : i32 to index
        %swap3A_2525 = arith.index_cast %add3A_2522 : i32 to index
        %swap3A_2526 = tpu.vector_load %arg5[%swap3A_2524, %swap3A_2525] {strides = array<i32>} : memref<2x640xf32, #tpu.memory_space<vmem>>, vector<1x16xf32>,
        %swap3A_2527 = vector.shape_cast %swap3A_2526 : vector<1x16xf32> to vector<16xf32>
        %swap3A_2528 = vector.shape_cast %add3A_2450 : vector<16xf32> to vector<1x16xf32>
        tpu.vector_store %arg5[%swap3A_2524, %swap3A_2525], %swap3A_2528 {strides = array<i32>} : memref<2x640xf32, #tpu.memory_space<vmem>>, vector<1x16xf32>,
        %mul3A_2529 = arith.constant 128 : i32
        %mul3A_2530 = arith.muli %scan3A_163, %mul3A_2529 : i32
        %add3A_2531 = arith.constant 112 : i32
        %add3A_2532 = arith.addi %mul3A_2530, %add3A_2531 : i32
        %swap3A_2533 = arith.constant 1 : i32
        %swap3A_2534 = arith.index_cast %swap3A_2533 : i32 to index
        %swap3A_2535 = arith.index_cast %add3A_2532 : i32 to index
        %swap3A_2536 = tpu.vector_load %arg5[%swap3A_2534, %swap3A_2535] {strides = array<i32>} : memref<2x640xf32, #tpu.memory_space<vmem>>, vector<1x16xf32>,
        %swap3A_2537 = vector.shape_cast %swap3A_2536 : vector<1x16xf32> to vector<16xf32>
        %swap3A_2538 = vector.shape_cast %add3A_2459 : vector<16xf32> to vector<1x16xf32>
        tpu.vector_store %arg5[%swap3A_2534, %swap3A_2535], %swap3A_2538 {strides = array<i32>} : memref<2x640xf32, #tpu.memory_space<vmem>>, vector<1x16xf32>,
        %scan3A_2539 = arith.constant 0 : i32
        scf.yield %scan3A_2539 : i32
      }
      %scan3A_147 = arith.constant 5 : i32
      %mul3A_148 = arith.constant 5 : i32
      %mul3A_149 = arith.muli %add3A_108, %mul3A_148 : i32
      %add3A_150 = arith.addi %mul3A_2, %mul3A_149 : i32
      %mul3A_151 = arith.constant 128 : i32
      %mul3A_152 = arith.muli %add3A_150, %mul3A_151 : i32
      %dma_start3A_153 = arith.constant 1 : i32
      %dma_start3A_154 = arith.constant 0 : i32
      %dma_start3A_155 = tpu.memref_slice %arg5[%dma_start3A_153, %dma_start3A_154] : memref<2x640xf32, #tpu.memory_space<vmem>> -> memref<1x640xf32, #tpu.memory_space<vmem>>
      %dma_start3A_156 = tpu.memref_squeeze %dma_start3A_155 : memref<1x640xf32, #tpu.memory_space<vmem>> -> memref<640xf32, #tpu.memory_space<vmem>>
      %dma_start3A_157 = tpu.memref_slice %arg3[%mul3A_152] : memref<204800xf32, #tpu.memory_space<hbm>> -> memref<640xf32, #tpu.memory_space<hbm>>
      %dma_start3A_158 = tpu.memref_slice %arg3[%mul3A_152] : memref<204800xf32, #tpu.memory_space<hbm>> -> memref<640xf32, #tpu.memory_space<hbm>>
      %dma_start3A_159 = arith.constant 0 : i32
      %dma_start3A_160 = tpu.memref_slice %arg5[%dma_start3A_153, %dma_start3A_159] : memref<2x640xf32, #tpu.memory_space<vmem>> -> memref<1x640xf32, #tpu.memory_space<vmem>>
      %dma_start3A_161 = tpu.memref_squeeze %dma_start3A_160 : memref<1x640xf32, #tpu.memory_space<vmem>> -> memref<640xf32, #tpu.memory_space<vmem>>
      tpu.enqueue_dma source(%dma_start3A_161 : memref<640xf32, #tpu.memory_space<vmem>>) target(%dma_start3A_158 : memref<640xf32, #tpu.memory_space<hbm>>) target_semaphore(%arg7 : memref<!tpu.dma_semaphore, #tpu.memory_space<semaphore_mem>>)
      %scan3A_162 = arith.constant 0 : i32
      scf.yield %scan3A_162 : i32
    }
    %scan3A_26 = arith.constant 5 : i32
    %add3A_27 = arith.constant 40 : i32
    %add3A_28 = arith.addi %mul3A_2, %add3A_27 : i32
    %mul3A_29 = arith.constant 128 : i32
    %mul3A_30 = arith.muli %add3A_28, %mul3A_29 : i32
    %dma_wait3A = arith.constant 0 : i32
    %dma_wait3A_31 = arith.constant 0 : i32
    %dma_wait3A_32 = tpu.memref_slice %arg5[%dma_wait3A, %dma_wait3A_31] : memref<2x640xf32, #tpu.memory_space<vmem>> -> memref<1x640xf32, #tpu.memory_space<vmem>>
    %dma_wait3A_33 = tpu.memref_squeeze %dma_wait3A_32 : memref<1x640xf32, #tpu.memory_space<vmem>> -> memref<640xf32, #tpu.memory_space<vmem>>
    %dma_wait3A_34 = tpu.memref_slice %arg3[%mul3A_30] : memref<204800xf32, #tpu.memory_space<hbm>> -> memref<640xf32, #tpu.memory_space<hbm>>
    %dma_wait3A_35 = tpu.memref_slice %arg3[%mul3A_30] : memref<204800xf32, #tpu.memory_space<hbm>> -> memref<640xf32, #tpu.memory_space<hbm>>
    %dma_wait3A_36 = arith.constant 0 : i32
    %dma_wait3A_37 = tpu.memref_slice %arg5[%dma_wait3A, %dma_wait3A_36] : memref<2x640xf32, #tpu.memory_space<vmem>> -> memref<1x640xf32, #tpu.memory_space<vmem>>
    %dma_wait3A_38 = tpu.memref_squeeze %dma_wait3A_37 : memref<1x640xf32, #tpu.memory_space<vmem>> -> memref<640xf32, #tpu.memory_space<vmem>>
    tpu.wait_dma2 semaphore(%arg7 : memref<!tpu.dma_semaphore, #tpu.memory_space<semaphore_mem>>) src(%dma_wait3A_38 : memref<640xf32, #tpu.memory_space<vmem>>) dst(%dma_wait3A_35 : memref<640xf32, #tpu.memory_space<hbm>>)
    %add3A_39 = arith.constant 45 : i32
    %add3A_40 = arith.addi %mul3A_2, %add3A_39 : i32
    %mul3A_41 = arith.constant 128 : i32
    %mul3A_42 = arith.muli %add3A_40, %mul3A_41 : i32
    %dma_wait3A_43 = arith.constant 1 : i32
    %dma_wait3A_44 = arith.constant 0 : i32
    %dma_wait3A_45 = tpu.memref_slice %arg5[%dma_wait3A_43, %dma_wait3A_44] : memref<2x640xf32, #tpu.memory_space<vmem>> -> memref<1x640xf32, #tpu.memory_space<vmem>>
    %dma_wait3A_46 = tpu.memref_squeeze %dma_wait3A_45 : memref<1x640xf32, #tpu.memory_space<vmem>> -> memref<640xf32, #tpu.memory_space<vmem>>
    %dma_wait3A_47 = tpu.memref_slice %arg3[%mul3A_42] : memref<204800xf32, #tpu.memory_space<hbm>> -> memref<640xf32, #tpu.memory_space<hbm>>
    %dma_wait3A_48 = tpu.memref_slice %arg3[%mul3A_42] : memref<204800xf32, #tpu.memory_space<hbm>> -> memref<640xf32, #tpu.memory_space<hbm>>
    %dma_wait3A_49 = arith.constant 0 : i32
    %dma_wait3A_50 = tpu.memref_slice %arg5[%dma_wait3A_43, %dma_wait3A_49] : memref<2x640xf32, #tpu.memory_space<vmem>> -> memref<1x640xf32, #tpu.memory_space<vmem>>
    %dma_wait3A_51 = tpu.memref_squeeze %dma_wait3A_50 : memref<1x640xf32, #tpu.memory_space<vmem>> -> memref<640xf32, #tpu.memory_space<vmem>>
    tpu.wait_dma2 semaphore(%arg7 : memref<!tpu.dma_semaphore, #tpu.memory_space<semaphore_mem>>) src(%dma_wait3A_51 : memref<640xf32, #tpu.memory_space<vmem>>) dst(%dma_wait3A_48 : memref<640xf32, #tpu.memory_space<hbm>>)
    return
  }
}

module attributes {stable_mosaic.version = 14 : i64} {
  func.func @_combine_body(%arg0: i32, %arg1: memref<10000x128xf32, #tpu.memory_space<any>>, %arg2: memref<400x128xf32, #tpu.memory_space<vmem>>, %arg3: memref<400x128xf32, #tpu.memory_space<vmem>>, %arg4: memref<128x128xf32, #tpu.memory_space<vmem>>, %arg5: memref<128x128xf32, #tpu.memory_space<vmem>>, %arg6: memref<400x128xf32, #tpu.memory_space<vmem>>) attributes {dimension_semantics = [#tpu.dimension_semantics<arbitrary>], iteration_bounds = array<i64: 4>, scalar_prefetch = 0 : i64, scratch_operands = 0 : i64, tpu.core_type = #tpu.core_type<tc>, window_params = [{}, {transform_indices = @transform_1, window_bounds = array<i64: 400, 128>}, {transform_indices = @transform_2, window_bounds = array<i64: 400, 128>}, {pipeline_mode = #tpu.pipeline_mode<synchronous>, transform_indices = @transform_3, window_bounds = array<i64: 128, 128>}, {pipeline_mode = #tpu.pipeline_mode<synchronous>, transform_indices = @transform_4, window_bounds = array<i64: 128, 128>}, {transform_indices = @transform_5, window_bounds = array<i64: 400, 128>}]} {
    %get3A = arith.constant 0 : index
    %get3A_0 = arith.constant 0 : index
    %get3A_1 = vector.load %arg2[%get3A, %get3A_0] : memref<400x128xf32, #tpu.memory_space<vmem>>, vector<400x128xf32>
    %mul3A = arith.constant 3.125000e-02 : f32
    %mul3A_2 = vector.broadcast %mul3A : f32 to vector<400x128xf32>
    %mul3A_3 = arith.mulf %get3A_1, %mul3A_2 : vector<400x128xf32>
    %get3A_4 = arith.constant 0 : index
    %get3A_5 = arith.constant 0 : index
    %get3A_6 = vector.load %arg4[%get3A_4, %get3A_5] : memref<128x128xf32, #tpu.memory_space<vmem>>, vector<128x128xf32>
    %dot_general3A = arith.constant dense<0.000000e+00> : vector<400x128xf32>
    %dot_general3A_7 = tpu.matmul %mul3A_3, %get3A_6, %dot_general3A {dimension_numbers = #tpu.dot_dimension_numbers<[1], [0], [0], [1], [0, 0, 1, 1], [], []>, transpose_lhs_hint = false} : vector<400x128xf32>, vector<128x128xf32>, vector<400x128xf32> -> vector<400x128xf32>
    %get3A_8 = arith.constant 0 : index
    %get3A_9 = arith.constant 0 : index
    %get3A_10 = vector.load %arg3[%get3A_8, %get3A_9] : memref<400x128xf32, #tpu.memory_space<vmem>>, vector<400x128xf32>
    %get3A_11 = arith.constant 0 : index
    %get3A_12 = arith.constant 0 : index
    %get3A_13 = vector.load %arg5[%get3A_11, %get3A_12] : memref<128x128xf32, #tpu.memory_space<vmem>>, vector<128x128xf32>
    %dot_general3A_14 = arith.constant dense<0.000000e+00> : vector<400x128xf32>
    %dot_general3A_15 = tpu.matmul %get3A_10, %get3A_13, %dot_general3A_14 {dimension_numbers = #tpu.dot_dimension_numbers<[1], [0], [0], [1], [0, 0, 1, 1], [], []>, transpose_lhs_hint = false} : vector<400x128xf32>, vector<128x128xf32>, vector<400x128xf32> -> vector<400x128xf32>
    %add3A = arith.addf %dot_general3A_7, %dot_general3A_15 : vector<400x128xf32>
    %max3A = arith.constant 0.000000e+00 : f32
    %max3A_16 = vector.broadcast %max3A : f32 to vector<400x128xf32>
    %max3A_17 = arith.maximumf %add3A, %max3A_16 : vector<400x128xf32>
    %swap3A = arith.constant 0 : index
    %swap3A_18 = arith.constant 0 : index
    %swap3A_19 = vector.load %arg6[%swap3A, %swap3A_18] : memref<400x128xf32, #tpu.memory_space<vmem>>, vector<400x128xf32>
    tpu.vector_store %arg6[%swap3A, %swap3A_18], %max3A_17 {strides = array<i32>} : memref<400x128xf32, #tpu.memory_space<vmem>>, vector<400x128xf32>,
    return
  }
  func.func @transform_1(%arg0: i32) -> (i32, i32) {
    %c0_i32 = arith.constant 0 : i32
    %c0_i32_0 = arith.constant 0 : i32
    return %arg0, %c0_i32 : i32, i32
  }
  func.func @transform_2(%arg0: i32) -> (i32, i32) {
    %c0_i32 = arith.constant 0 : i32
    %c0_i32_0 = arith.constant 0 : i32
    return %arg0, %c0_i32 : i32, i32
  }
  func.func @transform_3(%arg0: i32) -> (i32, i32) {
    %c0_i32 = arith.constant 0 : i32
    %c0_i32_0 = arith.constant 0 : i32
    %c0_i32_1 = arith.constant 0 : i32
    return %c0_i32, %c0_i32_0 : i32, i32
  }
  func.func @transform_4(%arg0: i32) -> (i32, i32) {
    %c0_i32 = arith.constant 0 : i32
    %c0_i32_0 = arith.constant 0 : i32
    %c0_i32_1 = arith.constant 0 : i32
    return %c0_i32, %c0_i32_0 : i32, i32
  }
  func.func @transform_5(%arg0: i32) -> (i32, i32) {
    %c0_i32 = arith.constant 0 : i32
    %c0_i32_0 = arith.constant 0 : i32
    return %arg0, %c0_i32 : i32, i32
  }
}

module attributes {stable_mosaic.version = 14 : i64} {
  func.func @_fused_body(%arg0: i32, %arg1: memref<400x128xf32, #tpu.memory_space<vmem>>, %arg2: memref<400x32x128xf32, #tpu.memory_space<vmem>>, %arg3: memref<128x128xf32, #tpu.memory_space<vmem>>, %arg4: memref<128x128xf32, #tpu.memory_space<vmem>>, %arg5: memref<400x128xf32, #tpu.memory_space<vmem>>) attributes {dimension_semantics = [#tpu.dimension_semantics<arbitrary>], iteration_bounds = array<i64: 21>, scalar_prefetch = 0 : i64, scratch_operands = 0 : i64, tpu.core_type = #tpu.core_type<tc>, window_params = [{transform_indices = @transform_0, window_bounds = array<i64: 400, 128>}, {transform_indices = @transform_1, window_bounds = array<i64: 400, 32, 128>}, {pipeline_mode = #tpu.pipeline_mode<synchronous>, transform_indices = @transform_2, window_bounds = array<i64: 128, 128>}, {pipeline_mode = #tpu.pipeline_mode<synchronous>, transform_indices = @transform_3, window_bounds = array<i64: 128, 128>}, {transform_indices = @transform_4, window_bounds = array<i64: 400, 128>}]} {
    %get3A = arith.constant 0 : index
    %get3A_0 = arith.constant 0 : index
    %get3A_1 = arith.constant 0 : index
    %get3A_2 = vector.load %arg2[%get3A, %get3A_0, %get3A_1] : memref<400x32x128xf32, #tpu.memory_space<vmem>>, vector<400x32x128xf32>
    %reduce_sum3A = arith.constant dense<0.000000e+00> : vector<400x128xf32>
    %reduce_sum3A_3 = vector.multi_reduction <add>, %get3A_2, %reduce_sum3A [1] : vector<400x32x128xf32> to vector<400x128xf32>
    %mul3A = arith.constant 3.125000e-02 : f32
    %mul3A_4 = vector.broadcast %mul3A : f32 to vector<400x128xf32>
    %mul3A_5 = arith.mulf %reduce_sum3A_3, %mul3A_4 : vector<400x128xf32>
    %get3A_6 = arith.constant 0 : index
    %get3A_7 = arith.constant 0 : index
    %get3A_8 = vector.load %arg3[%get3A_6, %get3A_7] : memref<128x128xf32, #tpu.memory_space<vmem>>, vector<128x128xf32>
    %dot_general3A = arith.constant dense<0.000000e+00> : vector<400x128xf32>
    %dot_general3A_9 = tpu.matmul %mul3A_5, %get3A_8, %dot_general3A {dimension_numbers = #tpu.dot_dimension_numbers<[1], [0], [0], [1], [0, 0, 1, 1], [], []>, transpose_lhs_hint = false} : vector<400x128xf32>, vector<128x128xf32>, vector<400x128xf32> -> vector<400x128xf32>
    %get3A_10 = arith.constant 0 : index
    %get3A_11 = arith.constant 0 : index
    %get3A_12 = vector.load %arg1[%get3A_10, %get3A_11] : memref<400x128xf32, #tpu.memory_space<vmem>>, vector<400x128xf32>
    %get3A_13 = arith.constant 0 : index
    %get3A_14 = arith.constant 0 : index
    %get3A_15 = vector.load %arg4[%get3A_13, %get3A_14] : memref<128x128xf32, #tpu.memory_space<vmem>>, vector<128x128xf32>
    %dot_general3A_16 = arith.constant dense<0.000000e+00> : vector<400x128xf32>
    %dot_general3A_17 = tpu.matmul %get3A_12, %get3A_15, %dot_general3A_16 {dimension_numbers = #tpu.dot_dimension_numbers<[1], [0], [0], [1], [0, 0, 1, 1], [], []>, transpose_lhs_hint = false} : vector<400x128xf32>, vector<128x128xf32>, vector<400x128xf32> -> vector<400x128xf32>
    %add3A = arith.addf %dot_general3A_9, %dot_general3A_17 : vector<400x128xf32>
    %max3A = arith.constant 0.000000e+00 : f32
    %max3A_18 = vector.broadcast %max3A : f32 to vector<400x128xf32>
    %max3A_19 = arith.maximumf %add3A, %max3A_18 : vector<400x128xf32>
    %swap3A = arith.constant 0 : index
    %swap3A_20 = arith.constant 0 : index
    %swap3A_21 = vector.load %arg5[%swap3A, %swap3A_20] : memref<400x128xf32, #tpu.memory_space<vmem>>, vector<400x128xf32>
    tpu.vector_store %arg5[%swap3A, %swap3A_20], %max3A_19 {strides = array<i32>} : memref<400x128xf32, #tpu.memory_space<vmem>>, vector<400x128xf32>,
    return
  }
  func.func @transform_0(%arg0: i32) -> (i32, i32) {
    %add3A = arith.constant 4 : i32
    %add3A_0 = arith.addi %arg0, %add3A : i32
    %c0_i32 = arith.constant 0 : i32
    %c0_i32_1 = arith.constant 0 : i32
    return %add3A_0, %c0_i32 : i32, i32
  }
  func.func @transform_1(%arg0: i32) -> (i32, i32, i32) {
    %add3A = arith.constant 4 : i32
    %add3A_0 = arith.addi %arg0, %add3A : i32
    %c0_i32 = arith.constant 0 : i32
    %c0_i32_1 = arith.constant 0 : i32
    %c0_i32_2 = arith.constant 0 : i32
    return %add3A_0, %c0_i32, %c0_i32_1 : i32, i32, i32
  }
  func.func @transform_2(%arg0: i32) -> (i32, i32) {
    %c0_i32 = arith.constant 0 : i32
    %c0_i32_0 = arith.constant 0 : i32
    %c0_i32_1 = arith.constant 0 : i32
    return %c0_i32, %c0_i32_0 : i32, i32
  }
  func.func @transform_3(%arg0: i32) -> (i32, i32) {
    %c0_i32 = arith.constant 0 : i32
    %c0_i32_0 = arith.constant 0 : i32
    %c0_i32_1 = arith.constant 0 : i32
    return %c0_i32, %c0_i32_0 : i32, i32
  }
  func.func @transform_4(%arg0: i32) -> (i32, i32) {
    %add3A = arith.constant 4 : i32
    %add3A_0 = arith.addi %arg0, %add3A : i32
    %c0_i32 = arith.constant 0 : i32
    %c0_i32_1 = arith.constant 0 : i32
    return %add3A_0, %c0_i32 : i32, i32
  }
}

</mosaic_0001>

<sc_bundles>
// kernel: kernel.5.cloned.1.call-start
scs
__scs_entry_jumppad:
0x0: {  	(pc) =	sbr.rel $0x88, $3  }
0x1: {  	(tag) =	ssettag $0x0;
	lr =	simm.s32 $0x1  }
0x2: {  	[smem:$0x3F9D] =	sst lr;
	_ =	strace $0xD0000000  }
0x3: {  	_ = 	snop  }
0x4: {  	_ = 	snop  }
0x5: {  	_ = 	snop  }
0x6: {  	_ = 	snop  }
0x7: {  	_ = 	snop  }
__scs_overlays_trampoline_lowered:
0x8: {  	[smem:$0x3FAC] =	sst s0  }
0x9: {  	[smem:$0x3FAD] =	sst s1  }
0xa: {  	[smem:$0x3FAE] =	sst s2  }
0xb: {  	[smem:$0x3FAF] =	sst s3  }
0xc: {  	[smem:$0x3FB0] =	sst s4  }
0xd: {  	[smem:$0x3FB1] =	sst s5  }
0xe: {  	[smem:$0x3FB2] =	sst s6  }
0xf: {  	[smem:$0x3FB3] =	sst s7  }
0x10: {  	[smem:$0x3FB4] =	sst s8  }
0x11: {  	[smem:$0x3FB5] =	sst s9;
	s0 =	simm.s32 @!p0 $0x0  }
0x12: {  	s1 =	sld [smem:$0x3F9B];
	s0 =	simm.s32 @p0 $0x1  }
0x13: {  	[smem:$0x3FB6] =	sst s0;
	s0 =	simm.s32 @!p1 $0x0  }
0x14: {  	s2 =	sld [smem:$0x3F9A];
	s0 =	simm.s32 @p1 $0x1  }
0x15: {  	[smem:$0x3FB7] =	sst s0;
	s0 =	simm.s32 @!p2 $0x0  }
0x16: {  	s3 =	sld [smem:$0x3FDB];
	s0 =	simm.s32 @p2 $0x1  }
0x17: {  	s4 =	simm.s32 $0x1BF5;
	[smem:$0x3FB9] =	sst s0  }
0x18: {  	s0 =	sld [smem:$0x3F9C];
	_ =	swait.ge [sflag:s4], $0x0  }
0x19: {  	s7 =	sld [smem:$0x3F9D]  }
0x1a: {  	s8 =	sadd.s32 $0xFFFFE003, lr  }
0x1b: {  	s9 =	sadd.s32 $0xFFFFFEF7, lr;
	s5 =	simm.s32 $0xFFFFFFFF;
	p2 =	slt.u32 s8, $0xFFFFF086  }
0x1c: {  	p1 =	slt.u32 s9, $0xF7A;
	s5 =	simm.s32 @!p2 $0x0  }
0x1d: {  	s5 =	simm.s32 @p1 $0x1;
	p0 =	seq.s32 s7, s2  }
0x1e: {  	s7 =	smul.u32 @!p0 $0xF7A, s2;
	p2 =	seq.s32 @!p0 s5, $0x0  }
0x1f: {  	s9 =	smul.u32 $0xF7A, s1;
	s8 =	simm.s32 @!p0 $0x1BF5;
	p2 =	por !p2, p0  }
0x20: {  	[sflag:s8] =	ssyncset.s32 @!p0 $0xFFFFF086;
	s6 =	sadd.s32 @!p0 s3, s7;
	s7 =	simm.s32 @!p0 $0x108  }
0x21: {  	s3 =	sadd.s32 s3, s9;
	s6 =	sadd.s32 @!p0 $0x88, s6;
	s7 =	simm.s32 @p2 $0x1082  }
0x22: {  	[simem:s7], [sflag:s8] =	dma.local @!p0 [hbm:s6], $0xF7A  }
0x23: {  	s9 =	sor.u32 $0xD0000000, s2;
	s6 =	simm.s32 $0x108;
	_ =	swait.ge @!p0 [sflag:s8], $0x0  }
0x24: {  	s3 =	sadd.s32 $0x88, s3;
	s6 =	simm.s32 @!p1 $0x1082;
	[sflag:s4] =	ssyncset.s32 $0xFFFFF086  }
0x25: {  	[simem:s6], [sflag:s4] =	dma.local [hbm:s3], $0xF7A  }
0x26: {  	[smem:$0x3F9D] =	sst s1;
	(tag) =	ssettag s2;
	_ =	strace s9  }
0x27: {  	s1 =	sld [smem:$0x3FAD]  }
0x28: {  	s2 =	sld [smem:$0x3FAE]  }
0x29: {  	s4 =	sld [smem:$0x3FB0]  }
0x2a: {  	p0 =	seq.s32 s5, $0x0;
	s5 =	sld [smem:$0x3FB1]  }
0x2b: {  	s6 =	sld [smem:$0x3FB2]  }
0x2c: {  	s7 =	sld [smem:$0x3FB3]  }
0x2d: {  	s3 =	simm.s32 $0x108;
	s8 =	sld [smem:$0x3FB4]  }
0x2e: {  	s3 =	simm.s32 @!p0 $0x1082;
	s9 =	sld [smem:$0x3FB5]  }
0x2f: {  	lr =	sadd.s32 s0, s3;
	s0 =	sld [smem:$0x3FAC]  }
0x30: {  	s3 =	sld [smem:$0x3FAF]  }
0x31: {  	[smem:$0x3FB8] =	sst s10  }
0x32: {  	s10 =	sld [smem:$0x3FB6];
	_ =	sdelay $0x3  }
0x33: {  	p0 =	seq.s32 s10, $0x1;
	s10 =	sld [smem:$0x3FB8];
	_ =	sdelay $0x3  }
0x34: {  	[smem:$0x3FB8] =	sst s10  }
0x35: {  	s10 =	sld [smem:$0x3FB7];
	_ =	sdelay $0x3  }
0x36: {  	p1 =	seq.s32 s10, $0x1;
	s10 =	sld [smem:$0x3FB8];
	_ =	sdelay $0x3  }
0x37: {  	[smem:$0x3FB8] =	sst s10  }
0x38: {  	s10 =	sld [smem:$0x3FB9]  }
0x39: {  	_ = 	snop;
	(pc) =	sbr.ind lr, $3  }
0x3a: {  	_ = 	snop  }
0x3b: {  	_ = 	snop  }
0x3c: {  	p2 =	seq.s32 s10, $0x1;
	s10 =	sld [smem:$0x3FB8]  }
0x3d: {  	_ =	shalt  }
0x3e: {  	_ =	shalt  }
0x3f: {  	_ =	shalt  }
0x40: {  	_ =	shalt  }
0x41: {  	_ =	shalt  }
0x42: {  	_ =	shalt  }
0x43: {  	_ =	shalt  }
0x44: {  	_ =	shalt  }
0x45: {  	_ =	shalt  }
0x46: {  	_ =	shalt  }
0x47: {  	_ =	shalt  }
0x48: {  	_ =	shalt  }
0x49: {  	_ =	shalt  }
0x4a: {  	_ =	shalt  }
0x4b: {  	_ =	shalt  }
0x4c: {  	_ =	shalt  }
0x4d: {  	_ =	shalt  }
0x4e: {  	_ =	shalt  }
0x4f: {  	_ =	shalt  }
0x50: {  	_ =	shalt  }
0x51: {  	_ =	shalt  }
0x52: {  	_ =	shalt  }
0x53: {  	_ =	shalt  }
0x54: {  	_ =	shalt  }
0x55: {  	_ =	shalt  }
0x56: {  	_ =	shalt  }
0x57: {  	_ =	shalt  }
0x58: {  	_ =	shalt  }
0x59: {  	_ =	shalt  }
0x5a: {  	_ =	shalt  }
0x5b: {  	_ =	shalt  }
0x5c: {  	_ =	shalt  }
0x5d: {  	_ =	shalt  }
0x5e: {  	_ =	shalt  }
0x5f: {  	_ =	shalt  }
0x60: {  	_ =	shalt  }
0x61: {  	_ =	shalt  }
0x62: {  	_ =	shalt  }
0x63: {  	_ =	shalt  }
0x64: {  	_ =	shalt  }
0x65: {  	_ =	shalt  }
0x66: {  	_ =	shalt  }
0x67: {  	_ =	shalt  }
0x68: {  	_ =	shalt  }
0x69: {  	_ =	shalt  }
0x6a: {  	_ =	shalt  }
0x6b: {  	_ =	shalt  }
0x6c: {  	_ =	shalt  }
0x6d: {  	_ =	shalt  }
0x6e: {  	_ =	shalt  }
0x6f: {  	_ =	shalt  }
0x70: {  	_ =	shalt  }
0x71: {  	_ =	shalt  }
0x72: {  	_ =	shalt  }
0x73: {  	_ =	shalt  }
0x74: {  	_ =	shalt  }
0x75: {  	_ =	shalt  }
0x76: {  	_ =	shalt  }
0x77: {  	_ =	shalt  }
0x78: {  	_ =	shalt  }
0x79: {  	_ =	shalt  }
0x7a: {  	_ =	shalt  }
0x7b: {  	_ =	shalt  }
0x7c: {  	_ =	shalt  }
0x7d: {  	_ =	shalt  }
0x7e: {  	_ =	shalt  }
0x7f: {  	_ =	shalt  }
0x80: {  	_ =	shalt  }
0x81: {  	_ =	shalt  }
0x82: {  	_ =	shalt  }
0x83: {  	_ =	shalt  }
0x84: {  	_ =	shalt  }
0x85: {  	_ =	shalt  }
0x86: {  	_ =	shalt  }
0x87: {  	_ =	shalt  }
.Lfunc_end0:
.L_simem_size_0:
called_computation_lowered:
.L_overlay_start_0:
0x88: {  	s2 =	sld [smem:$0x3FD9]  }
0x89: {  	s3 =	sld [smem:$0x3FFE];
	_ =	sdelay $0x1  }
0x8a: {  	s1 =	srdreg.scid  }
0x8b: {  	s0 =	sand.u32 $0x1, s1  }
0x8c: {  	s17 =	sshll.u32 s0, $0xA;
	s2 =	sadd.s32 s3, s2  }
0x8d: {  	s2 =	sadd.s32 s2, s17  }
0x8e: {  	[smem:$0x3FC4] =	sst s2  }
0x8f: {  	_ = 	snop  }
0x90: {  	s2 =	sld [smem:$0x3FC8];
	(tm) =	ssettm $0x1  }
0x91: {  	s18 =	sld [smem:$0x3FFB];
	_ =	sdelay $0x3  }
0x92: {  	_ =	strace s18  }
0x93: {  	s3 =	sld [smem:$0x3FFC];
	_ =	sdelay $0x3  }
0x94: {  	_ =	strace s3  }
0x95: {  	s3 =	sld [smem:$0x3FFD];
	_ =	sdelay $0x3  }
0x96: {  	_ =	strace s3  }
0x97: {  	_ =	strace $0x8FFFFFFF  }
0x98: {  	s19 =	sld [smem:$0x3FDB];
	_ =	sdelay $0x1  }
0x99: {  	s4 =	simm.s32 $_scs_section_size  }
0x9a: {  	s5 =	simm.s32 $_size__tile_overlayer_lowered;
	s6 =	simm.s32 $_tile_overlayer_lowered  }
0x9b: {  	s22 =	simm.s32 $0x1BFF;
	s21 =	sshll.u32 s6, $0x1;
	s3 =	sadd.s32 s4, s19  }
0x9c: {  	s7 =	simm.s32 $0x0;
	s20 =	sshll.u32 s5, $0x1;
	s5 =	sadd.s32 s21, s3  }
0x9d: {  	[timem:s7], [sflag:s22] =	dma.local [hbm:s5], s20  }
0x9e: {  	_ =	swait.ge [sflag:s22], s20  }
0x9f: {  	s4 =	ssub.s32 $0x0, s20;
	[sflag:s22] =	ssyncset.done $0x0  }
0xa0: {  	[sflag:s22] =	ssyncadd.s32 s4;
	_ =	sdelay $0x1  }
0xa1: {  	s23 =	simm.s32 $0x1B8B  }
0xa2: {  	_ =	swait.ge [sflag:s23], $0x1  }
0xa3: {  	[sflag:s23] =	ssyncset.done $0x0  }
0xa4: {  	s25 =	simm.s32 $0x1B8E;
	s24 =	sld [smem:$0x3FFE];
	[sflag:s23] =	ssyncadd.s32 $0xFFFFFFFF  }
0xa5: {  	s26 =	simm.s32 $execute0_lowered;
	[smem:$0x3FD2] =	sst s25  }
0xa6: {  	s5 =	sshll.u32 s26, $0x1;
	_ =	strace $0x80000046;
	[dreg:$0x1] =	wrdreg $0xFFFFFFFF  }
0xa7: {  	s28 =	simm.s32 $_size_execute0_lowered;
	s3 =	sadd.s32 s3, s5;
	[dreg:$0x0] =	wrdreg $0x0  }
0xa8: {  	s5 =	sshll.u32 s28, $0x1;
	[dreg:$0x2] =	wrdreg s3  }
0xa9: {  	[dreg:$0x3] =	wrdreg s5  }
0xaa: {  	[dreg:$0x4] =	wrdreg $0xC0  }
0xab: {  	_ =	task [dreg:s7], $0x5FFFF  }
0xac: {  	[dreg:$0x1] =	wrdreg $0xFFFFFFFF  }
0xad: {  	[dreg:$0x0] =	wrdreg $0x60  }
0xae: {  	[dreg:$0x2] =	wrdreg s2  }
0xaf: {  	[dreg:$0x3] =	wrdreg s24  }
0xb0: {  	[dreg:$0x4] =	wrdreg $0x9  }
0xb1: {  	_ =	task.clear_ibuf [dreg:s7], $0x5FFFF;
	_ =	strace $0x90000046  }
0xb2: {  	s29 =	simm.s32 $0x9;
	_ =	strace $0x80000048  }
0xb3: {  	_ =	swait.ge [sflag:s29], $0x1  }
0xb4: {  	[sflag:s29] =	ssyncadd.s32 $0xFFFFFFFF  }
0xb5: {  	_ =	strace $0x90000048  }
0xb6: {  	_ =	sfence  }
0xb7: {  	s30 =	sld [smem:$0x0];
	_ =	sdelay $0x2  }
0xb8: {  	s31 =	sshll.u32 s1, $0xD;
	s1 =	sshrl.u32 s1, $0x2  }
0xb9: {  	s3 =	sand.u32 $0x4000, s31;
	s1 =	sadd.s32 s1, s30  }
0xba: {  	s0 =	sor.u32 s3, s0;
	s1 =	sshll.u32 s1, $0x11  }
0xbb: {  	s0 =	sor.u32 s1, s0  }
0xbc: {  	s0 =	sadd.s32 $0x8F2B, s0  }
0xbd: {  	[sflag:s0] =	ssyncadd.remote.s32 $0x1  }
0xbe: {  	_ =	sfence.sel $0xFFFF  }
0xbf: {  	[dreg:$0x0] =	wrdreg $0xFFFFFFFF;
	(pc) =	sbr.abs _section_cstart, $3  }
0xc0: {  	[dreg:$0x1] =	wrdreg $0xFFFFFFFF  }
0xc1: {  	_ =	task.clear_ibuf [dreg:s7], $0x2FFFF;
	_ =	strace $0x9FFFFFFF  }
0xc2: {  	(tm) =	ssettm $0x7FFFFFFF  }
0xc3: {  	_ =	shalt  }
tec
execute0_lowered:
.L_overlay_start_1:
0x0: {  	(tag) =	ssettag $0x1  }
0x1: {  	s2 =	rddreg [dreg:$0x0];
	s1 =	srdreg.scid  }
0x2: {  	s0 =	stileid.u32;
	s5 =	rddreg [dreg:$0x1];
	s10 =	simm.s32 $0x1  }
0x3: {  	s11 =	simm.s32 $0x5000;
	s12 =	simm.s32 $0xA000;
	s13 =	simm.s32 $0xA100  }
0x4: {  	s14 =	simm.s32 $0xA200;
	s15 =	simm.s32 $0xA300;
	s16 =	simm.s32 $0xA400  }
0x5: {  	s17 =	simm.s32 $0xA080;
	s18 =	simm.s32 $0xA180;
	s19 =	simm.s32 $0xA280  }
0x6: {  	s20 =	simm.s32 $0xA380;
	s4 =	sand.u32 $0x1, s1;
	s3 =	sshll.u32 s0, $0x1  }
0x7: {  	s21 =	simm.s32 $0xA480;
	s22 =	simm.s32 $0x2;
	s6 =	sor.u32 s4, s3  }
0x8: {  	s23 =	simm.s32 $0x0;
	s7 =	ssub.s32 $0x2, s4;
	s4 =	smul.u32 $0x32, s6  }
0x9: {  	s1 =	rddreg [dreg:$0x2];
	s3 =	simm.s32 $0x0;
	s6 =	smul.u32 $0x6400, s6  }
0xa: {  	s5 =	sadd.s32 $0xC00, s5;
	[smem:$0x7FF] =	sst s3;
	s8 =	sshrl.u32 s7, $0x1  }
0xb: {  	_ =	strace $0x80000047;
	s9 =	ssub.s32 s7, s8;
	s6 =	sadd.s32 s2, s6  }
0xc: {  	s7 =	sadd.s32 $0x5, s4;
	s8 =	sadd.s32 $0xA, s4;
	s9 =	smax.u32 s9, $0x1  }
.LBB2_1:
0xd: {  	[tilespmem:s3], [sflag:$0x1] =	stream.linear.gather [hbm4b:s6+s3], $0x5000, $0x38;
	[tilespmem:$0xA500] =	vst v63  }
0xe: {  	s24 =	simm.s32 $0x0  }
.LBB2_2:
0xf: {  	s26 =	smul.u32 $0xA, s24;
	_ =	sdelay $0x1  }
0x10: {  	s25 =	sadd.s32 s26, s7  }
0x11: {  	_ =	swait.ge [sflag:s10], $0x5000;
	s28 =	sshll.u32 s25, $0x9  }
0x12: {  	p0 =	seq.s32 s24, $0x0;
	[sflag:s10] =	ssyncset.done $0x0;
	s28 =	sand.u32 $0x1FFFFE00, s28  }
0x13: {  	s29 =	simm.s32 @!p0 $0x2;
	[sflag:s10] =	ssyncadd.s32 $0xFFFFB000;
	s28 =	sadd.s32 s2, s28  }
0x14: {  	[tilespmem:s11], [sflag:$0x1] =	stream.linear.gather [hbm4b:s28+s3], $0x5000, $0x38;
	[tilespmem:$0xA500] =	vst v63  }
0x15: {  	_ =	swait.ge @!p0 [sflag:s29], $0x280  }
0x16: {  	[sflag:s29] =	ssyncset.done @!p0 $0x0  }
0x17: {  	s28 =	sadd.s32 s4, s26;
	[sflag:s29] =	ssyncadd.s32 @!p0 $0xFFFFFD80;
	s29 =	simm.s32 $0x0  }
.LBB2_3:
0x18: {  	s30 =	sshll.u32 s29, $0xC  }
0x19: {  	s30 =	sand.u32 $0x3FFFF000, s30  }
0x1a: {  	v62 =	vld [tilespmem:s30+$0x3E0];
	_ =	sdelay $0x4  }
0x1b: {  	[tilespmem:$0x1FA60] =	vst v62;
	v62 =	vld [tilespmem:s30+$0x400];
	_ =	sdelay $0x4  }
0x1c: {  	[tilespmem:$0x1FA70] =	vst v62;
	v62 =	vld [tilespmem:s30+$0x410];
	_ =	sdelay $0x4  }
0x1d: {  	[tilespmem:$0x1FA80] =	vst v62;
	v62 =	vld [tilespmem:s30+$0x420];
	_ =	sdelay $0x4  }
0x1e: {  	[tilespmem:$0x1FA90] =	vst v62;
	v62 =	vld [tilespmem:s30+$0x430];
	_ =	sdelay $0x4  }
0x1f: {  	[tilespmem:$0x1FAA0] =	vst v62;
	v62 =	vld [tilespmem:s30+$0x440];
	_ =	sdelay $0x4  }
0x20: {  	[tilespmem:$0x1FAB0] =	vst v62;
	v62 =	vld [tilespmem:s30+$0x450];
	_ =	sdelay $0x4  }
0x21: {  	[tilespmem:$0x1FAC0] =	vst v62;
	v62 =	vld [tilespmem:s30+$0x460];
	_ =	sdelay $0x4  }
0x22: {  	[tilespmem:$0x1FAD0] =	vst v62;
	v62 =	vld [tilespmem:s30+$0x470];
	_ =	sdelay $0x4  }
0x23: {  	[tilespmem:$0x1FAE0] =	vst v62;
	v62 =	vld [tilespmem:s30+$0x480];
	_ =	sdelay $0x4  }
0x24: {  	[tilespmem:$0x1FAF0] =	vst v62;
	v62 =	vld [tilespmem:s30+$0x490];
	_ =	sdelay $0x4  }
0x25: {  	[tilespmem:$0x1FB00] =	vst v62;
	v62 =	vld [tilespmem:s30+$0x4A0];
	_ =	sdelay $0x4  }
0x26: {  	[tilespmem:$0x1FB10] =	vst v62;
	v62 =	vld [tilespmem:s30+$0x4B0];
	_ =	sdelay $0x4  }
0x27: {  	[tilespmem:$0x1FB20] =	vst v62;
	v62 =	vld [tilespmem:s30+$0x4C0];
	_ =	sdelay $0x4  }
0x28: {  	[tilespmem:$0x1FB30] =	vst v62;
	v62 =	vld [tilespmem:s30+$0x4D0];
	_ =	sdelay $0x4  }
0x29: {  	[tilespmem:$0x1FB40] =	vst v62;
	v62 =	vld [tilespmem:s30+$0x4E0];
	_ =	sdelay $0x4  }
0x2a: {  	[tilespmem:$0x1FB50] =	vst v62;
	v62 =	vld [tilespmem:s30+$0x4F0];
	_ =	sdelay $0x4  }
0x2b: {  	[tilespmem:$0x1FB60] =	vst v62;
	v62 =	vld [tilespmem:s30+$0x500];
	_ =	sdelay $0x4  }
0x2c: {  	[tilespmem:$0x1FB70] =	vst v62;
	v62 =	vld [tilespmem:s30+$0x510];
	_ =	sdelay $0x4  }
0x2d: {  	[tilespmem:$0x1FB80] =	vst v62;
	v62 =	vld [tilespmem:s30+$0x520];
	_ =	sdelay $0x4  }
0x2e: {  	[tilespmem:$0x1FB90] =	vst v62;
	v62 =	vld [tilespmem:s30+$0x530];
	_ =	sdelay $0x4  }
0x2f: {  	[tilespmem:$0x1FBA0] =	vst v62;
	v62 =	vld [tilespmem:s30+$0x540];
	_ =	sdelay $0x4  }
0x30: {  	[tilespmem:$0x1FBB0] =	vst v62;
	v62 =	vld [tilespmem:s30+$0x550];
	_ =	sdelay $0x4  }
0x31: {  	[tilespmem:$0x1FBC0] =	vst v62;
	v62 =	vld [tilespmem:s30+$0x560];
	_ =	sdelay $0x4  }
0x32: {  	[tilespmem:$0x1FBD0] =	vst v62;
	v62 =	vld [tilespmem:s30+$0x570];
	_ =	sdelay $0x4  }
0x33: {  	[tilespmem:$0x1FBE0] =	vst v62;
	v62 =	vld [tilespmem:s30+$0x580];
	_ =	sdelay $0x2  }
0x34: {  	v16 =	vld [tilespmem:s30+$0x0]  }
0x35: {  	v17 =	vld [tilespmem:s30+$0x10]  }
0x36: {  	[tilespmem:$0x1FBF0] =	vst v62;
	v62 =	vld [tilespmem:s30+$0x590]  }
0x37: {  	v20 =	vld [tilespmem:s30+$0x20]  }
0x38: {  	v21 =	vld [tilespmem:s30+$0x30]  }
0x39: {  	v24 =	vld [tilespmem:s30+$0x40]  }
0x3a: {  	v25 =	vld [tilespmem:s30+$0x50]  }
0x3b: {  	[tilespmem:$0x1FC00] =	vst v62;
	v62 =	vld [tilespmem:s30+$0x5A0]  }
0x3c: {  	v28 =	vld [tilespmem:s30+$0x60]  }
0x3d: {  	v29 =	vld [tilespmem:s30+$0x70]  }
0x3e: {  	v0 =	vld [tilespmem:s30+$0x80]  }
0x3f: {  	v1 =	vld [tilespmem:s30+$0x90]  }
0x40: {  	[tilespmem:$0x1FC10] =	vst v62;
	v62 =	vld [tilespmem:s30+$0x5B0]  }
0x41: {  	v2 =	vld [tilespmem:s30+$0xA0]  }
0x42: {  	v3 =	vld [tilespmem:s30+$0xB0]  }
0x43: {  	v4 =	vld [tilespmem:s30+$0xC0]  }
0x44: {  	v5 =	vld [tilespmem:s30+$0xD0]  }
0x45: {  	[tilespmem:$0x1FC20] =	vst v62;
	v62 =	vld [tilespmem:s30+$0x5C0]  }
0x46: {  	v6 =	vld [tilespmem:s30+$0xE0]  }
0x47: {  	v7 =	vld [tilespmem:s30+$0xF0]  }
0x48: {  	v8 =	vld [tilespmem:s30+$0x100]  }
0x49: {  	v9 =	vld [tilespmem:s30+$0x110]  }
0x4a: {  	[tilespmem:$0x1FC30] =	vst v62;
	v62 =	vld [tilespmem:s30+$0x5D0]  }
0x4b: {  	v10 =	vld [tilespmem:s30+$0x120]  }
0x4c: {  	v11 =	vld [tilespmem:s30+$0x130]  }
0x4d: {  	v12 =	vld [tilespmem:s30+$0x140]  }
0x4e: {  	v13 =	vld [tilespmem:s30+$0x150]  }
0x4f: {  	[tilespmem:$0x1FC40] =	vst v62;
	v62 =	vld [tilespmem:s30+$0x5E0]  }
0x50: {  	v14 =	vld [tilespmem:s30+$0x160]  }
0x51: {  	v15 =	vld [tilespmem:s30+$0x170]  }
0x52: {  	v18 =	vld [tilespmem:s30+$0x180]  }
0x53: {  	v19 =	vld [tilespmem:s30+$0x190]  }
0x54: {  	[tilespmem:$0x1FC50] =	vst v62;
	v62 =	vld [tilespmem:s30+$0x5F0]  }
0x55: {  	v22 =	vld [tilespmem:s30+$0x1A0]  }
0x56: {  	v23 =	vld [tilespmem:s30+$0x1B0]  }
0x57: {  	v26 =	vld [tilespmem:s30+$0x1C0]  }
0x58: {  	v27 =	vld [tilespmem:s30+$0x1D0]  }
0x59: {  	[tilespmem:$0x1FC60] =	vst v62;
	v62 =	vld [tilespmem:s30+$0x600]  }
0x5a: {  	v30 =	vld [tilespmem:s30+$0x1E0]  }
0x5b: {  	v31 =	vld [tilespmem:s30+$0x1F0]  }
0x5c: {  	v53 =	vld [tilespmem:s30+$0x200]  }
0x5d: {  	v32 =	vld [tilespmem:s30+$0x210]  }
0x5e: {  	[tilespmem:$0x1FC70] =	vst v62;
	v62 =	vld [tilespmem:s30+$0x610]  }
0x5f: {  	v56 =	vld [tilespmem:s30+$0x220]  }
0x60: {  	v33 =	vld [tilespmem:s30+$0x230]  }
0x61: {  	v61 =	vld [tilespmem:s30+$0x240]  }
0x62: {  	v34 =	vld [tilespmem:s30+$0x250]  }
0x63: {  	[tilespmem:$0x1FC80] =	vst v62;
	v62 =	vld [tilespmem:s30+$0x620]  }
0x64: {  	v48 =	vld [tilespmem:s30+$0x260]  }
0x65: {  	v35 =	vld [tilespmem:s30+$0x270]  }
0x66: {  	v44 =	vld [tilespmem:s30+$0x280]  }
0x67: {  	v36 =	vld [tilespmem:s30+$0x290]  }
0x68: {  	[tilespmem:$0x1FC90] =	vst v62;
	v62 =	vld [tilespmem:s30+$0x630]  }
0x69: {  	v38 =	vld [tilespmem:s30+$0x2A0]  }
0x6a: {  	v37 =	vld [tilespmem:s30+$0x2B0]  }
0x6b: {  	v39 =	vld [tilespmem:s30+$0x2C0]  }
0x6c: {  	v40 =	vld [tilespmem:s30+$0x2D0]  }
0x6d: {  	[tilespmem:$0x1FCA0] =	vst v62;
	v62 =	vld [tilespmem:s30+$0x640]  }
0x6e: {  	v41 =	vld [tilespmem:s30+$0x2E0]  }
0x6f: {  	v42 =	vld [tilespmem:s30+$0x2F0]  }
0x70: {  	v45 =	vld [tilespmem:s30+$0x300]  }
0x71: {  	v43 =	vld [tilespmem:s30+$0x310]  }
0x72: {  	[tilespmem:$0x1FCB0] =	vst v62;
	v62 =	vld [tilespmem:s30+$0x650]  }
0x73: {  	v47 =	vld [tilespmem:s30+$0x320]  }
0x74: {  	v46 =	vld [tilespmem:s30+$0x330]  }
0x75: {  	v49 =	vld [tilespmem:s30+$0x340]  }
0x76: {  	v50 =	vld [tilespmem:s30+$0x350]  }
0x77: {  	[tilespmem:$0x1FCC0] =	vst v62;
	v62 =	vld [tilespmem:s30+$0x660]  }
0x78: {  	v52 =	vld [tilespmem:s30+$0x360]  }
0x79: {  	v51 =	vld [tilespmem:s30+$0x370]  }
0x7a: {  	v54 =	vld [tilespmem:s30+$0x380]  }
0x7b: {  	v55 =	vld [tilespmem:s30+$0x390]  }
0x7c: {  	[tilespmem:$0x1FCD0] =	vst v62;
	v62 =	vld [tilespmem:s30+$0x670]  }
0x7d: {  	v58 =	vld [tilespmem:s30+$0x3A0]  }
0x7e: {  	v57 =	vld [tilespmem:s30+$0x3B0]  }
0x7f: {  	v60 =	vld [tilespmem:s30+$0x3C0]  }
0x80: {  	v59 =	vld [tilespmem:s30+$0x3D0]  }
0x81: {  	[tilespmem:$0x1FCE0] =	vst v62;
	v62 =	vld [tilespmem:s30+$0x680]  }
0x82: {  	v63 =	vld [tilespmem:s30+$0x3F0]  }
0x83: {  	v3 =	vadd.f32 v3, v21;
	v21 =	vld [tilespmem:s30+$0x8A0]  }
0x84: {  	v4 =	vadd.f32 v4, v24;
	v24 =	vld [tilespmem:s30+$0x8B0]  }
0x85: {  	v5 =	vadd.f32 v5, v25;
	v25 =	vld [tilespmem:s30+$0x8C0]  }
0x86: {  	[tilespmem:$0x1FCF0] =	vst v62;
	v62 =	vld [tilespmem:s30+$0x690]  }
0x87: {  	v6 =	vadd.f32 v6, v28;
	v28 =	vld [tilespmem:s30+$0x8D0]  }
0x88: {  	v7 =	vadd.f32 v7, v29;
	v29 =	vld [tilespmem:s30+$0x8E0]  }
0x89: {  	v0 =	vadd.f32 v0, v16;
	v16 =	vld [tilespmem:s30+$0x910]  }
0x8a: {  	v1 =	vadd.f32 v1, v17;
	v17 =	vld [tilespmem:s30+$0x920]  }
0x8b: {  	[tilespmem:$0x1FD00] =	vst v62;
	v62 =	vld [tilespmem:s30+$0x6A0]  }
0x8c: {  	v2 =	vadd.f32 v2, v20;
	v20 =	vld [tilespmem:s30+$0x950]  }
0x8d: {  	v5 =	vadd.f32 v13, v5;
	v13 =	vld [tilespmem:s30+$0x8F0]  }
0x8e: {  	v7 =	vadd.f32 v15, v7;
	v15 =	vld [tilespmem:s30+$0x900]  }
0x8f: {  	v6 =	vadd.f32 v14, v6;
	v14 =	vld [tilespmem:s30+$0xA30]  }
0x90: {  	v0 =	vadd.f32 v8, v0;
	[tilespmem:$0x1FD10] =	vst v62;
	v62 =	vld [tilespmem:s30+$0x6B0]  }
0x91: {  	v1 =	vadd.f32 v9, v1;
	v8 =	vld [tilespmem:s30+$0xA40]  }
0x92: {  	v2 =	vadd.f32 v10, v2;
	v0 =	vadd.f32 v18, v0;
	v18 =	vld [tilespmem:s30+$0x930]  }
0x93: {  	v1 =	vadd.f32 v19, v1;
	v19 =	vld [tilespmem:s30+$0x940]  }
0x94: {  	v3 =	vadd.f32 v11, v3;
	v2 =	vadd.f32 v22, v2;
	v22 =	vld [tilespmem:s30+$0x970]  }
0x95: {  	[tilespmem:$0x1FD20] =	vst v62;
	v62 =	vld [tilespmem:s30+$0x6C0]  }
0x96: {  	v3 =	vadd.f32 v23, v3;
	v23 =	vld [tilespmem:s30+$0x980]  }
0x97: {  	[tilespmem:$0x1FF00] =	vst v21;
	v21 =	vld [tilespmem:s30+$0x960]  }
0x98: {  	[tilespmem:$0x1FF10] =	vst v24;
	v24 =	vld [tilespmem:s30+$0x990]  }
0x99: {  	[tilespmem:$0x1FF40] =	vst v29;
	v29 =	vld [tilespmem:s30+$0xA00]  }
0x9a: {  	[tilespmem:$0x1FD30] =	vst v62;
	v62 =	vld [tilespmem:s30+$0x6D0]  }
0x9b: {  	[tilespmem:$0x1FFB0] =	vst v20;
	v20 =	vld [tilespmem:s30+$0xA20]  }
0x9c: {  	v6 =	vadd.f32 v30, v6;
	v2 =	vadd.f32 v56, v2;
	v56 =	vld [tilespmem:s30+$0x9A0]  }
0x9d: {  	v0 =	vadd.f32 v53, v0;
	v53 =	vld [tilespmem:s30+$0x9B0]  }
0x9e: {  	v6 =	vadd.f32 v48, v6;
	v48 =	vld [tilespmem:s30+$0x9C0]  }
0x9f: {  	v4 =	vadd.f32 v12, v4;
	[tilespmem:$0x1FD40] =	vst v62;
	v62 =	vld [tilespmem:s30+$0x6E0]  }
0xa0: {  	v7 =	vadd.f32 v31, v7;
	v1 =	vadd.f32 v32, v1;
	v32 =	vld [tilespmem:s30+$0x9F0]  }
0xa1: {  	v3 =	vadd.f32 v33, v3;
	v33 =	vld [tilespmem:$0x1FA60]  }
0xa2: {  	v4 =	vadd.f32 v26, v4;
	v7 =	vadd.f32 v35, v7;
	v35 =	vld [tilespmem:$0x1FA70]  }
0xa3: {  	v5 =	vadd.f32 v27, v5;
	v0 =	vadd.f32 v44, v0;
	v44 =	vld [tilespmem:s30+$0x9D0]  }
0xa4: {  	v4 =	vadd.f32 v61, v4;
	[tilespmem:$0x1FD50] =	vst v62;
	v62 =	vld [tilespmem:s30+$0x6F0]  }
0xa5: {  	v5 =	vadd.f32 v34, v5;
	v2 =	vadd.f32 v38, v2;
	v38 =	vld [tilespmem:s30+$0x9E0]  }
0xa6: {  	v1 =	vadd.f32 v36, v1;
	v4 =	vadd.f32 v39, v4;
	[tilespmem:$0x1FFE0] =	vst v23;
	v23 =	vld [tilespmem:s30+$0xA10]  }
0xa7: {  	[tilespmem:$0x1FF20] =	vst v25;
	v5 =	vadd.f32 v40, v5;
	v25 =	vadd.f32 v47, v2;
	v2 =	vld [tilespmem:s30+$0xCE0]  }
0xa8: {  	v6 =	vadd.f32 v41, v6;
	v4 =	vadd.f32 v49, v4;
	v36 =	vld [tilespmem:$0x1FA80]  }
0xa9: {  	v3 =	vadd.f32 v37, v3;
	v5 =	vadd.f32 v50, v5;
	[tilespmem:$0x1FD60] =	vst v62;
	v62 =	vld [tilespmem:s30+$0x700]  }
0xaa: {  	v6 =	vadd.f32 v52, v6;
	v30 =	vadd.f32 v60, v4;
	v4 =	vld [tilespmem:s30+$0xA50]  }
0xab: {  	v3 =	vadd.f32 v46, v3;
	v31 =	vadd.f32 v59, v5;
	v5 =	vld [tilespmem:s30+$0xA60]  }
0xac: {  	v34 =	vadd.f32 v33, v6;
	v6 =	vld [tilespmem:s30+$0xA70]  }
0xad: {  	[tilespmem:$0x1FF30] =	vst v28;
	v28 =	vadd.f32 v57, v3;
	v3 =	vld [tilespmem:s30+$0xCD0]  }
0xae: {  	v1 =	vadd.f32 v43, v1;
	[tilespmem:$0x1FD70] =	vst v62;
	v62 =	vld [tilespmem:s30+$0x710]  }
0xaf: {  	v0 =	vadd.f32 v45, v0;
	v37 =	vld [tilespmem:$0x1FA90]  }
0xb0: {  	v27 =	vadd.f32 v55, v1;
	v1 =	vld [tilespmem:s30+$0xCF0]  }
0xb1: {  	v26 =	vadd.f32 v54, v0;
	v0 =	vld [tilespmem:s30+$0xD00]  }
0xb2: {  	v9 =	vadd.f32 v58, v25;
	v40 =	vld [tilespmem:$0x1FAA0]  }
0xb3: {  	[tilespmem:$0x1FD80] =	vst v62;
	v62 =	vld [tilespmem:s30+$0x720]  }
0xb4: {  	v39 =	vadd.f32 v37, v9;
	v9 =	vld [tilespmem:s30+$0xA90]  }
0xb5: {  	v7 =	vadd.f32 v42, v7;
	v41 =	vld [tilespmem:$0x1FAB0]  }
0xb6: {  	v45 =	vld [tilespmem:$0x1FAE0]  }
0xb7: {  	v7 =	vadd.f32 v51, v7;
	v42 =	vld [tilespmem:$0x1FAC0]  }
0xb8: {  	[tilespmem:$0x1FD90] =	vst v62;
	v62 =	vld [tilespmem:s30+$0x730]  }
0xb9: {  	v7 =	vadd.f32 v63, v7;
	v47 =	vld [tilespmem:$0x1FAF0]  }
0xba: {  	v43 =	vld [tilespmem:$0x1FAD0]  }
0xbb: {  	v46 =	vadd.f32 v45, v7;
	v7 =	vld [tilespmem:s30+$0xA80]  }
0xbc: {  	v10 =	vadd.f32 v35, v26;
	v50 =	vld [tilespmem:$0x1FB00]  }
0xbd: {  	[tilespmem:$0x1FDA0] =	vst v62;
	v62 =	vld [tilespmem:s30+$0x740]  }
0xbe: {  	v49 =	vadd.f32 v47, v10;
	v10 =	vld [tilespmem:s30+$0xAA0]  }
0xbf: {  	v11 =	vadd.f32 v36, v27;
	v52 =	vld [tilespmem:$0x1FB10]  }
0xc0: {  	v54 =	vld [tilespmem:$0x1FB20]  }
0xc1: {  	v51 =	vadd.f32 v50, v11;
	v11 =	vld [tilespmem:s30+$0xAB0]  }
0xc2: {  	[tilespmem:$0x1FDB0] =	vst v62;
	v62 =	vld [tilespmem:s30+$0x750]  }
0xc3: {  	v12 =	vadd.f32 v40, v28;
	v57 =	vld [tilespmem:$0x1FB30]  }
0xc4: {  	v59 =	vld [tilespmem:$0x1FB40]  }
0xc5: {  	[tilespmem:$0x1FF50] =	vst v13;
	v55 =	vadd.f32 v54, v12;
	v12 =	vld [tilespmem:s30+$0xAC0]  }
0xc6: {  	[tilespmem:$0x1FF60] =	vst v15;
	v13 =	vadd.f32 v41, v30;
	v61 =	vld [tilespmem:$0x1FB50]  }
0xc7: {  	v15 =	vadd.f32 v42, v31;
	[tilespmem:$0x1FDC0] =	vst v62;
	v62 =	vld [tilespmem:s30+$0x760]  }
0xc8: {  	v58 =	vadd.f32 v57, v13;
	v13 =	vld [tilespmem:s30+$0xAD0]  }
0xc9: {  	[tilespmem:$0x1FF70] =	vst v16;
	v16 =	vadd.f32 v43, v34;
	v60 =	vadd.f32 v59, v15;
	v15 =	vld [tilespmem:s30+$0xAE0]  }
0xca: {  	v27 =	vld [tilespmem:$0x1FB60]  }
0xcb: {  	v63 =	vadd.f32 v61, v16;
	v16 =	vld [tilespmem:s30+$0xAF0]  }
0xcc: {  	[tilespmem:$0x1FDD0] =	vst v62;
	v62 =	vld [tilespmem:s30+$0x770]  }
0xcd: {  	v31 =	vld [tilespmem:$0x1FB90]  }
0xce: {  	v28 =	vld [tilespmem:$0x1FB70]  }
0xcf: {  	v30 =	vld [tilespmem:$0x1FB80]  }
0xd0: {  	[tilespmem:$0x1FF80] =	vst v17;
	v17 =	vadd.f32 v52, v39;
	v34 =	vld [tilespmem:$0x1FBA0]  }
0xd1: {  	[tilespmem:$0x1FDE0] =	vst v62;
	v62 =	vld [tilespmem:s30+$0x780]  }
0xd2: {  	v33 =	vadd.f32 v31, v17;
	v17 =	vld [tilespmem:s30+$0xB00]  }
0xd3: {  	v31 =	vld [tilespmem:s30+$0xB30]  }
0xd4: {  	v35 =	vld [tilespmem:$0x1FBB0]  }
0xd5: {  	[tilespmem:$0x1FFD0] =	vst v22;
	v22 =	vadd.f32 v34, v55;
	v34 =	vld [tilespmem:s30+$0xB50]  }
0xd6: {  	[tilespmem:$0x1FDF0] =	vst v62;
	v62 =	vld [tilespmem:s30+$0x790]  }
0xd7: {  	v36 =	vld [tilespmem:$0x1FBC0]  }
0xd8: {  	v37 =	vld [tilespmem:$0x1FBD0]  }
0xd9: {  	[tilespmem:$0x1FFF0] =	vst v24;
	v24 =	vadd.f32 v35, v58;
	v35 =	vld [tilespmem:s30+$0xB60]  }
0xda: {  	v39 =	vld [tilespmem:$0x1FBE0]  }
0xdb: {  	[tilespmem:$0x1FE00] =	vst v62;
	v62 =	vld [tilespmem:s30+$0x7A0]  }
0xdc: {  	v25 =	vadd.f32 v36, v60;
	v36 =	vld [tilespmem:s30+$0xB70]  }
0xdd: {  	[tilespmem:$0x1FF90] =	vst v18;
	v18 =	vadd.f32 v27, v46;
	v26 =	vadd.f32 v37, v63;
	v37 =	vld [tilespmem:s30+$0xB80]  }
0xde: {  	v41 =	vld [tilespmem:$0x1FBF0]  }
0xdf: {  	v40 =	vadd.f32 v39, v18;
	v18 =	vld [tilespmem:s30+$0xB10]  }
0xe0: {  	[tilespmem:$0x1FE10] =	vst v62;
	v62 =	vld [tilespmem:s30+$0x7B0]  }
0xe1: {  	[tilespmem:$0x1FFA0] =	vst v19;
	v19 =	vadd.f32 v28, v49;
	v45 =	vld [tilespmem:$0x1FC10]  }
0xe2: {  	v43 =	vld [tilespmem:$0x1FC00]  }
0xe3: {  	v42 =	vadd.f32 v41, v19;
	v19 =	vld [tilespmem:s30+$0xB20]  }
0xe4: {  	v46 =	vld [tilespmem:$0x1FC20]  }
0xe5: {  	[tilespmem:$0x1FE20] =	vst v62;
	v62 =	vld [tilespmem:s30+$0x7C0]  }
0xe6: {  	v27 =	vadd.f32 v45, v33;
	v33 =	vld [tilespmem:s30+$0xB40]  }
0xe7: {  	v47 =	vld [tilespmem:$0x1FC30]  }
0xe8: {  	v49 =	vld [tilespmem:$0x1FC40]  }
0xe9: {  	v50 =	vld [tilespmem:$0x1FC50]  }
0xea: {  	[tilespmem:$0x1FE30] =	vst v62;
	v62 =	vld [tilespmem:s30+$0x7D0]  }
0xeb: {  	[tilespmem:$0x1FFC0] =	vst v21;
	v21 =	vadd.f32 v30, v51;
	v51 =	vld [tilespmem:$0x1FC60]  }
0xec: {  	v52 =	vld [tilespmem:$0x1FC70]  }
0xed: {  	v54 =	vld [tilespmem:$0x1FC80]  }
0xee: {  	v55 =	vld [tilespmem:$0x1FC90]  }
0xef: {  	[tilespmem:$0x1FE40] =	vst v62;
	v62 =	vld [tilespmem:s30+$0x7E0]  }
0xf0: {  	v57 =	vld [tilespmem:$0x1FCA0]  }
0xf1: {  	v58 =	vld [tilespmem:$0x1FCB0]  }
0xf2: {  	v59 =	vld [tilespmem:$0x1FCC0]  }
0xf3: {  	v60 =	vld [tilespmem:$0x1FCD0]  }
0xf4: {  	[tilespmem:$0x1FE50] =	vst v62;
	v62 =	vld [tilespmem:s30+$0x7F0]  }
0xf5: {  	v39 =	vld [tilespmem:$0x1FD00]  }
0xf6: {  	v21 =	vadd.f32 v43, v21;
	v61 =	vld [tilespmem:$0x1FCE0]  }
0xf7: {  	v28 =	vadd.f32 v51, v40;
	v40 =	vld [tilespmem:$0x1FD10]  }
0xf8: {  	v21 =	vadd.f32 v54, v21;
	v63 =	vld [tilespmem:$0x1FCF0]  }
0xf9: {  	[tilespmem:$0x1FE60] =	vst v62;
	v62 =	vld [tilespmem:s30+$0x800]  }
0xfa: {  	v27 =	vadd.f32 v55, v27;
	v21 =	vadd.f32 v39, v21;
	v39 =	vld [tilespmem:s30+$0xB90]  }
0xfb: {  	v41 =	vld [tilespmem:$0x1FD20]  }
0xfc: {  	v22 =	vadd.f32 v46, v22;
	v27 =	vadd.f32 v40, v27;
	v40 =	vld [tilespmem:s30+$0xBA0]  }
0xfd: {  	v30 =	vadd.f32 v52, v42;
	v42 =	vld [tilespmem:$0x1FD30]  }
0xfe: {  	v24 =	vadd.f32 v47, v24;
	v22 =	vadd.f32 v57, v22;
	[tilespmem:$0x1FE70] =	vst v62;
	v62 =	vld [tilespmem:s30+$0x810]  }
0xff: {  	v25 =	vadd.f32 v49, v25;
	v43 =	vld [tilespmem:$0x1FD40]  }
0x100: {  	v24 =	vadd.f32 v58, v24;
	v22 =	vadd.f32 v41, v22;
	v41 =	vld [tilespmem:s30+$0xBB0]  }
0x101: {  	v26 =	vadd.f32 v50, v26;
	v45 =	vld [tilespmem:$0x1FD50]  }
0x102: {  	v25 =	vadd.f32 v59, v25;
	v24 =	vadd.f32 v42, v24;
	v42 =	vld [tilespmem:s30+$0xBC0]  }
0x103: {  	[tilespmem:$0x1FE80] =	vst v62;
	v62 =	vld [tilespmem:s30+$0x820]  }
0x104: {  	v26 =	vadd.f32 v60, v26;
	v25 =	vadd.f32 v43, v25;
	v43 =	vld [tilespmem:s30+$0xBD0]  }
0x105: {  	v46 =	vld [tilespmem:$0x1FD60]  }
0x106: {  	v26 =	vadd.f32 v45, v26;
	v45 =	vld [tilespmem:s30+$0xBE0]  }
0x107: {  	v47 =	vld [tilespmem:$0x1FD70]  }
0x108: {  	v28 =	vadd.f32 v61, v28;
	[tilespmem:$0x1FE90] =	vst v62;
	v62 =	vld [tilespmem:s30+$0x830]  }
0x109: {  	v49 =	vld [tilespmem:$0x1FD80]  }
0x10a: {  	v30 =	vadd.f32 v63, v30;
	v28 =	vadd.f32 v46, v28;
	v46 =	vld [tilespmem:s30+$0xBF0]  }
0x10b: {  	v50 =	vld [tilespmem:$0x1FD90]  }
0x10c: {  	v30 =	vadd.f32 v47, v30;
	v47 =	vld [tilespmem:s30+$0xC00]  }
0x10d: {  	[tilespmem:$0x1FEA0] =	vst v62;
	v62 =	vld [tilespmem:s30+$0x840]  }
0x10e: {  	v21 =	vadd.f32 v49, v21;
	v49 =	vld [tilespmem:s30+$0xC10]  }
0x10f: {  	v51 =	vld [tilespmem:$0x1FDA0]  }
0x110: {  	v27 =	vadd.f32 v50, v27;
	v50 =	vld [tilespmem:s30+$0xC20]  }
0x111: {  	v52 =	vld [tilespmem:$0x1FDB0]  }
0x112: {  	[tilespmem:$0x1FEB0] =	vst v62;
	v62 =	vld [tilespmem:s30+$0x850]  }
0x113: {  	v54 =	vld [tilespmem:$0x1FDC0]  }
0x114: {  	v55 =	vld [tilespmem:$0x1FDD0]  }
0x115: {  	v61 =	vld [tilespmem:$0x1FE20]  }
0x116: {  	v59 =	vld [tilespmem:$0x1FE00]  }
0x117: {  	[tilespmem:$0x1FEC0] =	vst v62;
	v62 =	vld [tilespmem:s30+$0x860]  }
0x118: {  	v22 =	vadd.f32 v51, v22;
	v51 =	vld [tilespmem:$0x1FE40]  }
0x119: {  	v57 =	vld [tilespmem:$0x1FDE0]  }
0x11a: {  	v22 =	vadd.f32 v61, v22;
	v61 =	vld [tilespmem:$0x1FEC0]  }
0x11b: {  	v25 =	vadd.f32 v54, v25;
	v63 =	vld [tilespmem:$0x1FE30]  }
0x11c: {  	[tilespmem:$0x1FED0] =	vst v62;
	v62 =	vld [tilespmem:s30+$0x870]  }
0x11d: {  	v21 =	vadd.f32 v59, v21;
	v25 =	vadd.f32 v51, v25;
	v59 =	vld [tilespmem:$0x1FEA0]  }
0x11e: {  	v58 =	vld [tilespmem:$0x1FDF0]  }
0x11f: {  	v25 =	vadd.f32 v61, v25;
	v61 =	vld [tilespmem:$0x1FF10]  }
0x120: {  	v24 =	vadd.f32 v52, v24;
	v52 =	vld [tilespmem:$0x1FE50]  }
0x121: {  	[tilespmem:$0x1FEE0] =	vst v62;
	v62 =	vld [tilespmem:s30+$0x880]  }
0x122: {  	v24 =	vadd.f32 v63, v24;
	v22 =	vadd.f32 v59, v22;
	v63 =	vld [tilespmem:$0x1FED0]  }
0x123: {  	v26 =	vadd.f32 v55, v26;
	v60 =	vld [tilespmem:$0x1FE10]  }
0x124: {  	v22 =	vadd.f32 v61, v22;
	v61 =	vld [tilespmem:$0x1FF40]  }
0x125: {  	v26 =	vadd.f32 v52, v26;
	v55 =	vld [tilespmem:$0x1FE70]  }
0x126: {  	v51 =	vld [tilespmem:s30+$0xC30];
	[tilespmem:$0x1FEF0] =	vst v62  }
0x127: {  	v26 =	vadd.f32 v63, v26;
	v59 =	vld [tilespmem:$0x1FEF0]  }
0x128: {  	v30 =	vadd.f32 v58, v30;
	v54 =	vld [tilespmem:$0x1FE60]  }
0x129: {  	v26 =	vadd.f32 v61, v26;
	v61 =	vld [tilespmem:$0x1FF60]  }
0x12a: {  	v28 =	vadd.f32 v57, v28;
	v30 =	vadd.f32 v55, v30;
	v57 =	vld [tilespmem:$0x1FE80]  }
0x12b: {  	v27 =	vadd.f32 v60, v27;
	v60 =	vld [tilespmem:$0x1FEB0]  }
0x12c: {  	v62 =	vld [tilespmem:s30+$0x890];
	v30 =	vadd.f32 v59, v30  }
0x12d: {  	v52 =	vld [tilespmem:s30+$0xC40]  }
0x12e: {  	v30 =	vadd.f32 v61, v30;
	v61 =	vld [tilespmem:$0x1FF70]  }
0x12f: {  	v21 =	vadd.f32 v57, v21;
	v58 =	vld [tilespmem:$0x1FE90]  }
0x130: {  	v28 =	vadd.f32 v54, v28;
	v54 =	vld [tilespmem:s30+$0xC50]  }
0x131: {  	v24 =	vadd.f32 v60, v24;
	v60 =	vld [tilespmem:$0x1FF00];
	v21 =	vadd.f32 v62, v21  }
0x132: {  	v55 =	vld [tilespmem:s30+$0xC60]  }
0x133: {  	v21 =	vadd.f32 v61, v21;
	v61 =	vld [tilespmem:$0x1FF80]  }
0x134: {  	v27 =	vadd.f32 v58, v27;
	v63 =	vld [tilespmem:$0x1FF30]  }
0x135: {  	v57 =	vld [tilespmem:s30+$0xC70]  }
0x136: {  	v27 =	vadd.f32 v60, v27;
	v58 =	vld [tilespmem:$0x1FEE0]  }
0x137: {  	v60 =	vld [tilespmem:s30+$0xCA0]  }
0x138: {  	v27 =	vadd.f32 v61, v27;
	v61 =	vld [tilespmem:$0x1FF90]  }
0x139: {  	v25 =	vadd.f32 v63, v25;
	v63 =	vld [tilespmem:$0x1FF50]  }
0x13a: {  	v62 =	vld [tilespmem:$0x1FF20]  }
0x13b: {  	v28 =	vadd.f32 v58, v28;
	v58 =	vld [tilespmem:s30+$0xC80]  }
0x13c: {  	v59 =	vld [tilespmem:s30+$0xC90]  }
0x13d: {  	v27 =	vadd.f32 v56, v27;
	v22 =	vadd.f32 v61, v22;
	v61 =	vld [tilespmem:$0x1FFA0]  }
0x13e: {  	v28 =	vadd.f32 v63, v28;
	v63 =	vld [tilespmem:s30+$0xCC0]  }
0x13f: {  	v24 =	vadd.f32 v62, v24;
	v62 =	vld [tilespmem:s30+$0xCB0];
	v20 =	vadd.f32 v20, v27  }
0x140: {  	v56 =	vld [tilespmem:s30+$0xE70];
	v22 =	vadd.f32 v53, v22  }
0x141: {  	v27 =	vld [tilespmem:s30+$0xE40];
	v10 =	vadd.f32 v10, v20  }
0x142: {  	v14 =	vadd.f32 v14, v22;
	v24 =	vadd.f32 v61, v24;
	v61 =	vld [tilespmem:$0x1FFB0]  }
0x143: {  	v20 =	vld [tilespmem:s30+$0xE20]  }
0x144: {  	v53 =	vld [tilespmem:s30+$0xD20];
	v10 =	vadd.f32 v19, v10;
	v11 =	vadd.f32 v11, v14  }
0x145: {  	v19 =	vld [tilespmem:s30+$0xE10];
	v24 =	vadd.f32 v48, v24  }
0x146: {  	v22 =	vld [tilespmem:s30+$0xD60];
	v10 =	vadd.f32 v40, v10;
	v11 =	vadd.f32 v31, v11  }
0x147: {  	v8 =	vadd.f32 v8, v24;
	v25 =	vadd.f32 v61, v25;
	v61 =	vld [tilespmem:$0x1FFC0]  }
0x148: {  	v40 =	vld [tilespmem:s30+$0xED0];
	v10 =	vadd.f32 v50, v10  }
0x149: {  	v14 =	vld [tilespmem:s30+$0xDA0];
	v11 =	vadd.f32 v41, v11;
	v8 =	vadd.f32 v12, v8  }
0x14a: {  	v48 =	vld [tilespmem:s30+$0xDD0];
	v10 =	vadd.f32 v60, v10;
	v25 =	vadd.f32 v44, v25  }
0x14b: {  	v44 =	vld [tilespmem:s30+$0xD30];
	v11 =	vadd.f32 v51, v11;
	v8 =	vadd.f32 v33, v8  }
0x14c: {  	v4 =	vadd.f32 v4, v25;
	v26 =	vadd.f32 v61, v26;
	v61 =	vld [tilespmem:$0x1FFD0]  }
0x14d: {  	v50 =	vld [tilespmem:s30+$0xF50];
	v41 =	vadd.f32 v53, v10;
	v8 =	vadd.f32 v42, v8  }
0x14e: {  	v24 =	vld [tilespmem:s30+$0xD70];
	v11 =	vadd.f32 v62, v11;
	v4 =	vadd.f32 v13, v4  }
0x14f: {  	v12 =	vld [tilespmem:s30+$0xDB0];
	v26 =	vadd.f32 v38, v26;
	v8 =	vadd.f32 v52, v8  }
0x150: {  	v60 =	vld [tilespmem:s30+$0xFF0];
	v42 =	vadd.f32 v44, v11;
	v4 =	vadd.f32 v34, v4  }
0x151: {  	v5 =	vadd.f32 v5, v26;
	v28 =	vadd.f32 v61, v28;
	v61 =	vld [tilespmem:$0x1FFE0]  }
0x152: {  	v26 =	vld [tilespmem:s30+$0xE30];
	v8 =	vadd.f32 v63, v8;
	v4 =	vadd.f32 v43, v4  }
0x153: {  	v53 =	vld [tilespmem:s30+$0xF80];
	v5 =	vadd.f32 v15, v5;
	v28 =	vadd.f32 v32, v28  }
0x154: {  	v10 =	vadd.f32 v12, v42;
	v32 =	vld [tilespmem:s30+$0xD40];
	v4 =	vadd.f32 v54, v4  }
0x155: {  	v51 =	vld [tilespmem:s30+$0xF60];
	v5 =	vadd.f32 v35, v5;
	v6 =	vadd.f32 v6, v28  }
0x156: {  	v13 =	vld [tilespmem:s30+$0xDC0];
	v3 =	vadd.f32 v3, v4;
	v30 =	vadd.f32 v61, v30  }
0x157: {  	v10 =	vadd.f32 v26, v10;
	v61 =	vld [tilespmem:$0x1FFF0];
	v5 =	vadd.f32 v45, v5  }
0x158: {  	v25 =	vld [tilespmem:s30+$0xD80];
	v6 =	vadd.f32 v16, v6;
	v29 =	vadd.f32 v29, v30  }
0x159: {  	v38 =	vld [tilespmem:s30+$0xEC0];
	v5 =	vadd.f32 v55, v5;
	v8 =	vadd.f32 v32, v8  }
0x15a: {  	v44 =	vld [tilespmem:s30+$0xEF0];
	v6 =	vadd.f32 v36, v6;
	v7 =	vadd.f32 v7, v29  }
0x15b: {  	v16 =	vld [tilespmem:s30+$0xDE0];
	v2 =	vadd.f32 v2, v5;
	v8 =	vadd.f32 v13, v8  }
0x15c: {  	v52 =	vld [tilespmem:s30+$0xF70];
	v21 =	vadd.f32 v61, v21;
	v6 =	vadd.f32 v46, v6  }
0x15d: {  	v29 =	vld [tilespmem:s30+$0xE60];
	v7 =	vadd.f32 v17, v7;
	v2 =	vadd.f32 v22, v2  }
0x15e: {  	v43 =	vld [tilespmem:s30+$0xEE0];
	v8 =	vadd.f32 v27, v8;
	v21 =	vadd.f32 v23, v21  }
0x15f: {  	v23 =	vld [tilespmem:s30+$0xD50];
	v6 =	vadd.f32 v57, v6;
	v7 =	vadd.f32 v37, v7  }
0x160: {  	v17 =	vld [tilespmem:s30+$0xDF0];
	v2 =	vadd.f32 v16, v2;
	v5 =	vadd.f32 v38, v8  }
0x161: {  	v37 =	vld [tilespmem:s30+$0xEB0];
	v9 =	vadd.f32 v9, v21;
	v1 =	vadd.f32 v1, v6  }
0x162: {  	v28 =	vld [tilespmem:s30+$0xE50];
	v7 =	vadd.f32 v47, v7;
	v2 =	vadd.f32 v29, v2  }
0x163: {  	v45 =	vld [tilespmem:s30+$0xF00];
	v9 =	vadd.f32 v18, v9;
	v1 =	vadd.f32 v24, v1  }
0x164: {  	v36 =	vld [tilespmem:s30+$0xEA0];
	v7 =	vadd.f32 v58, v7;
	v3 =	vadd.f32 v23, v3  }
0x165: {  	v61 =	vld [tilespmem:s30+$0xD10];
	v2 =	vadd.f32 v43, v2;
	v9 =	vadd.f32 v39, v9  }
0x166: {  	v18 =	vld [tilespmem:s30+$0xE00];
	v1 =	vadd.f32 v17, v1;
	v4 =	vadd.f32 v37, v10  }
0x167: {  	v57 =	vld [tilespmem:s30+$0xE80];
	v0 =	vadd.f32 v0, v7;
	v3 =	vadd.f32 v48, v3  }
0x168: {  	v48 =	vld [tilespmem:s30+$0xF30];
	v9 =	vadd.f32 v49, v9;
	v1 =	vadd.f32 v56, v1  }
0x169: {  	v49 =	vld [tilespmem:s30+$0xF40];
	v0 =	vadd.f32 v25, v0;
	v3 =	vadd.f32 v28, v3  }
0x16a: {  	v21 =	vld [tilespmem:s30+$0xD90];
	v9 =	vadd.f32 v59, v9;
	v1 =	vadd.f32 v44, v1  }
0x16b: {  	v56 =	vld [tilespmem:s30+$0xFB0];
	v0 =	vadd.f32 v18, v0;
	v3 =	vadd.f32 v40, v3  }
0x16c: {  	v46 =	vld [tilespmem:s30+$0xF10];
	v39 =	vadd.f32 v61, v9;
	v9 =	vadd.f32 v14, v41  }
0x16d: {  	v47 =	vld [tilespmem:s30+$0xF20];
	v4 =	vadd.f32 v48, v4;
	v1 =	vadd.f32 v52, v1  }
0x16e: {  	v59 =	vld [tilespmem:s30+$0xE90];
	v0 =	vadd.f32 v57, v0;
	v5 =	vadd.f32 v49, v5  }
0x16f: {  	v57 =	vld [tilespmem:s30+$0xFC0];
	v61 =	vadd.f32 v50, v3;
	v6 =	vadd.f32 v21, v39  }
0x170: {  	v58 =	vld [tilespmem:s30+$0xFD0];
	v9 =	vadd.f32 v20, v9;
	v62 =	vadd.f32 v56, v4  }
0x171: {  	s31 =	sshll.u32 s29, $0x8;
	v55 =	vld [tilespmem:s30+$0xFA0];
	v0 =	vadd.f32 v45, v0;
	v6 =	vadd.f32 v19, v6  }
0x172: {  	s31 =	sand.u32 $0x3FFFFF00, s31;
	v54 =	vld [tilespmem:s30+$0xF90];
	v1 =	vadd.f32 v60, v1;
	v9 =	vadd.f32 v36, v9  }
0x173: {  	v0 =	vadd.f32 v53, v0;
	v6 =	vadd.f32 v59, v6;
	v59 =	vld [tilespmem:s30+$0xFE0];
	[tilespmem:s31+$0xA030] =	vst v62  }
0x174: {  	v9 =	vadd.f32 v47, v9;
	v63 =	vadd.f32 v57, v5;
	[tilespmem:s31+$0xA070] =	vst v1  }
0x175: {  	p0 =	sne.s32 s29, $0x4;
	[tilespmem:s31+$0xA000] =	vst v0;
	v0 =	vadd.f32 v58, v61;
	v6 =	vadd.f32 v46, v6  }
.Ltmp0:
0x176: {  	v2 =	vadd.f32 v51, v2;
	v9 =	vadd.f32 v55, v9;
	[tilespmem:s31+$0xA040] =	vst v63;
	(pc) =	sbr.rel @p0 .LBB2_3-.Ltmp0, $4  }
0x177: {  	[tilespmem:s31+$0xA050] =	vst v0;
	v6 =	vadd.f32 v54, v6  }
0x178: {  	[tilespmem:s31+$0xA020] =	vst v9;
	v2 =	vadd.f32 v59, v2  }
0x179: {  	[tilespmem:s31+$0xA010] =	vst v6  }
0x17a: {  	s29 =	sadd.s32 $0x1, s29;
	[tilespmem:s31+$0xA060] =	vst v2  }
0x17b: {  	s28 =	sshll.u32 s28, $0x4  }
0x17c: {  	s28 =	sadd.s32 s5, s28  }
0x17d: {  	[hbm4b:s28+s3] =	stream.linear.scatter [tilespmem:s12], [sflag:$0x2], $0x80, $0x38;
	[tilespmem:$0xA500] =	vst v63  }
0x17e: {  	s29 =	sadd.s32 $0x10, s28  }
0x17f: {  	[hbm4b:s29+s3] =	stream.linear.scatter [tilespmem:s13], [sflag:$0x2], $0x80, $0x38;
	[tilespmem:$0xA500] =	vst v63  }
0x180: {  	s30 =	sadd.s32 $0x20, s28  }
0x181: {  	[hbm4b:s30+s3] =	stream.linear.scatter [tilespmem:s14], [sflag:$0x2], $0x80, $0x38;
	[tilespmem:$0xA500] =	vst v63  }
0x182: {  	p0 =	seq.s32 s24, $0x4;
	s31 =	sadd.s32 $0x30, s28  }
0x183: {  	[hbm4b:s31+s3] =	stream.linear.scatter [tilespmem:s15], [sflag:$0x2], $0x80, $0x38;
	[tilespmem:$0xA500] =	vst v63  }
0x184: {  	s26 =	sadd.s32 @!p0 s26, s8;
	s28 =	sadd.s32 $0x40, s28  }
0x185: {  	[hbm4b:s28+s3] =	stream.linear.scatter [tilespmem:s16], [sflag:$0x2], $0x80, $0x38;
	[tilespmem:$0xA500] =	vst v63  }
0x186: {  	s26 =	sshll.u32 @!p0 s26, $0x9;
	_ =	swait.ge [sflag:s10], $0x5000  }
0x187: {  	p1 =	seq.s32 @!p0 s24, $0x0;
	s26 =	sand.u32 @!p0 $0x1FFFFC00, s26;
	[sflag:s10] =	ssyncset.done $0x0  }
0x188: {  	s26 =	sadd.s32 @!p0 s2, s26;
	s28 =	simm.s32 @!p0 $0x0;
	[sflag:s10] =	ssyncadd.s32 $0xFFFFB000  }
0x189: {  	[tilespmem:s28], [sflag:$0x1] =	stream.linear.gather @!p0 [hbm4b:s26+s28], $0x5000, $0x38;
	[tilespmem:$0xA500] =	vst v63  }
0x18a: {  	p0 =	por p0, !p1  }
0x18b: {  	_ =	swait.ge @p0 [sflag:s22], $0x280  }
0x18c: {  	[sflag:s22] =	ssyncset.done @p0 $0x0  }
0x18d: {  	s26 =	simm.s32 $0x0;
	[sflag:s22] =	ssyncadd.s32 @p0 $0xFFFFFD80  }
.LBB2_5:
0x18e: {  	s28 =	sshll.u32 s26, $0xC  }
0x18f: {  	s28 =	sand.u32 $0x3FFFF000, s28  }
0x190: {  	v62 =	vld [tilespmem:s28+$0x53E0];
	_ =	sdelay $0x4  }
0x191: {  	[tilespmem:$0x1F4C0] =	vst v62;
	v62 =	vld [tilespmem:s28+$0x5400];
	_ =	sdelay $0x4  }
0x192: {  	[tilespmem:$0x1F4D0] =	vst v62;
	v62 =	vld [tilespmem:s28+$0x5410];
	_ =	sdelay $0x4  }
0x193: {  	[tilespmem:$0x1F4E0] =	vst v62;
	v62 =	vld [tilespmem:s28+$0x5420];
	_ =	sdelay $0x4  }
0x194: {  	[tilespmem:$0x1F4F0] =	vst v62;
	v62 =	vld [tilespmem:s28+$0x5430];
	_ =	sdelay $0x4  }
0x195: {  	[tilespmem:$0x1F500] =	vst v62;
	v62 =	vld [tilespmem:s28+$0x5440];
	_ =	sdelay $0x4  }
0x196: {  	[tilespmem:$0x1F510] =	vst v62;
	v62 =	vld [tilespmem:s28+$0x5450];
	_ =	sdelay $0x4  }
0x197: {  	[tilespmem:$0x1F520] =	vst v62;
	v62 =	vld [tilespmem:s28+$0x5460];
	_ =	sdelay $0x4  }
0x198: {  	[tilespmem:$0x1F530] =	vst v62;
	v62 =	vld [tilespmem:s28+$0x5470];
	_ =	sdelay $0x4  }
0x199: {  	[tilespmem:$0x1F540] =	vst v62;
	v62 =	vld [tilespmem:s28+$0x5480];
	_ =	sdelay $0x4  }
0x19a: {  	[tilespmem:$0x1F550] =	vst v62;
	v62 =	vld [tilespmem:s28+$0x5490];
	_ =	sdelay $0x4  }
0x19b: {  	[tilespmem:$0x1F560] =	vst v62;
	v62 =	vld [tilespmem:s28+$0x54A0];
	_ =	sdelay $0x4  }
0x19c: {  	[tilespmem:$0x1F570] =	vst v62;
	v62 =	vld [tilespmem:s28+$0x54B0];
	_ =	sdelay $0x4  }
0x19d: {  	[tilespmem:$0x1F580] =	vst v62;
	v62 =	vld [tilespmem:s28+$0x54C0];
	_ =	sdelay $0x4  }
0x19e: {  	[tilespmem:$0x1F590] =	vst v62;
	v62 =	vld [tilespmem:s28+$0x54D0];
	_ =	sdelay $0x4  }
0x19f: {  	[tilespmem:$0x1F5A0] =	vst v62;
	v62 =	vld [tilespmem:s28+$0x54E0];
	_ =	sdelay $0x4  }
0x1a0: {  	[tilespmem:$0x1F5B0] =	vst v62;
	v62 =	vld [tilespmem:s28+$0x54F0];
	_ =	sdelay $0x4  }
0x1a1: {  	[tilespmem:$0x1F5C0] =	vst v62;
	v62 =	vld [tilespmem:s28+$0x5500];
	_ =	sdelay $0x4  }
0x1a2: {  	[tilespmem:$0x1F5D0] =	vst v62;
	v62 =	vld [tilespmem:s28+$0x5510];
	_ =	sdelay $0x4  }
0x1a3: {  	[tilespmem:$0x1F5E0] =	vst v62;
	v62 =	vld [tilespmem:s28+$0x5520];
	_ =	sdelay $0x4  }
0x1a4: {  	[tilespmem:$0x1F5F0] =	vst v62;
	v62 =	vld [tilespmem:s28+$0x5530];
	_ =	sdelay $0x4  }
0x1a5: {  	[tilespmem:$0x1F600] =	vst v62;
	v62 =	vld [tilespmem:s28+$0x5540];
	_ =	sdelay $0x4  }
0x1a6: {  	[tilespmem:$0x1F610] =	vst v62;
	v62 =	vld [tilespmem:s28+$0x5550];
	_ =	sdelay $0x4  }
0x1a7: {  	[tilespmem:$0x1F620] =	vst v62;
	v62 =	vld [tilespmem:s28+$0x5560];
	_ =	sdelay $0x4  }
0x1a8: {  	[tilespmem:$0x1F630] =	vst v62;
	v62 =	vld [tilespmem:s28+$0x5570];
	_ =	sdelay $0x4  }
0x1a9: {  	[tilespmem:$0x1F640] =	vst v62;
	v62 =	vld [tilespmem:s28+$0x5580];
	_ =	sdelay $0x2  }
0x1aa: {  	v16 =	vld [tilespmem:s28+$0x5000]  }
0x1ab: {  	v17 =	vld [tilespmem:s28+$0x5010]  }
0x1ac: {  	[tilespmem:$0x1F650] =	vst v62;
	v62 =	vld [tilespmem:s28+$0x5590]  }
0x1ad: {  	v20 =	vld [tilespmem:s28+$0x5020]  }
0x1ae: {  	v21 =	vld [tilespmem:s28+$0x5030]  }
0x1af: {  	v24 =	vld [tilespmem:s28+$0x5040]  }
0x1b0: {  	v25 =	vld [tilespmem:s28+$0x5050]  }
0x1b1: {  	[tilespmem:$0x1F660] =	vst v62;
	v62 =	vld [tilespmem:s28+$0x55A0]  }
0x1b2: {  	v28 =	vld [tilespmem:s28+$0x5060]  }
0x1b3: {  	v29 =	vld [tilespmem:s28+$0x5070]  }
0x1b4: {  	v0 =	vld [tilespmem:s28+$0x5080]  }
0x1b5: {  	v1 =	vld [tilespmem:s28+$0x5090]  }
0x1b6: {  	[tilespmem:$0x1F670] =	vst v62;
	v62 =	vld [tilespmem:s28+$0x55B0]  }
0x1b7: {  	v2 =	vld [tilespmem:s28+$0x50A0]  }
0x1b8: {  	v3 =	vld [tilespmem:s28+$0x50B0]  }
0x1b9: {  	v4 =	vld [tilespmem:s28+$0x50C0]  }
0x1ba: {  	v5 =	vld [tilespmem:s28+$0x50D0]  }
0x1bb: {  	[tilespmem:$0x1F680] =	vst v62;
	v62 =	vld [tilespmem:s28+$0x55C0]  }
0x1bc: {  	v6 =	vld [tilespmem:s28+$0x50E0]  }
0x1bd: {  	v7 =	vld [tilespmem:s28+$0x50F0]  }
0x1be: {  	v8 =	vld [tilespmem:s28+$0x5100]  }
0x1bf: {  	v9 =	vld [tilespmem:s28+$0x5110]  }
0x1c0: {  	[tilespmem:$0x1F690] =	vst v62;
	v62 =	vld [tilespmem:s28+$0x55D0]  }
0x1c1: {  	v10 =	vld [tilespmem:s28+$0x5120]  }
0x1c2: {  	v11 =	vld [tilespmem:s28+$0x5130]  }
0x1c3: {  	v12 =	vld [tilespmem:s28+$0x5140]  }
0x1c4: {  	v13 =	vld [tilespmem:s28+$0x5150]  }
0x1c5: {  	[tilespmem:$0x1F6A0] =	vst v62;
	v62 =	vld [tilespmem:s28+$0x55E0]  }
0x1c6: {  	v14 =	vld [tilespmem:s28+$0x5160]  }
0x1c7: {  	v15 =	vld [tilespmem:s28+$0x5170]  }
0x1c8: {  	v18 =	vld [tilespmem:s28+$0x5180]  }
0x1c9: {  	v19 =	vld [tilespmem:s28+$0x5190]  }
0x1ca: {  	[tilespmem:$0x1F6B0] =	vst v62;
	v62 =	vld [tilespmem:s28+$0x55F0]  }
0x1cb: {  	v22 =	vld [tilespmem:s28+$0x51A0]  }
0x1cc: {  	v23 =	vld [tilespmem:s28+$0x51B0]  }
0x1cd: {  	v26 =	vld [tilespmem:s28+$0x51C0]  }
0x1ce: {  	v27 =	vld [tilespmem:s28+$0x51D0]  }
0x1cf: {  	[tilespmem:$0x1F6C0] =	vst v62;
	v62 =	vld [tilespmem:s28+$0x5600]  }
0x1d0: {  	v30 =	vld [tilespmem:s28+$0x51E0]  }
0x1d1: {  	v31 =	vld [tilespmem:s28+$0x51F0]  }
0x1d2: {  	v53 =	vld [tilespmem:s28+$0x5200]  }
0x1d3: {  	v32 =	vld [tilespmem:s28+$0x5210]  }
0x1d4: {  	[tilespmem:$0x1F6D0] =	vst v62;
	v62 =	vld [tilespmem:s28+$0x5610]  }
0x1d5: {  	v56 =	vld [tilespmem:s28+$0x5220]  }
0x1d6: {  	v33 =	vld [tilespmem:s28+$0x5230]  }
0x1d7: {  	v61 =	vld [tilespmem:s28+$0x5240]  }
0x1d8: {  	v34 =	vld [tilespmem:s28+$0x5250]  }
0x1d9: {  	[tilespmem:$0x1F6E0] =	vst v62;
	v62 =	vld [tilespmem:s28+$0x5620]  }
0x1da: {  	v48 =	vld [tilespmem:s28+$0x5260]  }
0x1db: {  	v35 =	vld [tilespmem:s28+$0x5270]  }
0x1dc: {  	v44 =	vld [tilespmem:s28+$0x5280]  }
0x1dd: {  	v36 =	vld [tilespmem:s28+$0x5290]  }
0x1de: {  	[tilespmem:$0x1F6F0] =	vst v62;
	v62 =	vld [tilespmem:s28+$0x5630]  }
0x1df: {  	v38 =	vld [tilespmem:s28+$0x52A0]  }
0x1e0: {  	v37 =	vld [tilespmem:s28+$0x52B0]  }
0x1e1: {  	v39 =	vld [tilespmem:s28+$0x52C0]  }
0x1e2: {  	v40 =	vld [tilespmem:s28+$0x52D0]  }
0x1e3: {  	[tilespmem:$0x1F700] =	vst v62;
	v62 =	vld [tilespmem:s28+$0x5640]  }
0x1e4: {  	v41 =	vld [tilespmem:s28+$0x52E0]  }
0x1e5: {  	v42 =	vld [tilespmem:s28+$0x52F0]  }
0x1e6: {  	v45 =	vld [tilespmem:s28+$0x5300]  }
0x1e7: {  	v43 =	vld [tilespmem:s28+$0x5310]  }
0x1e8: {  	[tilespmem:$0x1F710] =	vst v62;
	v62 =	vld [tilespmem:s28+$0x5650]  }
0x1e9: {  	v47 =	vld [tilespmem:s28+$0x5320]  }
0x1ea: {  	v46 =	vld [tilespmem:s28+$0x5330]  }
0x1eb: {  	v49 =	vld [tilespmem:s28+$0x5340]  }
0x1ec: {  	v50 =	vld [tilespmem:s28+$0x5350]  }
0x1ed: {  	[tilespmem:$0x1F720] =	vst v62;
	v62 =	vld [tilespmem:s28+$0x5660]  }
0x1ee: {  	v52 =	vld [tilespmem:s28+$0x5360]  }
0x1ef: {  	v51 =	vld [tilespmem:s28+$0x5370]  }
0x1f0: {  	v54 =	vld [tilespmem:s28+$0x5380]  }
0x1f1: {  	v55 =	vld [tilespmem:s28+$0x5390]  }
0x1f2: {  	[tilespmem:$0x1F730] =	vst v62;
	v62 =	vld [tilespmem:s28+$0x5670]  }
0x1f3: {  	v58 =	vld [tilespmem:s28+$0x53A0]  }
0x1f4: {  	v57 =	vld [tilespmem:s28+$0x53B0]  }
0x1f5: {  	v60 =	vld [tilespmem:s28+$0x53C0]  }
0x1f6: {  	v59 =	vld [tilespmem:s28+$0x53D0]  }
0x1f7: {  	[tilespmem:$0x1F740] =	vst v62;
	v62 =	vld [tilespmem:s28+$0x5680]  }
0x1f8: {  	v63 =	vld [tilespmem:s28+$0x53F0]  }
0x1f9: {  	v3 =	vadd.f32 v3, v21;
	v21 =	vld [tilespmem:s28+$0x58A0]  }
0x1fa: {  	v4 =	vadd.f32 v4, v24;
	v24 =	vld [tilespmem:s28+$0x58B0]  }
0x1fb: {  	v5 =	vadd.f32 v5, v25;
	v25 =	vld [tilespmem:s28+$0x58C0]  }
0x1fc: {  	[tilespmem:$0x1F750] =	vst v62;
	v62 =	vld [tilespmem:s28+$0x5690]  }
0x1fd: {  	v6 =	vadd.f32 v6, v28;
	v28 =	vld [tilespmem:s28+$0x58D0]  }
0x1fe: {  	v7 =	vadd.f32 v7, v29;
	v29 =	vld [tilespmem:s28+$0x58E0]  }
0x1ff: {  	v0 =	vadd.f32 v0, v16;
	v16 =	vld [tilespmem:s28+$0x5910]  }
0x200: {  	v1 =	vadd.f32 v1, v17;
	v17 =	vld [tilespmem:s28+$0x5920]  }
0x201: {  	[tilespmem:$0x1F760] =	vst v62;
	v62 =	vld [tilespmem:s28+$0x56A0]  }
0x202: {  	v2 =	vadd.f32 v2, v20;
	v20 =	vld [tilespmem:s28+$0x5950]  }
0x203: {  	v5 =	vadd.f32 v13, v5;
	v13 =	vld [tilespmem:s28+$0x58F0]  }
0x204: {  	v7 =	vadd.f32 v15, v7;
	v15 =	vld [tilespmem:s28+$0x5900]  }
0x205: {  	v6 =	vadd.f32 v14, v6;
	v14 =	vld [tilespmem:s28+$0x5A30]  }
0x206: {  	v0 =	vadd.f32 v8, v0;
	[tilespmem:$0x1F770] =	vst v62;
	v62 =	vld [tilespmem:s28+$0x56B0]  }
0x207: {  	v1 =	vadd.f32 v9, v1;
	v8 =	vld [tilespmem:s28+$0x5A40]  }
0x208: {  	v2 =	vadd.f32 v10, v2;
	v0 =	vadd.f32 v18, v0;
	v18 =	vld [tilespmem:s28+$0x5930]  }
0x209: {  	v1 =	vadd.f32 v19, v1;
	v19 =	vld [tilespmem:s28+$0x5940]  }
0x20a: {  	v3 =	vadd.f32 v11, v3;
	v2 =	vadd.f32 v22, v2;
	v22 =	vld [tilespmem:s28+$0x5970]  }
0x20b: {  	[tilespmem:$0x1F780] =	vst v62;
	v62 =	vld [tilespmem:s28+$0x56C0]  }
0x20c: {  	v3 =	vadd.f32 v23, v3;
	v23 =	vld [tilespmem:s28+$0x5980]  }
0x20d: {  	[tilespmem:$0x1F960] =	vst v21;
	v21 =	vld [tilespmem:s28+$0x5960]  }
0x20e: {  	[tilespmem:$0x1F970] =	vst v24;
	v24 =	vld [tilespmem:s28+$0x5990]  }
0x20f: {  	[tilespmem:$0x1F9A0] =	vst v29;
	v29 =	vld [tilespmem:s28+$0x5A00]  }
0x210: {  	[tilespmem:$0x1F790] =	vst v62;
	v62 =	vld [tilespmem:s28+$0x56D0]  }
0x211: {  	[tilespmem:$0x1FA10] =	vst v20;
	v20 =	vld [tilespmem:s28+$0x5A20]  }
0x212: {  	v6 =	vadd.f32 v30, v6;
	v2 =	vadd.f32 v56, v2;
	v56 =	vld [tilespmem:s28+$0x59A0]  }
0x213: {  	v0 =	vadd.f32 v53, v0;
	v53 =	vld [tilespmem:s28+$0x59B0]  }
0x214: {  	v6 =	vadd.f32 v48, v6;
	v48 =	vld [tilespmem:s28+$0x59C0]  }
0x215: {  	v4 =	vadd.f32 v12, v4;
	[tilespmem:$0x1F7A0] =	vst v62;
	v62 =	vld [tilespmem:s28+$0x56E0]  }
0x216: {  	v7 =	vadd.f32 v31, v7;
	v1 =	vadd.f32 v32, v1;
	v32 =	vld [tilespmem:s28+$0x59F0]  }
0x217: {  	v3 =	vadd.f32 v33, v3;
	v33 =	vld [tilespmem:$0x1F4C0]  }
0x218: {  	v4 =	vadd.f32 v26, v4;
	v7 =	vadd.f32 v35, v7;
	v35 =	vld [tilespmem:$0x1F4D0]  }
0x219: {  	v5 =	vadd.f32 v27, v5;
	v0 =	vadd.f32 v44, v0;
	v44 =	vld [tilespmem:s28+$0x59D0]  }
0x21a: {  	v4 =	vadd.f32 v61, v4;
	[tilespmem:$0x1F7B0] =	vst v62;
	v62 =	vld [tilespmem:s28+$0x56F0]  }
0x21b: {  	v5 =	vadd.f32 v34, v5;
	v2 =	vadd.f32 v38, v2;
	v38 =	vld [tilespmem:s28+$0x59E0]  }
0x21c: {  	v1 =	vadd.f32 v36, v1;
	v4 =	vadd.f32 v39, v4;
	[tilespmem:$0x1FA40] =	vst v23;
	v23 =	vld [tilespmem:s28+$0x5A10]  }
0x21d: {  	[tilespmem:$0x1F980] =	vst v25;
	v5 =	vadd.f32 v40, v5;
	v25 =	vadd.f32 v47, v2;
	v2 =	vld [tilespmem:s28+$0x5CE0]  }
0x21e: {  	v6 =	vadd.f32 v41, v6;
	v4 =	vadd.f32 v49, v4;
	v36 =	vld [tilespmem:$0x1F4E0]  }
0x21f: {  	v3 =	vadd.f32 v37, v3;
	v5 =	vadd.f32 v50, v5;
	[tilespmem:$0x1F7C0] =	vst v62;
	v62 =	vld [tilespmem:s28+$0x5700]  }
0x220: {  	v6 =	vadd.f32 v52, v6;
	v30 =	vadd.f32 v60, v4;
	v4 =	vld [tilespmem:s28+$0x5A50]  }
0x221: {  	v3 =	vadd.f32 v46, v3;
	v31 =	vadd.f32 v59, v5;
	v5 =	vld [tilespmem:s28+$0x5A60]  }
0x222: {  	v34 =	vadd.f32 v33, v6;
	v6 =	vld [tilespmem:s28+$0x5A70]  }
0x223: {  	[tilespmem:$0x1F990] =	vst v28;
	v28 =	vadd.f32 v57, v3;
	v3 =	vld [tilespmem:s28+$0x5CD0]  }
0x224: {  	v1 =	vadd.f32 v43, v1;
	[tilespmem:$0x1F7D0] =	vst v62;
	v62 =	vld [tilespmem:s28+$0x5710]  }
0x225: {  	v0 =	vadd.f32 v45, v0;
	v37 =	vld [tilespmem:$0x1F4F0]  }
0x226: {  	v27 =	vadd.f32 v55, v1;
	v1 =	vld [tilespmem:s28+$0x5CF0]  }
0x227: {  	v26 =	vadd.f32 v54, v0;
	v0 =	vld [tilespmem:s28+$0x5D00]  }
0x228: {  	v9 =	vadd.f32 v58, v25;
	v40 =	vld [tilespmem:$0x1F500]  }
0x229: {  	[tilespmem:$0x1F7E0] =	vst v62;
	v62 =	vld [tilespmem:s28+$0x5720]  }
0x22a: {  	v39 =	vadd.f32 v37, v9;
	v9 =	vld [tilespmem:s28+$0x5A90]  }
0x22b: {  	v7 =	vadd.f32 v42, v7;
	v41 =	vld [tilespmem:$0x1F510]  }
0x22c: {  	v45 =	vld [tilespmem:$0x1F540]  }
0x22d: {  	v7 =	vadd.f32 v51, v7;
	v42 =	vld [tilespmem:$0x1F520]  }
0x22e: {  	[tilespmem:$0x1F7F0] =	vst v62;
	v62 =	vld [tilespmem:s28+$0x5730]  }
0x22f: {  	v7 =	vadd.f32 v63, v7;
	v47 =	vld [tilespmem:$0x1F550]  }
0x230: {  	v43 =	vld [tilespmem:$0x1F530]  }
0x231: {  	v46 =	vadd.f32 v45, v7;
	v7 =	vld [tilespmem:s28+$0x5A80]  }
0x232: {  	v10 =	vadd.f32 v35, v26;
	v50 =	vld [tilespmem:$0x1F560]  }
0x233: {  	[tilespmem:$0x1F800] =	vst v62;
	v62 =	vld [tilespmem:s28+$0x5740]  }
0x234: {  	v49 =	vadd.f32 v47, v10;
	v10 =	vld [tilespmem:s28+$0x5AA0]  }
0x235: {  	v11 =	vadd.f32 v36, v27;
	v52 =	vld [tilespmem:$0x1F570]  }
0x236: {  	v54 =	vld [tilespmem:$0x1F580]  }
0x237: {  	v51 =	vadd.f32 v50, v11;
	v11 =	vld [tilespmem:s28+$0x5AB0]  }
0x238: {  	[tilespmem:$0x1F810] =	vst v62;
	v62 =	vld [tilespmem:s28+$0x5750]  }
0x239: {  	v12 =	vadd.f32 v40, v28;
	v57 =	vld [tilespmem:$0x1F590]  }
0x23a: {  	v59 =	vld [tilespmem:$0x1F5A0]  }
0x23b: {  	[tilespmem:$0x1F9B0] =	vst v13;
	v55 =	vadd.f32 v54, v12;
	v12 =	vld [tilespmem:s28+$0x5AC0]  }
0x23c: {  	[tilespmem:$0x1F9C0] =	vst v15;
	v13 =	vadd.f32 v41, v30;
	v61 =	vld [tilespmem:$0x1F5B0]  }
0x23d: {  	v15 =	vadd.f32 v42, v31;
	[tilespmem:$0x1F820] =	vst v62;
	v62 =	vld [tilespmem:s28+$0x5760]  }
0x23e: {  	v58 =	vadd.f32 v57, v13;
	v13 =	vld [tilespmem:s28+$0x5AD0]  }
0x23f: {  	[tilespmem:$0x1F9D0] =	vst v16;
	v16 =	vadd.f32 v43, v34;
	v60 =	vadd.f32 v59, v15;
	v15 =	vld [tilespmem:s28+$0x5AE0]  }
0x240: {  	v27 =	vld [tilespmem:$0x1F5C0]  }
0x241: {  	v63 =	vadd.f32 v61, v16;
	v16 =	vld [tilespmem:s28+$0x5AF0]  }
0x242: {  	[tilespmem:$0x1F830] =	vst v62;
	v62 =	vld [tilespmem:s28+$0x5770]  }
0x243: {  	v31 =	vld [tilespmem:$0x1F5F0]  }
0x244: {  	v28 =	vld [tilespmem:$0x1F5D0]  }
0x245: {  	v30 =	vld [tilespmem:$0x1F5E0]  }
0x246: {  	[tilespmem:$0x1F9E0] =	vst v17;
	v17 =	vadd.f32 v52, v39;
	v34 =	vld [tilespmem:$0x1F600]  }
0x247: {  	[tilespmem:$0x1F840] =	vst v62;
	v62 =	vld [tilespmem:s28+$0x5780]  }
0x248: {  	v33 =	vadd.f32 v31, v17;
	v17 =	vld [tilespmem:s28+$0x5B00]  }
0x249: {  	v31 =	vld [tilespmem:s28+$0x5B30]  }
0x24a: {  	v35 =	vld [tilespmem:$0x1F610]  }
0x24b: {  	[tilespmem:$0x1FA30] =	vst v22;
	v22 =	vadd.f32 v34, v55;
	v34 =	vld [tilespmem:s28+$0x5B50]  }
0x24c: {  	[tilespmem:$0x1F850] =	vst v62;
	v62 =	vld [tilespmem:s28+$0x5790]  }
0x24d: {  	v36 =	vld [tilespmem:$0x1F620]  }
0x24e: {  	v37 =	vld [tilespmem:$0x1F630]  }
0x24f: {  	[tilespmem:$0x1FA50] =	vst v24;
	v24 =	vadd.f32 v35, v58;
	v35 =	vld [tilespmem:s28+$0x5B60]  }
0x250: {  	v39 =	vld [tilespmem:$0x1F640]  }
0x251: {  	[tilespmem:$0x1F860] =	vst v62;
	v62 =	vld [tilespmem:s28+$0x57A0]  }
0x252: {  	v25 =	vadd.f32 v36, v60;
	v36 =	vld [tilespmem:s28+$0x5B70]  }
0x253: {  	[tilespmem:$0x1F9F0] =	vst v18;
	v18 =	vadd.f32 v27, v46;
	v26 =	vadd.f32 v37, v63;
	v37 =	vld [tilespmem:s28+$0x5B80]  }
0x254: {  	v41 =	vld [tilespmem:$0x1F650]  }
0x255: {  	v40 =	vadd.f32 v39, v18;
	v18 =	vld [tilespmem:s28+$0x5B10]  }
0x256: {  	[tilespmem:$0x1F870] =	vst v62;
	v62 =	vld [tilespmem:s28+$0x57B0]  }
0x257: {  	[tilespmem:$0x1FA00] =	vst v19;
	v19 =	vadd.f32 v28, v49;
	v45 =	vld [tilespmem:$0x1F670]  }
0x258: {  	v43 =	vld [tilespmem:$0x1F660]  }
0x259: {  	v42 =	vadd.f32 v41, v19;
	v19 =	vld [tilespmem:s28+$0x5B20]  }
0x25a: {  	v46 =	vld [tilespmem:$0x1F680]  }
0x25b: {  	[tilespmem:$0x1F880] =	vst v62;
	v62 =	vld [tilespmem:s28+$0x57C0]  }
0x25c: {  	v27 =	vadd.f32 v45, v33;
	v33 =	vld [tilespmem:s28+$0x5B40]  }
0x25d: {  	v47 =	vld [tilespmem:$0x1F690]  }
0x25e: {  	v49 =	vld [tilespmem:$0x1F6A0]  }
0x25f: {  	v50 =	vld [tilespmem:$0x1F6B0]  }
0x260: {  	[tilespmem:$0x1F890] =	vst v62;
	v62 =	vld [tilespmem:s28+$0x57D0]  }
0x261: {  	[tilespmem:$0x1FA20] =	vst v21;
	v21 =	vadd.f32 v30, v51;
	v51 =	vld [tilespmem:$0x1F6C0]  }
0x262: {  	v52 =	vld [tilespmem:$0x1F6D0]  }
0x263: {  	v54 =	vld [tilespmem:$0x1F6E0]  }
0x264: {  	v55 =	vld [tilespmem:$0x1F6F0]  }
0x265: {  	[tilespmem:$0x1F8A0] =	vst v62;
	v62 =	vld [tilespmem:s28+$0x57E0]  }
0x266: {  	v57 =	vld [tilespmem:$0x1F700]  }
0x267: {  	v58 =	vld [tilespmem:$0x1F710]  }
0x268: {  	v59 =	vld [tilespmem:$0x1F720]  }
0x269: {  	v60 =	vld [tilespmem:$0x1F730]  }
0x26a: {  	[tilespmem:$0x1F8B0] =	vst v62;
	v62 =	vld [tilespmem:s28+$0x57F0]  }
0x26b: {  	v39 =	vld [tilespmem:$0x1F760]  }
0x26c: {  	v21 =	vadd.f32 v43, v21;
	v61 =	vld [tilespmem:$0x1F740]  }
0x26d: {  	v28 =	vadd.f32 v51, v40;
	v40 =	vld [tilespmem:$0x1F770]  }
0x26e: {  	v21 =	vadd.f32 v54, v21;
	v63 =	vld [tilespmem:$0x1F750]  }
0x26f: {  	[tilespmem:$0x1F8C0] =	vst v62;
	v62 =	vld [tilespmem:s28+$0x5800]  }
0x270: {  	v27 =	vadd.f32 v55, v27;
	v21 =	vadd.f32 v39, v21;
	v39 =	vld [tilespmem:s28+$0x5B90]  }
0x271: {  	v41 =	vld [tilespmem:$0x1F780]  }
0x272: {  	v22 =	vadd.f32 v46, v22;
	v27 =	vadd.f32 v40, v27;
	v40 =	vld [tilespmem:s28+$0x5BA0]  }
0x273: {  	v30 =	vadd.f32 v52, v42;
	v42 =	vld [tilespmem:$0x1F790]  }
0x274: {  	v24 =	vadd.f32 v47, v24;
	v22 =	vadd.f32 v57, v22;
	[tilespmem:$0x1F8D0] =	vst v62;
	v62 =	vld [tilespmem:s28+$0x5810]  }
0x275: {  	v25 =	vadd.f32 v49, v25;
	v43 =	vld [tilespmem:$0x1F7A0]  }
0x276: {  	v24 =	vadd.f32 v58, v24;
	v22 =	vadd.f32 v41, v22;
	v41 =	vld [tilespmem:s28+$0x5BB0]  }
0x277: {  	v26 =	vadd.f32 v50, v26;
	v45 =	vld [tilespmem:$0x1F7B0]  }
0x278: {  	v25 =	vadd.f32 v59, v25;
	v24 =	vadd.f32 v42, v24;
	v42 =	vld [tilespmem:s28+$0x5BC0]  }
0x279: {  	[tilespmem:$0x1F8E0] =	vst v62;
	v62 =	vld [tilespmem:s28+$0x5820]  }
0x27a: {  	v26 =	vadd.f32 v60, v26;
	v25 =	vadd.f32 v43, v25;
	v43 =	vld [tilespmem:s28+$0x5BD0]  }
0x27b: {  	v46 =	vld [tilespmem:$0x1F7C0]  }
0x27c: {  	v26 =	vadd.f32 v45, v26;
	v45 =	vld [tilespmem:s28+$0x5BE0]  }
0x27d: {  	v47 =	vld [tilespmem:$0x1F7D0]  }
0x27e: {  	v28 =	vadd.f32 v61, v28;
	[tilespmem:$0x1F8F0] =	vst v62;
	v62 =	vld [tilespmem:s28+$0x5830]  }
0x27f: {  	v49 =	vld [tilespmem:$0x1F7E0]  }
0x280: {  	v30 =	vadd.f32 v63, v30;
	v28 =	vadd.f32 v46, v28;
	v46 =	vld [tilespmem:s28+$0x5BF0]  }
0x281: {  	v50 =	vld [tilespmem:$0x1F7F0]  }
0x282: {  	v30 =	vadd.f32 v47, v30;
	v47 =	vld [tilespmem:s28+$0x5C00]  }
0x283: {  	[tilespmem:$0x1F900] =	vst v62;
	v62 =	vld [tilespmem:s28+$0x5840]  }
0x284: {  	v21 =	vadd.f32 v49, v21;
	v49 =	vld [tilespmem:s28+$0x5C10]  }
0x285: {  	v51 =	vld [tilespmem:$0x1F800]  }
0x286: {  	v27 =	vadd.f32 v50, v27;
	v50 =	vld [tilespmem:s28+$0x5C20]  }
0x287: {  	v52 =	vld [tilespmem:$0x1F810]  }
0x288: {  	[tilespmem:$0x1F910] =	vst v62;
	v62 =	vld [tilespmem:s28+$0x5850]  }
0x289: {  	v54 =	vld [tilespmem:$0x1F820]  }
0x28a: {  	v55 =	vld [tilespmem:$0x1F830]  }
0x28b: {  	v61 =	vld [tilespmem:$0x1F880]  }
0x28c: {  	v59 =	vld [tilespmem:$0x1F860]  }
0x28d: {  	[tilespmem:$0x1F920] =	vst v62;
	v62 =	vld [tilespmem:s28+$0x5860]  }
0x28e: {  	v22 =	vadd.f32 v51, v22;
	v51 =	vld [tilespmem:$0x1F8A0]  }
0x28f: {  	v57 =	vld [tilespmem:$0x1F840]  }
0x290: {  	v22 =	vadd.f32 v61, v22;
	v61 =	vld [tilespmem:$0x1F920]  }
0x291: {  	v25 =	vadd.f32 v54, v25;
	v63 =	vld [tilespmem:$0x1F890]  }
0x292: {  	[tilespmem:$0x1F930] =	vst v62;
	v62 =	vld [tilespmem:s28+$0x5870]  }
0x293: {  	v21 =	vadd.f32 v59, v21;
	v25 =	vadd.f32 v51, v25;
	v59 =	vld [tilespmem:$0x1F900]  }
0x294: {  	v58 =	vld [tilespmem:$0x1F850]  }
0x295: {  	v25 =	vadd.f32 v61, v25;
	v61 =	vld [tilespmem:$0x1F970]  }
0x296: {  	v24 =	vadd.f32 v52, v24;
	v52 =	vld [tilespmem:$0x1F8B0]  }
0x297: {  	[tilespmem:$0x1F940] =	vst v62;
	v62 =	vld [tilespmem:s28+$0x5880]  }
0x298: {  	v24 =	vadd.f32 v63, v24;
	v22 =	vadd.f32 v59, v22;
	v63 =	vld [tilespmem:$0x1F930]  }
0x299: {  	v26 =	vadd.f32 v55, v26;
	v60 =	vld [tilespmem:$0x1F870]  }
0x29a: {  	v22 =	vadd.f32 v61, v22;
	v61 =	vld [tilespmem:$0x1F9A0]  }
0x29b: {  	v26 =	vadd.f32 v52, v26;
	v55 =	vld [tilespmem:$0x1F8D0]  }
0x29c: {  	v51 =	vld [tilespmem:s28+$0x5C30];
	[tilespmem:$0x1F950] =	vst v62  }
0x29d: {  	v26 =	vadd.f32 v63, v26;
	v59 =	vld [tilespmem:$0x1F950]  }
0x29e: {  	v30 =	vadd.f32 v58, v30;
	v54 =	vld [tilespmem:$0x1F8C0]  }
0x29f: {  	v26 =	vadd.f32 v61, v26;
	v61 =	vld [tilespmem:$0x1F9C0]  }
0x2a0: {  	v28 =	vadd.f32 v57, v28;
	v30 =	vadd.f32 v55, v30;
	v57 =	vld [tilespmem:$0x1F8E0]  }
0x2a1: {  	v27 =	vadd.f32 v60, v27;
	v60 =	vld [tilespmem:$0x1F910]  }
0x2a2: {  	v62 =	vld [tilespmem:s28+$0x5890];
	v30 =	vadd.f32 v59, v30  }
0x2a3: {  	v52 =	vld [tilespmem:s28+$0x5C40]  }
0x2a4: {  	v30 =	vadd.f32 v61, v30;
	v61 =	vld [tilespmem:$0x1F9D0]  }
0x2a5: {  	v21 =	vadd.f32 v57, v21;
	v58 =	vld [tilespmem:$0x1F8F0]  }
0x2a6: {  	v28 =	vadd.f32 v54, v28;
	v54 =	vld [tilespmem:s28+$0x5C50]  }
0x2a7: {  	v24 =	vadd.f32 v60, v24;
	v60 =	vld [tilespmem:$0x1F960];
	v21 =	vadd.f32 v62, v21  }
0x2a8: {  	v55 =	vld [tilespmem:s28+$0x5C60]  }
0x2a9: {  	v21 =	vadd.f32 v61, v21;
	v61 =	vld [tilespmem:$0x1F9E0]  }
0x2aa: {  	v27 =	vadd.f32 v58, v27;
	v63 =	vld [tilespmem:$0x1F990]  }
0x2ab: {  	v57 =	vld [tilespmem:s28+$0x5C70]  }
0x2ac: {  	v27 =	vadd.f32 v60, v27;
	v58 =	vld [tilespmem:$0x1F940]  }
0x2ad: {  	v60 =	vld [tilespmem:s28+$0x5CA0]  }
0x2ae: {  	v27 =	vadd.f32 v61, v27;
	v61 =	vld [tilespmem:$0x1F9F0]  }
0x2af: {  	v25 =	vadd.f32 v63, v25;
	v63 =	vld [tilespmem:$0x1F9B0]  }
0x2b0: {  	v62 =	vld [tilespmem:$0x1F980]  }
0x2b1: {  	v28 =	vadd.f32 v58, v28;
	v58 =	vld [tilespmem:s28+$0x5C80]  }
0x2b2: {  	v59 =	vld [tilespmem:s28+$0x5C90]  }
0x2b3: {  	v27 =	vadd.f32 v56, v27;
	v22 =	vadd.f32 v61, v22;
	v61 =	vld [tilespmem:$0x1FA00]  }
0x2b4: {  	v28 =	vadd.f32 v63, v28;
	v63 =	vld [tilespmem:s28+$0x5CC0]  }
0x2b5: {  	v24 =	vadd.f32 v62, v24;
	v62 =	vld [tilespmem:s28+$0x5CB0];
	v20 =	vadd.f32 v20, v27  }
0x2b6: {  	v56 =	vld [tilespmem:s28+$0x5E70];
	v22 =	vadd.f32 v53, v22  }
0x2b7: {  	v27 =	vld [tilespmem:s28+$0x5E40];
	v10 =	vadd.f32 v10, v20  }
0x2b8: {  	v14 =	vadd.f32 v14, v22;
	v24 =	vadd.f32 v61, v24;
	v61 =	vld [tilespmem:$0x1FA10]  }
0x2b9: {  	v20 =	vld [tilespmem:s28+$0x5E20]  }
0x2ba: {  	v53 =	vld [tilespmem:s28+$0x5D20];
	v10 =	vadd.f32 v19, v10;
	v11 =	vadd.f32 v11, v14  }
0x2bb: {  	v19 =	vld [tilespmem:s28+$0x5E10];
	v24 =	vadd.f32 v48, v24  }
0x2bc: {  	v22 =	vld [tilespmem:s28+$0x5D60];
	v10 =	vadd.f32 v40, v10;
	v11 =	vadd.f32 v31, v11  }
0x2bd: {  	v8 =	vadd.f32 v8, v24;
	v25 =	vadd.f32 v61, v25;
	v61 =	vld [tilespmem:$0x1FA20]  }
0x2be: {  	v40 =	vld [tilespmem:s28+$0x5ED0];
	v10 =	vadd.f32 v50, v10  }
0x2bf: {  	v14 =	vld [tilespmem:s28+$0x5DA0];
	v11 =	vadd.f32 v41, v11;
	v8 =	vadd.f32 v12, v8  }
0x2c0: {  	v48 =	vld [tilespmem:s28+$0x5DD0];
	v10 =	vadd.f32 v60, v10;
	v25 =	vadd.f32 v44, v25  }
0x2c1: {  	v44 =	vld [tilespmem:s28+$0x5D30];
	v11 =	vadd.f32 v51, v11;
	v8 =	vadd.f32 v33, v8  }
0x2c2: {  	v4 =	vadd.f32 v4, v25;
	v26 =	vadd.f32 v61, v26;
	v61 =	vld [tilespmem:$0x1FA30]  }
0x2c3: {  	v50 =	vld [tilespmem:s28+$0x5F50];
	v41 =	vadd.f32 v53, v10;
	v8 =	vadd.f32 v42, v8  }
0x2c4: {  	v24 =	vld [tilespmem:s28+$0x5D70];
	v11 =	vadd.f32 v62, v11;
	v4 =	vadd.f32 v13, v4  }
0x2c5: {  	v12 =	vld [tilespmem:s28+$0x5DB0];
	v26 =	vadd.f32 v38, v26;
	v8 =	vadd.f32 v52, v8  }
0x2c6: {  	v60 =	vld [tilespmem:s28+$0x5FF0];
	v42 =	vadd.f32 v44, v11;
	v4 =	vadd.f32 v34, v4  }
0x2c7: {  	v5 =	vadd.f32 v5, v26;
	v28 =	vadd.f32 v61, v28;
	v61 =	vld [tilespmem:$0x1FA40]  }
0x2c8: {  	v26 =	vld [tilespmem:s28+$0x5E30];
	v8 =	vadd.f32 v63, v8;
	v4 =	vadd.f32 v43, v4  }
0x2c9: {  	v53 =	vld [tilespmem:s28+$0x5F80];
	v5 =	vadd.f32 v15, v5;
	v28 =	vadd.f32 v32, v28  }
0x2ca: {  	v10 =	vadd.f32 v12, v42;
	v32 =	vld [tilespmem:s28+$0x5D40];
	v4 =	vadd.f32 v54, v4  }
0x2cb: {  	v51 =	vld [tilespmem:s28+$0x5F60];
	v5 =	vadd.f32 v35, v5;
	v6 =	vadd.f32 v6, v28  }
0x2cc: {  	v13 =	vld [tilespmem:s28+$0x5DC0];
	v3 =	vadd.f32 v3, v4;
	v30 =	vadd.f32 v61, v30  }
0x2cd: {  	v10 =	vadd.f32 v26, v10;
	v61 =	vld [tilespmem:$0x1FA50];
	v5 =	vadd.f32 v45, v5  }
0x2ce: {  	v25 =	vld [tilespmem:s28+$0x5D80];
	v6 =	vadd.f32 v16, v6;
	v29 =	vadd.f32 v29, v30  }
0x2cf: {  	v38 =	vld [tilespmem:s28+$0x5EC0];
	v5 =	vadd.f32 v55, v5;
	v8 =	vadd.f32 v32, v8  }
0x2d0: {  	v44 =	vld [tilespmem:s28+$0x5EF0];
	v6 =	vadd.f32 v36, v6;
	v7 =	vadd.f32 v7, v29  }
0x2d1: {  	v16 =	vld [tilespmem:s28+$0x5DE0];
	v2 =	vadd.f32 v2, v5;
	v8 =	vadd.f32 v13, v8  }
0x2d2: {  	v52 =	vld [tilespmem:s28+$0x5F70];
	v21 =	vadd.f32 v61, v21;
	v6 =	vadd.f32 v46, v6  }
0x2d3: {  	v29 =	vld [tilespmem:s28+$0x5E60];
	v7 =	vadd.f32 v17, v7;
	v2 =	vadd.f32 v22, v2  }
0x2d4: {  	v43 =	vld [tilespmem:s28+$0x5EE0];
	v8 =	vadd.f32 v27, v8;
	v21 =	vadd.f32 v23, v21  }
0x2d5: {  	v23 =	vld [tilespmem:s28+$0x5D50];
	v6 =	vadd.f32 v57, v6;
	v7 =	vadd.f32 v37, v7  }
0x2d6: {  	v17 =	vld [tilespmem:s28+$0x5DF0];
	v2 =	vadd.f32 v16, v2;
	v5 =	vadd.f32 v38, v8  }
0x2d7: {  	v37 =	vld [tilespmem:s28+$0x5EB0];
	v9 =	vadd.f32 v9, v21;
	v1 =	vadd.f32 v1, v6  }
0x2d8: {  	v28 =	vld [tilespmem:s28+$0x5E50];
	v7 =	vadd.f32 v47, v7;
	v2 =	vadd.f32 v29, v2  }
0x2d9: {  	v45 =	vld [tilespmem:s28+$0x5F00];
	v9 =	vadd.f32 v18, v9;
	v1 =	vadd.f32 v24, v1  }
0x2da: {  	v36 =	vld [tilespmem:s28+$0x5EA0];
	v7 =	vadd.f32 v58, v7;
	v3 =	vadd.f32 v23, v3  }
0x2db: {  	v61 =	vld [tilespmem:s28+$0x5D10];
	v2 =	vadd.f32 v43, v2;
	v9 =	vadd.f32 v39, v9  }
0x2dc: {  	v18 =	vld [tilespmem:s28+$0x5E00];
	v1 =	vadd.f32 v17, v1;
	v4 =	vadd.f32 v37, v10  }
0x2dd: {  	v57 =	vld [tilespmem:s28+$0x5E80];
	v0 =	vadd.f32 v0, v7;
	v3 =	vadd.f32 v48, v3  }
0x2de: {  	v48 =	vld [tilespmem:s28+$0x5F30];
	v9 =	vadd.f32 v49, v9;
	v1 =	vadd.f32 v56, v1  }
0x2df: {  	v49 =	vld [tilespmem:s28+$0x5F40];
	v0 =	vadd.f32 v25, v0;
	v3 =	vadd.f32 v28, v3  }
0x2e0: {  	v21 =	vld [tilespmem:s28+$0x5D90];
	v9 =	vadd.f32 v59, v9;
	v1 =	vadd.f32 v44, v1  }
0x2e1: {  	v56 =	vld [tilespmem:s28+$0x5FB0];
	v0 =	vadd.f32 v18, v0;
	v3 =	vadd.f32 v40, v3  }
0x2e2: {  	v46 =	vld [tilespmem:s28+$0x5F10];
	v39 =	vadd.f32 v61, v9;
	v9 =	vadd.f32 v14, v41  }
0x2e3: {  	v47 =	vld [tilespmem:s28+$0x5F20];
	v4 =	vadd.f32 v48, v4;
	v1 =	vadd.f32 v52, v1  }
0x2e4: {  	v59 =	vld [tilespmem:s28+$0x5E90];
	v0 =	vadd.f32 v57, v0;
	v5 =	vadd.f32 v49, v5  }
0x2e5: {  	v57 =	vld [tilespmem:s28+$0x5FC0];
	v61 =	vadd.f32 v50, v3;
	v6 =	vadd.f32 v21, v39  }
0x2e6: {  	v58 =	vld [tilespmem:s28+$0x5FD0];
	v9 =	vadd.f32 v20, v9;
	v62 =	vadd.f32 v56, v4  }
0x2e7: {  	s29 =	sshll.u32 s26, $0x8;
	v55 =	vld [tilespmem:s28+$0x5FA0];
	v0 =	vadd.f32 v45, v0;
	v6 =	vadd.f32 v19, v6  }
0x2e8: {  	s31 =	sand.u32 $0x3FFFFF00, s29;
	v54 =	vld [tilespmem:s28+$0x5F90];
	v1 =	vadd.f32 v60, v1;
	v9 =	vadd.f32 v36, v9  }
0x2e9: {  	v0 =	vadd.f32 v53, v0;
	v6 =	vadd.f32 v59, v6;
	v59 =	vld [tilespmem:s28+$0x5FE0];
	[tilespmem:s31+$0xA0B0] =	vst v62  }
0x2ea: {  	v9 =	vadd.f32 v47, v9;
	v63 =	vadd.f32 v57, v5;
	[tilespmem:s31+$0xA0F0] =	vst v1  }
0x2eb: {  	p0 =	sne.s32 s26, $0x4;
	[tilespmem:s31+$0xA080] =	vst v0;
	v0 =	vadd.f32 v58, v61;
	v6 =	vadd.f32 v46, v6  }
.Ltmp1:
0x2ec: {  	v2 =	vadd.f32 v51, v2;
	v9 =	vadd.f32 v55, v9;
	[tilespmem:s31+$0xA0C0] =	vst v63;
	(pc) =	sbr.rel @p0 .LBB2_5-.Ltmp1, $4  }
0x2ed: {  	[tilespmem:s31+$0xA0D0] =	vst v0;
	v6 =	vadd.f32 v54, v6  }
0x2ee: {  	[tilespmem:s31+$0xA0A0] =	vst v9;
	v2 =	vadd.f32 v59, v2  }
0x2ef: {  	[tilespmem:s31+$0xA090] =	vst v6  }
0x2f0: {  	s26 =	sadd.s32 $0x1, s26;
	[tilespmem:s31+$0xA0E0] =	vst v2  }
0x2f1: {  	s25 =	sshll.u32 s25, $0x4  }
0x2f2: {  	s25 =	sand.u32 $0x1FFFFFF0, s25  }
0x2f3: {  	s25 =	sadd.s32 s5, s25  }
0x2f4: {  	[hbm4b:s25+s3] =	stream.linear.scatter [tilespmem:s17], [sflag:$0x2], $0x80, $0x38;
	[tilespmem:$0xA500] =	vst v63  }
0x2f5: {  	s24 =	sadd.s32 $0x1, s24;
	s26 =	sadd.s32 $0x10, s25  }
0x2f6: {  	[hbm4b:s26+s3] =	stream.linear.scatter [tilespmem:s18], [sflag:$0x2], $0x80, $0x38;
	[tilespmem:$0xA500] =	vst v63  }
0x2f7: {  	p0 =	sne.s32 s24, $0x5;
	s30 =	sadd.s32 $0x20, s25  }
0x2f8: {  	[hbm4b:s30+s3] =	stream.linear.scatter [tilespmem:s19], [sflag:$0x2], $0x80, $0x38;
	[tilespmem:$0xA500] =	vst v63  }
.Ltmp2:
0x2f9: {  	_ = 	snop;
	(pc) =	sbr.rel @p0 .LBB2_2-.Ltmp2, $4  }
0x2fa: {  	s31 =	sadd.s32 $0x30, s25  }
0x2fb: {  	[hbm4b:s31+s3] =	stream.linear.scatter [tilespmem:s20], [sflag:$0x2], $0x80, $0x38;
	[tilespmem:$0xA500] =	vst v63  }
0x2fc: {  	s25 =	sadd.s32 $0x40, s25  }
0x2fd: {  	[hbm4b:s25+s3] =	stream.linear.scatter [tilespmem:s21], [sflag:$0x2], $0x80, $0x38;
	[tilespmem:$0xA500] =	vst v63  }
0x2fe: {  	s23 =	sadd.s32 $0x1, s23  }
0x2ff: {  	_ =	swait.ge [sflag:s22], $0x280;
	p0 =	sne.s32 s23, s9  }
.Ltmp3:
0x300: {  	[sflag:s22] =	ssyncset.done $0x0;
	(pc) =	sbr.rel @p0 .LBB2_1-.Ltmp3, $4  }
0x301: {  	[sflag:s22] =	ssyncadd.s32 $0xFFFFFD80  }
0x302: {  	_ =	swait.ge [sflag:s22], $0x280  }
0x303: {  	[sflag:s22] =	ssyncset.done $0x0  }
0x304: {  	[sflag:s22] =	ssyncadd.s32 $0xFFFFFD80  }
0x305: {  	_ =	sfence.sel $0x180000  }
0x306: {  	[bflag:$0x0] =	sbarrier.arrive $0xFFFF  }
0x307: {  	p0 =	sne.s32 s0, $0x0;
	_ =	strace $0x90000047  }
0x308: {  	s0 =	sadd.s32 @!p0 $0x100000, s1;
	[bflag:$0x2] =	sbarrier.arrive $0xFFFF  }
0x309: {  	[sflag:s0] =	ssyncadd.tile.s32 @!p0 $0x1;
	_ =	shalt  }
.Lfunc_end2:
_tile_overlayer_lowered:
.L_overlay_start_2:
0x30a: {  	(tag) =	ssettag $0x2  }
0x30b: {  	s0 =	rddreg [dreg:$0x0];
	s2 =	stileid.u32  }
0x30c: {  	s1 =	rddreg [dreg:$0x1];
	p0 =	sne.s32 s2, $0x0  }
0x30d: {  	s3 =	rddreg [dreg:$0x2];
	[bflag:$0x3] =	sbarrier.arrive $0xFFFF;
	s2 =	simm.s32 @!p0 $0x1C03  }
0x30e: {  	[timem:s3], [sflag:s2] =	dma.local @!p0 [hbm:s0], s1  }
0x30f: {  	s0 =	simm.s32 @!p0 $0x3  }
0x310: {  	_ =	swait.ge @!p0 [sflag:s0], s1  }
0x311: {  	s1 =	ssub.s32 @!p0 $0x0, s1;
	[sflag:s0] =	ssyncset.done @!p0 $0x0  }
0x312: {  	[sflag:s0] =	ssyncadd.s32 @!p0 s1  }
0x313: {  	[bflag:$0x3] =	sbarrier.arrive $0xFFFF  }
0x314: {  	_ =	shalt  }

</sc_bundles>
